<compile_context>
chip_gen: v7x
topology: tpu7x:2x2x1
jax: 0.10.2.dev20260603
libtpu: 0.0.44.dev20260713+nightly
codegen_flags: <defaults>
</compile_context>

<pallas_src>
import jax
import jax.numpy as jnp
from jax import lax
from jax.experimental import pallas as pl
from jax.experimental.pallas import tpu as pltpu
from jax.experimental.pallas import tpu_sc as plsc

N_NODES = 10000
N_EDGES = 320000

NC = 2
NS = 16
NW = NC * NS

E_PER_W = N_EDGES // NW
CHUNK = 125
ROWS_PER_W = E_PER_W // CHUNK
HALF_ROWS = ROWS_PER_W // 2
SLAB = 624
TAIL_BASE = SLAB * NS
TAIL = N_NODES - TAIL_BASE


def _sc_mesh():
    return plsc.VectorSubcoreMesh(core_axis_name="c", subcore_axis_name="s")


def _deg_body(dst_hbm, hist_hbm, dst_v, hist_v, sem):
    wid = lax.axis_index("s") * NC + lax.axis_index("c")
    ones = jnp.ones((16,), jnp.float32)
    zeros = jnp.zeros((16,), jnp.float32)

    cp = pltpu.async_copy(dst_hbm.at[pl.ds(wid * E_PER_W, E_PER_W)], dst_v,
                          sem)

    @pl.loop(0, N_NODES // 16, unroll=8)
    def _(i):
        hist_v[pl.ds(i * 16, 16)] = zeros

    cp.wait()

    @pl.loop(0, E_PER_W // 16, unroll=8)
    def _(i):
        idx = dst_v[pl.ds(i * 16, 16)]
        plsc.addupdate_scatter(hist_v, [idx], ones)

    pltpu.sync_copy(hist_v, hist_hbm.at[wid])


def _sc_degree(dst):
    return pl.kernel(
        _deg_body,
        out_type=jax.ShapeDtypeStruct((NW, N_NODES), jnp.float32),
        mesh=_sc_mesh(),
        scratch_types=[
            pltpu.VMEM((E_PER_W,), jnp.int32),
            pltpu.VMEM((N_NODES,), jnp.float32),
            pltpu.SemaphoreType.DMA,
        ],
        compiler_params=pltpu.CompilerParams(needs_layout_passes=False),
    )(dst)


def _agg_body(h_hbm, src_hbm, dst_hbm, out_hbm, acc, src_v, dst_v, rbuf, sem):
    cid = lax.axis_index("c")
    sid = lax.axis_index("s")
    wid = sid * NC + cid

    nbase = sid * SLAB
    pltpu.sync_copy(h_hbm.at[pl.ds(nbase, SLAB)], acc.at[pl.ds(nbase, SLAB)])

    @pl.when(sid == NS - 1)
    def _():
        pltpu.sync_copy(h_hbm.at[pl.ds(TAIL_BASE, TAIL)],
                        acc.at[pl.ds(TAIL_BASE, TAIL)])

    plsc.subcore_barrier()

    for half in range(2):
        rbase = wid * ROWS_PER_W + half * HALF_ROWS
        pltpu.sync_copy(src_hbm.at[pl.ds(rbase, HALF_ROWS)], src_v)
        pltpu.sync_copy(dst_hbm.at[pl.ds(rbase, HALF_ROWS)], dst_v)

        pltpu.async_copy(h_hbm.at[src_v.at[0]], rbuf[0], sem[0])

        @pl.loop(0, HALF_ROWS // 2)
        def _(jj):
            j0 = jj * 2
            j1 = j0 + 1
            pltpu.make_async_copy(
                h_hbm.at[src_v.at[j0]], rbuf[0], sem[0]).wait()
            pltpu.async_copy(h_hbm.at[src_v.at[j1]], rbuf[1], sem[1])
            pltpu.sync_copy(rbuf[0], acc.at[dst_v.at[j0]], add=True)
            pltpu.make_async_copy(
                h_hbm.at[src_v.at[j1]], rbuf[1], sem[1]).wait()

            @pl.when(jj < HALF_ROWS // 2 - 1)
            def _():
                pltpu.async_copy(h_hbm.at[src_v.at[j0 + 2]], rbuf[0], sem[0])

            pltpu.sync_copy(rbuf[1], acc.at[dst_v.at[j1]], add=True)

    plsc.subcore_barrier()

    pltpu.sync_copy(acc.at[pl.ds(nbase, SLAB)],
                    out_hbm.at[cid, pl.ds(nbase, SLAB)])

    @pl.when(sid == NS - 1)
    def _():
        pltpu.sync_copy(acc.at[pl.ds(TAIL_BASE, TAIL)],
                        out_hbm.at[cid, pl.ds(TAIL_BASE, TAIL)])


def _sc_aggregate(h, src2d, dst2d):
    d = h.shape[1]
    return pl.kernel(
        _agg_body,
        out_type=jax.ShapeDtypeStruct((NC, N_NODES, d), jnp.float32),
        mesh=_sc_mesh(),
        scratch_types=[
            pltpu.VMEM_SHARED((N_NODES, d), jnp.float32),
            pltpu.VMEM((HALF_ROWS, CHUNK), jnp.int32),
            pltpu.VMEM((HALF_ROWS, CHUNK), jnp.int32),
            [pltpu.VMEM((CHUNK, d), jnp.float32) for _ in range(2)],
            [pltpu.SemaphoreType.DMA for _ in range(2)],
        ],
    )(h, src2d, dst2d)


_ECHUNK = 4000
_CPW = 4
_NES = NW * _CPW // 16
E_SLICE = N_EDGES // _NES
_NCH = E_SLICE // _ECHUNK


def _agg16_body(ht_hbm, src_hbm, dst_hbm, out_hbm, tbl, acc, src_v, dst_v,
                sem_s, sem_d, sem_t):
    cid = lax.axis_index("c")
    sid = lax.axis_index("s")
    wid = sid * NC + cid
    cgrp = wid % (16 // _CPW)
    esl = wid // (16 // _CPW)

    zeros = jnp.zeros((16,), jnp.float32)
    ebase = esl * E_SLICE

    ct = [pltpu.async_copy(ht_hbm.at[cgrp * _CPW + k], tbl[k], sem_t[k])
          for k in range(_CPW)]
    pltpu.async_copy(src_hbm.at[pl.ds(ebase, _ECHUNK)], src_v[0], sem_s[0])
    pltpu.async_copy(dst_hbm.at[pl.ds(ebase, _ECHUNK)], dst_v[0], sem_d[0])

    for k in range(_CPW):

        @pl.loop(0, N_NODES // 16, unroll=8)
        def _(i):
            acc[k][pl.ds(i * 16, 16)] = zeros

        ct[k].wait()

    def _process(kk, b):
        pltpu.make_async_copy(
            src_hbm.at[pl.ds(ebase + kk * _ECHUNK, _ECHUNK)], src_v[b],
            sem_s[b]).wait()
        pltpu.make_async_copy(
            dst_hbm.at[pl.ds(ebase + kk * _ECHUNK, _ECHUNK)], dst_v[b],
            sem_d[b]).wait()

        @pl.when(kk < _NCH - 1)
        def _():
            nb = ebase + (kk + 1) * _ECHUNK
            pltpu.async_copy(src_hbm.at[pl.ds(nb, _ECHUNK)], src_v[1 - b],
                             sem_s[1 - b])
            pltpu.async_copy(dst_hbm.at[pl.ds(nb, _ECHUNK)], dst_v[1 - b],
                             sem_d[1 - b])

        @pl.loop(0, _ECHUNK // 16, unroll=16)
        def _(i):
            idx_s = src_v[b][pl.ds(i * 16, 16)]
            idx_d = dst_v[b][pl.ds(i * 16, 16)]
            for k in range(_CPW):
                vals = plsc.load_gather(tbl[k], [idx_s])
                plsc.addupdate_scatter(acc[k], [idx_d], vals)

    @pl.loop(0, _NCH // 2)
    def _(jj):
        _process(jj * 2, 0)
        _process(jj * 2 + 1, 1)

    for k in range(_CPW):
        pltpu.sync_copy(acc[k], out_hbm.at[esl, cgrp * _CPW + k])


def _sc_aggregate16(ht, src, dst):
    h2 = ht.shape[0]
    return pl.kernel(
        _agg16_body,
        out_type=jax.ShapeDtypeStruct((_NES, h2, N_NODES), jnp.float32),
        mesh=_sc_mesh(),
        scratch_types=[
            [pltpu.VMEM((N_NODES,), jnp.float32) for _ in range(_CPW)],
            [pltpu.VMEM((N_NODES,), jnp.float32) for _ in range(_CPW)],
            [pltpu.VMEM((_ECHUNK,), jnp.int32) for _ in range(2)],
            [pltpu.VMEM((_ECHUNK,), jnp.int32) for _ in range(2)],
            [pltpu.SemaphoreType.DMA for _ in range(2)],
            [pltpu.SemaphoreType.DMA for _ in range(2)],
            [pltpu.SemaphoreType.DMA for _ in range(_CPW)],
        ],
        compiler_params=pltpu.CompilerParams(needs_layout_passes=False),
    )(ht, src, dst)


def _dinv_from_hist(hist_blk):
    return lax.rsqrt(jnp.sum(hist_blk, axis=0) + 1.0)


def _tc1_body(hist_ref, x_ref, w1_ref, out_ref, dinv_ref):
    dinv = _dinv_from_hist(hist_ref[...])
    dinv_ref[...] = dinv[None, :]
    out_ref[...] = jnp.dot(x_ref[...] * dinv[:, None], w1_ref[...],
                           preferred_element_type=jnp.float32)


def _tc1(hist, x, W1):
    return pl.pallas_call(
        _tc1_body,
        out_shape=[
            jax.ShapeDtypeStruct((N_NODES, 128), jnp.float32),
            jax.ShapeDtypeStruct((1, N_NODES), jnp.float32),
        ],
    )(hist, x, W1)


def _tc2_body(dinv_ref, p_ref, h_ref, b1_ref, a_ref, w2_ref, out_ref):
    dinv = dinv_ref[0]
    s = (p_ref[0] + p_ref[1] - h_ref[...]) * dinv[:, None] + b1_ref[...]
    f = jnp.where(s >= 0, s, a_ref[0, 0] * s) * dinv[:, None]
    out_ref[...] = lax.dot_general(
        w2_ref[...], f, (((1,), (1,)), ((), ())),
        preferred_element_type=jnp.float32)


def _tc2(dinv, p, h1p, b1, a, W2t):
    h2 = W2t.shape[0]
    return pl.pallas_call(
        _tc2_body,
        out_shape=jax.ShapeDtypeStruct((h2, N_NODES), jnp.float32),
    )(dinv, p, h1p, b1.reshape(1, 128), a.reshape(1, 1), W2t)


def _tc3_body(dinv_ref, q_ref, ht_ref, b2_ref, a_ref, fcw_ref, fcb_ref,
              out_ref):
    dinv = dinv_ref[...]
    s = (jnp.sum(q_ref[...], axis=0) + ht_ref[...]) * dinv + b2_ref[...]
    f = jnp.where(s >= 0, s, a_ref[0, 0] * s)
    out_ref[...] = lax.dot_general(
        f, fcw_ref[...], (((0,), (0,)), ((), ())),
        preferred_element_type=jnp.float32) + fcb_ref[...]


def _tc3(dinv, q, h2pt, b2, a, fcW, fcb):
    h2, out_dim = fcW.shape
    return pl.pallas_call(
        _tc3_body,
        out_shape=jax.ShapeDtypeStruct((N_NODES, out_dim), jnp.float32),
    )(dinv, q, h2pt, b2.reshape(h2, 1), a.reshape(1, 1), fcW,
      fcb.reshape(1, out_dim))


@jax.jit
def kernel(x, edge_index, W1, b1, W2, b2, a, fcW, fcb):
    src_flat = edge_index[0]
    dst_flat = edge_index[1]
    src = src_flat.reshape(NW * ROWS_PER_W, CHUNK)
    dst = dst_flat.reshape(NW * ROWS_PER_W, CHUNK)

    hist = _sc_degree(dst_flat)

    h1p, dinv = _tc1(hist, x, W1)
    p = _sc_aggregate(h1p, src, dst)
    h2pt = _tc2(dinv, p, h1p, b1, a, W2.T)
    q = _sc_aggregate16(h2pt, src_flat, dst_flat)
    return _tc3(dinv, q, h2pt, b2, a, fcW, fcb)

# --- scband reference (transcript-rebuilt; emitter-appended) ---
"""Pipeline reference for scband-gcnclassifier-81166291959946 (READ-ONLY COPY).

The authoritative reference and input builder live on the scoring server;
editing this copy changes nothing except your own understanding.
"""

import jax, jax.numpy as jnp
import numpy as np

N_NODES = 10000
N_EDGES = 320000
IN_DIM = 128
H1 = 128
H2 = 16
OUT_DIM = 10


def setup_inputs(seed: int = 0) -> dict:
    key = jax.random.key(seed)
    ks = jax.random.split(key, 10)
    x = jax.random.normal(ks[0], (N_NODES, IN_DIM), dtype=jnp.float32)
    edge_index = jax.random.randint(ks[1], (2, N_EDGES), 0, N_NODES, dtype=jnp.int64 if jax.config.jax_enable_x64 else jnp.int32).astype(jnp.int32)
    W1 = jax.random.normal(ks[2], (IN_DIM, H1), dtype=jnp.float32) * (1.0 / np.sqrt(IN_DIM))
    b1 = jnp.zeros((H1,), dtype=jnp.float32)
    W2 = jax.random.normal(ks[3], (H1, H2), dtype=jnp.float32) * (1.0 / np.sqrt(H1))
    b2 = jnp.zeros((H2,), dtype=jnp.float32)
    a = jnp.asarray(0.25, dtype=jnp.float32)  # PReLU weight (single shared parameter)
    fcW = jax.random.normal(ks[4], (H2, OUT_DIM), dtype=jnp.float32) * (1.0 / np.sqrt(H2))
    fcb = jnp.zeros((OUT_DIM,), dtype=jnp.float32)
    return {"x": x, "edge_index": edge_index, "W1": W1, "b1": b1, "W2": W2, "b2": b2, "a": a, "fcW": fcW, "fcb": fcb}


def _gcn_conv(x, src, dst, W, b, n_nodes):
    # x' = D^{-1/2} (A + I) D^{-1/2} (x W) + b   (PyG GCNConv with add_self_loops=True)
    h = x @ W
    loop = jnp.arange(n_nodes, dtype=src.dtype)
    src_full = jnp.concatenate([src, loop])
    dst_full = jnp.concatenate([dst, loop])
    deg = jax.ops.segment_sum(jnp.ones_like(dst_full, dtype=h.dtype), dst_full, num_segments=n_nodes)
    dinv = jnp.where(deg > 0, jax.lax.rsqrt(deg), 0.0)
    norm = dinv[src_full] * dinv[dst_full]
    msg = jnp.take(h, src_full, axis=0) * norm[:, None]
    out = jax.ops.segment_sum(msg, dst_full, num_segments=n_nodes)
    return out + b


def _prelu(x, a):
    return jnp.where(x >= 0, x, a * x)


def reference(x, edge_index, W1, b1, W2, b2, a, fcW, fcb):
    # Dropout treated as identity (eval-mode determinism).
    src = edge_index[0]
    dst = edge_index[1]
    n_nodes = x.shape[0]
    feat1 = _prelu(_gcn_conv(x, src, dst, W1, b1, n_nodes), a)
    feat2 = _prelu(_gcn_conv(feat1, src, dst, W2, b2, n_nodes), a)
    logits = feat2 @ fcW + fcb
    return logits

if __name__ == "__main__":
    import jax
    _d = setup_inputs()
    print(jax.jit(kernel)(*tuple(_d.values())))

</pallas_src>

<mosaic_0001>
#map = affine_map<(d0, d1) -> (0, 0)>
#map1 = affine_map<(d0, d1) -> (0, 0, 0)>
module attributes {stable_mosaic.version = 14 : i64} {
  func.func @_agg_body(%arg0: i32, %arg1: i32, %arg2: memref<10000x128xf32, #tpu.memory_space<hbm>>, %arg3: memref<2560x125xi32, #tpu.memory_space<hbm>>, %arg4: memref<2560x125xi32, #tpu.memory_space<hbm>>, %arg5: memref<2x10000x128xf32, #tpu.memory_space<hbm>>, %arg6: memref<10000x128xf32, #tpu.memory_space<vmem_shared>>, %arg7: memref<40x125xi32, #tpu.memory_space<vmem>>, %arg8: memref<40x125xi32, #tpu.memory_space<vmem>>, %arg9: memref<125x128xf32, #tpu.memory_space<vmem>>, %arg10: memref<125x128xf32, #tpu.memory_space<vmem>>, %arg11: memref<!tpu.dma_semaphore, #tpu.memory_space<semaphore_mem>>, %arg12: memref<!tpu.dma_semaphore, #tpu.memory_space<semaphore_mem>>) attributes {dimension_semantics = [#tpu.dimension_semantics<core_parallel>, #tpu.dimension_semantics<subcore_parallel>], iteration_bounds = array<i64: 2, 16>, scalar_prefetch = 0 : i64, scratch_operands = 7 : i64, tpu.core_type = #tpu.core_type<sc_vector_subcore>, window_params = [{transform_indices = #map}, {transform_indices = #map}, {transform_indices = #map}, {transform_indices = #map1}]} {
    %mul3A = arith.constant 2 : i32
    %mul3A_0 = arith.muli %arg1, %mul3A : i32
    %add3A = arith.addi %mul3A_0, %arg0 : i32
    %mul3A_1 = arith.constant 624 : i32
    %mul3A_2 = arith.muli %arg1, %mul3A_1 : i32
    "tpu.region"() ({
      %run_scoped3A = tpu.sem_alloc : memref<!tpu.dma_semaphore, #tpu.memory_space<semaphore_mem>>
      %dma_start3A_41 = arith.constant 0 : i32
      %dma_start3A_42 = tpu.memref_slice %arg6[%mul3A_2, %dma_start3A_41] : memref<10000x128xf32, #tpu.memory_space<vmem_shared>> -> memref<624x128xf32, #tpu.memory_space<vmem_shared>>
      %dma_start3A_43 = arith.constant 0 : i32
      %dma_start3A_44 = tpu.memref_slice %arg2[%mul3A_2, %dma_start3A_43] : memref<10000x128xf32, #tpu.memory_space<hbm>> -> memref<624x128xf32, #tpu.memory_space<hbm>>
      tpu.enqueue_dma source(%dma_start3A_44 : memref<624x128xf32, #tpu.memory_space<hbm>>) target(%dma_start3A_42 : memref<624x128xf32, #tpu.memory_space<vmem_shared>>) target_semaphore(%run_scoped3A : memref<!tpu.dma_semaphore, #tpu.memory_space<semaphore_mem>>)
      %dma_wait3A = arith.constant 0 : i32
      %dma_wait3A_45 = tpu.memref_slice %arg6[%mul3A_2, %dma_wait3A] : memref<10000x128xf32, #tpu.memory_space<vmem_shared>> -> memref<624x128xf32, #tpu.memory_space<vmem_shared>>
      %dma_wait3A_46 = arith.constant 0 : i32
      %dma_wait3A_47 = tpu.memref_slice %arg2[%mul3A_2, %dma_wait3A_46] : memref<10000x128xf32, #tpu.memory_space<hbm>> -> memref<624x128xf32, #tpu.memory_space<hbm>>
      tpu.wait_dma2 semaphore(%run_scoped3A : memref<!tpu.dma_semaphore, #tpu.memory_space<semaphore_mem>>) src(%dma_wait3A_47 : memref<624x128xf32, #tpu.memory_space<hbm>>) dst(%dma_wait3A_45 : memref<624x128xf32, #tpu.memory_space<vmem_shared>>)
      tpu.yield
    }) : () -> ()
    %eq3A = arith.constant 15 : i32
    %eq3A_3 = arith.cmpi eq, %arg1, %eq3A : i32
    %convert_element_type3A = arith.extui %eq3A_3 : i1 to i32
    %cond3A = arith.constant 0 : i32
    %cond3A_4 = arith.cmpi ne, %convert_element_type3A, %cond3A : i32
    scf.if %cond3A_4 {
      "tpu.region"() ({
        %run_scoped3A = tpu.sem_alloc : memref<!tpu.dma_semaphore, #tpu.memory_space<semaphore_mem>>
        %dma_start3A_41 = arith.constant 9984 : i32
        %dma_start3A_42 = arith.constant 0 : i32
        %dma_start3A_43 = tpu.memref_slice %arg6[%dma_start3A_41, %dma_start3A_42] : memref<10000x128xf32, #tpu.memory_space<vmem_shared>> -> memref<16x128xf32, #tpu.memory_space<vmem_shared>>
        %dma_start3A_44 = arith.constant 9984 : i32
        %dma_start3A_45 = arith.constant 0 : i32
        %dma_start3A_46 = tpu.memref_slice %arg2[%dma_start3A_44, %dma_start3A_45] : memref<10000x128xf32, #tpu.memory_space<hbm>> -> memref<16x128xf32, #tpu.memory_space<hbm>>
        tpu.enqueue_dma source(%dma_start3A_46 : memref<16x128xf32, #tpu.memory_space<hbm>>) target(%dma_start3A_43 : memref<16x128xf32, #tpu.memory_space<vmem_shared>>) target_semaphore(%run_scoped3A : memref<!tpu.dma_semaphore, #tpu.memory_space<semaphore_mem>>)
        %dma_wait3A = arith.constant 9984 : i32
        %dma_wait3A_47 = arith.constant 0 : i32
        %dma_wait3A_48 = tpu.memref_slice %arg6[%dma_wait3A, %dma_wait3A_47] : memref<10000x128xf32, #tpu.memory_space<vmem_shared>> -> memref<16x128xf32, #tpu.memory_space<vmem_shared>>
        %dma_wait3A_49 = arith.constant 9984 : i32
        %dma_wait3A_50 = arith.constant 0 : i32
        %dma_wait3A_51 = tpu.memref_slice %arg2[%dma_wait3A_49, %dma_wait3A_50] : memref<10000x128xf32, #tpu.memory_space<hbm>> -> memref<16x128xf32, #tpu.memory_space<hbm>>
        tpu.wait_dma2 semaphore(%run_scoped3A : memref<!tpu.dma_semaphore, #tpu.memory_space<semaphore_mem>>) src(%dma_wait3A_51 : memref<16x128xf32, #tpu.memory_space<hbm>>) dst(%dma_wait3A_48 : memref<16x128xf32, #tpu.memory_space<vmem_shared>>)
        tpu.yield
      }) : () -> ()
    } else {
    }
    %barrier3A = arith.constant 0 : index
    tpu.barrier barrier_id(%barrier3A)
    %mul3A_5 = arith.constant 80 : i32
    %mul3A_6 = arith.muli %add3A, %mul3A_5 : i32
    %add3A_7 = arith.constant 0 : i32
    %add3A_8 = arith.addi %mul3A_6, %add3A_7 : i32
    "tpu.region"() ({
      %run_scoped3A = tpu.sem_alloc : memref<!tpu.dma_semaphore, #tpu.memory_space<semaphore_mem>>
      %dma_start3A_41 = arith.constant 0 : i32
      %dma_start3A_42 = tpu.memref_slice %arg3[%add3A_8, %dma_start3A_41] : memref<2560x125xi32, #tpu.memory_space<hbm>> -> memref<40x125xi32, #tpu.memory_space<hbm>>
      %dma_start3A_43 = arith.constant 0 : i32
      %dma_start3A_44 = tpu.memref_slice %arg3[%add3A_8, %dma_start3A_43] : memref<2560x125xi32, #tpu.memory_space<hbm>> -> memref<40x125xi32, #tpu.memory_space<hbm>>
      tpu.enqueue_dma source(%dma_start3A_44 : memref<40x125xi32, #tpu.memory_space<hbm>>) target(%arg7 : memref<40x125xi32, #tpu.memory_space<vmem>>) target_semaphore(%run_scoped3A : memref<!tpu.dma_semaphore, #tpu.memory_space<semaphore_mem>>)
      %dma_wait3A = arith.constant 0 : i32
      %dma_wait3A_45 = tpu.memref_slice %arg3[%add3A_8, %dma_wait3A] : memref<2560x125xi32, #tpu.memory_space<hbm>> -> memref<40x125xi32, #tpu.memory_space<hbm>>
      %dma_wait3A_46 = arith.constant 0 : i32
      %dma_wait3A_47 = tpu.memref_slice %arg3[%add3A_8, %dma_wait3A_46] : memref<2560x125xi32, #tpu.memory_space<hbm>> -> memref<40x125xi32, #tpu.memory_space<hbm>>
      tpu.wait_dma2 semaphore(%run_scoped3A : memref<!tpu.dma_semaphore, #tpu.memory_space<semaphore_mem>>) src(%dma_wait3A_47 : memref<40x125xi32, #tpu.memory_space<hbm>>) dst(%arg7 : memref<40x125xi32, #tpu.memory_space<vmem>>)
      tpu.yield
    }) : () -> ()
    "tpu.region"() ({
      %run_scoped3A = tpu.sem_alloc : memref<!tpu.dma_semaphore, #tpu.memory_space<semaphore_mem>>
      %dma_start3A_41 = arith.constant 0 : i32
      %dma_start3A_42 = tpu.memref_slice %arg4[%add3A_8, %dma_start3A_41] : memref<2560x125xi32, #tpu.memory_space<hbm>> -> memref<40x125xi32, #tpu.memory_space<hbm>>
      %dma_start3A_43 = arith.constant 0 : i32
      %dma_start3A_44 = tpu.memref_slice %arg4[%add3A_8, %dma_start3A_43] : memref<2560x125xi32, #tpu.memory_space<hbm>> -> memref<40x125xi32, #tpu.memory_space<hbm>>
      tpu.enqueue_dma source(%dma_start3A_44 : memref<40x125xi32, #tpu.memory_space<hbm>>) target(%arg8 : memref<40x125xi32, #tpu.memory_space<vmem>>) target_semaphore(%run_scoped3A : memref<!tpu.dma_semaphore, #tpu.memory_space<semaphore_mem>>)
      %dma_wait3A = arith.constant 0 : i32
      %dma_wait3A_45 = tpu.memref_slice %arg4[%add3A_8, %dma_wait3A] : memref<2560x125xi32, #tpu.memory_space<hbm>> -> memref<40x125xi32, #tpu.memory_space<hbm>>
      %dma_wait3A_46 = arith.constant 0 : i32
      %dma_wait3A_47 = tpu.memref_slice %arg4[%add3A_8, %dma_wait3A_46] : memref<2560x125xi32, #tpu.memory_space<hbm>> -> memref<40x125xi32, #tpu.memory_space<hbm>>
      tpu.wait_dma2 semaphore(%run_scoped3A : memref<!tpu.dma_semaphore, #tpu.memory_space<semaphore_mem>>) src(%dma_wait3A_47 : memref<40x125xi32, #tpu.memory_space<hbm>>) dst(%arg8 : memref<40x125xi32, #tpu.memory_space<vmem>>)
      tpu.yield
    }) : () -> ()
    %dma_start3A = arith.constant 0 : i32
    %dma_start3A_9 = arith.constant 0 : i32
    %dma_start3A_10 = tpu.memref_slice %arg7[%dma_start3A, %dma_start3A_9] : memref<40x125xi32, #tpu.memory_space<vmem>> -> memref<1x125xi32, #tpu.memory_space<vmem>>
    %dma_start3A_11 = tpu.memref_squeeze %dma_start3A_10 : memref<1x125xi32, #tpu.memory_space<vmem>> -> memref<125xi32, #tpu.memory_space<vmem>>
    %dma_start3A_12 = arith.constant 0 : i32
    %dma_start3A_13 = arith.constant 0 : i32
    %dma_start3A_14 = tpu.memref_slice %arg2[%dma_start3A_12, %dma_start3A_13] : memref<10000x128xf32, #tpu.memory_space<hbm>> -> memref<10000x128xf32, #tpu.memory_space<hbm>>
    tpu.enqueue_indirect_dma source(%dma_start3A_14 : memref<10000x128xf32, #tpu.memory_space<hbm>>) target(%arg9 : memref<125x128xf32, #tpu.memory_space<vmem>>) offsets(%dma_start3A_11 : memref<125xi32, #tpu.memory_space<vmem>>) semaphore(%arg11 : memref<!tpu.dma_semaphore, #tpu.memory_space<semaphore_mem>>)
    %scan3A = arith.constant 0 : i32
    %scan3A_15 = arith.constant 20 : i32
    %scan3A_16 = arith.addi %scan3A, %scan3A_15 : i32
    %scan3A_17 = arith.constant 1 : i32
    scf.for %scan3A_41 = %scan3A to %scan3A_16 step %scan3A_17  : i32 {
      %mul3A_42 = arith.constant 1 : i32
      %mul3A_43 = arith.muli %scan3A_41, %mul3A_42 : i32
      %add3A_44 = arith.constant 0 : i32
      %add3A_45 = arith.addi %add3A_44, %mul3A_43 : i32
      %mul3A_46 = arith.constant 2 : i32
      %mul3A_47 = arith.muli %add3A_45, %mul3A_46 : i32
      %add3A_48 = arith.constant 1 : i32
      %add3A_49 = arith.addi %mul3A_47, %add3A_48 : i32
      %dma_wait3A = arith.constant 0 : i32
      %dma_wait3A_50 = tpu.memref_slice %arg7[%mul3A_47, %dma_wait3A] : memref<40x125xi32, #tpu.memory_space<vmem>> -> memref<1x125xi32, #tpu.memory_space<vmem>>
      %dma_wait3A_51 = tpu.memref_squeeze %dma_wait3A_50 : memref<1x125xi32, #tpu.memory_space<vmem>> -> memref<125xi32, #tpu.memory_space<vmem>>
      %dma_wait3A_52 = arith.constant 0 : i32
      %dma_wait3A_53 = arith.constant 0 : i32
      %dma_wait3A_54 = tpu.memref_slice %arg2[%dma_wait3A_52, %dma_wait3A_53] : memref<10000x128xf32, #tpu.memory_space<hbm>> -> memref<10000x128xf32, #tpu.memory_space<hbm>>
      tpu.wait_indirect_dma semaphore(%arg11 : memref<!tpu.dma_semaphore, #tpu.memory_space<semaphore_mem>>) src(%dma_wait3A_54 : memref<10000x128xf32, #tpu.memory_space<hbm>>) dst(%arg9 : memref<125x128xf32, #tpu.memory_space<vmem>>)
      %dma_start3A_55 = arith.constant 0 : i32
      %dma_start3A_56 = tpu.memref_slice %arg7[%add3A_49, %dma_start3A_55] : memref<40x125xi32, #tpu.memory_space<vmem>> -> memref<1x125xi32, #tpu.memory_space<vmem>>
      %dma_start3A_57 = tpu.memref_squeeze %dma_start3A_56 : memref<1x125xi32, #tpu.memory_space<vmem>> -> memref<125xi32, #tpu.memory_space<vmem>>
      %dma_start3A_58 = arith.constant 0 : i32
      %dma_start3A_59 = arith.constant 0 : i32
      %dma_start3A_60 = tpu.memref_slice %arg2[%dma_start3A_58, %dma_start3A_59] : memref<10000x128xf32, #tpu.memory_space<hbm>> -> memref<10000x128xf32, #tpu.memory_space<hbm>>
      tpu.enqueue_indirect_dma source(%dma_start3A_60 : memref<10000x128xf32, #tpu.memory_space<hbm>>) target(%arg10 : memref<125x128xf32, #tpu.memory_space<vmem>>) offsets(%dma_start3A_57 : memref<125xi32, #tpu.memory_space<vmem>>) semaphore(%arg12 : memref<!tpu.dma_semaphore, #tpu.memory_space<semaphore_mem>>)
      "tpu.region"() ({
        %run_scoped3A = tpu.sem_alloc : memref<!tpu.dma_semaphore, #tpu.memory_space<semaphore_mem>>
        %dma_start3A_71 = arith.constant 0 : i32
        %dma_start3A_72 = tpu.memref_slice %arg8[%mul3A_47, %dma_start3A_71] : memref<40x125xi32, #tpu.memory_space<vmem>> -> memref<1x125xi32, #tpu.memory_space<vmem>>
        %dma_start3A_73 = tpu.memref_squeeze %dma_start3A_72 : memref<1x125xi32, #tpu.memory_space<vmem>> -> memref<125xi32, #tpu.memory_space<vmem>>
        %dma_start3A_74 = arith.constant 0 : i32
        %dma_start3A_75 = arith.constant 0 : i32
        %dma_start3A_76 = tpu.memref_slice %arg6[%dma_start3A_74, %dma_start3A_75] : memref<10000x128xf32, #tpu.memory_space<vmem_shared>> -> memref<10000x128xf32, #tpu.memory_space<vmem_shared>>
        tpu.enqueue_indirect_dma source(%arg9 : memref<125x128xf32, #tpu.memory_space<vmem>>) target(%dma_start3A_76 : memref<10000x128xf32, #tpu.memory_space<vmem_shared>>) offsets(%dma_start3A_73 : memref<125xi32, #tpu.memory_space<vmem>>) semaphore(%run_scoped3A : memref<!tpu.dma_semaphore, #tpu.memory_space<semaphore_mem>>) {add = true}
        %dma_wait3A_77 = arith.constant 0 : i32
        %dma_wait3A_78 = tpu.memref_slice %arg8[%mul3A_47, %dma_wait3A_77] : memref<40x125xi32, #tpu.memory_space<vmem>> -> memref<1x125xi32, #tpu.memory_space<vmem>>
        %dma_wait3A_79 = tpu.memref_squeeze %dma_wait3A_78 : memref<1x125xi32, #tpu.memory_space<vmem>> -> memref<125xi32, #tpu.memory_space<vmem>>
        %dma_wait3A_80 = arith.constant 0 : i32
        %dma_wait3A_81 = arith.constant 0 : i32
        %dma_wait3A_82 = tpu.memref_slice %arg6[%dma_wait3A_80, %dma_wait3A_81] : memref<10000x128xf32, #tpu.memory_space<vmem_shared>> -> memref<10000x128xf32, #tpu.memory_space<vmem_shared>>
        tpu.wait_indirect_dma semaphore(%run_scoped3A : memref<!tpu.dma_semaphore, #tpu.memory_space<semaphore_mem>>) src(%arg9 : memref<125x128xf32, #tpu.memory_space<vmem>>) dst(%dma_wait3A_82 : memref<10000x128xf32, #tpu.memory_space<vmem_shared>>)
        tpu.yield
      }) : () -> ()
      %dma_wait3A_61 = arith.constant 0 : i32
      %dma_wait3A_62 = tpu.memref_slice %arg7[%add3A_49, %dma_wait3A_61] : memref<40x125xi32, #tpu.memory_space<vmem>> -> memref<1x125xi32, #tpu.memory_space<vmem>>
      %dma_wait3A_63 = tpu.memref_squeeze %dma_wait3A_62 : memref<1x125xi32, #tpu.memory_space<vmem>> -> memref<125xi32, #tpu.memory_space<vmem>>
      %dma_wait3A_64 = arith.constant 0 : i32
      %dma_wait3A_65 = arith.constant 0 : i32
      %dma_wait3A_66 = tpu.memref_slice %arg2[%dma_wait3A_64, %dma_wait3A_65] : memref<10000x128xf32, #tpu.memory_space<hbm>> -> memref<10000x128xf32, #tpu.memory_space<hbm>>
      tpu.wait_indirect_dma semaphore(%arg12 : memref<!tpu.dma_semaphore, #tpu.memory_space<semaphore_mem>>) src(%dma_wait3A_66 : memref<10000x128xf32, #tpu.memory_space<hbm>>) dst(%arg10 : memref<125x128xf32, #tpu.memory_space<vmem>>)
      %lt3A = arith.constant 19 : i32
      %lt3A_67 = arith.cmpi slt, %add3A_45, %lt3A : i32
      %convert_element_type3A_68 = arith.extui %lt3A_67 : i1 to i32
      %cond3A_69 = arith.constant 0 : i32
      %cond3A_70 = arith.cmpi ne, %convert_element_type3A_68, %cond3A_69 : i32
      scf.if %cond3A_70 {
        %add3A_71 = arith.constant 2 : i32
        %add3A_72 = arith.addi %mul3A_47, %add3A_71 : i32
        %dma_start3A_73 = arith.constant 0 : i32
        %dma_start3A_74 = tpu.memref_slice %arg7[%add3A_72, %dma_start3A_73] : memref<40x125xi32, #tpu.memory_space<vmem>> -> memref<1x125xi32, #tpu.memory_space<vmem>>
        %dma_start3A_75 = tpu.memref_squeeze %dma_start3A_74 : memref<1x125xi32, #tpu.memory_space<vmem>> -> memref<125xi32, #tpu.memory_space<vmem>>
        %dma_start3A_76 = arith.constant 0 : i32
        %dma_start3A_77 = arith.constant 0 : i32
        %dma_start3A_78 = tpu.memref_slice %arg2[%dma_start3A_76, %dma_start3A_77] : memref<10000x128xf32, #tpu.memory_space<hbm>> -> memref<10000x128xf32, #tpu.memory_space<hbm>>
        tpu.enqueue_indirect_dma source(%dma_start3A_78 : memref<10000x128xf32, #tpu.memory_space<hbm>>) target(%arg9 : memref<125x128xf32, #tpu.memory_space<vmem>>) offsets(%dma_start3A_75 : memref<125xi32, #tpu.memory_space<vmem>>) semaphore(%arg11 : memref<!tpu.dma_semaphore, #tpu.memory_space<semaphore_mem>>)
      } else {
      }
      "tpu.region"() ({
        %run_scoped3A = tpu.sem_alloc : memref<!tpu.dma_semaphore, #tpu.memory_space<semaphore_mem>>
        %dma_start3A_71 = arith.constant 0 : i32
        %dma_start3A_72 = tpu.memref_slice %arg8[%add3A_49, %dma_start3A_71] : memref<40x125xi32, #tpu.memory_space<vmem>> -> memref<1x125xi32, #tpu.memory_space<vmem>>
        %dma_start3A_73 = tpu.memref_squeeze %dma_start3A_72 : memref<1x125xi32, #tpu.memory_space<vmem>> -> memref<125xi32, #tpu.memory_space<vmem>>
        %dma_start3A_74 = arith.constant 0 : i32
        %dma_start3A_75 = arith.constant 0 : i32
        %dma_start3A_76 = tpu.memref_slice %arg6[%dma_start3A_74, %dma_start3A_75] : memref<10000x128xf32, #tpu.memory_space<vmem_shared>> -> memref<10000x128xf32, #tpu.memory_space<vmem_shared>>
        tpu.enqueue_indirect_dma source(%arg10 : memref<125x128xf32, #tpu.memory_space<vmem>>) target(%dma_start3A_76 : memref<10000x128xf32, #tpu.memory_space<vmem_shared>>) offsets(%dma_start3A_73 : memref<125xi32, #tpu.memory_space<vmem>>) semaphore(%run_scoped3A : memref<!tpu.dma_semaphore, #tpu.memory_space<semaphore_mem>>) {add = true}
        %dma_wait3A_77 = arith.constant 0 : i32
        %dma_wait3A_78 = tpu.memref_slice %arg8[%add3A_49, %dma_wait3A_77] : memref<40x125xi32, #tpu.memory_space<vmem>> -> memref<1x125xi32, #tpu.memory_space<vmem>>
        %dma_wait3A_79 = tpu.memref_squeeze %dma_wait3A_78 : memref<1x125xi32, #tpu.memory_space<vmem>> -> memref<125xi32, #tpu.memory_space<vmem>>
        %dma_wait3A_80 = arith.constant 0 : i32
        %dma_wait3A_81 = arith.constant 0 : i32
        %dma_wait3A_82 = tpu.memref_slice %arg6[%dma_wait3A_80, %dma_wait3A_81] : memref<10000x128xf32, #tpu.memory_space<vmem_shared>> -> memref<10000x128xf32, #tpu.memory_space<vmem_shared>>
        tpu.wait_indirect_dma semaphore(%run_scoped3A : memref<!tpu.dma_semaphore, #tpu.memory_space<semaphore_mem>>) src(%arg10 : memref<125x128xf32, #tpu.memory_space<vmem>>) dst(%dma_wait3A_82 : memref<10000x128xf32, #tpu.memory_space<vmem_shared>>)
        tpu.yield
      }) : () -> ()
    }
    %scan3A_18 = arith.constant 20 : i32
    %mul3A_19 = arith.constant 80 : i32
    %mul3A_20 = arith.muli %add3A, %mul3A_19 : i32
    %add3A_21 = arith.constant 40 : i32
    %add3A_22 = arith.addi %mul3A_20, %add3A_21 : i32
    "tpu.region"() ({
      %run_scoped3A = tpu.sem_alloc : memref<!tpu.dma_semaphore, #tpu.memory_space<semaphore_mem>>
      %dma_start3A_41 = arith.constant 0 : i32
      %dma_start3A_42 = tpu.memref_slice %arg3[%add3A_22, %dma_start3A_41] : memref<2560x125xi32, #tpu.memory_space<hbm>> -> memref<40x125xi32, #tpu.memory_space<hbm>>
      %dma_start3A_43 = arith.constant 0 : i32
      %dma_start3A_44 = tpu.memref_slice %arg3[%add3A_22, %dma_start3A_43] : memref<2560x125xi32, #tpu.memory_space<hbm>> -> memref<40x125xi32, #tpu.memory_space<hbm>>
      tpu.enqueue_dma source(%dma_start3A_44 : memref<40x125xi32, #tpu.memory_space<hbm>>) target(%arg7 : memref<40x125xi32, #tpu.memory_space<vmem>>) target_semaphore(%run_scoped3A : memref<!tpu.dma_semaphore, #tpu.memory_space<semaphore_mem>>)
      %dma_wait3A = arith.constant 0 : i32
      %dma_wait3A_45 = tpu.memref_slice %arg3[%add3A_22, %dma_wait3A] : memref<2560x125xi32, #tpu.memory_space<hbm>> -> memref<40x125xi32, #tpu.memory_space<hbm>>
      %dma_wait3A_46 = arith.constant 0 : i32
      %dma_wait3A_47 = tpu.memref_slice %arg3[%add3A_22, %dma_wait3A_46] : memref<2560x125xi32, #tpu.memory_space<hbm>> -> memref<40x125xi32, #tpu.memory_space<hbm>>
      tpu.wait_dma2 semaphore(%run_scoped3A : memref<!tpu.dma_semaphore, #tpu.memory_space<semaphore_mem>>) src(%dma_wait3A_47 : memref<40x125xi32, #tpu.memory_space<hbm>>) dst(%arg7 : memref<40x125xi32, #tpu.memory_space<vmem>>)
      tpu.yield
    }) : () -> ()
    "tpu.region"() ({
      %run_scoped3A = tpu.sem_alloc : memref<!tpu.dma_semaphore, #tpu.memory_space<semaphore_mem>>
      %dma_start3A_41 = arith.constant 0 : i32
      %dma_start3A_42 = tpu.memref_slice %arg4[%add3A_22, %dma_start3A_41] : memref<2560x125xi32, #tpu.memory_space<hbm>> -> memref<40x125xi32, #tpu.memory_space<hbm>>
      %dma_start3A_43 = arith.constant 0 : i32
      %dma_start3A_44 = tpu.memref_slice %arg4[%add3A_22, %dma_start3A_43] : memref<2560x125xi32, #tpu.memory_space<hbm>> -> memref<40x125xi32, #tpu.memory_space<hbm>>
      tpu.enqueue_dma source(%dma_start3A_44 : memref<40x125xi32, #tpu.memory_space<hbm>>) target(%arg8 : memref<40x125xi32, #tpu.memory_space<vmem>>) target_semaphore(%run_scoped3A : memref<!tpu.dma_semaphore, #tpu.memory_space<semaphore_mem>>)
      %dma_wait3A = arith.constant 0 : i32
      %dma_wait3A_45 = tpu.memref_slice %arg4[%add3A_22, %dma_wait3A] : memref<2560x125xi32, #tpu.memory_space<hbm>> -> memref<40x125xi32, #tpu.memory_space<hbm>>
      %dma_wait3A_46 = arith.constant 0 : i32
      %dma_wait3A_47 = tpu.memref_slice %arg4[%add3A_22, %dma_wait3A_46] : memref<2560x125xi32, #tpu.memory_space<hbm>> -> memref<40x125xi32, #tpu.memory_space<hbm>>
      tpu.wait_dma2 semaphore(%run_scoped3A : memref<!tpu.dma_semaphore, #tpu.memory_space<semaphore_mem>>) src(%dma_wait3A_47 : memref<40x125xi32, #tpu.memory_space<hbm>>) dst(%arg8 : memref<40x125xi32, #tpu.memory_space<vmem>>)
      tpu.yield
    }) : () -> ()
    %dma_start3A_23 = arith.constant 0 : i32
    %dma_start3A_24 = arith.constant 0 : i32
    %dma_start3A_25 = tpu.memref_slice %arg7[%dma_start3A_23, %dma_start3A_24] : memref<40x125xi32, #tpu.memory_space<vmem>> -> memref<1x125xi32, #tpu.memory_space<vmem>>
    %dma_start3A_26 = tpu.memref_squeeze %dma_start3A_25 : memref<1x125xi32, #tpu.memory_space<vmem>> -> memref<125xi32, #tpu.memory_space<vmem>>
    %dma_start3A_27 = arith.constant 0 : i32
    %dma_start3A_28 = arith.constant 0 : i32
    %dma_start3A_29 = tpu.memref_slice %arg2[%dma_start3A_27, %dma_start3A_28] : memref<10000x128xf32, #tpu.memory_space<hbm>> -> memref<10000x128xf32, #tpu.memory_space<hbm>>
    tpu.enqueue_indirect_dma source(%dma_start3A_29 : memref<10000x128xf32, #tpu.memory_space<hbm>>) target(%arg9 : memref<125x128xf32, #tpu.memory_space<vmem>>) offsets(%dma_start3A_26 : memref<125xi32, #tpu.memory_space<vmem>>) semaphore(%arg11 : memref<!tpu.dma_semaphore, #tpu.memory_space<semaphore_mem>>)
    %scan3A_30 = arith.constant 0 : i32
    %scan3A_31 = arith.constant 20 : i32
    %scan3A_32 = arith.addi %scan3A_30, %scan3A_31 : i32
    %scan3A_33 = arith.constant 1 : i32
    scf.for %scan3A_41 = %scan3A_30 to %scan3A_32 step %scan3A_33  : i32 {
      %mul3A_42 = arith.constant 1 : i32
      %mul3A_43 = arith.muli %scan3A_41, %mul3A_42 : i32
      %add3A_44 = arith.constant 0 : i32
      %add3A_45 = arith.addi %add3A_44, %mul3A_43 : i32
      %mul3A_46 = arith.constant 2 : i32
      %mul3A_47 = arith.muli %add3A_45, %mul3A_46 : i32
      %add3A_48 = arith.constant 1 : i32
      %add3A_49 = arith.addi %mul3A_47, %add3A_48 : i32
      %dma_wait3A = arith.constant 0 : i32
      %dma_wait3A_50 = tpu.memref_slice %arg7[%mul3A_47, %dma_wait3A] : memref<40x125xi32, #tpu.memory_space<vmem>> -> memref<1x125xi32, #tpu.memory_space<vmem>>
      %dma_wait3A_51 = tpu.memref_squeeze %dma_wait3A_50 : memref<1x125xi32, #tpu.memory_space<vmem>> -> memref<125xi32, #tpu.memory_space<vmem>>
      %dma_wait3A_52 = arith.constant 0 : i32
      %dma_wait3A_53 = arith.constant 0 : i32
      %dma_wait3A_54 = tpu.memref_slice %arg2[%dma_wait3A_52, %dma_wait3A_53] : memref<10000x128xf32, #tpu.memory_space<hbm>> -> memref<10000x128xf32, #tpu.memory_space<hbm>>
      tpu.wait_indirect_dma semaphore(%arg11 : memref<!tpu.dma_semaphore, #tpu.memory_space<semaphore_mem>>) src(%dma_wait3A_54 : memref<10000x128xf32, #tpu.memory_space<hbm>>) dst(%arg9 : memref<125x128xf32, #tpu.memory_space<vmem>>)
      %dma_start3A_55 = arith.constant 0 : i32
      %dma_start3A_56 = tpu.memref_slice %arg7[%add3A_49, %dma_start3A_55] : memref<40x125xi32, #tpu.memory_space<vmem>> -> memref<1x125xi32, #tpu.memory_space<vmem>>
      %dma_start3A_57 = tpu.memref_squeeze %dma_start3A_56 : memref<1x125xi32, #tpu.memory_space<vmem>> -> memref<125xi32, #tpu.memory_space<vmem>>
      %dma_start3A_58 = arith.constant 0 : i32
      %dma_start3A_59 = arith.constant 0 : i32
      %dma_start3A_60 = tpu.memref_slice %arg2[%dma_start3A_58, %dma_start3A_59] : memref<10000x128xf32, #tpu.memory_space<hbm>> -> memref<10000x128xf32, #tpu.memory_space<hbm>>
      tpu.enqueue_indirect_dma source(%dma_start3A_60 : memref<10000x128xf32, #tpu.memory_space<hbm>>) target(%arg10 : memref<125x128xf32, #tpu.memory_space<vmem>>) offsets(%dma_start3A_57 : memref<125xi32, #tpu.memory_space<vmem>>) semaphore(%arg12 : memref<!tpu.dma_semaphore, #tpu.memory_space<semaphore_mem>>)
      "tpu.region"() ({
        %run_scoped3A = tpu.sem_alloc : memref<!tpu.dma_semaphore, #tpu.memory_space<semaphore_mem>>
        %dma_start3A_71 = arith.constant 0 : i32
        %dma_start3A_72 = tpu.memref_slice %arg8[%mul3A_47, %dma_start3A_71] : memref<40x125xi32, #tpu.memory_space<vmem>> -> memref<1x125xi32, #tpu.memory_space<vmem>>
        %dma_start3A_73 = tpu.memref_squeeze %dma_start3A_72 : memref<1x125xi32, #tpu.memory_space<vmem>> -> memref<125xi32, #tpu.memory_space<vmem>>
        %dma_start3A_74 = arith.constant 0 : i32
        %dma_start3A_75 = arith.constant 0 : i32
        %dma_start3A_76 = tpu.memref_slice %arg6[%dma_start3A_74, %dma_start3A_75] : memref<10000x128xf32, #tpu.memory_space<vmem_shared>> -> memref<10000x128xf32, #tpu.memory_space<vmem_shared>>
        tpu.enqueue_indirect_dma source(%arg9 : memref<125x128xf32, #tpu.memory_space<vmem>>) target(%dma_start3A_76 : memref<10000x128xf32, #tpu.memory_space<vmem_shared>>) offsets(%dma_start3A_73 : memref<125xi32, #tpu.memory_space<vmem>>) semaphore(%run_scoped3A : memref<!tpu.dma_semaphore, #tpu.memory_space<semaphore_mem>>) {add = true}
        %dma_wait3A_77 = arith.constant 0 : i32
        %dma_wait3A_78 = tpu.memref_slice %arg8[%mul3A_47, %dma_wait3A_77] : memref<40x125xi32, #tpu.memory_space<vmem>> -> memref<1x125xi32, #tpu.memory_space<vmem>>
        %dma_wait3A_79 = tpu.memref_squeeze %dma_wait3A_78 : memref<1x125xi32, #tpu.memory_space<vmem>> -> memref<125xi32, #tpu.memory_space<vmem>>
        %dma_wait3A_80 = arith.constant 0 : i32
        %dma_wait3A_81 = arith.constant 0 : i32
        %dma_wait3A_82 = tpu.memref_slice %arg6[%dma_wait3A_80, %dma_wait3A_81] : memref<10000x128xf32, #tpu.memory_space<vmem_shared>> -> memref<10000x128xf32, #tpu.memory_space<vmem_shared>>
        tpu.wait_indirect_dma semaphore(%run_scoped3A : memref<!tpu.dma_semaphore, #tpu.memory_space<semaphore_mem>>) src(%arg9 : memref<125x128xf32, #tpu.memory_space<vmem>>) dst(%dma_wait3A_82 : memref<10000x128xf32, #tpu.memory_space<vmem_shared>>)
        tpu.yield
      }) : () -> ()
      %dma_wait3A_61 = arith.constant 0 : i32
      %dma_wait3A_62 = tpu.memref_slice %arg7[%add3A_49, %dma_wait3A_61] : memref<40x125xi32, #tpu.memory_space<vmem>> -> memref<1x125xi32, #tpu.memory_space<vmem>>
      %dma_wait3A_63 = tpu.memref_squeeze %dma_wait3A_62 : memref<1x125xi32, #tpu.memory_space<vmem>> -> memref<125xi32, #tpu.memory_space<vmem>>
      %dma_wait3A_64 = arith.constant 0 : i32
      %dma_wait3A_65 = arith.constant 0 : i32
      %dma_wait3A_66 = tpu.memref_slice %arg2[%dma_wait3A_64, %dma_wait3A_65] : memref<10000x128xf32, #tpu.memory_space<hbm>> -> memref<10000x128xf32, #tpu.memory_space<hbm>>
      tpu.wait_indirect_dma semaphore(%arg12 : memref<!tpu.dma_semaphore, #tpu.memory_space<semaphore_mem>>) src(%dma_wait3A_66 : memref<10000x128xf32, #tpu.memory_space<hbm>>) dst(%arg10 : memref<125x128xf32, #tpu.memory_space<vmem>>)
      %lt3A = arith.constant 19 : i32
      %lt3A_67 = arith.cmpi slt, %add3A_45, %lt3A : i32
      %convert_element_type3A_68 = arith.extui %lt3A_67 : i1 to i32
      %cond3A_69 = arith.constant 0 : i32
      %cond3A_70 = arith.cmpi ne, %convert_element_type3A_68, %cond3A_69 : i32
      scf.if %cond3A_70 {
        %add3A_71 = arith.constant 2 : i32
        %add3A_72 = arith.addi %mul3A_47, %add3A_71 : i32
        %dma_start3A_73 = arith.constant 0 : i32
        %dma_start3A_74 = tpu.memref_slice %arg7[%add3A_72, %dma_start3A_73] : memref<40x125xi32, #tpu.memory_space<vmem>> -> memref<1x125xi32, #tpu.memory_space<vmem>>
        %dma_start3A_75 = tpu.memref_squeeze %dma_start3A_74 : memref<1x125xi32, #tpu.memory_space<vmem>> -> memref<125xi32, #tpu.memory_space<vmem>>
        %dma_start3A_76 = arith.constant 0 : i32
        %dma_start3A_77 = arith.constant 0 : i32
        %dma_start3A_78 = tpu.memref_slice %arg2[%dma_start3A_76, %dma_start3A_77] : memref<10000x128xf32, #tpu.memory_space<hbm>> -> memref<10000x128xf32, #tpu.memory_space<hbm>>
        tpu.enqueue_indirect_dma source(%dma_start3A_78 : memref<10000x128xf32, #tpu.memory_space<hbm>>) target(%arg9 : memref<125x128xf32, #tpu.memory_space<vmem>>) offsets(%dma_start3A_75 : memref<125xi32, #tpu.memory_space<vmem>>) semaphore(%arg11 : memref<!tpu.dma_semaphore, #tpu.memory_space<semaphore_mem>>)
      } else {
      }
      "tpu.region"() ({
        %run_scoped3A = tpu.sem_alloc : memref<!tpu.dma_semaphore, #tpu.memory_space<semaphore_mem>>
        %dma_start3A_71 = arith.constant 0 : i32
        %dma_start3A_72 = tpu.memref_slice %arg8[%add3A_49, %dma_start3A_71] : memref<40x125xi32, #tpu.memory_space<vmem>> -> memref<1x125xi32, #tpu.memory_space<vmem>>
        %dma_start3A_73 = tpu.memref_squeeze %dma_start3A_72 : memref<1x125xi32, #tpu.memory_space<vmem>> -> memref<125xi32, #tpu.memory_space<vmem>>
        %dma_start3A_74 = arith.constant 0 : i32
        %dma_start3A_75 = arith.constant 0 : i32
        %dma_start3A_76 = tpu.memref_slice %arg6[%dma_start3A_74, %dma_start3A_75] : memref<10000x128xf32, #tpu.memory_space<vmem_shared>> -> memref<10000x128xf32, #tpu.memory_space<vmem_shared>>
        tpu.enqueue_indirect_dma source(%arg10 : memref<125x128xf32, #tpu.memory_space<vmem>>) target(%dma_start3A_76 : memref<10000x128xf32, #tpu.memory_space<vmem_shared>>) offsets(%dma_start3A_73 : memref<125xi32, #tpu.memory_space<vmem>>) semaphore(%run_scoped3A : memref<!tpu.dma_semaphore, #tpu.memory_space<semaphore_mem>>) {add = true}
        %dma_wait3A_77 = arith.constant 0 : i32
        %dma_wait3A_78 = tpu.memref_slice %arg8[%add3A_49, %dma_wait3A_77] : memref<40x125xi32, #tpu.memory_space<vmem>> -> memref<1x125xi32, #tpu.memory_space<vmem>>
        %dma_wait3A_79 = tpu.memref_squeeze %dma_wait3A_78 : memref<1x125xi32, #tpu.memory_space<vmem>> -> memref<125xi32, #tpu.memory_space<vmem>>
        %dma_wait3A_80 = arith.constant 0 : i32
        %dma_wait3A_81 = arith.constant 0 : i32
        %dma_wait3A_82 = tpu.memref_slice %arg6[%dma_wait3A_80, %dma_wait3A_81] : memref<10000x128xf32, #tpu.memory_space<vmem_shared>> -> memref<10000x128xf32, #tpu.memory_space<vmem_shared>>
        tpu.wait_indirect_dma semaphore(%run_scoped3A : memref<!tpu.dma_semaphore, #tpu.memory_space<semaphore_mem>>) src(%arg10 : memref<125x128xf32, #tpu.memory_space<vmem>>) dst(%dma_wait3A_82 : memref<10000x128xf32, #tpu.memory_space<vmem_shared>>)
        tpu.yield
      }) : () -> ()
    }
    %scan3A_34 = arith.constant 20 : i32
    %barrier3A_35 = arith.constant 0 : index
    tpu.barrier barrier_id(%barrier3A_35)
    "tpu.region"() ({
      %run_scoped3A = tpu.sem_alloc : memref<!tpu.dma_semaphore, #tpu.memory_space<semaphore_mem>>
      %dma_start3A_41 = arith.constant 0 : i32
      %dma_start3A_42 = tpu.memref_slice %arg5[%arg0, %mul3A_2, %dma_start3A_41] : memref<2x10000x128xf32, #tpu.memory_space<hbm>> -> memref<1x624x128xf32, #tpu.memory_space<hbm>>
      %dma_start3A_43 = tpu.memref_squeeze %dma_start3A_42 : memref<1x624x128xf32, #tpu.memory_space<hbm>> -> memref<624x128xf32, #tpu.memory_space<hbm>>
      %dma_start3A_44 = arith.constant 0 : i32
      %dma_start3A_45 = tpu.memref_slice %arg6[%mul3A_2, %dma_start3A_44] : memref<10000x128xf32, #tpu.memory_space<vmem_shared>> -> memref<624x128xf32, #tpu.memory_space<vmem_shared>>
      tpu.enqueue_dma source(%dma_start3A_45 : memref<624x128xf32, #tpu.memory_space<vmem_shared>>) target(%dma_start3A_43 : memref<624x128xf32, #tpu.memory_space<hbm>>) target_semaphore(%run_scoped3A : memref<!tpu.dma_semaphore, #tpu.memory_space<semaphore_mem>>)
      %dma_wait3A = arith.constant 0 : i32
      %dma_wait3A_46 = tpu.memref_slice %arg5[%arg0, %mul3A_2, %dma_wait3A] : memref<2x10000x128xf32, #tpu.memory_space<hbm>> -> memref<1x624x128xf32, #tpu.memory_space<hbm>>
      %dma_wait3A_47 = tpu.memref_squeeze %dma_wait3A_46 : memref<1x624x128xf32, #tpu.memory_space<hbm>> -> memref<624x128xf32, #tpu.memory_space<hbm>>
      %dma_wait3A_48 = arith.constant 0 : i32
      %dma_wait3A_49 = tpu.memref_slice %arg6[%mul3A_2, %dma_wait3A_48] : memref<10000x128xf32, #tpu.memory_space<vmem_shared>> -> memref<624x128xf32, #tpu.memory_space<vmem_shared>>
      tpu.wait_dma2 semaphore(%run_scoped3A : memref<!tpu.dma_semaphore, #tpu.memory_space<semaphore_mem>>) src(%dma_wait3A_49 : memref<624x128xf32, #tpu.memory_space<vmem_shared>>) dst(%dma_wait3A_47 : memref<624x128xf32, #tpu.memory_space<hbm>>)
      tpu.yield
    }) : () -> ()
    %eq3A_36 = arith.constant 15 : i32
    %eq3A_37 = arith.cmpi eq, %arg1, %eq3A_36 : i32
    %convert_element_type3A_38 = arith.extui %eq3A_37 : i1 to i32
    %cond3A_39 = arith.constant 0 : i32
    %cond3A_40 = arith.cmpi ne, %convert_element_type3A_38, %cond3A_39 : i32
    scf.if %cond3A_40 {
      "tpu.region"() ({
        %run_scoped3A = tpu.sem_alloc : memref<!tpu.dma_semaphore, #tpu.memory_space<semaphore_mem>>
        %dma_start3A_41 = arith.constant 9984 : i32
        %dma_start3A_42 = arith.constant 0 : i32
        %dma_start3A_43 = tpu.memref_slice %arg5[%arg0, %dma_start3A_41, %dma_start3A_42] : memref<2x10000x128xf32, #tpu.memory_space<hbm>> -> memref<1x16x128xf32, #tpu.memory_space<hbm>>
        %dma_start3A_44 = tpu.memref_squeeze %dma_start3A_43 : memref<1x16x128xf32, #tpu.memory_space<hbm>> -> memref<16x128xf32, #tpu.memory_space<hbm>>
        %dma_start3A_45 = arith.constant 9984 : i32
        %dma_start3A_46 = arith.constant 0 : i32
        %dma_start3A_47 = tpu.memref_slice %arg6[%dma_start3A_45, %dma_start3A_46] : memref<10000x128xf32, #tpu.memory_space<vmem_shared>> -> memref<16x128xf32, #tpu.memory_space<vmem_shared>>
        tpu.enqueue_dma source(%dma_start3A_47 : memref<16x128xf32, #tpu.memory_space<vmem_shared>>) target(%dma_start3A_44 : memref<16x128xf32, #tpu.memory_space<hbm>>) target_semaphore(%run_scoped3A : memref<!tpu.dma_semaphore, #tpu.memory_space<semaphore_mem>>)
        %dma_wait3A = arith.constant 9984 : i32
        %dma_wait3A_48 = arith.constant 0 : i32
        %dma_wait3A_49 = tpu.memref_slice %arg5[%arg0, %dma_wait3A, %dma_wait3A_48] : memref<2x10000x128xf32, #tpu.memory_space<hbm>> -> memref<1x16x128xf32, #tpu.memory_space<hbm>>
        %dma_wait3A_50 = tpu.memref_squeeze %dma_wait3A_49 : memref<1x16x128xf32, #tpu.memory_space<hbm>> -> memref<16x128xf32, #tpu.memory_space<hbm>>
        %dma_wait3A_51 = arith.constant 9984 : i32
        %dma_wait3A_52 = arith.constant 0 : i32
        %dma_wait3A_53 = tpu.memref_slice %arg6[%dma_wait3A_51, %dma_wait3A_52] : memref<10000x128xf32, #tpu.memory_space<vmem_shared>> -> memref<16x128xf32, #tpu.memory_space<vmem_shared>>
        tpu.wait_dma2 semaphore(%run_scoped3A : memref<!tpu.dma_semaphore, #tpu.memory_space<semaphore_mem>>) src(%dma_wait3A_53 : memref<16x128xf32, #tpu.memory_space<vmem_shared>>) dst(%dma_wait3A_50 : memref<16x128xf32, #tpu.memory_space<hbm>>)
        tpu.yield
      }) : () -> ()
    } else {
    }
    return
  }
}

#map = affine_map<(d0, d1) -> (0, 0)>
#map1 = affine_map<(d0, d1) -> (0)>
#map2 = affine_map<(d0, d1) -> (0, 0, 0)>
module attributes {stable_mosaic.version = 14 : i64} {
  func.func @_agg16_body(%arg0: i32, %arg1: i32, %arg2: memref<16x10000xf32, #tpu.memory_space<hbm>>, %arg3: memref<320000xi32, #tpu.memory_space<hbm>>, %arg4: memref<320000xi32, #tpu.memory_space<hbm>>, %arg5: memref<8x16x10000xf32, #tpu.memory_space<hbm>>, %arg6: memref<10000xf32, #tpu.memory_space<vmem>>, %arg7: memref<10000xf32, #tpu.memory_space<vmem>>, %arg8: memref<10000xf32, #tpu.memory_space<vmem>>, %arg9: memref<10000xf32, #tpu.memory_space<vmem>>, %arg10: memref<10000xf32, #tpu.memory_space<vmem>>, %arg11: memref<10000xf32, #tpu.memory_space<vmem>>, %arg12: memref<10000xf32, #tpu.memory_space<vmem>>, %arg13: memref<10000xf32, #tpu.memory_space<vmem>>, %arg14: memref<4000xi32, #tpu.memory_space<vmem>>, %arg15: memref<4000xi32, #tpu.memory_space<vmem>>, %arg16: memref<4000xi32, #tpu.memory_space<vmem>>, %arg17: memref<4000xi32, #tpu.memory_space<vmem>>, %arg18: memref<!tpu.dma_semaphore, #tpu.memory_space<semaphore_mem>>, %arg19: memref<!tpu.dma_semaphore, #tpu.memory_space<semaphore_mem>>, %arg20: memref<!tpu.dma_semaphore, #tpu.memory_space<semaphore_mem>>, %arg21: memref<!tpu.dma_semaphore, #tpu.memory_space<semaphore_mem>>, %arg22: memref<!tpu.dma_semaphore, #tpu.memory_space<semaphore_mem>>, %arg23: memref<!tpu.dma_semaphore, #tpu.memory_space<semaphore_mem>>, %arg24: memref<!tpu.dma_semaphore, #tpu.memory_space<semaphore_mem>>, %arg25: memref<!tpu.dma_semaphore, #tpu.memory_space<semaphore_mem>>) attributes {dimension_semantics = [#tpu.dimension_semantics<core_parallel>, #tpu.dimension_semantics<subcore_parallel>], iteration_bounds = array<i64: 2, 16>, scalar_prefetch = 0 : i64, scratch_operands = 20 : i64, tpu.core_type = #tpu.core_type<sc_vector_subcore>, window_params = [{transform_indices = #map}, {transform_indices = #map1}, {transform_indices = #map1}, {transform_indices = #map2}]} {
    %mul3A = arith.constant 2 : i32
    %mul3A_0 = arith.muli %arg1, %mul3A : i32
    %add3A = arith.addi %mul3A_0, %arg0 : i32
    %jit3A = arith.constant 4 : i32
    %eq3A = arith.constant 0 : i32
    %eq3A_1 = arith.cmpi eq, %jit3A, %eq3A : i32
    %jit3A_2 = arith.constant 1 : i32
    %select_n3A = arith.select %eq3A_1, %jit3A_2, %jit3A : i32
    %rem3A = arith.remsi %add3A, %select_n3A : i32
    %ne3A = arith.constant 0 : i32
    %ne3A_3 = arith.cmpi ne, %rem3A, %ne3A : i32
    %lt3A = arith.constant 0 : i32
    %lt3A_4 = arith.cmpi slt, %rem3A, %lt3A : i32
    %lt3A_5 = arith.constant 0 : i32
    %lt3A_6 = arith.cmpi slt, %select_n3A, %lt3A_5 : i32
    %ne3A_7 = arith.xori %lt3A_4, %lt3A_6 : i1
    %and3A = arith.andi %ne3A_7, %ne3A_3 : i1
    %add3A_8 = arith.addi %rem3A, %select_n3A : i32
    %select_n3A_9 = arith.select %and3A, %add3A_8, %rem3A : i32
    %jit3A_10 = arith.constant 4 : i32
    %div3A = arith.divsi %add3A, %jit3A_10 : i32
    %sign3A = arith.constant 0 : i32
    %sign3A_11 = arith.cmpi sgt, %add3A, %sign3A : i32
    %sign3A_12 = arith.extui %sign3A_11 : i1 to i32
    %sign3A_13 = arith.constant 0 : i32
    %sign3A_14 = arith.cmpi slt, %add3A, %sign3A_13 : i32
    %sign3A_15 = arith.extui %sign3A_14 : i1 to i32
    %sign3A_16 = arith.subi %sign3A_12, %sign3A_15 : i32
    %sign3A_17 = arith.constant 0 : i32
    %sign3A_18 = arith.cmpi sgt, %jit3A_10, %sign3A_17 : i32
    %sign3A_19 = arith.extui %sign3A_18 : i1 to i32
    %sign3A_20 = arith.constant 0 : i32
    %sign3A_21 = arith.cmpi slt, %jit3A_10, %sign3A_20 : i32
    %sign3A_22 = arith.extui %sign3A_21 : i1 to i32
    %sign3A_23 = arith.subi %sign3A_19, %sign3A_22 : i32
    %ne3A_24 = arith.cmpi ne, %sign3A_16, %sign3A_23 : i32
    %rem3A_25 = arith.remsi %add3A, %jit3A_10 : i32
    %ne3A_26 = arith.constant 0 : i32
    %ne3A_27 = arith.cmpi ne, %rem3A_25, %ne3A_26 : i32
    %and3A_28 = arith.andi %ne3A_24, %ne3A_27 : i1
    %sub3A = arith.constant 1 : i32
    %sub3A_29 = arith.subi %div3A, %sub3A : i32
    %select_n3A_30 = arith.select %and3A_28, %sub3A_29, %div3A : i32
    %broadcast_in_dim3A = arith.constant 0.000000e+00 : f32
    %broadcast_in_dim3A_31 = vector.broadcast %broadcast_in_dim3A : f32 to vector<16xf32>
    %mul3A_32 = arith.constant 40000 : i32
    %mul3A_33 = arith.muli %select_n3A_30, %mul3A_32 : i32
    %mul3A_34 = arith.constant 4 : i32
    %mul3A_35 = arith.muli %select_n3A_9, %mul3A_34 : i32
    %add3A_36 = arith.constant 0 : i32
    %add3A_37 = arith.addi %mul3A_35, %add3A_36 : i32
    %dma_start3A = arith.constant 0 : i32
    %dma_start3A_38 = tpu.memref_slice %arg2[%add3A_37, %dma_start3A] : memref<16x10000xf32, #tpu.memory_space<hbm>> -> memref<1x10000xf32, #tpu.memory_space<hbm>>
    %dma_start3A_39 = tpu.memref_squeeze %dma_start3A_38 : memref<1x10000xf32, #tpu.memory_space<hbm>> -> memref<10000xf32, #tpu.memory_space<hbm>>
    %dma_start3A_40 = arith.constant 0 : i32
    %dma_start3A_41 = tpu.memref_slice %arg2[%add3A_37, %dma_start3A_40] : memref<16x10000xf32, #tpu.memory_space<hbm>> -> memref<1x10000xf32, #tpu.memory_space<hbm>>
    %dma_start3A_42 = tpu.memref_squeeze %dma_start3A_41 : memref<1x10000xf32, #tpu.memory_space<hbm>> -> memref<10000xf32, #tpu.memory_space<hbm>>
    tpu.enqueue_dma source(%dma_start3A_42 : memref<10000xf32, #tpu.memory_space<hbm>>) target(%arg6 : memref<10000xf32, #tpu.memory_space<vmem>>) target_semaphore(%arg22 : memref<!tpu.dma_semaphore, #tpu.memory_space<semaphore_mem>>)
    %mul3A_43 = arith.constant 4 : i32
    %mul3A_44 = arith.muli %select_n3A_9, %mul3A_43 : i32
    %add3A_45 = arith.constant 1 : i32
    %add3A_46 = arith.addi %mul3A_44, %add3A_45 : i32
    %dma_start3A_47 = arith.constant 0 : i32
    %dma_start3A_48 = tpu.memref_slice %arg2[%add3A_46, %dma_start3A_47] : memref<16x10000xf32, #tpu.memory_space<hbm>> -> memref<1x10000xf32, #tpu.memory_space<hbm>>
    %dma_start3A_49 = tpu.memref_squeeze %dma_start3A_48 : memref<1x10000xf32, #tpu.memory_space<hbm>> -> memref<10000xf32, #tpu.memory_space<hbm>>
    %dma_start3A_50 = arith.constant 0 : i32
    %dma_start3A_51 = tpu.memref_slice %arg2[%add3A_46, %dma_start3A_50] : memref<16x10000xf32, #tpu.memory_space<hbm>> -> memref<1x10000xf32, #tpu.memory_space<hbm>>
    %dma_start3A_52 = tpu.memref_squeeze %dma_start3A_51 : memref<1x10000xf32, #tpu.memory_space<hbm>> -> memref<10000xf32, #tpu.memory_space<hbm>>
    tpu.enqueue_dma source(%dma_start3A_52 : memref<10000xf32, #tpu.memory_space<hbm>>) target(%arg7 : memref<10000xf32, #tpu.memory_space<vmem>>) target_semaphore(%arg23 : memref<!tpu.dma_semaphore, #tpu.memory_space<semaphore_mem>>)
    %mul3A_53 = arith.constant 4 : i32
    %mul3A_54 = arith.muli %select_n3A_9, %mul3A_53 : i32
    %add3A_55 = arith.constant 2 : i32
    %add3A_56 = arith.addi %mul3A_54, %add3A_55 : i32
    %dma_start3A_57 = arith.constant 0 : i32
    %dma_start3A_58 = tpu.memref_slice %arg2[%add3A_56, %dma_start3A_57] : memref<16x10000xf32, #tpu.memory_space<hbm>> -> memref<1x10000xf32, #tpu.memory_space<hbm>>
    %dma_start3A_59 = tpu.memref_squeeze %dma_start3A_58 : memref<1x10000xf32, #tpu.memory_space<hbm>> -> memref<10000xf32, #tpu.memory_space<hbm>>
    %dma_start3A_60 = arith.constant 0 : i32
    %dma_start3A_61 = tpu.memref_slice %arg2[%add3A_56, %dma_start3A_60] : memref<16x10000xf32, #tpu.memory_space<hbm>> -> memref<1x10000xf32, #tpu.memory_space<hbm>>
    %dma_start3A_62 = tpu.memref_squeeze %dma_start3A_61 : memref<1x10000xf32, #tpu.memory_space<hbm>> -> memref<10000xf32, #tpu.memory_space<hbm>>
    tpu.enqueue_dma source(%dma_start3A_62 : memref<10000xf32, #tpu.memory_space<hbm>>) target(%arg8 : memref<10000xf32, #tpu.memory_space<vmem>>) target_semaphore(%arg24 : memref<!tpu.dma_semaphore, #tpu.memory_space<semaphore_mem>>)
    %mul3A_63 = arith.constant 4 : i32
    %mul3A_64 = arith.muli %select_n3A_9, %mul3A_63 : i32
    %add3A_65 = arith.constant 3 : i32
    %add3A_66 = arith.addi %mul3A_64, %add3A_65 : i32
    %dma_start3A_67 = arith.constant 0 : i32
    %dma_start3A_68 = tpu.memref_slice %arg2[%add3A_66, %dma_start3A_67] : memref<16x10000xf32, #tpu.memory_space<hbm>> -> memref<1x10000xf32, #tpu.memory_space<hbm>>
    %dma_start3A_69 = tpu.memref_squeeze %dma_start3A_68 : memref<1x10000xf32, #tpu.memory_space<hbm>> -> memref<10000xf32, #tpu.memory_space<hbm>>
    %dma_start3A_70 = arith.constant 0 : i32
    %dma_start3A_71 = tpu.memref_slice %arg2[%add3A_66, %dma_start3A_70] : memref<16x10000xf32, #tpu.memory_space<hbm>> -> memref<1x10000xf32, #tpu.memory_space<hbm>>
    %dma_start3A_72 = tpu.memref_squeeze %dma_start3A_71 : memref<1x10000xf32, #tpu.memory_space<hbm>> -> memref<10000xf32, #tpu.memory_space<hbm>>
    tpu.enqueue_dma source(%dma_start3A_72 : memref<10000xf32, #tpu.memory_space<hbm>>) target(%arg9 : memref<10000xf32, #tpu.memory_space<vmem>>) target_semaphore(%arg25 : memref<!tpu.dma_semaphore, #tpu.memory_space<semaphore_mem>>)
    %dma_start3A_73 = tpu.memref_slice %arg3[%mul3A_33] : memref<320000xi32, #tpu.memory_space<hbm>> -> memref<4000xi32, #tpu.memory_space<hbm>>
    %dma_start3A_74 = tpu.memref_slice %arg3[%mul3A_33] : memref<320000xi32, #tpu.memory_space<hbm>> -> memref<4000xi32, #tpu.memory_space<hbm>>
    tpu.enqueue_dma source(%dma_start3A_74 : memref<4000xi32, #tpu.memory_space<hbm>>) target(%arg14 : memref<4000xi32, #tpu.memory_space<vmem>>) target_semaphore(%arg18 : memref<!tpu.dma_semaphore, #tpu.memory_space<semaphore_mem>>)
    %dma_start3A_75 = tpu.memref_slice %arg4[%mul3A_33] : memref<320000xi32, #tpu.memory_space<hbm>> -> memref<4000xi32, #tpu.memory_space<hbm>>
    %dma_start3A_76 = tpu.memref_slice %arg4[%mul3A_33] : memref<320000xi32, #tpu.memory_space<hbm>> -> memref<4000xi32, #tpu.memory_space<hbm>>
    tpu.enqueue_dma source(%dma_start3A_76 : memref<4000xi32, #tpu.memory_space<hbm>>) target(%arg16 : memref<4000xi32, #tpu.memory_space<vmem>>) target_semaphore(%arg20 : memref<!tpu.dma_semaphore, #tpu.memory_space<semaphore_mem>>)
    %scan3A = arith.constant 0 : i32
    %scan3A_77 = arith.constant 624 : i32
    %scan3A_78 = arith.addi %scan3A, %scan3A_77 : i32
    %scan3A_79 = arith.constant 8 : i32
    scf.for %scan3A_179 = %scan3A to %scan3A_78 step %scan3A_79  : i32 {
      %mul3A_180 = arith.constant 1 : i32
      %mul3A_181 = arith.muli %scan3A_179, %mul3A_180 : i32
      %add3A_182 = arith.constant 0 : i32
      %add3A_183 = arith.addi %add3A_182, %mul3A_181 : i32
      %mul3A_184 = arith.constant 16 : i32
      %mul3A_185 = arith.muli %add3A_183, %mul3A_184 : i32
      %swap3A_186 = arith.index_cast %mul3A_185 : i32 to index
      %swap3A_187 = tpu.vector_load %arg10[%swap3A_186] {strides = array<i32>} : memref<10000xf32, #tpu.memory_space<vmem>>, vector<16xf32>,
      tpu.vector_store %arg10[%swap3A_186], %broadcast_in_dim3A_31 {strides = array<i32>} : memref<10000xf32, #tpu.memory_space<vmem>>, vector<16xf32>,
      %scan3A_188 = arith.constant 1 : i32
      %scan3A_189 = arith.addi %scan3A_179, %scan3A_188 : i32
      %mul3A_190 = arith.constant 1 : i32
      %mul3A_191 = arith.muli %scan3A_189, %mul3A_190 : i32
      %add3A_192 = arith.constant 0 : i32
      %add3A_193 = arith.addi %add3A_192, %mul3A_191 : i32
      %mul3A_194 = arith.constant 16 : i32
      %mul3A_195 = arith.muli %add3A_193, %mul3A_194 : i32
      %swap3A_196 = arith.index_cast %mul3A_195 : i32 to index
      %swap3A_197 = tpu.vector_load %arg10[%swap3A_196] {strides = array<i32>} : memref<10000xf32, #tpu.memory_space<vmem>>, vector<16xf32>,
      tpu.vector_store %arg10[%swap3A_196], %broadcast_in_dim3A_31 {strides = array<i32>} : memref<10000xf32, #tpu.memory_space<vmem>>, vector<16xf32>,
      %scan3A_198 = arith.constant 2 : i32
      %scan3A_199 = arith.addi %scan3A_179, %scan3A_198 : i32
      %mul3A_200 = arith.constant 1 : i32
      %mul3A_201 = arith.muli %scan3A_199, %mul3A_200 : i32
      %add3A_202 = arith.constant 0 : i32
      %add3A_203 = arith.addi %add3A_202, %mul3A_201 : i32
      %mul3A_204 = arith.constant 16 : i32
      %mul3A_205 = arith.muli %add3A_203, %mul3A_204 : i32
      %swap3A_206 = arith.index_cast %mul3A_205 : i32 to index
      %swap3A_207 = tpu.vector_load %arg10[%swap3A_206] {strides = array<i32>} : memref<10000xf32, #tpu.memory_space<vmem>>, vector<16xf32>,
      tpu.vector_store %arg10[%swap3A_206], %broadcast_in_dim3A_31 {strides = array<i32>} : memref<10000xf32, #tpu.memory_space<vmem>>, vector<16xf32>,
      %scan3A_208 = arith.constant 3 : i32
      %scan3A_209 = arith.addi %scan3A_179, %scan3A_208 : i32
      %mul3A_210 = arith.constant 1 : i32
      %mul3A_211 = arith.muli %scan3A_209, %mul3A_210 : i32
      %add3A_212 = arith.constant 0 : i32
      %add3A_213 = arith.addi %add3A_212, %mul3A_211 : i32
      %mul3A_214 = arith.constant 16 : i32
      %mul3A_215 = arith.muli %add3A_213, %mul3A_214 : i32
      %swap3A_216 = arith.index_cast %mul3A_215 : i32 to index
      %swap3A_217 = tpu.vector_load %arg10[%swap3A_216] {strides = array<i32>} : memref<10000xf32, #tpu.memory_space<vmem>>, vector<16xf32>,
      tpu.vector_store %arg10[%swap3A_216], %broadcast_in_dim3A_31 {strides = array<i32>} : memref<10000xf32, #tpu.memory_space<vmem>>, vector<16xf32>,
      %scan3A_218 = arith.constant 4 : i32
      %scan3A_219 = arith.addi %scan3A_179, %scan3A_218 : i32
      %mul3A_220 = arith.constant 1 : i32
      %mul3A_221 = arith.muli %scan3A_219, %mul3A_220 : i32
      %add3A_222 = arith.constant 0 : i32
      %add3A_223 = arith.addi %add3A_222, %mul3A_221 : i32
      %mul3A_224 = arith.constant 16 : i32
      %mul3A_225 = arith.muli %add3A_223, %mul3A_224 : i32
      %swap3A_226 = arith.index_cast %mul3A_225 : i32 to index
      %swap3A_227 = tpu.vector_load %arg10[%swap3A_226] {strides = array<i32>} : memref<10000xf32, #tpu.memory_space<vmem>>, vector<16xf32>,
      tpu.vector_store %arg10[%swap3A_226], %broadcast_in_dim3A_31 {strides = array<i32>} : memref<10000xf32, #tpu.memory_space<vmem>>, vector<16xf32>,
      %scan3A_228 = arith.constant 5 : i32
      %scan3A_229 = arith.addi %scan3A_179, %scan3A_228 : i32
      %mul3A_230 = arith.constant 1 : i32
      %mul3A_231 = arith.muli %scan3A_229, %mul3A_230 : i32
      %add3A_232 = arith.constant 0 : i32
      %add3A_233 = arith.addi %add3A_232, %mul3A_231 : i32
      %mul3A_234 = arith.constant 16 : i32
      %mul3A_235 = arith.muli %add3A_233, %mul3A_234 : i32
      %swap3A_236 = arith.index_cast %mul3A_235 : i32 to index
      %swap3A_237 = tpu.vector_load %arg10[%swap3A_236] {strides = array<i32>} : memref<10000xf32, #tpu.memory_space<vmem>>, vector<16xf32>,
      tpu.vector_store %arg10[%swap3A_236], %broadcast_in_dim3A_31 {strides = array<i32>} : memref<10000xf32, #tpu.memory_space<vmem>>, vector<16xf32>,
      %scan3A_238 = arith.constant 6 : i32
      %scan3A_239 = arith.addi %scan3A_179, %scan3A_238 : i32
      %mul3A_240 = arith.constant 1 : i32
      %mul3A_241 = arith.muli %scan3A_239, %mul3A_240 : i32
      %add3A_242 = arith.constant 0 : i32
      %add3A_243 = arith.addi %add3A_242, %mul3A_241 : i32
      %mul3A_244 = arith.constant 16 : i32
      %mul3A_245 = arith.muli %add3A_243, %mul3A_244 : i32
      %swap3A_246 = arith.index_cast %mul3A_245 : i32 to index
      %swap3A_247 = tpu.vector_load %arg10[%swap3A_246] {strides = array<i32>} : memref<10000xf32, #tpu.memory_space<vmem>>, vector<16xf32>,
      tpu.vector_store %arg10[%swap3A_246], %broadcast_in_dim3A_31 {strides = array<i32>} : memref<10000xf32, #tpu.memory_space<vmem>>, vector<16xf32>,
      %scan3A_248 = arith.constant 7 : i32
      %scan3A_249 = arith.addi %scan3A_179, %scan3A_248 : i32
      %mul3A_250 = arith.constant 1 : i32
      %mul3A_251 = arith.muli %scan3A_249, %mul3A_250 : i32
      %add3A_252 = arith.constant 0 : i32
      %add3A_253 = arith.addi %add3A_252, %mul3A_251 : i32
      %mul3A_254 = arith.constant 16 : i32
      %mul3A_255 = arith.muli %add3A_253, %mul3A_254 : i32
      %swap3A_256 = arith.index_cast %mul3A_255 : i32 to index
      %swap3A_257 = tpu.vector_load %arg10[%swap3A_256] {strides = array<i32>} : memref<10000xf32, #tpu.memory_space<vmem>>, vector<16xf32>,
      tpu.vector_store %arg10[%swap3A_256], %broadcast_in_dim3A_31 {strides = array<i32>} : memref<10000xf32, #tpu.memory_space<vmem>>, vector<16xf32>,
    }
    %scan3A_80 = arith.constant 624 : i32
    %scan3A_81 = arith.addi %scan3A, %scan3A_80 : i32
    %mul3A_82 = arith.constant 1 : i32
    %mul3A_83 = arith.muli %scan3A_81, %mul3A_82 : i32
    %add3A_84 = arith.constant 0 : i32
    %add3A_85 = arith.addi %add3A_84, %mul3A_83 : i32
    %mul3A_86 = arith.constant 16 : i32
    %mul3A_87 = arith.muli %add3A_85, %mul3A_86 : i32
    %swap3A = arith.index_cast %mul3A_87 : i32 to index
    %swap3A_88 = tpu.vector_load %arg10[%swap3A] {strides = array<i32>} : memref<10000xf32, #tpu.memory_space<vmem>>, vector<16xf32>,
    tpu.vector_store %arg10[%swap3A], %broadcast_in_dim3A_31 {strides = array<i32>} : memref<10000xf32, #tpu.memory_space<vmem>>, vector<16xf32>,
    %scan3A_89 = arith.constant 625 : i32
    %dma_wait3A = arith.constant 0 : i32
    %dma_wait3A_90 = tpu.memref_slice %arg2[%add3A_37, %dma_wait3A] : memref<16x10000xf32, #tpu.memory_space<hbm>> -> memref<1x10000xf32, #tpu.memory_space<hbm>>
    %dma_wait3A_91 = tpu.memref_squeeze %dma_wait3A_90 : memref<1x10000xf32, #tpu.memory_space<hbm>> -> memref<10000xf32, #tpu.memory_space<hbm>>
    %dma_wait3A_92 = arith.constant 0 : i32
    %dma_wait3A_93 = tpu.memref_slice %arg2[%add3A_37, %dma_wait3A_92] : memref<16x10000xf32, #tpu.memory_space<hbm>> -> memref<1x10000xf32, #tpu.memory_space<hbm>>
    %dma_wait3A_94 = tpu.memref_squeeze %dma_wait3A_93 : memref<1x10000xf32, #tpu.memory_space<hbm>> -> memref<10000xf32, #tpu.memory_space<hbm>>
    tpu.wait_dma2 semaphore(%arg22 : memref<!tpu.dma_semaphore, #tpu.memory_space<semaphore_mem>>) src(%dma_wait3A_94 : memref<10000xf32, #tpu.memory_space<hbm>>) dst(%arg6 : memref<10000xf32, #tpu.memory_space<vmem>>)
    %scan3A_95 = arith.constant 0 : i32
    %scan3A_96 = arith.constant 624 : i32
    %scan3A_97 = arith.addi %scan3A_95, %scan3A_96 : i32
    %scan3A_98 = arith.constant 8 : i32
    scf.for %scan3A_179 = %scan3A_95 to %scan3A_97 step %scan3A_98  : i32 {
      %mul3A_180 = arith.constant 1 : i32
      %mul3A_181 = arith.muli %scan3A_179, %mul3A_180 : i32
      %add3A_182 = arith.constant 0 : i32
      %add3A_183 = arith.addi %add3A_182, %mul3A_181 : i32
      %mul3A_184 = arith.constant 16 : i32
      %mul3A_185 = arith.muli %add3A_183, %mul3A_184 : i32
      %swap3A_186 = arith.index_cast %mul3A_185 : i32 to index
      %swap3A_187 = tpu.vector_load %arg11[%swap3A_186] {strides = array<i32>} : memref<10000xf32, #tpu.memory_space<vmem>>, vector<16xf32>,
      tpu.vector_store %arg11[%swap3A_186], %broadcast_in_dim3A_31 {strides = array<i32>} : memref<10000xf32, #tpu.memory_space<vmem>>, vector<16xf32>,
      %scan3A_188 = arith.constant 1 : i32
      %scan3A_189 = arith.addi %scan3A_179, %scan3A_188 : i32
      %mul3A_190 = arith.constant 1 : i32
      %mul3A_191 = arith.muli %scan3A_189, %mul3A_190 : i32
      %add3A_192 = arith.constant 0 : i32
      %add3A_193 = arith.addi %add3A_192, %mul3A_191 : i32
      %mul3A_194 = arith.constant 16 : i32
      %mul3A_195 = arith.muli %add3A_193, %mul3A_194 : i32
      %swap3A_196 = arith.index_cast %mul3A_195 : i32 to index
      %swap3A_197 = tpu.vector_load %arg11[%swap3A_196] {strides = array<i32>} : memref<10000xf32, #tpu.memory_space<vmem>>, vector<16xf32>,
      tpu.vector_store %arg11[%swap3A_196], %broadcast_in_dim3A_31 {strides = array<i32>} : memref<10000xf32, #tpu.memory_space<vmem>>, vector<16xf32>,
      %scan3A_198 = arith.constant 2 : i32
      %scan3A_199 = arith.addi %scan3A_179, %scan3A_198 : i32
      %mul3A_200 = arith.constant 1 : i32
      %mul3A_201 = arith.muli %scan3A_199, %mul3A_200 : i32
      %add3A_202 = arith.constant 0 : i32
      %add3A_203 = arith.addi %add3A_202, %mul3A_201 : i32
      %mul3A_204 = arith.constant 16 : i32
      %mul3A_205 = arith.muli %add3A_203, %mul3A_204 : i32
      %swap3A_206 = arith.index_cast %mul3A_205 : i32 to index
      %swap3A_207 = tpu.vector_load %arg11[%swap3A_206] {strides = array<i32>} : memref<10000xf32, #tpu.memory_space<vmem>>, vector<16xf32>,
      tpu.vector_store %arg11[%swap3A_206], %broadcast_in_dim3A_31 {strides = array<i32>} : memref<10000xf32, #tpu.memory_space<vmem>>, vector<16xf32>,
      %scan3A_208 = arith.constant 3 : i32
      %scan3A_209 = arith.addi %scan3A_179, %scan3A_208 : i32
      %mul3A_210 = arith.constant 1 : i32
      %mul3A_211 = arith.muli %scan3A_209, %mul3A_210 : i32
      %add3A_212 = arith.constant 0 : i32
      %add3A_213 = arith.addi %add3A_212, %mul3A_211 : i32
      %mul3A_214 = arith.constant 16 : i32
      %mul3A_215 = arith.muli %add3A_213, %mul3A_214 : i32
      %swap3A_216 = arith.index_cast %mul3A_215 : i32 to index
      %swap3A_217 = tpu.vector_load %arg11[%swap3A_216] {strides = array<i32>} : memref<10000xf32, #tpu.memory_space<vmem>>, vector<16xf32>,
      tpu.vector_store %arg11[%swap3A_216], %broadcast_in_dim3A_31 {strides = array<i32>} : memref<10000xf32, #tpu.memory_space<vmem>>, vector<16xf32>,
      %scan3A_218 = arith.constant 4 : i32
      %scan3A_219 = arith.addi %scan3A_179, %scan3A_218 : i32
      %mul3A_220 = arith.constant 1 : i32
      %mul3A_221 = arith.muli %scan3A_219, %mul3A_220 : i32
      %add3A_222 = arith.constant 0 : i32
      %add3A_223 = arith.addi %add3A_222, %mul3A_221 : i32
      %mul3A_224 = arith.constant 16 : i32
      %mul3A_225 = arith.muli %add3A_223, %mul3A_224 : i32
      %swap3A_226 = arith.index_cast %mul3A_225 : i32 to index
      %swap3A_227 = tpu.vector_load %arg11[%swap3A_226] {strides = array<i32>} : memref<10000xf32, #tpu.memory_space<vmem>>, vector<16xf32>,
      tpu.vector_store %arg11[%swap3A_226], %broadcast_in_dim3A_31 {strides = array<i32>} : memref<10000xf32, #tpu.memory_space<vmem>>, vector<16xf32>,
      %scan3A_228 = arith.constant 5 : i32
      %scan3A_229 = arith.addi %scan3A_179, %scan3A_228 : i32
      %mul3A_230 = arith.constant 1 : i32
      %mul3A_231 = arith.muli %scan3A_229, %mul3A_230 : i32
      %add3A_232 = arith.constant 0 : i32
      %add3A_233 = arith.addi %add3A_232, %mul3A_231 : i32
      %mul3A_234 = arith.constant 16 : i32
      %mul3A_235 = arith.muli %add3A_233, %mul3A_234 : i32
      %swap3A_236 = arith.index_cast %mul3A_235 : i32 to index
      %swap3A_237 = tpu.vector_load %arg11[%swap3A_236] {strides = array<i32>} : memref<10000xf32, #tpu.memory_space<vmem>>, vector<16xf32>,
      tpu.vector_store %arg11[%swap3A_236], %broadcast_in_dim3A_31 {strides = array<i32>} : memref<10000xf32, #tpu.memory_space<vmem>>, vector<16xf32>,
      %scan3A_238 = arith.constant 6 : i32
      %scan3A_239 = arith.addi %scan3A_179, %scan3A_238 : i32
      %mul3A_240 = arith.constant 1 : i32
      %mul3A_241 = arith.muli %scan3A_239, %mul3A_240 : i32
      %add3A_242 = arith.constant 0 : i32
      %add3A_243 = arith.addi %add3A_242, %mul3A_241 : i32
      %mul3A_244 = arith.constant 16 : i32
      %mul3A_245 = arith.muli %add3A_243, %mul3A_244 : i32
      %swap3A_246 = arith.index_cast %mul3A_245 : i32 to index
      %swap3A_247 = tpu.vector_load %arg11[%swap3A_246] {strides = array<i32>} : memref<10000xf32, #tpu.memory_space<vmem>>, vector<16xf32>,
      tpu.vector_store %arg11[%swap3A_246], %broadcast_in_dim3A_31 {strides = array<i32>} : memref<10000xf32, #tpu.memory_space<vmem>>, vector<16xf32>,
      %scan3A_248 = arith.constant 7 : i32
      %scan3A_249 = arith.addi %scan3A_179, %scan3A_248 : i32
      %mul3A_250 = arith.constant 1 : i32
      %mul3A_251 = arith.muli %scan3A_249, %mul3A_250 : i32
      %add3A_252 = arith.constant 0 : i32
      %add3A_253 = arith.addi %add3A_252, %mul3A_251 : i32
      %mul3A_254 = arith.constant 16 : i32
      %mul3A_255 = arith.muli %add3A_253, %mul3A_254 : i32
      %swap3A_256 = arith.index_cast %mul3A_255 : i32 to index
      %swap3A_257 = tpu.vector_load %arg11[%swap3A_256] {strides = array<i32>} : memref<10000xf32, #tpu.memory_space<vmem>>, vector<16xf32>,
      tpu.vector_store %arg11[%swap3A_256], %broadcast_in_dim3A_31 {strides = array<i32>} : memref<10000xf32, #tpu.memory_space<vmem>>, vector<16xf32>,
    }
    %scan3A_99 = arith.constant 624 : i32
    %scan3A_100 = arith.addi %scan3A_95, %scan3A_99 : i32
    %mul3A_101 = arith.constant 1 : i32
    %mul3A_102 = arith.muli %scan3A_100, %mul3A_101 : i32
    %add3A_103 = arith.constant 0 : i32
    %add3A_104 = arith.addi %add3A_103, %mul3A_102 : i32
    %mul3A_105 = arith.constant 16 : i32
    %mul3A_106 = arith.muli %add3A_104, %mul3A_105 : i32
    %swap3A_107 = arith.index_cast %mul3A_106 : i32 to index
    %swap3A_108 = tpu.vector_load %arg11[%swap3A_107] {strides = array<i32>} : memref<10000xf32, #tpu.memory_space<vmem>>, vector<16xf32>,
    tpu.vector_store %arg11[%swap3A_107], %broadcast_in_dim3A_31 {strides = array<i32>} : memref<10000xf32, #tpu.memory_space<vmem>>, vector<16xf32>,
    %scan3A_109 = arith.constant 625 : i32
    %dma_wait3A_110 = arith.constant 0 : i32
    %dma_wait3A_111 = tpu.memref_slice %arg2[%add3A_46, %dma_wait3A_110] : memref<16x10000xf32, #tpu.memory_space<hbm>> -> memref<1x10000xf32, #tpu.memory_space<hbm>>
    %dma_wait3A_112 = tpu.memref_squeeze %dma_wait3A_111 : memref<1x10000xf32, #tpu.memory_space<hbm>> -> memref<10000xf32, #tpu.memory_space<hbm>>
    %dma_wait3A_113 = arith.constant 0 : i32
    %dma_wait3A_114 = tpu.memref_slice %arg2[%add3A_46, %dma_wait3A_113] : memref<16x10000xf32, #tpu.memory_space<hbm>> -> memref<1x10000xf32, #tpu.memory_space<hbm>>
    %dma_wait3A_115 = tpu.memref_squeeze %dma_wait3A_114 : memref<1x10000xf32, #tpu.memory_space<hbm>> -> memref<10000xf32, #tpu.memory_space<hbm>>
    tpu.wait_dma2 semaphore(%arg23 : memref<!tpu.dma_semaphore, #tpu.memory_space<semaphore_mem>>) src(%dma_wait3A_115 : memref<10000xf32, #tpu.memory_space<hbm>>) dst(%arg7 : memref<10000xf32, #tpu.memory_space<vmem>>)
    %scan3A_116 = arith.constant 0 : i32
    %scan3A_117 = arith.constant 624 : i32
    %scan3A_118 = arith.addi %scan3A_116, %scan3A_117 : i32
    %scan3A_119 = arith.constant 8 : i32
    scf.for %scan3A_179 = %scan3A_116 to %scan3A_118 step %scan3A_119  : i32 {
      %mul3A_180 = arith.constant 1 : i32
      %mul3A_181 = arith.muli %scan3A_179, %mul3A_180 : i32
      %add3A_182 = arith.constant 0 : i32
      %add3A_183 = arith.addi %add3A_182, %mul3A_181 : i32
      %mul3A_184 = arith.constant 16 : i32
      %mul3A_185 = arith.muli %add3A_183, %mul3A_184 : i32
      %swap3A_186 = arith.index_cast %mul3A_185 : i32 to index
      %swap3A_187 = tpu.vector_load %arg12[%swap3A_186] {strides = array<i32>} : memref<10000xf32, #tpu.memory_space<vmem>>, vector<16xf32>,
      tpu.vector_store %arg12[%swap3A_186], %broadcast_in_dim3A_31 {strides = array<i32>} : memref<10000xf32, #tpu.memory_space<vmem>>, vector<16xf32>,
      %scan3A_188 = arith.constant 1 : i32
      %scan3A_189 = arith.addi %scan3A_179, %scan3A_188 : i32
      %mul3A_190 = arith.constant 1 : i32
      %mul3A_191 = arith.muli %scan3A_189, %mul3A_190 : i32
      %add3A_192 = arith.constant 0 : i32
      %add3A_193 = arith.addi %add3A_192, %mul3A_191 : i32
      %mul3A_194 = arith.constant 16 : i32
      %mul3A_195 = arith.muli %add3A_193, %mul3A_194 : i32
      %swap3A_196 = arith.index_cast %mul3A_195 : i32 to index
      %swap3A_197 = tpu.vector_load %arg12[%swap3A_196] {strides = array<i32>} : memref<10000xf32, #tpu.memory_space<vmem>>, vector<16xf32>,
      tpu.vector_store %arg12[%swap3A_196], %broadcast_in_dim3A_31 {strides = array<i32>} : memref<10000xf32, #tpu.memory_space<vmem>>, vector<16xf32>,
      %scan3A_198 = arith.constant 2 : i32
      %scan3A_199 = arith.addi %scan3A_179, %scan3A_198 : i32
      %mul3A_200 = arith.constant 1 : i32
      %mul3A_201 = arith.muli %scan3A_199, %mul3A_200 : i32
      %add3A_202 = arith.constant 0 : i32
      %add3A_203 = arith.addi %add3A_202, %mul3A_201 : i32
      %mul3A_204 = arith.constant 16 : i32
      %mul3A_205 = arith.muli %add3A_203, %mul3A_204 : i32
      %swap3A_206 = arith.index_cast %mul3A_205 : i32 to index
      %swap3A_207 = tpu.vector_load %arg12[%swap3A_206] {strides = array<i32>} : memref<10000xf32, #tpu.memory_space<vmem>>, vector<16xf32>,
      tpu.vector_store %arg12[%swap3A_206], %broadcast_in_dim3A_31 {strides = array<i32>} : memref<10000xf32, #tpu.memory_space<vmem>>, vector<16xf32>,
      %scan3A_208 = arith.constant 3 : i32
      %scan3A_209 = arith.addi %scan3A_179, %scan3A_208 : i32
      %mul3A_210 = arith.constant 1 : i32
      %mul3A_211 = arith.muli %scan3A_209, %mul3A_210 : i32
      %add3A_212 = arith.constant 0 : i32
      %add3A_213 = arith.addi %add3A_212, %mul3A_211 : i32
      %mul3A_214 = arith.constant 16 : i32
      %mul3A_215 = arith.muli %add3A_213, %mul3A_214 : i32
      %swap3A_216 = arith.index_cast %mul3A_215 : i32 to index
      %swap3A_217 = tpu.vector_load %arg12[%swap3A_216] {strides = array<i32>} : memref<10000xf32, #tpu.memory_space<vmem>>, vector<16xf32>,
      tpu.vector_store %arg12[%swap3A_216], %broadcast_in_dim3A_31 {strides = array<i32>} : memref<10000xf32, #tpu.memory_space<vmem>>, vector<16xf32>,
      %scan3A_218 = arith.constant 4 : i32
      %scan3A_219 = arith.addi %scan3A_179, %scan3A_218 : i32
      %mul3A_220 = arith.constant 1 : i32
      %mul3A_221 = arith.muli %scan3A_219, %mul3A_220 : i32
      %add3A_222 = arith.constant 0 : i32
      %add3A_223 = arith.addi %add3A_222, %mul3A_221 : i32
      %mul3A_224 = arith.constant 16 : i32
      %mul3A_225 = arith.muli %add3A_223, %mul3A_224 : i32
      %swap3A_226 = arith.index_cast %mul3A_225 : i32 to index
      %swap3A_227 = tpu.vector_load %arg12[%swap3A_226] {strides = array<i32>} : memref<10000xf32, #tpu.memory_space<vmem>>, vector<16xf32>,
      tpu.vector_store %arg12[%swap3A_226], %broadcast_in_dim3A_31 {strides = array<i32>} : memref<10000xf32, #tpu.memory_space<vmem>>, vector<16xf32>,
      %scan3A_228 = arith.constant 5 : i32
      %scan3A_229 = arith.addi %scan3A_179, %scan3A_228 : i32
      %mul3A_230 = arith.constant 1 : i32
      %mul3A_231 = arith.muli %scan3A_229, %mul3A_230 : i32
      %add3A_232 = arith.constant 0 : i32
      %add3A_233 = arith.addi %add3A_232, %mul3A_231 : i32
      %mul3A_234 = arith.constant 16 : i32
      %mul3A_235 = arith.muli %add3A_233, %mul3A_234 : i32
      %swap3A_236 = arith.index_cast %mul3A_235 : i32 to index
      %swap3A_237 = tpu.vector_load %arg12[%swap3A_236] {strides = array<i32>} : memref<10000xf32, #tpu.memory_space<vmem>>, vector<16xf32>,
      tpu.vector_store %arg12[%swap3A_236], %broadcast_in_dim3A_31 {strides = array<i32>} : memref<10000xf32, #tpu.memory_space<vmem>>, vector<16xf32>,
      %scan3A_238 = arith.constant 6 : i32
      %scan3A_239 = arith.addi %scan3A_179, %scan3A_238 : i32
      %mul3A_240 = arith.constant 1 : i32
      %mul3A_241 = arith.muli %scan3A_239, %mul3A_240 : i32
      %add3A_242 = arith.constant 0 : i32
      %add3A_243 = arith.addi %add3A_242, %mul3A_241 : i32
      %mul3A_244 = arith.constant 16 : i32
      %mul3A_245 = arith.muli %add3A_243, %mul3A_244 : i32
      %swap3A_246 = arith.index_cast %mul3A_245 : i32 to index
      %swap3A_247 = tpu.vector_load %arg12[%swap3A_246] {strides = array<i32>} : memref<10000xf32, #tpu.memory_space<vmem>>, vector<16xf32>,
      tpu.vector_store %arg12[%swap3A_246], %broadcast_in_dim3A_31 {strides = array<i32>} : memref<10000xf32, #tpu.memory_space<vmem>>, vector<16xf32>,
      %scan3A_248 = arith.constant 7 : i32
      %scan3A_249 = arith.addi %scan3A_179, %scan3A_248 : i32
      %mul3A_250 = arith.constant 1 : i32
      %mul3A_251 = arith.muli %scan3A_249, %mul3A_250 : i32
      %add3A_252 = arith.constant 0 : i32
      %add3A_253 = arith.addi %add3A_252, %mul3A_251 : i32
      %mul3A_254 = arith.constant 16 : i32
      %mul3A_255 = arith.muli %add3A_253, %mul3A_254 : i32
      %swap3A_256 = arith.index_cast %mul3A_255 : i32 to index
      %swap3A_257 = tpu.vector_load %arg12[%swap3A_256] {strides = array<i32>} : memref<10000xf32, #tpu.memory_space<vmem>>, vector<16xf32>,
      tpu.vector_store %arg12[%swap3A_256], %broadcast_in_dim3A_31 {strides = array<i32>} : memref<10000xf32, #tpu.memory_space<vmem>>, vector<16xf32>,
    }
    %scan3A_120 = arith.constant 624 : i32
    %scan3A_121 = arith.addi %scan3A_116, %scan3A_120 : i32
    %mul3A_122 = arith.constant 1 : i32
    %mul3A_123 = arith.muli %scan3A_121, %mul3A_122 : i32
    %add3A_124 = arith.constant 0 : i32
    %add3A_125 = arith.addi %add3A_124, %mul3A_123 : i32
    %mul3A_126 = arith.constant 16 : i32
    %mul3A_127 = arith.muli %add3A_125, %mul3A_126 : i32
    %swap3A_128 = arith.index_cast %mul3A_127 : i32 to index
    %swap3A_129 = tpu.vector_load %arg12[%swap3A_128] {strides = array<i32>} : memref<10000xf32, #tpu.memory_space<vmem>>, vector<16xf32>,
    tpu.vector_store %arg12[%swap3A_128], %broadcast_in_dim3A_31 {strides = array<i32>} : memref<10000xf32, #tpu.memory_space<vmem>>, vector<16xf32>,
    %scan3A_130 = arith.constant 625 : i32
    %dma_wait3A_131 = arith.constant 0 : i32
    %dma_wait3A_132 = tpu.memref_slice %arg2[%add3A_56, %dma_wait3A_131] : memref<16x10000xf32, #tpu.memory_space<hbm>> -> memref<1x10000xf32, #tpu.memory_space<hbm>>
    %dma_wait3A_133 = tpu.memref_squeeze %dma_wait3A_132 : memref<1x10000xf32, #tpu.memory_space<hbm>> -> memref<10000xf32, #tpu.memory_space<hbm>>
    %dma_wait3A_134 = arith.constant 0 : i32
    %dma_wait3A_135 = tpu.memref_slice %arg2[%add3A_56, %dma_wait3A_134] : memref<16x10000xf32, #tpu.memory_space<hbm>> -> memref<1x10000xf32, #tpu.memory_space<hbm>>
    %dma_wait3A_136 = tpu.memref_squeeze %dma_wait3A_135 : memref<1x10000xf32, #tpu.memory_space<hbm>> -> memref<10000xf32, #tpu.memory_space<hbm>>
    tpu.wait_dma2 semaphore(%arg24 : memref<!tpu.dma_semaphore, #tpu.memory_space<semaphore_mem>>) src(%dma_wait3A_136 : memref<10000xf32, #tpu.memory_space<hbm>>) dst(%arg8 : memref<10000xf32, #tpu.memory_space<vmem>>)
    %scan3A_137 = arith.constant 0 : i32
    %scan3A_138 = arith.constant 624 : i32
    %scan3A_139 = arith.addi %scan3A_137, %scan3A_138 : i32
    %scan3A_140 = arith.constant 8 : i32
    scf.for %scan3A_179 = %scan3A_137 to %scan3A_139 step %scan3A_140  : i32 {
      %mul3A_180 = arith.constant 1 : i32
      %mul3A_181 = arith.muli %scan3A_179, %mul3A_180 : i32
      %add3A_182 = arith.constant 0 : i32
      %add3A_183 = arith.addi %add3A_182, %mul3A_181 : i32
      %mul3A_184 = arith.constant 16 : i32
      %mul3A_185 = arith.muli %add3A_183, %mul3A_184 : i32
      %swap3A_186 = arith.index_cast %mul3A_185 : i32 to index
      %swap3A_187 = tpu.vector_load %arg13[%swap3A_186] {strides = array<i32>} : memref<10000xf32, #tpu.memory_space<vmem>>, vector<16xf32>,
      tpu.vector_store %arg13[%swap3A_186], %broadcast_in_dim3A_31 {strides = array<i32>} : memref<10000xf32, #tpu.memory_space<vmem>>, vector<16xf32>,
      %scan3A_188 = arith.constant 1 : i32
      %scan3A_189 = arith.addi %scan3A_179, %scan3A_188 : i32
      %mul3A_190 = arith.constant 1 : i32
      %mul3A_191 = arith.muli %scan3A_189, %mul3A_190 : i32
      %add3A_192 = arith.constant 0 : i32
      %add3A_193 = arith.addi %add3A_192, %mul3A_191 : i32
      %mul3A_194 = arith.constant 16 : i32
      %mul3A_195 = arith.muli %add3A_193, %mul3A_194 : i32
      %swap3A_196 = arith.index_cast %mul3A_195 : i32 to index
      %swap3A_197 = tpu.vector_load %arg13[%swap3A_196] {strides = array<i32>} : memref<10000xf32, #tpu.memory_space<vmem>>, vector<16xf32>,
      tpu.vector_store %arg13[%swap3A_196], %broadcast_in_dim3A_31 {strides = array<i32>} : memref<10000xf32, #tpu.memory_space<vmem>>, vector<16xf32>,
      %scan3A_198 = arith.constant 2 : i32
      %scan3A_199 = arith.addi %scan3A_179, %scan3A_198 : i32
      %mul3A_200 = arith.constant 1 : i32
      %mul3A_201 = arith.muli %scan3A_199, %mul3A_200 : i32
      %add3A_202 = arith.constant 0 : i32
      %add3A_203 = arith.addi %add3A_202, %mul3A_201 : i32
      %mul3A_204 = arith.constant 16 : i32
      %mul3A_205 = arith.muli %add3A_203, %mul3A_204 : i32
      %swap3A_206 = arith.index_cast %mul3A_205 : i32 to index
      %swap3A_207 = tpu.vector_load %arg13[%swap3A_206] {strides = array<i32>} : memref<10000xf32, #tpu.memory_space<vmem>>, vector<16xf32>,
      tpu.vector_store %arg13[%swap3A_206], %broadcast_in_dim3A_31 {strides = array<i32>} : memref<10000xf32, #tpu.memory_space<vmem>>, vector<16xf32>,
      %scan3A_208 = arith.constant 3 : i32
      %scan3A_209 = arith.addi %scan3A_179, %scan3A_208 : i32
      %mul3A_210 = arith.constant 1 : i32
      %mul3A_211 = arith.muli %scan3A_209, %mul3A_210 : i32
      %add3A_212 = arith.constant 0 : i32
      %add3A_213 = arith.addi %add3A_212, %mul3A_211 : i32
      %mul3A_214 = arith.constant 16 : i32
      %mul3A_215 = arith.muli %add3A_213, %mul3A_214 : i32
      %swap3A_216 = arith.index_cast %mul3A_215 : i32 to index
      %swap3A_217 = tpu.vector_load %arg13[%swap3A_216] {strides = array<i32>} : memref<10000xf32, #tpu.memory_space<vmem>>, vector<16xf32>,
      tpu.vector_store %arg13[%swap3A_216], %broadcast_in_dim3A_31 {strides = array<i32>} : memref<10000xf32, #tpu.memory_space<vmem>>, vector<16xf32>,
      %scan3A_218 = arith.constant 4 : i32
      %scan3A_219 = arith.addi %scan3A_179, %scan3A_218 : i32
      %mul3A_220 = arith.constant 1 : i32
      %mul3A_221 = arith.muli %scan3A_219, %mul3A_220 : i32
      %add3A_222 = arith.constant 0 : i32
      %add3A_223 = arith.addi %add3A_222, %mul3A_221 : i32
      %mul3A_224 = arith.constant 16 : i32
      %mul3A_225 = arith.muli %add3A_223, %mul3A_224 : i32
      %swap3A_226 = arith.index_cast %mul3A_225 : i32 to index
      %swap3A_227 = tpu.vector_load %arg13[%swap3A_226] {strides = array<i32>} : memref<10000xf32, #tpu.memory_space<vmem>>, vector<16xf32>,
      tpu.vector_store %arg13[%swap3A_226], %broadcast_in_dim3A_31 {strides = array<i32>} : memref<10000xf32, #tpu.memory_space<vmem>>, vector<16xf32>,
      %scan3A_228 = arith.constant 5 : i32
      %scan3A_229 = arith.addi %scan3A_179, %scan3A_228 : i32
      %mul3A_230 = arith.constant 1 : i32
      %mul3A_231 = arith.muli %scan3A_229, %mul3A_230 : i32
      %add3A_232 = arith.constant 0 : i32
      %add3A_233 = arith.addi %add3A_232, %mul3A_231 : i32
      %mul3A_234 = arith.constant 16 : i32
      %mul3A_235 = arith.muli %add3A_233, %mul3A_234 : i32
      %swap3A_236 = arith.index_cast %mul3A_235 : i32 to index
      %swap3A_237 = tpu.vector_load %arg13[%swap3A_236] {strides = array<i32>} : memref<10000xf32, #tpu.memory_space<vmem>>, vector<16xf32>,
      tpu.vector_store %arg13[%swap3A_236], %broadcast_in_dim3A_31 {strides = array<i32>} : memref<10000xf32, #tpu.memory_space<vmem>>, vector<16xf32>,
      %scan3A_238 = arith.constant 6 : i32
      %scan3A_239 = arith.addi %scan3A_179, %scan3A_238 : i32
      %mul3A_240 = arith.constant 1 : i32
      %mul3A_241 = arith.muli %scan3A_239, %mul3A_240 : i32
      %add3A_242 = arith.constant 0 : i32
      %add3A_243 = arith.addi %add3A_242, %mul3A_241 : i32
      %mul3A_244 = arith.constant 16 : i32
      %mul3A_245 = arith.muli %add3A_243, %mul3A_244 : i32
      %swap3A_246 = arith.index_cast %mul3A_245 : i32 to index
      %swap3A_247 = tpu.vector_load %arg13[%swap3A_246] {strides = array<i32>} : memref<10000xf32, #tpu.memory_space<vmem>>, vector<16xf32>,
      tpu.vector_store %arg13[%swap3A_246], %broadcast_in_dim3A_31 {strides = array<i32>} : memref<10000xf32, #tpu.memory_space<vmem>>, vector<16xf32>,
      %scan3A_248 = arith.constant 7 : i32
      %scan3A_249 = arith.addi %scan3A_179, %scan3A_248 : i32
      %mul3A_250 = arith.constant 1 : i32
      %mul3A_251 = arith.muli %scan3A_249, %mul3A_250 : i32
      %add3A_252 = arith.constant 0 : i32
      %add3A_253 = arith.addi %add3A_252, %mul3A_251 : i32
      %mul3A_254 = arith.constant 16 : i32
      %mul3A_255 = arith.muli %add3A_253, %mul3A_254 : i32
      %swap3A_256 = arith.index_cast %mul3A_255 : i32 to index
      %swap3A_257 = tpu.vector_load %arg13[%swap3A_256] {strides = array<i32>} : memref<10000xf32, #tpu.memory_space<vmem>>, vector<16xf32>,
      tpu.vector_store %arg13[%swap3A_256], %broadcast_in_dim3A_31 {strides = array<i32>} : memref<10000xf32, #tpu.memory_space<vmem>>, vector<16xf32>,
    }
    %scan3A_141 = arith.constant 624 : i32
    %scan3A_142 = arith.addi %scan3A_137, %scan3A_141 : i32
    %mul3A_143 = arith.constant 1 : i32
    %mul3A_144 = arith.muli %scan3A_142, %mul3A_143 : i32
    %add3A_145 = arith.constant 0 : i32
    %add3A_146 = arith.addi %add3A_145, %mul3A_144 : i32
    %mul3A_147 = arith.constant 16 : i32
    %mul3A_148 = arith.muli %add3A_146, %mul3A_147 : i32
    %swap3A_149 = arith.index_cast %mul3A_148 : i32 to index
    %swap3A_150 = tpu.vector_load %arg13[%swap3A_149] {strides = array<i32>} : memref<10000xf32, #tpu.memory_space<vmem>>, vector<16xf32>,
    tpu.vector_store %arg13[%swap3A_149], %broadcast_in_dim3A_31 {strides = array<i32>} : memref<10000xf32, #tpu.memory_space<vmem>>, vector<16xf32>,
    %scan3A_151 = arith.constant 625 : i32
    %dma_wait3A_152 = arith.constant 0 : i32
    %dma_wait3A_153 = tpu.memref_slice %arg2[%add3A_66, %dma_wait3A_152] : memref<16x10000xf32, #tpu.memory_space<hbm>> -> memref<1x10000xf32, #tpu.memory_space<hbm>>
    %dma_wait3A_154 = tpu.memref_squeeze %dma_wait3A_153 : memref<1x10000xf32, #tpu.memory_space<hbm>> -> memref<10000xf32, #tpu.memory_space<hbm>>
    %dma_wait3A_155 = arith.constant 0 : i32
    %dma_wait3A_156 = tpu.memref_slice %arg2[%add3A_66, %dma_wait3A_155] : memref<16x10000xf32, #tpu.memory_space<hbm>> -> memref<1x10000xf32, #tpu.memory_space<hbm>>
    %dma_wait3A_157 = tpu.memref_squeeze %dma_wait3A_156 : memref<1x10000xf32, #tpu.memory_space<hbm>> -> memref<10000xf32, #tpu.memory_space<hbm>>
    tpu.wait_dma2 semaphore(%arg25 : memref<!tpu.dma_semaphore, #tpu.memory_space<semaphore_mem>>) src(%dma_wait3A_157 : memref<10000xf32, #tpu.memory_space<hbm>>) dst(%arg9 : memref<10000xf32, #tpu.memory_space<vmem>>)
    %scan3A_158 = arith.constant 0 : i32
    %scan3A_159 = arith.constant 5 : i32
    %scan3A_160 = arith.addi %scan3A_158, %scan3A_159 : i32
    %scan3A_161 = arith.constant 1 : i32
    scf.for %scan3A_179 = %scan3A_158 to %scan3A_160 step %scan3A_161  : i32 {
      %mul3A_180 = arith.constant 1 : i32
      %mul3A_181 = arith.muli %scan3A_179, %mul3A_180 : i32
      %add3A_182 = arith.constant 0 : i32
      %add3A_183 = arith.addi %add3A_182, %mul3A_181 : i32
      %mul3A_184 = arith.constant 2 : i32
      %mul3A_185 = arith.muli %add3A_183, %mul3A_184 : i32
      %mul3A_186 = arith.constant 4000 : i32
      %mul3A_187 = arith.muli %mul3A_185, %mul3A_186 : i32
      %add3A_188 = arith.addi %mul3A_33, %mul3A_187 : i32
      %dma_wait3A_189 = tpu.memref_slice %arg3[%add3A_188] : memref<320000xi32, #tpu.memory_space<hbm>> -> memref<4000xi32, #tpu.memory_space<hbm>>
      %dma_wait3A_190 = tpu.memref_slice %arg3[%add3A_188] : memref<320000xi32, #tpu.memory_space<hbm>> -> memref<4000xi32, #tpu.memory_space<hbm>>
      tpu.wait_dma2 semaphore(%arg18 : memref<!tpu.dma_semaphore, #tpu.memory_space<semaphore_mem>>) src(%dma_wait3A_190 : memref<4000xi32, #tpu.memory_space<hbm>>) dst(%arg14 : memref<4000xi32, #tpu.memory_space<vmem>>)
      %mul3A_191 = arith.constant 4000 : i32
      %mul3A_192 = arith.muli %mul3A_185, %mul3A_191 : i32
      %add3A_193 = arith.addi %mul3A_33, %mul3A_192 : i32
      %dma_wait3A_194 = tpu.memref_slice %arg4[%add3A_193] : memref<320000xi32, #tpu.memory_space<hbm>> -> memref<4000xi32, #tpu.memory_space<hbm>>
      %dma_wait3A_195 = tpu.memref_slice %arg4[%add3A_193] : memref<320000xi32, #tpu.memory_space<hbm>> -> memref<4000xi32, #tpu.memory_space<hbm>>
      tpu.wait_dma2 semaphore(%arg20 : memref<!tpu.dma_semaphore, #tpu.memory_space<semaphore_mem>>) src(%dma_wait3A_195 : memref<4000xi32, #tpu.memory_space<hbm>>) dst(%arg16 : memref<4000xi32, #tpu.memory_space<vmem>>)
      %lt3A_196 = arith.constant 9 : i32
      %lt3A_197 = arith.cmpi slt, %mul3A_185, %lt3A_196 : i32
      %convert_element_type3A = arith.extui %lt3A_197 : i1 to i32
      %cond3A = arith.constant 0 : i32
      %cond3A_198 = arith.cmpi ne, %convert_element_type3A, %cond3A : i32
      scf.if %cond3A_198 {
        %add3A_586 = arith.constant 1 : i32
        %add3A_587 = arith.addi %mul3A_185, %add3A_586 : i32
        %mul3A_588 = arith.constant 4000 : i32
        %mul3A_589 = arith.muli %add3A_587, %mul3A_588 : i32
        %add3A_590 = arith.addi %mul3A_33, %mul3A_589 : i32
        %dma_start3A_591 = tpu.memref_slice %arg3[%add3A_590] : memref<320000xi32, #tpu.memory_space<hbm>> -> memref<4000xi32, #tpu.memory_space<hbm>>
        %dma_start3A_592 = tpu.memref_slice %arg3[%add3A_590] : memref<320000xi32, #tpu.memory_space<hbm>> -> memref<4000xi32, #tpu.memory_space<hbm>>
        tpu.enqueue_dma source(%dma_start3A_592 : memref<4000xi32, #tpu.memory_space<hbm>>) target(%arg15 : memref<4000xi32, #tpu.memory_space<vmem>>) target_semaphore(%arg19 : memref<!tpu.dma_semaphore, #tpu.memory_space<semaphore_mem>>)
        %dma_start3A_593 = tpu.memref_slice %arg4[%add3A_590] : memref<320000xi32, #tpu.memory_space<hbm>> -> memref<4000xi32, #tpu.memory_space<hbm>>
        %dma_start3A_594 = tpu.memref_slice %arg4[%add3A_590] : memref<320000xi32, #tpu.memory_space<hbm>> -> memref<4000xi32, #tpu.memory_space<hbm>>
        tpu.enqueue_dma source(%dma_start3A_594 : memref<4000xi32, #tpu.memory_space<hbm>>) target(%arg17 : memref<4000xi32, #tpu.memory_space<vmem>>) target_semaphore(%arg21 : memref<!tpu.dma_semaphore, #tpu.memory_space<semaphore_mem>>)
      } else {
      }
      %scan3A_199 = arith.constant 0 : i32
      %scan3A_200 = arith.constant 240 : i32
      %scan3A_201 = arith.addi %scan3A_199, %scan3A_200 : i32
      %scan3A_202 = arith.constant 16 : i32
      scf.for %scan3A_586 = %scan3A_199 to %scan3A_201 step %scan3A_202  : i32 {
        %mul3A_587 = arith.constant 1 : i32
        %mul3A_588 = arith.muli %scan3A_586, %mul3A_587 : i32
        %add3A_589 = arith.constant 0 : i32
        %add3A_590 = arith.addi %add3A_589, %mul3A_588 : i32
        %mul3A_591 = arith.constant 16 : i32
        %mul3A_592 = arith.muli %add3A_590, %mul3A_591 : i32
        %get3A_593 = arith.index_cast %mul3A_592 : i32 to index
        %get3A_594 = tpu.vector_load %arg14[%get3A_593] {strides = array<i32>} : memref<4000xi32, #tpu.memory_space<vmem>>, vector<16xi32>,
        %mul3A_595 = arith.constant 16 : i32
        %mul3A_596 = arith.muli %add3A_590, %mul3A_595 : i32
        %get3A_597 = arith.index_cast %mul3A_596 : i32 to index
        %get3A_598 = tpu.vector_load %arg16[%get3A_597] {strides = array<i32>} : memref<4000xi32, #tpu.memory_space<vmem>>, vector<16xi32>,
        %gather3A_599 = tpu.vector_load_idx %arg6[%get3A_594] : memref<10000xf32, #tpu.memory_space<vmem>>[vector<16xi32>], vector<16xf32>,
        tpu.vector_store_idx %arg10[%get3A_598], %gather3A_599 {add = true} : memref<10000xf32, #tpu.memory_space<vmem>>[vector<16xi32>], vector<16xf32>,
        %gather3A_600 = tpu.vector_load_idx %arg7[%get3A_594] : memref<10000xf32, #tpu.memory_space<vmem>>[vector<16xi32>], vector<16xf32>,
        tpu.vector_store_idx %arg11[%get3A_598], %gather3A_600 {add = true} : memref<10000xf32, #tpu.memory_space<vmem>>[vector<16xi32>], vector<16xf32>,
        %gather3A_601 = tpu.vector_load_idx %arg8[%get3A_594] : memref<10000xf32, #tpu.memory_space<vmem>>[vector<16xi32>], vector<16xf32>,
        tpu.vector_store_idx %arg12[%get3A_598], %gather3A_601 {add = true} : memref<10000xf32, #tpu.memory_space<vmem>>[vector<16xi32>], vector<16xf32>,
        %gather3A_602 = tpu.vector_load_idx %arg9[%get3A_594] : memref<10000xf32, #tpu.memory_space<vmem>>[vector<16xi32>], vector<16xf32>,
        tpu.vector_store_idx %arg13[%get3A_598], %gather3A_602 {add = true} : memref<10000xf32, #tpu.memory_space<vmem>>[vector<16xi32>], vector<16xf32>,
        %scan3A_603 = arith.constant 1 : i32
        %scan3A_604 = arith.addi %scan3A_586, %scan3A_603 : i32
        %mul3A_605 = arith.constant 1 : i32
        %mul3A_606 = arith.muli %scan3A_604, %mul3A_605 : i32
        %add3A_607 = arith.constant 0 : i32
        %add3A_608 = arith.addi %add3A_607, %mul3A_606 : i32
        %mul3A_609 = arith.constant 16 : i32
        %mul3A_610 = arith.muli %add3A_608, %mul3A_609 : i32
        %get3A_611 = arith.index_cast %mul3A_610 : i32 to index
        %get3A_612 = tpu.vector_load %arg14[%get3A_611] {strides = array<i32>} : memref<4000xi32, #tpu.memory_space<vmem>>, vector<16xi32>,
        %mul3A_613 = arith.constant 16 : i32
        %mul3A_614 = arith.muli %add3A_608, %mul3A_613 : i32
        %get3A_615 = arith.index_cast %mul3A_614 : i32 to index
        %get3A_616 = tpu.vector_load %arg16[%get3A_615] {strides = array<i32>} : memref<4000xi32, #tpu.memory_space<vmem>>, vector<16xi32>,
        %gather3A_617 = tpu.vector_load_idx %arg6[%get3A_612] : memref<10000xf32, #tpu.memory_space<vmem>>[vector<16xi32>], vector<16xf32>,
        tpu.vector_store_idx %arg10[%get3A_616], %gather3A_617 {add = true} : memref<10000xf32, #tpu.memory_space<vmem>>[vector<16xi32>], vector<16xf32>,
        %gather3A_618 = tpu.vector_load_idx %arg7[%get3A_612] : memref<10000xf32, #tpu.memory_space<vmem>>[vector<16xi32>], vector<16xf32>,
        tpu.vector_store_idx %arg11[%get3A_616], %gather3A_618 {add = true} : memref<10000xf32, #tpu.memory_space<vmem>>[vector<16xi32>], vector<16xf32>,
        %gather3A_619 = tpu.vector_load_idx %arg8[%get3A_612] : memref<10000xf32, #tpu.memory_space<vmem>>[vector<16xi32>], vector<16xf32>,
        tpu.vector_store_idx %arg12[%get3A_616], %gather3A_619 {add = true} : memref<10000xf32, #tpu.memory_space<vmem>>[vector<16xi32>], vector<16xf32>,
        %gather3A_620 = tpu.vector_load_idx %arg9[%get3A_612] : memref<10000xf32, #tpu.memory_space<vmem>>[vector<16xi32>], vector<16xf32>,
        tpu.vector_store_idx %arg13[%get3A_616], %gather3A_620 {add = true} : memref<10000xf32, #tpu.memory_space<vmem>>[vector<16xi32>], vector<16xf32>,
        %scan3A_621 = arith.constant 2 : i32
        %scan3A_622 = arith.addi %scan3A_586, %scan3A_621 : i32
        %mul3A_623 = arith.constant 1 : i32
        %mul3A_624 = arith.muli %scan3A_622, %mul3A_623 : i32
        %add3A_625 = arith.constant 0 : i32
        %add3A_626 = arith.addi %add3A_625, %mul3A_624 : i32
        %mul3A_627 = arith.constant 16 : i32
        %mul3A_628 = arith.muli %add3A_626, %mul3A_627 : i32
        %get3A_629 = arith.index_cast %mul3A_628 : i32 to index
        %get3A_630 = tpu.vector_load %arg14[%get3A_629] {strides = array<i32>} : memref<4000xi32, #tpu.memory_space<vmem>>, vector<16xi32>,
        %mul3A_631 = arith.constant 16 : i32
        %mul3A_632 = arith.muli %add3A_626, %mul3A_631 : i32
        %get3A_633 = arith.index_cast %mul3A_632 : i32 to index
        %get3A_634 = tpu.vector_load %arg16[%get3A_633] {strides = array<i32>} : memref<4000xi32, #tpu.memory_space<vmem>>, vector<16xi32>,
        %gather3A_635 = tpu.vector_load_idx %arg6[%get3A_630] : memref<10000xf32, #tpu.memory_space<vmem>>[vector<16xi32>], vector<16xf32>,
        tpu.vector_store_idx %arg10[%get3A_634], %gather3A_635 {add = true} : memref<10000xf32, #tpu.memory_space<vmem>>[vector<16xi32>], vector<16xf32>,
        %gather3A_636 = tpu.vector_load_idx %arg7[%get3A_630] : memref<10000xf32, #tpu.memory_space<vmem>>[vector<16xi32>], vector<16xf32>,
        tpu.vector_store_idx %arg11[%get3A_634], %gather3A_636 {add = true} : memref<10000xf32, #tpu.memory_space<vmem>>[vector<16xi32>], vector<16xf32>,
        %gather3A_637 = tpu.vector_load_idx %arg8[%get3A_630] : memref<10000xf32, #tpu.memory_space<vmem>>[vector<16xi32>], vector<16xf32>,
        tpu.vector_store_idx %arg12[%get3A_634], %gather3A_637 {add = true} : memref<10000xf32, #tpu.memory_space<vmem>>[vector<16xi32>], vector<16xf32>,
        %gather3A_638 = tpu.vector_load_idx %arg9[%get3A_630] : memref<10000xf32, #tpu.memory_space<vmem>>[vector<16xi32>], vector<16xf32>,
        tpu.vector_store_idx %arg13[%get3A_634], %gather3A_638 {add = true} : memref<10000xf32, #tpu.memory_space<vmem>>[vector<16xi32>], vector<16xf32>,
        %scan3A_639 = arith.constant 3 : i32
        %scan3A_640 = arith.addi %scan3A_586, %scan3A_639 : i32
        %mul3A_641 = arith.constant 1 : i32
        %mul3A_642 = arith.muli %scan3A_640, %mul3A_641 : i32
        %add3A_643 = arith.constant 0 : i32
        %add3A_644 = arith.addi %add3A_643, %mul3A_642 : i32
        %mul3A_645 = arith.constant 16 : i32
        %mul3A_646 = arith.muli %add3A_644, %mul3A_645 : i32
        %get3A_647 = arith.index_cast %mul3A_646 : i32 to index
        %get3A_648 = tpu.vector_load %arg14[%get3A_647] {strides = array<i32>} : memref<4000xi32, #tpu.memory_space<vmem>>, vector<16xi32>,
        %mul3A_649 = arith.constant 16 : i32
        %mul3A_650 = arith.muli %add3A_644, %mul3A_649 : i32
        %get3A_651 = arith.index_cast %mul3A_650 : i32 to index
        %get3A_652 = tpu.vector_load %arg16[%get3A_651] {strides = array<i32>} : memref<4000xi32, #tpu.memory_space<vmem>>, vector<16xi32>,
        %gather3A_653 = tpu.vector_load_idx %arg6[%get3A_648] : memref<10000xf32, #tpu.memory_space<vmem>>[vector<16xi32>], vector<16xf32>,
        tpu.vector_store_idx %arg10[%get3A_652], %gather3A_653 {add = true} : memref<10000xf32, #tpu.memory_space<vmem>>[vector<16xi32>], vector<16xf32>,
        %gather3A_654 = tpu.vector_load_idx %arg7[%get3A_648] : memref<10000xf32, #tpu.memory_space<vmem>>[vector<16xi32>], vector<16xf32>,
        tpu.vector_store_idx %arg11[%get3A_652], %gather3A_654 {add = true} : memref<10000xf32, #tpu.memory_space<vmem>>[vector<16xi32>], vector<16xf32>,
        %gather3A_655 = tpu.vector_load_idx %arg8[%get3A_648] : memref<10000xf32, #tpu.memory_space<vmem>>[vector<16xi32>], vector<16xf32>,
        tpu.vector_store_idx %arg12[%get3A_652], %gather3A_655 {add = true} : memref<10000xf32, #tpu.memory_space<vmem>>[vector<16xi32>], vector<16xf32>,
        %gather3A_656 = tpu.vector_load_idx %arg9[%get3A_648] : memref<10000xf32, #tpu.memory_space<vmem>>[vector<16xi32>], vector<16xf32>,
        tpu.vector_store_idx %arg13[%get3A_652], %gather3A_656 {add = true} : memref<10000xf32, #tpu.memory_space<vmem>>[vector<16xi32>], vector<16xf32>,
        %scan3A_657 = arith.constant 4 : i32
        %scan3A_658 = arith.addi %scan3A_586, %scan3A_657 : i32
        %mul3A_659 = arith.constant 1 : i32
        %mul3A_660 = arith.muli %scan3A_658, %mul3A_659 : i32
        %add3A_661 = arith.constant 0 : i32
        %add3A_662 = arith.addi %add3A_661, %mul3A_660 : i32
        %mul3A_663 = arith.constant 16 : i32
        %mul3A_664 = arith.muli %add3A_662, %mul3A_663 : i32
        %get3A_665 = arith.index_cast %mul3A_664 : i32 to index
        %get3A_666 = tpu.vector_load %arg14[%get3A_665] {strides = array<i32>} : memref<4000xi32, #tpu.memory_space<vmem>>, vector<16xi32>,
        %mul3A_667 = arith.constant 16 : i32
        %mul3A_668 = arith.muli %add3A_662, %mul3A_667 : i32
        %get3A_669 = arith.index_cast %mul3A_668 : i32 to index
        %get3A_670 = tpu.vector_load %arg16[%get3A_669] {strides = array<i32>} : memref<4000xi32, #tpu.memory_space<vmem>>, vector<16xi32>,
        %gather3A_671 = tpu.vector_load_idx %arg6[%get3A_666] : memref<10000xf32, #tpu.memory_space<vmem>>[vector<16xi32>], vector<16xf32>,
        tpu.vector_store_idx %arg10[%get3A_670], %gather3A_671 {add = true} : memref<10000xf32, #tpu.memory_space<vmem>>[vector<16xi32>], vector<16xf32>,
        %gather3A_672 = tpu.vector_load_idx %arg7[%get3A_666] : memref<10000xf32, #tpu.memory_space<vmem>>[vector<16xi32>], vector<16xf32>,
        tpu.vector_store_idx %arg11[%get3A_670], %gather3A_672 {add = true} : memref<10000xf32, #tpu.memory_space<vmem>>[vector<16xi32>], vector<16xf32>,
        %gather3A_673 = tpu.vector_load_idx %arg8[%get3A_666] : memref<10000xf32, #tpu.memory_space<vmem>>[vector<16xi32>], vector<16xf32>,
        tpu.vector_store_idx %arg12[%get3A_670], %gather3A_673 {add = true} : memref<10000xf32, #tpu.memory_space<vmem>>[vector<16xi32>], vector<16xf32>,
        %gather3A_674 = tpu.vector_load_idx %arg9[%get3A_666] : memref<10000xf32, #tpu.memory_space<vmem>>[vector<16xi32>], vector<16xf32>,
        tpu.vector_store_idx %arg13[%get3A_670], %gather3A_674 {add = true} : memref<10000xf32, #tpu.memory_space<vmem>>[vector<16xi32>], vector<16xf32>,
        %scan3A_675 = arith.constant 5 : i32
        %scan3A_676 = arith.addi %scan3A_586, %scan3A_675 : i32
        %mul3A_677 = arith.constant 1 : i32
        %mul3A_678 = arith.muli %scan3A_676, %mul3A_677 : i32
        %add3A_679 = arith.constant 0 : i32
        %add3A_680 = arith.addi %add3A_679, %mul3A_678 : i32
        %mul3A_681 = arith.constant 16 : i32
        %mul3A_682 = arith.muli %add3A_680, %mul3A_681 : i32
        %get3A_683 = arith.index_cast %mul3A_682 : i32 to index
        %get3A_684 = tpu.vector_load %arg14[%get3A_683] {strides = array<i32>} : memref<4000xi32, #tpu.memory_space<vmem>>, vector<16xi32>,
        %mul3A_685 = arith.constant 16 : i32
        %mul3A_686 = arith.muli %add3A_680, %mul3A_685 : i32
        %get3A_687 = arith.index_cast %mul3A_686 : i32 to index
        %get3A_688 = tpu.vector_load %arg16[%get3A_687] {strides = array<i32>} : memref<4000xi32, #tpu.memory_space<vmem>>, vector<16xi32>,
        %gather3A_689 = tpu.vector_load_idx %arg6[%get3A_684] : memref<10000xf32, #tpu.memory_space<vmem>>[vector<16xi32>], vector<16xf32>,
        tpu.vector_store_idx %arg10[%get3A_688], %gather3A_689 {add = true} : memref<10000xf32, #tpu.memory_space<vmem>>[vector<16xi32>], vector<16xf32>,
        %gather3A_690 = tpu.vector_load_idx %arg7[%get3A_684] : memref<10000xf32, #tpu.memory_space<vmem>>[vector<16xi32>], vector<16xf32>,
        tpu.vector_store_idx %arg11[%get3A_688], %gather3A_690 {add = true} : memref<10000xf32, #tpu.memory_space<vmem>>[vector<16xi32>], vector<16xf32>,
        %gather3A_691 = tpu.vector_load_idx %arg8[%get3A_684] : memref<10000xf32, #tpu.memory_space<vmem>>[vector<16xi32>], vector<16xf32>,
        tpu.vector_store_idx %arg12[%get3A_688], %gather3A_691 {add = true} : memref<10000xf32, #tpu.memory_space<vmem>>[vector<16xi32>], vector<16xf32>,
        %gather3A_692 = tpu.vector_load_idx %arg9[%get3A_684] : memref<10000xf32, #tpu.memory_space<vmem>>[vector<16xi32>], vector<16xf32>,
        tpu.vector_store_idx %arg13[%get3A_688], %gather3A_692 {add = true} : memref<10000xf32, #tpu.memory_space<vmem>>[vector<16xi32>], vector<16xf32>,
        %scan3A_693 = arith.constant 6 : i32
        %scan3A_694 = arith.addi %scan3A_586, %scan3A_693 : i32
        %mul3A_695 = arith.constant 1 : i32
        %mul3A_696 = arith.muli %scan3A_694, %mul3A_695 : i32
        %add3A_697 = arith.constant 0 : i32
        %add3A_698 = arith.addi %add3A_697, %mul3A_696 : i32
        %mul3A_699 = arith.constant 16 : i32
        %mul3A_700 = arith.muli %add3A_698, %mul3A_699 : i32
        %get3A_701 = arith.index_cast %mul3A_700 : i32 to index
        %get3A_702 = tpu.vector_load %arg14[%get3A_701] {strides = array<i32>} : memref<4000xi32, #tpu.memory_space<vmem>>, vector<16xi32>,
        %mul3A_703 = arith.constant 16 : i32
        %mul3A_704 = arith.muli %add3A_698, %mul3A_703 : i32
        %get3A_705 = arith.index_cast %mul3A_704 : i32 to index
        %get3A_706 = tpu.vector_load %arg16[%get3A_705] {strides = array<i32>} : memref<4000xi32, #tpu.memory_space<vmem>>, vector<16xi32>,
        %gather3A_707 = tpu.vector_load_idx %arg6[%get3A_702] : memref<10000xf32, #tpu.memory_space<vmem>>[vector<16xi32>], vector<16xf32>,
        tpu.vector_store_idx %arg10[%get3A_706], %gather3A_707 {add = true} : memref<10000xf32, #tpu.memory_space<vmem>>[vector<16xi32>], vector<16xf32>,
        %gather3A_708 = tpu.vector_load_idx %arg7[%get3A_702] : memref<10000xf32, #tpu.memory_space<vmem>>[vector<16xi32>], vector<16xf32>,
        tpu.vector_store_idx %arg11[%get3A_706], %gather3A_708 {add = true} : memref<10000xf32, #tpu.memory_space<vmem>>[vector<16xi32>], vector<16xf32>,
        %gather3A_709 = tpu.vector_load_idx %arg8[%get3A_702] : memref<10000xf32, #tpu.memory_space<vmem>>[vector<16xi32>], vector<16xf32>,
        tpu.vector_store_idx %arg12[%get3A_706], %gather3A_709 {add = true} : memref<10000xf32, #tpu.memory_space<vmem>>[vector<16xi32>], vector<16xf32>,
        %gather3A_710 = tpu.vector_load_idx %arg9[%get3A_702] : memref<10000xf32, #tpu.memory_space<vmem>>[vector<16xi32>], vector<16xf32>,
        tpu.vector_store_idx %arg13[%get3A_706], %gather3A_710 {add = true} : memref<10000xf32, #tpu.memory_space<vmem>>[vector<16xi32>], vector<16xf32>,
        %scan3A_711 = arith.constant 7 : i32
        %scan3A_712 = arith.addi %scan3A_586, %scan3A_711 : i32
        %mul3A_713 = arith.constant 1 : i32
        %mul3A_714 = arith.muli %scan3A_712, %mul3A_713 : i32
        %add3A_715 = arith.constant 0 : i32
        %add3A_716 = arith.addi %add3A_715, %mul3A_714 : i32
        %mul3A_717 = arith.constant 16 : i32
        %mul3A_718 = arith.muli %add3A_716, %mul3A_717 : i32
        %get3A_719 = arith.index_cast %mul3A_718 : i32 to index
        %get3A_720 = tpu.vector_load %arg14[%get3A_719] {strides = array<i32>} : memref<4000xi32, #tpu.memory_space<vmem>>, vector<16xi32>,
        %mul3A_721 = arith.constant 16 : i32
        %mul3A_722 = arith.muli %add3A_716, %mul3A_721 : i32
        %get3A_723 = arith.index_cast %mul3A_722 : i32 to index
        %get3A_724 = tpu.vector_load %arg16[%get3A_723] {strides = array<i32>} : memref<4000xi32, #tpu.memory_space<vmem>>, vector<16xi32>,
        %gather3A_725 = tpu.vector_load_idx %arg6[%get3A_720] : memref<10000xf32, #tpu.memory_space<vmem>>[vector<16xi32>], vector<16xf32>,
        tpu.vector_store_idx %arg10[%get3A_724], %gather3A_725 {add = true} : memref<10000xf32, #tpu.memory_space<vmem>>[vector<16xi32>], vector<16xf32>,
        %gather3A_726 = tpu.vector_load_idx %arg7[%get3A_720] : memref<10000xf32, #tpu.memory_space<vmem>>[vector<16xi32>], vector<16xf32>,
        tpu.vector_store_idx %arg11[%get3A_724], %gather3A_726 {add = true} : memref<10000xf32, #tpu.memory_space<vmem>>[vector<16xi32>], vector<16xf32>,
        %gather3A_727 = tpu.vector_load_idx %arg8[%get3A_720] : memref<10000xf32, #tpu.memory_space<vmem>>[vector<16xi32>], vector<16xf32>,
        tpu.vector_store_idx %arg12[%get3A_724], %gather3A_727 {add = true} : memref<10000xf32, #tpu.memory_space<vmem>>[vector<16xi32>], vector<16xf32>,
        %gather3A_728 = tpu.vector_load_idx %arg9[%get3A_720] : memref<10000xf32, #tpu.memory_space<vmem>>[vector<16xi32>], vector<16xf32>,
        tpu.vector_store_idx %arg13[%get3A_724], %gather3A_728 {add = true} : memref<10000xf32, #tpu.memory_space<vmem>>[vector<16xi32>], vector<16xf32>,
        %scan3A_729 = arith.constant 8 : i32
        %scan3A_730 = arith.addi %scan3A_586, %scan3A_729 : i32
        %mul3A_731 = arith.constant 1 : i32
        %mul3A_732 = arith.muli %scan3A_730, %mul3A_731 : i32
        %add3A_733 = arith.constant 0 : i32
        %add3A_734 = arith.addi %add3A_733, %mul3A_732 : i32
        %mul3A_735 = arith.constant 16 : i32
        %mul3A_736 = arith.muli %add3A_734, %mul3A_735 : i32
        %get3A_737 = arith.index_cast %mul3A_736 : i32 to index
        %get3A_738 = tpu.vector_load %arg14[%get3A_737] {strides = array<i32>} : memref<4000xi32, #tpu.memory_space<vmem>>, vector<16xi32>,
        %mul3A_739 = arith.constant 16 : i32
        %mul3A_740 = arith.muli %add3A_734, %mul3A_739 : i32
        %get3A_741 = arith.index_cast %mul3A_740 : i32 to index
        %get3A_742 = tpu.vector_load %arg16[%get3A_741] {strides = array<i32>} : memref<4000xi32, #tpu.memory_space<vmem>>, vector<16xi32>,
        %gather3A_743 = tpu.vector_load_idx %arg6[%get3A_738] : memref<10000xf32, #tpu.memory_space<vmem>>[vector<16xi32>], vector<16xf32>,
        tpu.vector_store_idx %arg10[%get3A_742], %gather3A_743 {add = true} : memref<10000xf32, #tpu.memory_space<vmem>>[vector<16xi32>], vector<16xf32>,
        %gather3A_744 = tpu.vector_load_idx %arg7[%get3A_738] : memref<10000xf32, #tpu.memory_space<vmem>>[vector<16xi32>], vector<16xf32>,
        tpu.vector_store_idx %arg11[%get3A_742], %gather3A_744 {add = true} : memref<10000xf32, #tpu.memory_space<vmem>>[vector<16xi32>], vector<16xf32>,
        %gather3A_745 = tpu.vector_load_idx %arg8[%get3A_738] : memref<10000xf32, #tpu.memory_space<vmem>>[vector<16xi32>], vector<16xf32>,
        tpu.vector_store_idx %arg12[%get3A_742], %gather3A_745 {add = true} : memref<10000xf32, #tpu.memory_space<vmem>>[vector<16xi32>], vector<16xf32>,
        %gather3A_746 = tpu.vector_load_idx %arg9[%get3A_738] : memref<10000xf32, #tpu.memory_space<vmem>>[vector<16xi32>], vector<16xf32>,
        tpu.vector_store_idx %arg13[%get3A_742], %gather3A_746 {add = true} : memref<10000xf32, #tpu.memory_space<vmem>>[vector<16xi32>], vector<16xf32>,
        %scan3A_747 = arith.constant 9 : i32
        %scan3A_748 = arith.addi %scan3A_586, %scan3A_747 : i32
        %mul3A_749 = arith.constant 1 : i32
        %mul3A_750 = arith.muli %scan3A_748, %mul3A_749 : i32
        %add3A_751 = arith.constant 0 : i32
        %add3A_752 = arith.addi %add3A_751, %mul3A_750 : i32
        %mul3A_753 = arith.constant 16 : i32
        %mul3A_754 = arith.muli %add3A_752, %mul3A_753 : i32
        %get3A_755 = arith.index_cast %mul3A_754 : i32 to index
        %get3A_756 = tpu.vector_load %arg14[%get3A_755] {strides = array<i32>} : memref<4000xi32, #tpu.memory_space<vmem>>, vector<16xi32>,
        %mul3A_757 = arith.constant 16 : i32
        %mul3A_758 = arith.muli %add3A_752, %mul3A_757 : i32
        %get3A_759 = arith.index_cast %mul3A_758 : i32 to index
        %get3A_760 = tpu.vector_load %arg16[%get3A_759] {strides = array<i32>} : memref<4000xi32, #tpu.memory_space<vmem>>, vector<16xi32>,
        %gather3A_761 = tpu.vector_load_idx %arg6[%get3A_756] : memref<10000xf32, #tpu.memory_space<vmem>>[vector<16xi32>], vector<16xf32>,
        tpu.vector_store_idx %arg10[%get3A_760], %gather3A_761 {add = true} : memref<10000xf32, #tpu.memory_space<vmem>>[vector<16xi32>], vector<16xf32>,
        %gather3A_762 = tpu.vector_load_idx %arg7[%get3A_756] : memref<10000xf32, #tpu.memory_space<vmem>>[vector<16xi32>], vector<16xf32>,
        tpu.vector_store_idx %arg11[%get3A_760], %gather3A_762 {add = true} : memref<10000xf32, #tpu.memory_space<vmem>>[vector<16xi32>], vector<16xf32>,
        %gather3A_763 = tpu.vector_load_idx %arg8[%get3A_756] : memref<10000xf32, #tpu.memory_space<vmem>>[vector<16xi32>], vector<16xf32>,
        tpu.vector_store_idx %arg12[%get3A_760], %gather3A_763 {add = true} : memref<10000xf32, #tpu.memory_space<vmem>>[vector<16xi32>], vector<16xf32>,
        %gather3A_764 = tpu.vector_load_idx %arg9[%get3A_756] : memref<10000xf32, #tpu.memory_space<vmem>>[vector<16xi32>], vector<16xf32>,
        tpu.vector_store_idx %arg13[%get3A_760], %gather3A_764 {add = true} : memref<10000xf32, #tpu.memory_space<vmem>>[vector<16xi32>], vector<16xf32>,
        %scan3A_765 = arith.constant 10 : i32
        %scan3A_766 = arith.addi %scan3A_586, %scan3A_765 : i32
        %mul3A_767 = arith.constant 1 : i32
        %mul3A_768 = arith.muli %scan3A_766, %mul3A_767 : i32
        %add3A_769 = arith.constant 0 : i32
        %add3A_770 = arith.addi %add3A_769, %mul3A_768 : i32
        %mul3A_771 = arith.constant 16 : i32
        %mul3A_772 = arith.muli %add3A_770, %mul3A_771 : i32
        %get3A_773 = arith.index_cast %mul3A_772 : i32 to index
        %get3A_774 = tpu.vector_load %arg14[%get3A_773] {strides = array<i32>} : memref<4000xi32, #tpu.memory_space<vmem>>, vector<16xi32>,
        %mul3A_775 = arith.constant 16 : i32
        %mul3A_776 = arith.muli %add3A_770, %mul3A_775 : i32
        %get3A_777 = arith.index_cast %mul3A_776 : i32 to index
        %get3A_778 = tpu.vector_load %arg16[%get3A_777] {strides = array<i32>} : memref<4000xi32, #tpu.memory_space<vmem>>, vector<16xi32>,
        %gather3A_779 = tpu.vector_load_idx %arg6[%get3A_774] : memref<10000xf32, #tpu.memory_space<vmem>>[vector<16xi32>], vector<16xf32>,
        tpu.vector_store_idx %arg10[%get3A_778], %gather3A_779 {add = true} : memref<10000xf32, #tpu.memory_space<vmem>>[vector<16xi32>], vector<16xf32>,
        %gather3A_780 = tpu.vector_load_idx %arg7[%get3A_774] : memref<10000xf32, #tpu.memory_space<vmem>>[vector<16xi32>], vector<16xf32>,
        tpu.vector_store_idx %arg11[%get3A_778], %gather3A_780 {add = true} : memref<10000xf32, #tpu.memory_space<vmem>>[vector<16xi32>], vector<16xf32>,
        %gather3A_781 = tpu.vector_load_idx %arg8[%get3A_774] : memref<10000xf32, #tpu.memory_space<vmem>>[vector<16xi32>], vector<16xf32>,
        tpu.vector_store_idx %arg12[%get3A_778], %gather3A_781 {add = true} : memref<10000xf32, #tpu.memory_space<vmem>>[vector<16xi32>], vector<16xf32>,
        %gather3A_782 = tpu.vector_load_idx %arg9[%get3A_774] : memref<10000xf32, #tpu.memory_space<vmem>>[vector<16xi32>], vector<16xf32>,
        tpu.vector_store_idx %arg13[%get3A_778], %gather3A_782 {add = true} : memref<10000xf32, #tpu.memory_space<vmem>>[vector<16xi32>], vector<16xf32>,
        %scan3A_783 = arith.constant 11 : i32
        %scan3A_784 = arith.addi %scan3A_586, %scan3A_783 : i32
        %mul3A_785 = arith.constant 1 : i32
        %mul3A_786 = arith.muli %scan3A_784, %mul3A_785 : i32
        %add3A_787 = arith.constant 0 : i32
        %add3A_788 = arith.addi %add3A_787, %mul3A_786 : i32
        %mul3A_789 = arith.constant 16 : i32
        %mul3A_790 = arith.muli %add3A_788, %mul3A_789 : i32
        %get3A_791 = arith.index_cast %mul3A_790 : i32 to index
        %get3A_792 = tpu.vector_load %arg14[%get3A_791] {strides = array<i32>} : memref<4000xi32, #tpu.memory_space<vmem>>, vector<16xi32>,
        %mul3A_793 = arith.constant 16 : i32
        %mul3A_794 = arith.muli %add3A_788, %mul3A_793 : i32
        %get3A_795 = arith.index_cast %mul3A_794 : i32 to index
        %get3A_796 = tpu.vector_load %arg16[%get3A_795] {strides = array<i32>} : memref<4000xi32, #tpu.memory_space<vmem>>, vector<16xi32>,
        %gather3A_797 = tpu.vector_load_idx %arg6[%get3A_792] : memref<10000xf32, #tpu.memory_space<vmem>>[vector<16xi32>], vector<16xf32>,
        tpu.vector_store_idx %arg10[%get3A_796], %gather3A_797 {add = true} : memref<10000xf32, #tpu.memory_space<vmem>>[vector<16xi32>], vector<16xf32>,
        %gather3A_798 = tpu.vector_load_idx %arg7[%get3A_792] : memref<10000xf32, #tpu.memory_space<vmem>>[vector<16xi32>], vector<16xf32>,
        tpu.vector_store_idx %arg11[%get3A_796], %gather3A_798 {add = true} : memref<10000xf32, #tpu.memory_space<vmem>>[vector<16xi32>], vector<16xf32>,
        %gather3A_799 = tpu.vector_load_idx %arg8[%get3A_792] : memref<10000xf32, #tpu.memory_space<vmem>>[vector<16xi32>], vector<16xf32>,
        tpu.vector_store_idx %arg12[%get3A_796], %gather3A_799 {add = true} : memref<10000xf32, #tpu.memory_space<vmem>>[vector<16xi32>], vector<16xf32>,
        %gather3A_800 = tpu.vector_load_idx %arg9[%get3A_792] : memref<10000xf32, #tpu.memory_space<vmem>>[vector<16xi32>], vector<16xf32>,
        tpu.vector_store_idx %arg13[%get3A_796], %gather3A_800 {add = true} : memref<10000xf32, #tpu.memory_space<vmem>>[vector<16xi32>], vector<16xf32>,
        %scan3A_801 = arith.constant 12 : i32
        %scan3A_802 = arith.addi %scan3A_586, %scan3A_801 : i32
        %mul3A_803 = arith.constant 1 : i32
        %mul3A_804 = arith.muli %scan3A_802, %mul3A_803 : i32
        %add3A_805 = arith.constant 0 : i32
        %add3A_806 = arith.addi %add3A_805, %mul3A_804 : i32
        %mul3A_807 = arith.constant 16 : i32
        %mul3A_808 = arith.muli %add3A_806, %mul3A_807 : i32
        %get3A_809 = arith.index_cast %mul3A_808 : i32 to index
        %get3A_810 = tpu.vector_load %arg14[%get3A_809] {strides = array<i32>} : memref<4000xi32, #tpu.memory_space<vmem>>, vector<16xi32>,
        %mul3A_811 = arith.constant 16 : i32
        %mul3A_812 = arith.muli %add3A_806, %mul3A_811 : i32
        %get3A_813 = arith.index_cast %mul3A_812 : i32 to index
        %get3A_814 = tpu.vector_load %arg16[%get3A_813] {strides = array<i32>} : memref<4000xi32, #tpu.memory_space<vmem>>, vector<16xi32>,
        %gather3A_815 = tpu.vector_load_idx %arg6[%get3A_810] : memref<10000xf32, #tpu.memory_space<vmem>>[vector<16xi32>], vector<16xf32>,
        tpu.vector_store_idx %arg10[%get3A_814], %gather3A_815 {add = true} : memref<10000xf32, #tpu.memory_space<vmem>>[vector<16xi32>], vector<16xf32>,
        %gather3A_816 = tpu.vector_load_idx %arg7[%get3A_810] : memref<10000xf32, #tpu.memory_space<vmem>>[vector<16xi32>], vector<16xf32>,
        tpu.vector_store_idx %arg11[%get3A_814], %gather3A_816 {add = true} : memref<10000xf32, #tpu.memory_space<vmem>>[vector<16xi32>], vector<16xf32>,
        %gather3A_817 = tpu.vector_load_idx %arg8[%get3A_810] : memref<10000xf32, #tpu.memory_space<vmem>>[vector<16xi32>], vector<16xf32>,
        tpu.vector_store_idx %arg12[%get3A_814], %gather3A_817 {add = true} : memref<10000xf32, #tpu.memory_space<vmem>>[vector<16xi32>], vector<16xf32>,
        %gather3A_818 = tpu.vector_load_idx %arg9[%get3A_810] : memref<10000xf32, #tpu.memory_space<vmem>>[vector<16xi32>], vector<16xf32>,
        tpu.vector_store_idx %arg13[%get3A_814], %gather3A_818 {add = true} : memref<10000xf32, #tpu.memory_space<vmem>>[vector<16xi32>], vector<16xf32>,
        %scan3A_819 = arith.constant 13 : i32
        %scan3A_820 = arith.addi %scan3A_586, %scan3A_819 : i32
        %mul3A_821 = arith.constant 1 : i32
        %mul3A_822 = arith.muli %scan3A_820, %mul3A_821 : i32
        %add3A_823 = arith.constant 0 : i32
        %add3A_824 = arith.addi %add3A_823, %mul3A_822 : i32
        %mul3A_825 = arith.constant 16 : i32
        %mul3A_826 = arith.muli %add3A_824, %mul3A_825 : i32
        %get3A_827 = arith.index_cast %mul3A_826 : i32 to index
        %get3A_828 = tpu.vector_load %arg14[%get3A_827] {strides = array<i32>} : memref<4000xi32, #tpu.memory_space<vmem>>, vector<16xi32>,
        %mul3A_829 = arith.constant 16 : i32
        %mul3A_830 = arith.muli %add3A_824, %mul3A_829 : i32
        %get3A_831 = arith.index_cast %mul3A_830 : i32 to index
        %get3A_832 = tpu.vector_load %arg16[%get3A_831] {strides = array<i32>} : memref<4000xi32, #tpu.memory_space<vmem>>, vector<16xi32>,
        %gather3A_833 = tpu.vector_load_idx %arg6[%get3A_828] : memref<10000xf32, #tpu.memory_space<vmem>>[vector<16xi32>], vector<16xf32>,
        tpu.vector_store_idx %arg10[%get3A_832], %gather3A_833 {add = true} : memref<10000xf32, #tpu.memory_space<vmem>>[vector<16xi32>], vector<16xf32>,
        %gather3A_834 = tpu.vector_load_idx %arg7[%get3A_828] : memref<10000xf32, #tpu.memory_space<vmem>>[vector<16xi32>], vector<16xf32>,
        tpu.vector_store_idx %arg11[%get3A_832], %gather3A_834 {add = true} : memref<10000xf32, #tpu.memory_space<vmem>>[vector<16xi32>], vector<16xf32>,
        %gather3A_835 = tpu.vector_load_idx %arg8[%get3A_828] : memref<10000xf32, #tpu.memory_space<vmem>>[vector<16xi32>], vector<16xf32>,
        tpu.vector_store_idx %arg12[%get3A_832], %gather3A_835 {add = true} : memref<10000xf32, #tpu.memory_space<vmem>>[vector<16xi32>], vector<16xf32>,
        %gather3A_836 = tpu.vector_load_idx %arg9[%get3A_828] : memref<10000xf32, #tpu.memory_space<vmem>>[vector<16xi32>], vector<16xf32>,
        tpu.vector_store_idx %arg13[%get3A_832], %gather3A_836 {add = true} : memref<10000xf32, #tpu.memory_space<vmem>>[vector<16xi32>], vector<16xf32>,
        %scan3A_837 = arith.constant 14 : i32
        %scan3A_838 = arith.addi %scan3A_586, %scan3A_837 : i32
        %mul3A_839 = arith.constant 1 : i32
        %mul3A_840 = arith.muli %scan3A_838, %mul3A_839 : i32
        %add3A_841 = arith.constant 0 : i32
        %add3A_842 = arith.addi %add3A_841, %mul3A_840 : i32
        %mul3A_843 = arith.constant 16 : i32
        %mul3A_844 = arith.muli %add3A_842, %mul3A_843 : i32
        %get3A_845 = arith.index_cast %mul3A_844 : i32 to index
        %get3A_846 = tpu.vector_load %arg14[%get3A_845] {strides = array<i32>} : memref<4000xi32, #tpu.memory_space<vmem>>, vector<16xi32>,
        %mul3A_847 = arith.constant 16 : i32
        %mul3A_848 = arith.muli %add3A_842, %mul3A_847 : i32
        %get3A_849 = arith.index_cast %mul3A_848 : i32 to index
        %get3A_850 = tpu.vector_load %arg16[%get3A_849] {strides = array<i32>} : memref<4000xi32, #tpu.memory_space<vmem>>, vector<16xi32>,
        %gather3A_851 = tpu.vector_load_idx %arg6[%get3A_846] : memref<10000xf32, #tpu.memory_space<vmem>>[vector<16xi32>], vector<16xf32>,
        tpu.vector_store_idx %arg10[%get3A_850], %gather3A_851 {add = true} : memref<10000xf32, #tpu.memory_space<vmem>>[vector<16xi32>], vector<16xf32>,
        %gather3A_852 = tpu.vector_load_idx %arg7[%get3A_846] : memref<10000xf32, #tpu.memory_space<vmem>>[vector<16xi32>], vector<16xf32>,
        tpu.vector_store_idx %arg11[%get3A_850], %gather3A_852 {add = true} : memref<10000xf32, #tpu.memory_space<vmem>>[vector<16xi32>], vector<16xf32>,
        %gather3A_853 = tpu.vector_load_idx %arg8[%get3A_846] : memref<10000xf32, #tpu.memory_space<vmem>>[vector<16xi32>], vector<16xf32>,
        tpu.vector_store_idx %arg12[%get3A_850], %gather3A_853 {add = true} : memref<10000xf32, #tpu.memory_space<vmem>>[vector<16xi32>], vector<16xf32>,
        %gather3A_854 = tpu.vector_load_idx %arg9[%get3A_846] : memref<10000xf32, #tpu.memory_space<vmem>>[vector<16xi32>], vector<16xf32>,
        tpu.vector_store_idx %arg13[%get3A_850], %gather3A_854 {add = true} : memref<10000xf32, #tpu.memory_space<vmem>>[vector<16xi32>], vector<16xf32>,
        %scan3A_855 = arith.constant 15 : i32
        %scan3A_856 = arith.addi %scan3A_586, %scan3A_855 : i32
        %mul3A_857 = arith.constant 1 : i32
        %mul3A_858 = arith.muli %scan3A_856, %mul3A_857 : i32
        %add3A_859 = arith.constant 0 : i32
        %add3A_860 = arith.addi %add3A_859, %mul3A_858 : i32
        %mul3A_861 = arith.constant 16 : i32
        %mul3A_862 = arith.muli %add3A_860, %mul3A_861 : i32
        %get3A_863 = arith.index_cast %mul3A_862 : i32 to index
        %get3A_864 = tpu.vector_load %arg14[%get3A_863] {strides = array<i32>} : memref<4000xi32, #tpu.memory_space<vmem>>, vector<16xi32>,
        %mul3A_865 = arith.constant 16 : i32
        %mul3A_866 = arith.muli %add3A_860, %mul3A_865 : i32
        %get3A_867 = arith.index_cast %mul3A_866 : i32 to index
        %get3A_868 = tpu.vector_load %arg16[%get3A_867] {strides = array<i32>} : memref<4000xi32, #tpu.memory_space<vmem>>, vector<16xi32>,
        %gather3A_869 = tpu.vector_load_idx %arg6[%get3A_864] : memref<10000xf32, #tpu.memory_space<vmem>>[vector<16xi32>], vector<16xf32>,
        tpu.vector_store_idx %arg10[%get3A_868], %gather3A_869 {add = true} : memref<10000xf32, #tpu.memory_space<vmem>>[vector<16xi32>], vector<16xf32>,
        %gather3A_870 = tpu.vector_load_idx %arg7[%get3A_864] : memref<10000xf32, #tpu.memory_space<vmem>>[vector<16xi32>], vector<16xf32>,
        tpu.vector_store_idx %arg11[%get3A_868], %gather3A_870 {add = true} : memref<10000xf32, #tpu.memory_space<vmem>>[vector<16xi32>], vector<16xf32>,
        %gather3A_871 = tpu.vector_load_idx %arg8[%get3A_864] : memref<10000xf32, #tpu.memory_space<vmem>>[vector<16xi32>], vector<16xf32>,
        tpu.vector_store_idx %arg12[%get3A_868], %gather3A_871 {add = true} : memref<10000xf32, #tpu.memory_space<vmem>>[vector<16xi32>], vector<16xf32>,
        %gather3A_872 = tpu.vector_load_idx %arg9[%get3A_864] : memref<10000xf32, #tpu.memory_space<vmem>>[vector<16xi32>], vector<16xf32>,
        tpu.vector_store_idx %arg13[%get3A_868], %gather3A_872 {add = true} : memref<10000xf32, #tpu.memory_space<vmem>>[vector<16xi32>], vector<16xf32>,
      }
      %scan3A_203 = arith.constant 240 : i32
      %scan3A_204 = arith.addi %scan3A_199, %scan3A_203 : i32
      %mul3A_205 = arith.constant 1 : i32
      %mul3A_206 = arith.muli %scan3A_204, %mul3A_205 : i32
      %add3A_207 = arith.constant 0 : i32
      %add3A_208 = arith.addi %add3A_207, %mul3A_206 : i32
      %mul3A_209 = arith.constant 16 : i32
      %mul3A_210 = arith.muli %add3A_208, %mul3A_209 : i32
      %get3A = arith.index_cast %mul3A_210 : i32 to index
      %get3A_211 = tpu.vector_load %arg14[%get3A] {strides = array<i32>} : memref<4000xi32, #tpu.memory_space<vmem>>, vector<16xi32>,
      %mul3A_212 = arith.constant 16 : i32
      %mul3A_213 = arith.muli %add3A_208, %mul3A_212 : i32
      %get3A_214 = arith.index_cast %mul3A_213 : i32 to index
      %get3A_215 = tpu.vector_load %arg16[%get3A_214] {strides = array<i32>} : memref<4000xi32, #tpu.memory_space<vmem>>, vector<16xi32>,
      %gather3A = tpu.vector_load_idx %arg6[%get3A_211] : memref<10000xf32, #tpu.memory_space<vmem>>[vector<16xi32>], vector<16xf32>,
      tpu.vector_store_idx %arg10[%get3A_215], %gather3A {add = true} : memref<10000xf32, #tpu.memory_space<vmem>>[vector<16xi32>], vector<16xf32>,
      %gather3A_216 = tpu.vector_load_idx %arg7[%get3A_211] : memref<10000xf32, #tpu.memory_space<vmem>>[vector<16xi32>], vector<16xf32>,
      tpu.vector_store_idx %arg11[%get3A_215], %gather3A_216 {add = true} : memref<10000xf32, #tpu.memory_space<vmem>>[vector<16xi32>], vector<16xf32>,
      %gather3A_217 = tpu.vector_load_idx %arg8[%get3A_211] : memref<10000xf32, #tpu.memory_space<vmem>>[vector<16xi32>], vector<16xf32>,
      tpu.vector_store_idx %arg12[%get3A_215], %gather3A_217 {add = true} : memref<10000xf32, #tpu.memory_space<vmem>>[vector<16xi32>], vector<16xf32>,
      %gather3A_218 = tpu.vector_load_idx %arg9[%get3A_211] : memref<10000xf32, #tpu.memory_space<vmem>>[vector<16xi32>], vector<16xf32>,
      tpu.vector_store_idx %arg13[%get3A_215], %gather3A_218 {add = true} : memref<10000xf32, #tpu.memory_space<vmem>>[vector<16xi32>], vector<16xf32>,
      %scan3A_219 = arith.constant 241 : i32
      %scan3A_220 = arith.addi %scan3A_199, %scan3A_219 : i32
      %mul3A_221 = arith.constant 1 : i32
      %mul3A_222 = arith.muli %scan3A_220, %mul3A_221 : i32
      %add3A_223 = arith.constant 0 : i32
      %add3A_224 = arith.addi %add3A_223, %mul3A_222 : i32
      %mul3A_225 = arith.constant 16 : i32
      %mul3A_226 = arith.muli %add3A_224, %mul3A_225 : i32
      %get3A_227 = arith.index_cast %mul3A_226 : i32 to index
      %get3A_228 = tpu.vector_load %arg14[%get3A_227] {strides = array<i32>} : memref<4000xi32, #tpu.memory_space<vmem>>, vector<16xi32>,
      %mul3A_229 = arith.constant 16 : i32
      %mul3A_230 = arith.muli %add3A_224, %mul3A_229 : i32
      %get3A_231 = arith.index_cast %mul3A_230 : i32 to index
      %get3A_232 = tpu.vector_load %arg16[%get3A_231] {strides = array<i32>} : memref<4000xi32, #tpu.memory_space<vmem>>, vector<16xi32>,
      %gather3A_233 = tpu.vector_load_idx %arg6[%get3A_228] : memref<10000xf32, #tpu.memory_space<vmem>>[vector<16xi32>], vector<16xf32>,
      tpu.vector_store_idx %arg10[%get3A_232], %gather3A_233 {add = true} : memref<10000xf32, #tpu.memory_space<vmem>>[vector<16xi32>], vector<16xf32>,
      %gather3A_234 = tpu.vector_load_idx %arg7[%get3A_228] : memref<10000xf32, #tpu.memory_space<vmem>>[vector<16xi32>], vector<16xf32>,
      tpu.vector_store_idx %arg11[%get3A_232], %gather3A_234 {add = true} : memref<10000xf32, #tpu.memory_space<vmem>>[vector<16xi32>], vector<16xf32>,
      %gather3A_235 = tpu.vector_load_idx %arg8[%get3A_228] : memref<10000xf32, #tpu.memory_space<vmem>>[vector<16xi32>], vector<16xf32>,
      tpu.vector_store_idx %arg12[%get3A_232], %gather3A_235 {add = true} : memref<10000xf32, #tpu.memory_space<vmem>>[vector<16xi32>], vector<16xf32>,
      %gather3A_236 = tpu.vector_load_idx %arg9[%get3A_228] : memref<10000xf32, #tpu.memory_space<vmem>>[vector<16xi32>], vector<16xf32>,
      tpu.vector_store_idx %arg13[%get3A_232], %gather3A_236 {add = true} : memref<10000xf32, #tpu.memory_space<vmem>>[vector<16xi32>], vector<16xf32>,
      %scan3A_237 = arith.constant 242 : i32
      %scan3A_238 = arith.addi %scan3A_199, %scan3A_237 : i32
      %mul3A_239 = arith.constant 1 : i32
      %mul3A_240 = arith.muli %scan3A_238, %mul3A_239 : i32
      %add3A_241 = arith.constant 0 : i32
      %add3A_242 = arith.addi %add3A_241, %mul3A_240 : i32
      %mul3A_243 = arith.constant 16 : i32
      %mul3A_244 = arith.muli %add3A_242, %mul3A_243 : i32
      %get3A_245 = arith.index_cast %mul3A_244 : i32 to index
      %get3A_246 = tpu.vector_load %arg14[%get3A_245] {strides = array<i32>} : memref<4000xi32, #tpu.memory_space<vmem>>, vector<16xi32>,
      %mul3A_247 = arith.constant 16 : i32
      %mul3A_248 = arith.muli %add3A_242, %mul3A_247 : i32
      %get3A_249 = arith.index_cast %mul3A_248 : i32 to index
      %get3A_250 = tpu.vector_load %arg16[%get3A_249] {strides = array<i32>} : memref<4000xi32, #tpu.memory_space<vmem>>, vector<16xi32>,
      %gather3A_251 = tpu.vector_load_idx %arg6[%get3A_246] : memref<10000xf32, #tpu.memory_space<vmem>>[vector<16xi32>], vector<16xf32>,
      tpu.vector_store_idx %arg10[%get3A_250], %gather3A_251 {add = true} : memref<10000xf32, #tpu.memory_space<vmem>>[vector<16xi32>], vector<16xf32>,
      %gather3A_252 = tpu.vector_load_idx %arg7[%get3A_246] : memref<10000xf32, #tpu.memory_space<vmem>>[vector<16xi32>], vector<16xf32>,
      tpu.vector_store_idx %arg11[%get3A_250], %gather3A_252 {add = true} : memref<10000xf32, #tpu.memory_space<vmem>>[vector<16xi32>], vector<16xf32>,
      %gather3A_253 = tpu.vector_load_idx %arg8[%get3A_246] : memref<10000xf32, #tpu.memory_space<vmem>>[vector<16xi32>], vector<16xf32>,
      tpu.vector_store_idx %arg12[%get3A_250], %gather3A_253 {add = true} : memref<10000xf32, #tpu.memory_space<vmem>>[vector<16xi32>], vector<16xf32>,
      %gather3A_254 = tpu.vector_load_idx %arg9[%get3A_246] : memref<10000xf32, #tpu.memory_space<vmem>>[vector<16xi32>], vector<16xf32>,
      tpu.vector_store_idx %arg13[%get3A_250], %gather3A_254 {add = true} : memref<10000xf32, #tpu.memory_space<vmem>>[vector<16xi32>], vector<16xf32>,
      %scan3A_255 = arith.constant 243 : i32
      %scan3A_256 = arith.addi %scan3A_199, %scan3A_255 : i32
      %mul3A_257 = arith.constant 1 : i32
      %mul3A_258 = arith.muli %scan3A_256, %mul3A_257 : i32
      %add3A_259 = arith.constant 0 : i32
      %add3A_260 = arith.addi %add3A_259, %mul3A_258 : i32
      %mul3A_261 = arith.constant 16 : i32
      %mul3A_262 = arith.muli %add3A_260, %mul3A_261 : i32
      %get3A_263 = arith.index_cast %mul3A_262 : i32 to index
      %get3A_264 = tpu.vector_load %arg14[%get3A_263] {strides = array<i32>} : memref<4000xi32, #tpu.memory_space<vmem>>, vector<16xi32>,
      %mul3A_265 = arith.constant 16 : i32
      %mul3A_266 = arith.muli %add3A_260, %mul3A_265 : i32
      %get3A_267 = arith.index_cast %mul3A_266 : i32 to index
      %get3A_268 = tpu.vector_load %arg16[%get3A_267] {strides = array<i32>} : memref<4000xi32, #tpu.memory_space<vmem>>, vector<16xi32>,
      %gather3A_269 = tpu.vector_load_idx %arg6[%get3A_264] : memref<10000xf32, #tpu.memory_space<vmem>>[vector<16xi32>], vector<16xf32>,
      tpu.vector_store_idx %arg10[%get3A_268], %gather3A_269 {add = true} : memref<10000xf32, #tpu.memory_space<vmem>>[vector<16xi32>], vector<16xf32>,
      %gather3A_270 = tpu.vector_load_idx %arg7[%get3A_264] : memref<10000xf32, #tpu.memory_space<vmem>>[vector<16xi32>], vector<16xf32>,
      tpu.vector_store_idx %arg11[%get3A_268], %gather3A_270 {add = true} : memref<10000xf32, #tpu.memory_space<vmem>>[vector<16xi32>], vector<16xf32>,
      %gather3A_271 = tpu.vector_load_idx %arg8[%get3A_264] : memref<10000xf32, #tpu.memory_space<vmem>>[vector<16xi32>], vector<16xf32>,
      tpu.vector_store_idx %arg12[%get3A_268], %gather3A_271 {add = true} : memref<10000xf32, #tpu.memory_space<vmem>>[vector<16xi32>], vector<16xf32>,
      %gather3A_272 = tpu.vector_load_idx %arg9[%get3A_264] : memref<10000xf32, #tpu.memory_space<vmem>>[vector<16xi32>], vector<16xf32>,
      tpu.vector_store_idx %arg13[%get3A_268], %gather3A_272 {add = true} : memref<10000xf32, #tpu.memory_space<vmem>>[vector<16xi32>], vector<16xf32>,
      %scan3A_273 = arith.constant 244 : i32
      %scan3A_274 = arith.addi %scan3A_199, %scan3A_273 : i32
      %mul3A_275 = arith.constant 1 : i32
      %mul3A_276 = arith.muli %scan3A_274, %mul3A_275 : i32
      %add3A_277 = arith.constant 0 : i32
      %add3A_278 = arith.addi %add3A_277, %mul3A_276 : i32
      %mul3A_279 = arith.constant 16 : i32
      %mul3A_280 = arith.muli %add3A_278, %mul3A_279 : i32
      %get3A_281 = arith.index_cast %mul3A_280 : i32 to index
      %get3A_282 = tpu.vector_load %arg14[%get3A_281] {strides = array<i32>} : memref<4000xi32, #tpu.memory_space<vmem>>, vector<16xi32>,
      %mul3A_283 = arith.constant 16 : i32
      %mul3A_284 = arith.muli %add3A_278, %mul3A_283 : i32
      %get3A_285 = arith.index_cast %mul3A_284 : i32 to index
      %get3A_286 = tpu.vector_load %arg16[%get3A_285] {strides = array<i32>} : memref<4000xi32, #tpu.memory_space<vmem>>, vector<16xi32>,
      %gather3A_287 = tpu.vector_load_idx %arg6[%get3A_282] : memref<10000xf32, #tpu.memory_space<vmem>>[vector<16xi32>], vector<16xf32>,
      tpu.vector_store_idx %arg10[%get3A_286], %gather3A_287 {add = true} : memref<10000xf32, #tpu.memory_space<vmem>>[vector<16xi32>], vector<16xf32>,
      %gather3A_288 = tpu.vector_load_idx %arg7[%get3A_282] : memref<10000xf32, #tpu.memory_space<vmem>>[vector<16xi32>], vector<16xf32>,
      tpu.vector_store_idx %arg11[%get3A_286], %gather3A_288 {add = true} : memref<10000xf32, #tpu.memory_space<vmem>>[vector<16xi32>], vector<16xf32>,
      %gather3A_289 = tpu.vector_load_idx %arg8[%get3A_282] : memref<10000xf32, #tpu.memory_space<vmem>>[vector<16xi32>], vector<16xf32>,
      tpu.vector_store_idx %arg12[%get3A_286], %gather3A_289 {add = true} : memref<10000xf32, #tpu.memory_space<vmem>>[vector<16xi32>], vector<16xf32>,
      %gather3A_290 = tpu.vector_load_idx %arg9[%get3A_282] : memref<10000xf32, #tpu.memory_space<vmem>>[vector<16xi32>], vector<16xf32>,
      tpu.vector_store_idx %arg13[%get3A_286], %gather3A_290 {add = true} : memref<10000xf32, #tpu.memory_space<vmem>>[vector<16xi32>], vector<16xf32>,
      %scan3A_291 = arith.constant 245 : i32
      %scan3A_292 = arith.addi %scan3A_199, %scan3A_291 : i32
      %mul3A_293 = arith.constant 1 : i32
      %mul3A_294 = arith.muli %scan3A_292, %mul3A_293 : i32
      %add3A_295 = arith.constant 0 : i32
      %add3A_296 = arith.addi %add3A_295, %mul3A_294 : i32
      %mul3A_297 = arith.constant 16 : i32
      %mul3A_298 = arith.muli %add3A_296, %mul3A_297 : i32
      %get3A_299 = arith.index_cast %mul3A_298 : i32 to index
      %get3A_300 = tpu.vector_load %arg14[%get3A_299] {strides = array<i32>} : memref<4000xi32, #tpu.memory_space<vmem>>, vector<16xi32>,
      %mul3A_301 = arith.constant 16 : i32
      %mul3A_302 = arith.muli %add3A_296, %mul3A_301 : i32
      %get3A_303 = arith.index_cast %mul3A_302 : i32 to index
      %get3A_304 = tpu.vector_load %arg16[%get3A_303] {strides = array<i32>} : memref<4000xi32, #tpu.memory_space<vmem>>, vector<16xi32>,
      %gather3A_305 = tpu.vector_load_idx %arg6[%get3A_300] : memref<10000xf32, #tpu.memory_space<vmem>>[vector<16xi32>], vector<16xf32>,
      tpu.vector_store_idx %arg10[%get3A_304], %gather3A_305 {add = true} : memref<10000xf32, #tpu.memory_space<vmem>>[vector<16xi32>], vector<16xf32>,
      %gather3A_306 = tpu.vector_load_idx %arg7[%get3A_300] : memref<10000xf32, #tpu.memory_space<vmem>>[vector<16xi32>], vector<16xf32>,
      tpu.vector_store_idx %arg11[%get3A_304], %gather3A_306 {add = true} : memref<10000xf32, #tpu.memory_space<vmem>>[vector<16xi32>], vector<16xf32>,
      %gather3A_307 = tpu.vector_load_idx %arg8[%get3A_300] : memref<10000xf32, #tpu.memory_space<vmem>>[vector<16xi32>], vector<16xf32>,
      tpu.vector_store_idx %arg12[%get3A_304], %gather3A_307 {add = true} : memref<10000xf32, #tpu.memory_space<vmem>>[vector<16xi32>], vector<16xf32>,
      %gather3A_308 = tpu.vector_load_idx %arg9[%get3A_300] : memref<10000xf32, #tpu.memory_space<vmem>>[vector<16xi32>], vector<16xf32>,
      tpu.vector_store_idx %arg13[%get3A_304], %gather3A_308 {add = true} : memref<10000xf32, #tpu.memory_space<vmem>>[vector<16xi32>], vector<16xf32>,
      %scan3A_309 = arith.constant 246 : i32
      %scan3A_310 = arith.addi %scan3A_199, %scan3A_309 : i32
      %mul3A_311 = arith.constant 1 : i32
      %mul3A_312 = arith.muli %scan3A_310, %mul3A_311 : i32
      %add3A_313 = arith.constant 0 : i32
      %add3A_314 = arith.addi %add3A_313, %mul3A_312 : i32
      %mul3A_315 = arith.constant 16 : i32
      %mul3A_316 = arith.muli %add3A_314, %mul3A_315 : i32
      %get3A_317 = arith.index_cast %mul3A_316 : i32 to index
      %get3A_318 = tpu.vector_load %arg14[%get3A_317] {strides = array<i32>} : memref<4000xi32, #tpu.memory_space<vmem>>, vector<16xi32>,
      %mul3A_319 = arith.constant 16 : i32
      %mul3A_320 = arith.muli %add3A_314, %mul3A_319 : i32
      %get3A_321 = arith.index_cast %mul3A_320 : i32 to index
      %get3A_322 = tpu.vector_load %arg16[%get3A_321] {strides = array<i32>} : memref<4000xi32, #tpu.memory_space<vmem>>, vector<16xi32>,
      %gather3A_323 = tpu.vector_load_idx %arg6[%get3A_318] : memref<10000xf32, #tpu.memory_space<vmem>>[vector<16xi32>], vector<16xf32>,
      tpu.vector_store_idx %arg10[%get3A_322], %gather3A_323 {add = true} : memref<10000xf32, #tpu.memory_space<vmem>>[vector<16xi32>], vector<16xf32>,
      %gather3A_324 = tpu.vector_load_idx %arg7[%get3A_318] : memref<10000xf32, #tpu.memory_space<vmem>>[vector<16xi32>], vector<16xf32>,
      tpu.vector_store_idx %arg11[%get3A_322], %gather3A_324 {add = true} : memref<10000xf32, #tpu.memory_space<vmem>>[vector<16xi32>], vector<16xf32>,
      %gather3A_325 = tpu.vector_load_idx %arg8[%get3A_318] : memref<10000xf32, #tpu.memory_space<vmem>>[vector<16xi32>], vector<16xf32>,
      tpu.vector_store_idx %arg12[%get3A_322], %gather3A_325 {add = true} : memref<10000xf32, #tpu.memory_space<vmem>>[vector<16xi32>], vector<16xf32>,
      %gather3A_326 = tpu.vector_load_idx %arg9[%get3A_318] : memref<10000xf32, #tpu.memory_space<vmem>>[vector<16xi32>], vector<16xf32>,
      tpu.vector_store_idx %arg13[%get3A_322], %gather3A_326 {add = true} : memref<10000xf32, #tpu.memory_space<vmem>>[vector<16xi32>], vector<16xf32>,
      %scan3A_327 = arith.constant 247 : i32
      %scan3A_328 = arith.addi %scan3A_199, %scan3A_327 : i32
      %mul3A_329 = arith.constant 1 : i32
      %mul3A_330 = arith.muli %scan3A_328, %mul3A_329 : i32
      %add3A_331 = arith.constant 0 : i32
      %add3A_332 = arith.addi %add3A_331, %mul3A_330 : i32
      %mul3A_333 = arith.constant 16 : i32
      %mul3A_334 = arith.muli %add3A_332, %mul3A_333 : i32
      %get3A_335 = arith.index_cast %mul3A_334 : i32 to index
      %get3A_336 = tpu.vector_load %arg14[%get3A_335] {strides = array<i32>} : memref<4000xi32, #tpu.memory_space<vmem>>, vector<16xi32>,
      %mul3A_337 = arith.constant 16 : i32
      %mul3A_338 = arith.muli %add3A_332, %mul3A_337 : i32
      %get3A_339 = arith.index_cast %mul3A_338 : i32 to index
      %get3A_340 = tpu.vector_load %arg16[%get3A_339] {strides = array<i32>} : memref<4000xi32, #tpu.memory_space<vmem>>, vector<16xi32>,
      %gather3A_341 = tpu.vector_load_idx %arg6[%get3A_336] : memref<10000xf32, #tpu.memory_space<vmem>>[vector<16xi32>], vector<16xf32>,
      tpu.vector_store_idx %arg10[%get3A_340], %gather3A_341 {add = true} : memref<10000xf32, #tpu.memory_space<vmem>>[vector<16xi32>], vector<16xf32>,
      %gather3A_342 = tpu.vector_load_idx %arg7[%get3A_336] : memref<10000xf32, #tpu.memory_space<vmem>>[vector<16xi32>], vector<16xf32>,
      tpu.vector_store_idx %arg11[%get3A_340], %gather3A_342 {add = true} : memref<10000xf32, #tpu.memory_space<vmem>>[vector<16xi32>], vector<16xf32>,
      %gather3A_343 = tpu.vector_load_idx %arg8[%get3A_336] : memref<10000xf32, #tpu.memory_space<vmem>>[vector<16xi32>], vector<16xf32>,
      tpu.vector_store_idx %arg12[%get3A_340], %gather3A_343 {add = true} : memref<10000xf32, #tpu.memory_space<vmem>>[vector<16xi32>], vector<16xf32>,
      %gather3A_344 = tpu.vector_load_idx %arg9[%get3A_336] : memref<10000xf32, #tpu.memory_space<vmem>>[vector<16xi32>], vector<16xf32>,
      tpu.vector_store_idx %arg13[%get3A_340], %gather3A_344 {add = true} : memref<10000xf32, #tpu.memory_space<vmem>>[vector<16xi32>], vector<16xf32>,
      %scan3A_345 = arith.constant 248 : i32
      %scan3A_346 = arith.addi %scan3A_199, %scan3A_345 : i32
      %mul3A_347 = arith.constant 1 : i32
      %mul3A_348 = arith.muli %scan3A_346, %mul3A_347 : i32
      %add3A_349 = arith.constant 0 : i32
      %add3A_350 = arith.addi %add3A_349, %mul3A_348 : i32
      %mul3A_351 = arith.constant 16 : i32
      %mul3A_352 = arith.muli %add3A_350, %mul3A_351 : i32
      %get3A_353 = arith.index_cast %mul3A_352 : i32 to index
      %get3A_354 = tpu.vector_load %arg14[%get3A_353] {strides = array<i32>} : memref<4000xi32, #tpu.memory_space<vmem>>, vector<16xi32>,
      %mul3A_355 = arith.constant 16 : i32
      %mul3A_356 = arith.muli %add3A_350, %mul3A_355 : i32
      %get3A_357 = arith.index_cast %mul3A_356 : i32 to index
      %get3A_358 = tpu.vector_load %arg16[%get3A_357] {strides = array<i32>} : memref<4000xi32, #tpu.memory_space<vmem>>, vector<16xi32>,
      %gather3A_359 = tpu.vector_load_idx %arg6[%get3A_354] : memref<10000xf32, #tpu.memory_space<vmem>>[vector<16xi32>], vector<16xf32>,
      tpu.vector_store_idx %arg10[%get3A_358], %gather3A_359 {add = true} : memref<10000xf32, #tpu.memory_space<vmem>>[vector<16xi32>], vector<16xf32>,
      %gather3A_360 = tpu.vector_load_idx %arg7[%get3A_354] : memref<10000xf32, #tpu.memory_space<vmem>>[vector<16xi32>], vector<16xf32>,
      tpu.vector_store_idx %arg11[%get3A_358], %gather3A_360 {add = true} : memref<10000xf32, #tpu.memory_space<vmem>>[vector<16xi32>], vector<16xf32>,
      %gather3A_361 = tpu.vector_load_idx %arg8[%get3A_354] : memref<10000xf32, #tpu.memory_space<vmem>>[vector<16xi32>], vector<16xf32>,
      tpu.vector_store_idx %arg12[%get3A_358], %gather3A_361 {add = true} : memref<10000xf32, #tpu.memory_space<vmem>>[vector<16xi32>], vector<16xf32>,
      %gather3A_362 = tpu.vector_load_idx %arg9[%get3A_354] : memref<10000xf32, #tpu.memory_space<vmem>>[vector<16xi32>], vector<16xf32>,
      tpu.vector_store_idx %arg13[%get3A_358], %gather3A_362 {add = true} : memref<10000xf32, #tpu.memory_space<vmem>>[vector<16xi32>], vector<16xf32>,
      %scan3A_363 = arith.constant 249 : i32
      %scan3A_364 = arith.addi %scan3A_199, %scan3A_363 : i32
      %mul3A_365 = arith.constant 1 : i32
      %mul3A_366 = arith.muli %scan3A_364, %mul3A_365 : i32
      %add3A_367 = arith.constant 0 : i32
      %add3A_368 = arith.addi %add3A_367, %mul3A_366 : i32
      %mul3A_369 = arith.constant 16 : i32
      %mul3A_370 = arith.muli %add3A_368, %mul3A_369 : i32
      %get3A_371 = arith.index_cast %mul3A_370 : i32 to index
      %get3A_372 = tpu.vector_load %arg14[%get3A_371] {strides = array<i32>} : memref<4000xi32, #tpu.memory_space<vmem>>, vector<16xi32>,
      %mul3A_373 = arith.constant 16 : i32
      %mul3A_374 = arith.muli %add3A_368, %mul3A_373 : i32
      %get3A_375 = arith.index_cast %mul3A_374 : i32 to index
      %get3A_376 = tpu.vector_load %arg16[%get3A_375] {strides = array<i32>} : memref<4000xi32, #tpu.memory_space<vmem>>, vector<16xi32>,
      %gather3A_377 = tpu.vector_load_idx %arg6[%get3A_372] : memref<10000xf32, #tpu.memory_space<vmem>>[vector<16xi32>], vector<16xf32>,
      tpu.vector_store_idx %arg10[%get3A_376], %gather3A_377 {add = true} : memref<10000xf32, #tpu.memory_space<vmem>>[vector<16xi32>], vector<16xf32>,
      %gather3A_378 = tpu.vector_load_idx %arg7[%get3A_372] : memref<10000xf32, #tpu.memory_space<vmem>>[vector<16xi32>], vector<16xf32>,
      tpu.vector_store_idx %arg11[%get3A_376], %gather3A_378 {add = true} : memref<10000xf32, #tpu.memory_space<vmem>>[vector<16xi32>], vector<16xf32>,
      %gather3A_379 = tpu.vector_load_idx %arg8[%get3A_372] : memref<10000xf32, #tpu.memory_space<vmem>>[vector<16xi32>], vector<16xf32>,
      tpu.vector_store_idx %arg12[%get3A_376], %gather3A_379 {add = true} : memref<10000xf32, #tpu.memory_space<vmem>>[vector<16xi32>], vector<16xf32>,
      %gather3A_380 = tpu.vector_load_idx %arg9[%get3A_372] : memref<10000xf32, #tpu.memory_space<vmem>>[vector<16xi32>], vector<16xf32>,
      tpu.vector_store_idx %arg13[%get3A_376], %gather3A_380 {add = true} : memref<10000xf32, #tpu.memory_space<vmem>>[vector<16xi32>], vector<16xf32>,
      %scan3A_381 = arith.constant 250 : i32
      %mul3A_382 = arith.constant 2 : i32
      %mul3A_383 = arith.muli %add3A_183, %mul3A_382 : i32
      %add3A_384 = arith.constant 1 : i32
      %add3A_385 = arith.addi %mul3A_383, %add3A_384 : i32
      %mul3A_386 = arith.constant 4000 : i32
      %mul3A_387 = arith.muli %add3A_385, %mul3A_386 : i32
      %add3A_388 = arith.addi %mul3A_33, %mul3A_387 : i32
      %dma_wait3A_389 = tpu.memref_slice %arg3[%add3A_388] : memref<320000xi32, #tpu.memory_space<hbm>> -> memref<4000xi32, #tpu.memory_space<hbm>>
      %dma_wait3A_390 = tpu.memref_slice %arg3[%add3A_388] : memref<320000xi32, #tpu.memory_space<hbm>> -> memref<4000xi32, #tpu.memory_space<hbm>>
      tpu.wait_dma2 semaphore(%arg19 : memref<!tpu.dma_semaphore, #tpu.memory_space<semaphore_mem>>) src(%dma_wait3A_390 : memref<4000xi32, #tpu.memory_space<hbm>>) dst(%arg15 : memref<4000xi32, #tpu.memory_space<vmem>>)
      %mul3A_391 = arith.constant 4000 : i32
      %mul3A_392 = arith.muli %add3A_385, %mul3A_391 : i32
      %add3A_393 = arith.addi %mul3A_33, %mul3A_392 : i32
      %dma_wait3A_394 = tpu.memref_slice %arg4[%add3A_393] : memref<320000xi32, #tpu.memory_space<hbm>> -> memref<4000xi32, #tpu.memory_space<hbm>>
      %dma_wait3A_395 = tpu.memref_slice %arg4[%add3A_393] : memref<320000xi32, #tpu.memory_space<hbm>> -> memref<4000xi32, #tpu.memory_space<hbm>>
      tpu.wait_dma2 semaphore(%arg21 : memref<!tpu.dma_semaphore, #tpu.memory_space<semaphore_mem>>) src(%dma_wait3A_395 : memref<4000xi32, #tpu.memory_space<hbm>>) dst(%arg17 : memref<4000xi32, #tpu.memory_space<vmem>>)
      %lt3A_396 = arith.constant 9 : i32
      %lt3A_397 = arith.cmpi slt, %add3A_385, %lt3A_396 : i32
      %convert_element_type3A_398 = arith.extui %lt3A_397 : i1 to i32
      %cond3A_399 = arith.constant 0 : i32
      %cond3A_400 = arith.cmpi ne, %convert_element_type3A_398, %cond3A_399 : i32
      scf.if %cond3A_400 {
        %add3A_586 = arith.constant 1 : i32
        %add3A_587 = arith.addi %add3A_385, %add3A_586 : i32
        %mul3A_588 = arith.constant 4000 : i32
        %mul3A_589 = arith.muli %add3A_587, %mul3A_588 : i32
        %add3A_590 = arith.addi %mul3A_33, %mul3A_589 : i32
        %dma_start3A_591 = tpu.memref_slice %arg3[%add3A_590] : memref<320000xi32, #tpu.memory_space<hbm>> -> memref<4000xi32, #tpu.memory_space<hbm>>
        %dma_start3A_592 = tpu.memref_slice %arg3[%add3A_590] : memref<320000xi32, #tpu.memory_space<hbm>> -> memref<4000xi32, #tpu.memory_space<hbm>>
        tpu.enqueue_dma source(%dma_start3A_592 : memref<4000xi32, #tpu.memory_space<hbm>>) target(%arg14 : memref<4000xi32, #tpu.memory_space<vmem>>) target_semaphore(%arg18 : memref<!tpu.dma_semaphore, #tpu.memory_space<semaphore_mem>>)
        %dma_start3A_593 = tpu.memref_slice %arg4[%add3A_590] : memref<320000xi32, #tpu.memory_space<hbm>> -> memref<4000xi32, #tpu.memory_space<hbm>>
        %dma_start3A_594 = tpu.memref_slice %arg4[%add3A_590] : memref<320000xi32, #tpu.memory_space<hbm>> -> memref<4000xi32, #tpu.memory_space<hbm>>
        tpu.enqueue_dma source(%dma_start3A_594 : memref<4000xi32, #tpu.memory_space<hbm>>) target(%arg16 : memref<4000xi32, #tpu.memory_space<vmem>>) target_semaphore(%arg20 : memref<!tpu.dma_semaphore, #tpu.memory_space<semaphore_mem>>)
      } else {
      }
      %scan3A_401 = arith.constant 0 : i32
      %scan3A_402 = arith.constant 240 : i32
      %scan3A_403 = arith.addi %scan3A_401, %scan3A_402 : i32
      %scan3A_404 = arith.constant 16 : i32
      scf.for %scan3A_586 = %scan3A_401 to %scan3A_403 step %scan3A_404  : i32 {
        %mul3A_587 = arith.constant 1 : i32
        %mul3A_588 = arith.muli %scan3A_586, %mul3A_587 : i32
        %add3A_589 = arith.constant 0 : i32
        %add3A_590 = arith.addi %add3A_589, %mul3A_588 : i32
        %mul3A_591 = arith.constant 16 : i32
        %mul3A_592 = arith.muli %add3A_590, %mul3A_591 : i32
        %get3A_593 = arith.index_cast %mul3A_592 : i32 to index
        %get3A_594 = tpu.vector_load %arg15[%get3A_593] {strides = array<i32>} : memref<4000xi32, #tpu.memory_space<vmem>>, vector<16xi32>,
        %mul3A_595 = arith.constant 16 : i32
        %mul3A_596 = arith.muli %add3A_590, %mul3A_595 : i32
        %get3A_597 = arith.index_cast %mul3A_596 : i32 to index
        %get3A_598 = tpu.vector_load %arg17[%get3A_597] {strides = array<i32>} : memref<4000xi32, #tpu.memory_space<vmem>>, vector<16xi32>,
        %gather3A_599 = tpu.vector_load_idx %arg6[%get3A_594] : memref<10000xf32, #tpu.memory_space<vmem>>[vector<16xi32>], vector<16xf32>,
        tpu.vector_store_idx %arg10[%get3A_598], %gather3A_599 {add = true} : memref<10000xf32, #tpu.memory_space<vmem>>[vector<16xi32>], vector<16xf32>,
        %gather3A_600 = tpu.vector_load_idx %arg7[%get3A_594] : memref<10000xf32, #tpu.memory_space<vmem>>[vector<16xi32>], vector<16xf32>,
        tpu.vector_store_idx %arg11[%get3A_598], %gather3A_600 {add = true} : memref<10000xf32, #tpu.memory_space<vmem>>[vector<16xi32>], vector<16xf32>,
        %gather3A_601 = tpu.vector_load_idx %arg8[%get3A_594] : memref<10000xf32, #tpu.memory_space<vmem>>[vector<16xi32>], vector<16xf32>,
        tpu.vector_store_idx %arg12[%get3A_598], %gather3A_601 {add = true} : memref<10000xf32, #tpu.memory_space<vmem>>[vector<16xi32>], vector<16xf32>,
        %gather3A_602 = tpu.vector_load_idx %arg9[%get3A_594] : memref<10000xf32, #tpu.memory_space<vmem>>[vector<16xi32>], vector<16xf32>,
        tpu.vector_store_idx %arg13[%get3A_598], %gather3A_602 {add = true} : memref<10000xf32, #tpu.memory_space<vmem>>[vector<16xi32>], vector<16xf32>,
        %scan3A_603 = arith.constant 1 : i32
        %scan3A_604 = arith.addi %scan3A_586, %scan3A_603 : i32
        %mul3A_605 = arith.constant 1 : i32
        %mul3A_606 = arith.muli %scan3A_604, %mul3A_605 : i32
        %add3A_607 = arith.constant 0 : i32
        %add3A_608 = arith.addi %add3A_607, %mul3A_606 : i32
        %mul3A_609 = arith.constant 16 : i32
        %mul3A_610 = arith.muli %add3A_608, %mul3A_609 : i32
        %get3A_611 = arith.index_cast %mul3A_610 : i32 to index
        %get3A_612 = tpu.vector_load %arg15[%get3A_611] {strides = array<i32>} : memref<4000xi32, #tpu.memory_space<vmem>>, vector<16xi32>,
        %mul3A_613 = arith.constant 16 : i32
        %mul3A_614 = arith.muli %add3A_608, %mul3A_613 : i32
        %get3A_615 = arith.index_cast %mul3A_614 : i32 to index
        %get3A_616 = tpu.vector_load %arg17[%get3A_615] {strides = array<i32>} : memref<4000xi32, #tpu.memory_space<vmem>>, vector<16xi32>,
        %gather3A_617 = tpu.vector_load_idx %arg6[%get3A_612] : memref<10000xf32, #tpu.memory_space<vmem>>[vector<16xi32>], vector<16xf32>,
        tpu.vector_store_idx %arg10[%get3A_616], %gather3A_617 {add = true} : memref<10000xf32, #tpu.memory_space<vmem>>[vector<16xi32>], vector<16xf32>,
        %gather3A_618 = tpu.vector_load_idx %arg7[%get3A_612] : memref<10000xf32, #tpu.memory_space<vmem>>[vector<16xi32>], vector<16xf32>,
        tpu.vector_store_idx %arg11[%get3A_616], %gather3A_618 {add = true} : memref<10000xf32, #tpu.memory_space<vmem>>[vector<16xi32>], vector<16xf32>,
        %gather3A_619 = tpu.vector_load_idx %arg8[%get3A_612] : memref<10000xf32, #tpu.memory_space<vmem>>[vector<16xi32>], vector<16xf32>,
        tpu.vector_store_idx %arg12[%get3A_616], %gather3A_619 {add = true} : memref<10000xf32, #tpu.memory_space<vmem>>[vector<16xi32>], vector<16xf32>,
        %gather3A_620 = tpu.vector_load_idx %arg9[%get3A_612] : memref<10000xf32, #tpu.memory_space<vmem>>[vector<16xi32>], vector<16xf32>,
        tpu.vector_store_idx %arg13[%get3A_616], %gather3A_620 {add = true} : memref<10000xf32, #tpu.memory_space<vmem>>[vector<16xi32>], vector<16xf32>,
        %scan3A_621 = arith.constant 2 : i32
        %scan3A_622 = arith.addi %scan3A_586, %scan3A_621 : i32
        %mul3A_623 = arith.constant 1 : i32
        %mul3A_624 = arith.muli %scan3A_622, %mul3A_623 : i32
        %add3A_625 = arith.constant 0 : i32
        %add3A_626 = arith.addi %add3A_625, %mul3A_624 : i32
        %mul3A_627 = arith.constant 16 : i32
        %mul3A_628 = arith.muli %add3A_626, %mul3A_627 : i32
        %get3A_629 = arith.index_cast %mul3A_628 : i32 to index
        %get3A_630 = tpu.vector_load %arg15[%get3A_629] {strides = array<i32>} : memref<4000xi32, #tpu.memory_space<vmem>>, vector<16xi32>,
        %mul3A_631 = arith.constant 16 : i32
        %mul3A_632 = arith.muli %add3A_626, %mul3A_631 : i32
        %get3A_633 = arith.index_cast %mul3A_632 : i32 to index
        %get3A_634 = tpu.vector_load %arg17[%get3A_633] {strides = array<i32>} : memref<4000xi32, #tpu.memory_space<vmem>>, vector<16xi32>,
        %gather3A_635 = tpu.vector_load_idx %arg6[%get3A_630] : memref<10000xf32, #tpu.memory_space<vmem>>[vector<16xi32>], vector<16xf32>,
        tpu.vector_store_idx %arg10[%get3A_634], %gather3A_635 {add = true} : memref<10000xf32, #tpu.memory_space<vmem>>[vector<16xi32>], vector<16xf32>,
        %gather3A_636 = tpu.vector_load_idx %arg7[%get3A_630] : memref<10000xf32, #tpu.memory_space<vmem>>[vector<16xi32>], vector<16xf32>,
        tpu.vector_store_idx %arg11[%get3A_634], %gather3A_636 {add = true} : memref<10000xf32, #tpu.memory_space<vmem>>[vector<16xi32>], vector<16xf32>,
        %gather3A_637 = tpu.vector_load_idx %arg8[%get3A_630] : memref<10000xf32, #tpu.memory_space<vmem>>[vector<16xi32>], vector<16xf32>,
        tpu.vector_store_idx %arg12[%get3A_634], %gather3A_637 {add = true} : memref<10000xf32, #tpu.memory_space<vmem>>[vector<16xi32>], vector<16xf32>,
        %gather3A_638 = tpu.vector_load_idx %arg9[%get3A_630] : memref<10000xf32, #tpu.memory_space<vmem>>[vector<16xi32>], vector<16xf32>,
        tpu.vector_store_idx %arg13[%get3A_634], %gather3A_638 {add = true} : memref<10000xf32, #tpu.memory_space<vmem>>[vector<16xi32>], vector<16xf32>,
        %scan3A_639 = arith.constant 3 : i32
        %scan3A_640 = arith.addi %scan3A_586, %scan3A_639 : i32
        %mul3A_641 = arith.constant 1 : i32
        %mul3A_642 = arith.muli %scan3A_640, %mul3A_641 : i32
        %add3A_643 = arith.constant 0 : i32
        %add3A_644 = arith.addi %add3A_643, %mul3A_642 : i32
        %mul3A_645 = arith.constant 16 : i32
        %mul3A_646 = arith.muli %add3A_644, %mul3A_645 : i32
        %get3A_647 = arith.index_cast %mul3A_646 : i32 to index
        %get3A_648 = tpu.vector_load %arg15[%get3A_647] {strides = array<i32>} : memref<4000xi32, #tpu.memory_space<vmem>>, vector<16xi32>,
        %mul3A_649 = arith.constant 16 : i32
        %mul3A_650 = arith.muli %add3A_644, %mul3A_649 : i32
        %get3A_651 = arith.index_cast %mul3A_650 : i32 to index
        %get3A_652 = tpu.vector_load %arg17[%get3A_651] {strides = array<i32>} : memref<4000xi32, #tpu.memory_space<vmem>>, vector<16xi32>,
        %gather3A_653 = tpu.vector_load_idx %arg6[%get3A_648] : memref<10000xf32, #tpu.memory_space<vmem>>[vector<16xi32>], vector<16xf32>,
        tpu.vector_store_idx %arg10[%get3A_652], %gather3A_653 {add = true} : memref<10000xf32, #tpu.memory_space<vmem>>[vector<16xi32>], vector<16xf32>,
        %gather3A_654 = tpu.vector_load_idx %arg7[%get3A_648] : memref<10000xf32, #tpu.memory_space<vmem>>[vector<16xi32>], vector<16xf32>,
        tpu.vector_store_idx %arg11[%get3A_652], %gather3A_654 {add = true} : memref<10000xf32, #tpu.memory_space<vmem>>[vector<16xi32>], vector<16xf32>,
        %gather3A_655 = tpu.vector_load_idx %arg8[%get3A_648] : memref<10000xf32, #tpu.memory_space<vmem>>[vector<16xi32>], vector<16xf32>,
        tpu.vector_store_idx %arg12[%get3A_652], %gather3A_655 {add = true} : memref<10000xf32, #tpu.memory_space<vmem>>[vector<16xi32>], vector<16xf32>,
        %gather3A_656 = tpu.vector_load_idx %arg9[%get3A_648] : memref<10000xf32, #tpu.memory_space<vmem>>[vector<16xi32>], vector<16xf32>,
        tpu.vector_store_idx %arg13[%get3A_652], %gather3A_656 {add = true} : memref<10000xf32, #tpu.memory_space<vmem>>[vector<16xi32>], vector<16xf32>,
        %scan3A_657 = arith.constant 4 : i32
        %scan3A_658 = arith.addi %scan3A_586, %scan3A_657 : i32
        %mul3A_659 = arith.constant 1 : i32
        %mul3A_660 = arith.muli %scan3A_658, %mul3A_659 : i32
        %add3A_661 = arith.constant 0 : i32
        %add3A_662 = arith.addi %add3A_661, %mul3A_660 : i32
        %mul3A_663 = arith.constant 16 : i32
        %mul3A_664 = arith.muli %add3A_662, %mul3A_663 : i32
        %get3A_665 = arith.index_cast %mul3A_664 : i32 to index
        %get3A_666 = tpu.vector_load %arg15[%get3A_665] {strides = array<i32>} : memref<4000xi32, #tpu.memory_space<vmem>>, vector<16xi32>,
        %mul3A_667 = arith.constant 16 : i32
        %mul3A_668 = arith.muli %add3A_662, %mul3A_667 : i32
        %get3A_669 = arith.index_cast %mul3A_668 : i32 to index
        %get3A_670 = tpu.vector_load %arg17[%get3A_669] {strides = array<i32>} : memref<4000xi32, #tpu.memory_space<vmem>>, vector<16xi32>,
        %gather3A_671 = tpu.vector_load_idx %arg6[%get3A_666] : memref<10000xf32, #tpu.memory_space<vmem>>[vector<16xi32>], vector<16xf32>,
        tpu.vector_store_idx %arg10[%get3A_670], %gather3A_671 {add = true} : memref<10000xf32, #tpu.memory_space<vmem>>[vector<16xi32>], vector<16xf32>,
        %gather3A_672 = tpu.vector_load_idx %arg7[%get3A_666] : memref<10000xf32, #tpu.memory_space<vmem>>[vector<16xi32>], vector<16xf32>,
        tpu.vector_store_idx %arg11[%get3A_670], %gather3A_672 {add = true} : memref<10000xf32, #tpu.memory_space<vmem>>[vector<16xi32>], vector<16xf32>,
        %gather3A_673 = tpu.vector_load_idx %arg8[%get3A_666] : memref<10000xf32, #tpu.memory_space<vmem>>[vector<16xi32>], vector<16xf32>,
        tpu.vector_store_idx %arg12[%get3A_670], %gather3A_673 {add = true} : memref<10000xf32, #tpu.memory_space<vmem>>[vector<16xi32>], vector<16xf32>,
        %gather3A_674 = tpu.vector_load_idx %arg9[%get3A_666] : memref<10000xf32, #tpu.memory_space<vmem>>[vector<16xi32>], vector<16xf32>,
        tpu.vector_store_idx %arg13[%get3A_670], %gather3A_674 {add = true} : memref<10000xf32, #tpu.memory_space<vmem>>[vector<16xi32>], vector<16xf32>,
        %scan3A_675 = arith.constant 5 : i32
        %scan3A_676 = arith.addi %scan3A_586, %scan3A_675 : i32
        %mul3A_677 = arith.constant 1 : i32
        %mul3A_678 = arith.muli %scan3A_676, %mul3A_677 : i32
        %add3A_679 = arith.constant 0 : i32
        %add3A_680 = arith.addi %add3A_679, %mul3A_678 : i32
        %mul3A_681 = arith.constant 16 : i32
        %mul3A_682 = arith.muli %add3A_680, %mul3A_681 : i32
        %get3A_683 = arith.index_cast %mul3A_682 : i32 to index
        %get3A_684 = tpu.vector_load %arg15[%get3A_683] {strides = array<i32>} : memref<4000xi32, #tpu.memory_space<vmem>>, vector<16xi32>,
        %mul3A_685 = arith.constant 16 : i32
        %mul3A_686 = arith.muli %add3A_680, %mul3A_685 : i32
        %get3A_687 = arith.index_cast %mul3A_686 : i32 to index
        %get3A_688 = tpu.vector_load %arg17[%get3A_687] {strides = array<i32>} : memref<4000xi32, #tpu.memory_space<vmem>>, vector<16xi32>,
        %gather3A_689 = tpu.vector_load_idx %arg6[%get3A_684] : memref<10000xf32, #tpu.memory_space<vmem>>[vector<16xi32>], vector<16xf32>,
        tpu.vector_store_idx %arg10[%get3A_688], %gather3A_689 {add = true} : memref<10000xf32, #tpu.memory_space<vmem>>[vector<16xi32>], vector<16xf32>,
        %gather3A_690 = tpu.vector_load_idx %arg7[%get3A_684] : memref<10000xf32, #tpu.memory_space<vmem>>[vector<16xi32>], vector<16xf32>,
        tpu.vector_store_idx %arg11[%get3A_688], %gather3A_690 {add = true} : memref<10000xf32, #tpu.memory_space<vmem>>[vector<16xi32>], vector<16xf32>,
        %gather3A_691 = tpu.vector_load_idx %arg8[%get3A_684] : memref<10000xf32, #tpu.memory_space<vmem>>[vector<16xi32>], vector<16xf32>,
        tpu.vector_store_idx %arg12[%get3A_688], %gather3A_691 {add = true} : memref<10000xf32, #tpu.memory_space<vmem>>[vector<16xi32>], vector<16xf32>,
        %gather3A_692 = tpu.vector_load_idx %arg9[%get3A_684] : memref<10000xf32, #tpu.memory_space<vmem>>[vector<16xi32>], vector<16xf32>,
        tpu.vector_store_idx %arg13[%get3A_688], %gather3A_692 {add = true} : memref<10000xf32, #tpu.memory_space<vmem>>[vector<16xi32>], vector<16xf32>,
        %scan3A_693 = arith.constant 6 : i32
        %scan3A_694 = arith.addi %scan3A_586, %scan3A_693 : i32
        %mul3A_695 = arith.constant 1 : i32
        %mul3A_696 = arith.muli %scan3A_694, %mul3A_695 : i32
        %add3A_697 = arith.constant 0 : i32
        %add3A_698 = arith.addi %add3A_697, %mul3A_696 : i32
        %mul3A_699 = arith.constant 16 : i32
        %mul3A_700 = arith.muli %add3A_698, %mul3A_699 : i32
        %get3A_701 = arith.index_cast %mul3A_700 : i32 to index
        %get3A_702 = tpu.vector_load %arg15[%get3A_701] {strides = array<i32>} : memref<4000xi32, #tpu.memory_space<vmem>>, vector<16xi32>,
        %mul3A_703 = arith.constant 16 : i32
        %mul3A_704 = arith.muli %add3A_698, %mul3A_703 : i32
        %get3A_705 = arith.index_cast %mul3A_704 : i32 to index
        %get3A_706 = tpu.vector_load %arg17[%get3A_705] {strides = array<i32>} : memref<4000xi32, #tpu.memory_space<vmem>>, vector<16xi32>,
        %gather3A_707 = tpu.vector_load_idx %arg6[%get3A_702] : memref<10000xf32, #tpu.memory_space<vmem>>[vector<16xi32>], vector<16xf32>,
        tpu.vector_store_idx %arg10[%get3A_706], %gather3A_707 {add = true} : memref<10000xf32, #tpu.memory_space<vmem>>[vector<16xi32>], vector<16xf32>,
        %gather3A_708 = tpu.vector_load_idx %arg7[%get3A_702] : memref<10000xf32, #tpu.memory_space<vmem>>[vector<16xi32>], vector<16xf32>,
        tpu.vector_store_idx %arg11[%get3A_706], %gather3A_708 {add = true} : memref<10000xf32, #tpu.memory_space<vmem>>[vector<16xi32>], vector<16xf32>,
        %gather3A_709 = tpu.vector_load_idx %arg8[%get3A_702] : memref<10000xf32, #tpu.memory_space<vmem>>[vector<16xi32>], vector<16xf32>,
        tpu.vector_store_idx %arg12[%get3A_706], %gather3A_709 {add = true} : memref<10000xf32, #tpu.memory_space<vmem>>[vector<16xi32>], vector<16xf32>,
        %gather3A_710 = tpu.vector_load_idx %arg9[%get3A_702] : memref<10000xf32, #tpu.memory_space<vmem>>[vector<16xi32>], vector<16xf32>,
        tpu.vector_store_idx %arg13[%get3A_706], %gather3A_710 {add = true} : memref<10000xf32, #tpu.memory_space<vmem>>[vector<16xi32>], vector<16xf32>,
        %scan3A_711 = arith.constant 7 : i32
        %scan3A_712 = arith.addi %scan3A_586, %scan3A_711 : i32
        %mul3A_713 = arith.constant 1 : i32
        %mul3A_714 = arith.muli %scan3A_712, %mul3A_713 : i32
        %add3A_715 = arith.constant 0 : i32
        %add3A_716 = arith.addi %add3A_715, %mul3A_714 : i32
        %mul3A_717 = arith.constant 16 : i32
        %mul3A_718 = arith.muli %add3A_716, %mul3A_717 : i32
        %get3A_719 = arith.index_cast %mul3A_718 : i32 to index
        %get3A_720 = tpu.vector_load %arg15[%get3A_719] {strides = array<i32>} : memref<4000xi32, #tpu.memory_space<vmem>>, vector<16xi32>,
        %mul3A_721 = arith.constant 16 : i32
        %mul3A_722 = arith.muli %add3A_716, %mul3A_721 : i32
        %get3A_723 = arith.index_cast %mul3A_722 : i32 to index
        %get3A_724 = tpu.vector_load %arg17[%get3A_723] {strides = array<i32>} : memref<4000xi32, #tpu.memory_space<vmem>>, vector<16xi32>,
        %gather3A_725 = tpu.vector_load_idx %arg6[%get3A_720] : memref<10000xf32, #tpu.memory_space<vmem>>[vector<16xi32>], vector<16xf32>,
        tpu.vector_store_idx %arg10[%get3A_724], %gather3A_725 {add = true} : memref<10000xf32, #tpu.memory_space<vmem>>[vector<16xi32>], vector<16xf32>,
        %gather3A_726 = tpu.vector_load_idx %arg7[%get3A_720] : memref<10000xf32, #tpu.memory_space<vmem>>[vector<16xi32>], vector<16xf32>,
        tpu.vector_store_idx %arg11[%get3A_724], %gather3A_726 {add = true} : memref<10000xf32, #tpu.memory_space<vmem>>[vector<16xi32>], vector<16xf32>,
        %gather3A_727 = tpu.vector_load_idx %arg8[%get3A_720] : memref<10000xf32, #tpu.memory_space<vmem>>[vector<16xi32>], vector<16xf32>,
        tpu.vector_store_idx %arg12[%get3A_724], %gather3A_727 {add = true} : memref<10000xf32, #tpu.memory_space<vmem>>[vector<16xi32>], vector<16xf32>,
        %gather3A_728 = tpu.vector_load_idx %arg9[%get3A_720] : memref<10000xf32, #tpu.memory_space<vmem>>[vector<16xi32>], vector<16xf32>,
        tpu.vector_store_idx %arg13[%get3A_724], %gather3A_728 {add = true} : memref<10000xf32, #tpu.memory_space<vmem>>[vector<16xi32>], vector<16xf32>,
        %scan3A_729 = arith.constant 8 : i32
        %scan3A_730 = arith.addi %scan3A_586, %scan3A_729 : i32
        %mul3A_731 = arith.constant 1 : i32
        %mul3A_732 = arith.muli %scan3A_730, %mul3A_731 : i32
        %add3A_733 = arith.constant 0 : i32
        %add3A_734 = arith.addi %add3A_733, %mul3A_732 : i32
        %mul3A_735 = arith.constant 16 : i32
        %mul3A_736 = arith.muli %add3A_734, %mul3A_735 : i32
        %get3A_737 = arith.index_cast %mul3A_736 : i32 to index
        %get3A_738 = tpu.vector_load %arg15[%get3A_737] {strides = array<i32>} : memref<4000xi32, #tpu.memory_space<vmem>>, vector<16xi32>,
        %mul3A_739 = arith.constant 16 : i32
        %mul3A_740 = arith.muli %add3A_734, %mul3A_739 : i32
        %get3A_741 = arith.index_cast %mul3A_740 : i32 to index
        %get3A_742 = tpu.vector_load %arg17[%get3A_741] {strides = array<i32>} : memref<4000xi32, #tpu.memory_space<vmem>>, vector<16xi32>,
        %gather3A_743 = tpu.vector_load_idx %arg6[%get3A_738] : memref<10000xf32, #tpu.memory_space<vmem>>[vector<16xi32>], vector<16xf32>,
        tpu.vector_store_idx %arg10[%get3A_742], %gather3A_743 {add = true} : memref<10000xf32, #tpu.memory_space<vmem>>[vector<16xi32>], vector<16xf32>,
        %gather3A_744 = tpu.vector_load_idx %arg7[%get3A_738] : memref<10000xf32, #tpu.memory_space<vmem>>[vector<16xi32>], vector<16xf32>,
        tpu.vector_store_idx %arg11[%get3A_742], %gather3A_744 {add = true} : memref<10000xf32, #tpu.memory_space<vmem>>[vector<16xi32>], vector<16xf32>,
        %gather3A_745 = tpu.vector_load_idx %arg8[%get3A_738] : memref<10000xf32, #tpu.memory_space<vmem>>[vector<16xi32>], vector<16xf32>,
        tpu.vector_store_idx %arg12[%get3A_742], %gather3A_745 {add = true} : memref<10000xf32, #tpu.memory_space<vmem>>[vector<16xi32>], vector<16xf32>,
        %gather3A_746 = tpu.vector_load_idx %arg9[%get3A_738] : memref<10000xf32, #tpu.memory_space<vmem>>[vector<16xi32>], vector<16xf32>,
        tpu.vector_store_idx %arg13[%get3A_742], %gather3A_746 {add = true} : memref<10000xf32, #tpu.memory_space<vmem>>[vector<16xi32>], vector<16xf32>,
        %scan3A_747 = arith.constant 9 : i32
        %scan3A_748 = arith.addi %scan3A_586, %scan3A_747 : i32
        %mul3A_749 = arith.constant 1 : i32
        %mul3A_750 = arith.muli %scan3A_748, %mul3A_749 : i32
        %add3A_751 = arith.constant 0 : i32
        %add3A_752 = arith.addi %add3A_751, %mul3A_750 : i32
        %mul3A_753 = arith.constant 16 : i32
        %mul3A_754 = arith.muli %add3A_752, %mul3A_753 : i32
        %get3A_755 = arith.index_cast %mul3A_754 : i32 to index
        %get3A_756 = tpu.vector_load %arg15[%get3A_755] {strides = array<i32>} : memref<4000xi32, #tpu.memory_space<vmem>>, vector<16xi32>,
        %mul3A_757 = arith.constant 16 : i32
        %mul3A_758 = arith.muli %add3A_752, %mul3A_757 : i32
        %get3A_759 = arith.index_cast %mul3A_758 : i32 to index
        %get3A_760 = tpu.vector_load %arg17[%get3A_759] {strides = array<i32>} : memref<4000xi32, #tpu.memory_space<vmem>>, vector<16xi32>,
        %gather3A_761 = tpu.vector_load_idx %arg6[%get3A_756] : memref<10000xf32, #tpu.memory_space<vmem>>[vector<16xi32>], vector<16xf32>,
        tpu.vector_store_idx %arg10[%get3A_760], %gather3A_761 {add = true} : memref<10000xf32, #tpu.memory_space<vmem>>[vector<16xi32>], vector<16xf32>,
        %gather3A_762 = tpu.vector_load_idx %arg7[%get3A_756] : memref<10000xf32, #tpu.memory_space<vmem>>[vector<16xi32>], vector<16xf32>,
        tpu.vector_store_idx %arg11[%get3A_760], %gather3A_762 {add = true} : memref<10000xf32, #tpu.memory_space<vmem>>[vector<16xi32>], vector<16xf32>,
        %gather3A_763 = tpu.vector_load_idx %arg8[%get3A_756] : memref<10000xf32, #tpu.memory_space<vmem>>[vector<16xi32>], vector<16xf32>,
        tpu.vector_store_idx %arg12[%get3A_760], %gather3A_763 {add = true} : memref<10000xf32, #tpu.memory_space<vmem>>[vector<16xi32>], vector<16xf32>,
        %gather3A_764 = tpu.vector_load_idx %arg9[%get3A_756] : memref<10000xf32, #tpu.memory_space<vmem>>[vector<16xi32>], vector<16xf32>,
        tpu.vector_store_idx %arg13[%get3A_760], %gather3A_764 {add = true} : memref<10000xf32, #tpu.memory_space<vmem>>[vector<16xi32>], vector<16xf32>,
        %scan3A_765 = arith.constant 10 : i32
        %scan3A_766 = arith.addi %scan3A_586, %scan3A_765 : i32
        %mul3A_767 = arith.constant 1 : i32
        %mul3A_768 = arith.muli %scan3A_766, %mul3A_767 : i32
        %add3A_769 = arith.constant 0 : i32
        %add3A_770 = arith.addi %add3A_769, %mul3A_768 : i32
        %mul3A_771 = arith.constant 16 : i32
        %mul3A_772 = arith.muli %add3A_770, %mul3A_771 : i32
        %get3A_773 = arith.index_cast %mul3A_772 : i32 to index
        %get3A_774 = tpu.vector_load %arg15[%get3A_773] {strides = array<i32>} : memref<4000xi32, #tpu.memory_space<vmem>>, vector<16xi32>,
        %mul3A_775 = arith.constant 16 : i32
        %mul3A_776 = arith.muli %add3A_770, %mul3A_775 : i32
        %get3A_777 = arith.index_cast %mul3A_776 : i32 to index
        %get3A_778 = tpu.vector_load %arg17[%get3A_777] {strides = array<i32>} : memref<4000xi32, #tpu.memory_space<vmem>>, vector<16xi32>,
        %gather3A_779 = tpu.vector_load_idx %arg6[%get3A_774] : memref<10000xf32, #tpu.memory_space<vmem>>[vector<16xi32>], vector<16xf32>,
        tpu.vector_store_idx %arg10[%get3A_778], %gather3A_779 {add = true} : memref<10000xf32, #tpu.memory_space<vmem>>[vector<16xi32>], vector<16xf32>,
        %gather3A_780 = tpu.vector_load_idx %arg7[%get3A_774] : memref<10000xf32, #tpu.memory_space<vmem>>[vector<16xi32>], vector<16xf32>,
        tpu.vector_store_idx %arg11[%get3A_778], %gather3A_780 {add = true} : memref<10000xf32, #tpu.memory_space<vmem>>[vector<16xi32>], vector<16xf32>,
        %gather3A_781 = tpu.vector_load_idx %arg8[%get3A_774] : memref<10000xf32, #tpu.memory_space<vmem>>[vector<16xi32>], vector<16xf32>,
        tpu.vector_store_idx %arg12[%get3A_778], %gather3A_781 {add = true} : memref<10000xf32, #tpu.memory_space<vmem>>[vector<16xi32>], vector<16xf32>,
        %gather3A_782 = tpu.vector_load_idx %arg9[%get3A_774] : memref<10000xf32, #tpu.memory_space<vmem>>[vector<16xi32>], vector<16xf32>,
        tpu.vector_store_idx %arg13[%get3A_778], %gather3A_782 {add = true} : memref<10000xf32, #tpu.memory_space<vmem>>[vector<16xi32>], vector<16xf32>,
        %scan3A_783 = arith.constant 11 : i32
        %scan3A_784 = arith.addi %scan3A_586, %scan3A_783 : i32
        %mul3A_785 = arith.constant 1 : i32
        %mul3A_786 = arith.muli %scan3A_784, %mul3A_785 : i32
        %add3A_787 = arith.constant 0 : i32
        %add3A_788 = arith.addi %add3A_787, %mul3A_786 : i32
        %mul3A_789 = arith.constant 16 : i32
        %mul3A_790 = arith.muli %add3A_788, %mul3A_789 : i32
        %get3A_791 = arith.index_cast %mul3A_790 : i32 to index
        %get3A_792 = tpu.vector_load %arg15[%get3A_791] {strides = array<i32>} : memref<4000xi32, #tpu.memory_space<vmem>>, vector<16xi32>,
        %mul3A_793 = arith.constant 16 : i32
        %mul3A_794 = arith.muli %add3A_788, %mul3A_793 : i32
        %get3A_795 = arith.index_cast %mul3A_794 : i32 to index
        %get3A_796 = tpu.vector_load %arg17[%get3A_795] {strides = array<i32>} : memref<4000xi32, #tpu.memory_space<vmem>>, vector<16xi32>,
        %gather3A_797 = tpu.vector_load_idx %arg6[%get3A_792] : memref<10000xf32, #tpu.memory_space<vmem>>[vector<16xi32>], vector<16xf32>,
        tpu.vector_store_idx %arg10[%get3A_796], %gather3A_797 {add = true} : memref<10000xf32, #tpu.memory_space<vmem>>[vector<16xi32>], vector<16xf32>,
        %gather3A_798 = tpu.vector_load_idx %arg7[%get3A_792] : memref<10000xf32, #tpu.memory_space<vmem>>[vector<16xi32>], vector<16xf32>,
        tpu.vector_store_idx %arg11[%get3A_796], %gather3A_798 {add = true} : memref<10000xf32, #tpu.memory_space<vmem>>[vector<16xi32>], vector<16xf32>,
        %gather3A_799 = tpu.vector_load_idx %arg8[%get3A_792] : memref<10000xf32, #tpu.memory_space<vmem>>[vector<16xi32>], vector<16xf32>,
        tpu.vector_store_idx %arg12[%get3A_796], %gather3A_799 {add = true} : memref<10000xf32, #tpu.memory_space<vmem>>[vector<16xi32>], vector<16xf32>,
        %gather3A_800 = tpu.vector_load_idx %arg9[%get3A_792] : memref<10000xf32, #tpu.memory_space<vmem>>[vector<16xi32>], vector<16xf32>,
        tpu.vector_store_idx %arg13[%get3A_796], %gather3A_800 {add = true} : memref<10000xf32, #tpu.memory_space<vmem>>[vector<16xi32>], vector<16xf32>,
        %scan3A_801 = arith.constant 12 : i32
        %scan3A_802 = arith.addi %scan3A_586, %scan3A_801 : i32
        %mul3A_803 = arith.constant 1 : i32
        %mul3A_804 = arith.muli %scan3A_802, %mul3A_803 : i32
        %add3A_805 = arith.constant 0 : i32
        %add3A_806 = arith.addi %add3A_805, %mul3A_804 : i32
        %mul3A_807 = arith.constant 16 : i32
        %mul3A_808 = arith.muli %add3A_806, %mul3A_807 : i32
        %get3A_809 = arith.index_cast %mul3A_808 : i32 to index
        %get3A_810 = tpu.vector_load %arg15[%get3A_809] {strides = array<i32>} : memref<4000xi32, #tpu.memory_space<vmem>>, vector<16xi32>,
        %mul3A_811 = arith.constant 16 : i32
        %mul3A_812 = arith.muli %add3A_806, %mul3A_811 : i32
        %get3A_813 = arith.index_cast %mul3A_812 : i32 to index
        %get3A_814 = tpu.vector_load %arg17[%get3A_813] {strides = array<i32>} : memref<4000xi32, #tpu.memory_space<vmem>>, vector<16xi32>,
        %gather3A_815 = tpu.vector_load_idx %arg6[%get3A_810] : memref<10000xf32, #tpu.memory_space<vmem>>[vector<16xi32>], vector<16xf32>,
        tpu.vector_store_idx %arg10[%get3A_814], %gather3A_815 {add = true} : memref<10000xf32, #tpu.memory_space<vmem>>[vector<16xi32>], vector<16xf32>,
        %gather3A_816 = tpu.vector_load_idx %arg7[%get3A_810] : memref<10000xf32, #tpu.memory_space<vmem>>[vector<16xi32>], vector<16xf32>,
        tpu.vector_store_idx %arg11[%get3A_814], %gather3A_816 {add = true} : memref<10000xf32, #tpu.memory_space<vmem>>[vector<16xi32>], vector<16xf32>,
        %gather3A_817 = tpu.vector_load_idx %arg8[%get3A_810] : memref<10000xf32, #tpu.memory_space<vmem>>[vector<16xi32>], vector<16xf32>,
        tpu.vector_store_idx %arg12[%get3A_814], %gather3A_817 {add = true} : memref<10000xf32, #tpu.memory_space<vmem>>[vector<16xi32>], vector<16xf32>,
        %gather3A_818 = tpu.vector_load_idx %arg9[%get3A_810] : memref<10000xf32, #tpu.memory_space<vmem>>[vector<16xi32>], vector<16xf32>,
        tpu.vector_store_idx %arg13[%get3A_814], %gather3A_818 {add = true} : memref<10000xf32, #tpu.memory_space<vmem>>[vector<16xi32>], vector<16xf32>,
        %scan3A_819 = arith.constant 13 : i32
        %scan3A_820 = arith.addi %scan3A_586, %scan3A_819 : i32
        %mul3A_821 = arith.constant 1 : i32
        %mul3A_822 = arith.muli %scan3A_820, %mul3A_821 : i32
        %add3A_823 = arith.constant 0 : i32
        %add3A_824 = arith.addi %add3A_823, %mul3A_822 : i32
        %mul3A_825 = arith.constant 16 : i32
        %mul3A_826 = arith.muli %add3A_824, %mul3A_825 : i32
        %get3A_827 = arith.index_cast %mul3A_826 : i32 to index
        %get3A_828 = tpu.vector_load %arg15[%get3A_827] {strides = array<i32>} : memref<4000xi32, #tpu.memory_space<vmem>>, vector<16xi32>,
        %mul3A_829 = arith.constant 16 : i32
        %mul3A_830 = arith.muli %add3A_824, %mul3A_829 : i32
        %get3A_831 = arith.index_cast %mul3A_830 : i32 to index
        %get3A_832 = tpu.vector_load %arg17[%get3A_831] {strides = array<i32>} : memref<4000xi32, #tpu.memory_space<vmem>>, vector<16xi32>,
        %gather3A_833 = tpu.vector_load_idx %arg6[%get3A_828] : memref<10000xf32, #tpu.memory_space<vmem>>[vector<16xi32>], vector<16xf32>,
        tpu.vector_store_idx %arg10[%get3A_832], %gather3A_833 {add = true} : memref<10000xf32, #tpu.memory_space<vmem>>[vector<16xi32>], vector<16xf32>,
        %gather3A_834 = tpu.vector_load_idx %arg7[%get3A_828] : memref<10000xf32, #tpu.memory_space<vmem>>[vector<16xi32>], vector<16xf32>,
        tpu.vector_store_idx %arg11[%get3A_832], %gather3A_834 {add = true} : memref<10000xf32, #tpu.memory_space<vmem>>[vector<16xi32>], vector<16xf32>,
        %gather3A_835 = tpu.vector_load_idx %arg8[%get3A_828] : memref<10000xf32, #tpu.memory_space<vmem>>[vector<16xi32>], vector<16xf32>,
        tpu.vector_store_idx %arg12[%get3A_832], %gather3A_835 {add = true} : memref<10000xf32, #tpu.memory_space<vmem>>[vector<16xi32>], vector<16xf32>,
        %gather3A_836 = tpu.vector_load_idx %arg9[%get3A_828] : memref<10000xf32, #tpu.memory_space<vmem>>[vector<16xi32>], vector<16xf32>,
        tpu.vector_store_idx %arg13[%get3A_832], %gather3A_836 {add = true} : memref<10000xf32, #tpu.memory_space<vmem>>[vector<16xi32>], vector<16xf32>,
        %scan3A_837 = arith.constant 14 : i32
        %scan3A_838 = arith.addi %scan3A_586, %scan3A_837 : i32
        %mul3A_839 = arith.constant 1 : i32
        %mul3A_840 = arith.muli %scan3A_838, %mul3A_839 : i32
        %add3A_841 = arith.constant 0 : i32
        %add3A_842 = arith.addi %add3A_841, %mul3A_840 : i32
        %mul3A_843 = arith.constant 16 : i32
        %mul3A_844 = arith.muli %add3A_842, %mul3A_843 : i32
        %get3A_845 = arith.index_cast %mul3A_844 : i32 to index
        %get3A_846 = tpu.vector_load %arg15[%get3A_845] {strides = array<i32>} : memref<4000xi32, #tpu.memory_space<vmem>>, vector<16xi32>,
        %mul3A_847 = arith.constant 16 : i32
        %mul3A_848 = arith.muli %add3A_842, %mul3A_847 : i32
        %get3A_849 = arith.index_cast %mul3A_848 : i32 to index
        %get3A_850 = tpu.vector_load %arg17[%get3A_849] {strides = array<i32>} : memref<4000xi32, #tpu.memory_space<vmem>>, vector<16xi32>,
        %gather3A_851 = tpu.vector_load_idx %arg6[%get3A_846] : memref<10000xf32, #tpu.memory_space<vmem>>[vector<16xi32>], vector<16xf32>,
        tpu.vector_store_idx %arg10[%get3A_850], %gather3A_851 {add = true} : memref<10000xf32, #tpu.memory_space<vmem>>[vector<16xi32>], vector<16xf32>,
        %gather3A_852 = tpu.vector_load_idx %arg7[%get3A_846] : memref<10000xf32, #tpu.memory_space<vmem>>[vector<16xi32>], vector<16xf32>,
        tpu.vector_store_idx %arg11[%get3A_850], %gather3A_852 {add = true} : memref<10000xf32, #tpu.memory_space<vmem>>[vector<16xi32>], vector<16xf32>,
        %gather3A_853 = tpu.vector_load_idx %arg8[%get3A_846] : memref<10000xf32, #tpu.memory_space<vmem>>[vector<16xi32>], vector<16xf32>,
        tpu.vector_store_idx %arg12[%get3A_850], %gather3A_853 {add = true} : memref<10000xf32, #tpu.memory_space<vmem>>[vector<16xi32>], vector<16xf32>,
        %gather3A_854 = tpu.vector_load_idx %arg9[%get3A_846] : memref<10000xf32, #tpu.memory_space<vmem>>[vector<16xi32>], vector<16xf32>,
        tpu.vector_store_idx %arg13[%get3A_850], %gather3A_854 {add = true} : memref<10000xf32, #tpu.memory_space<vmem>>[vector<16xi32>], vector<16xf32>,
        %scan3A_855 = arith.constant 15 : i32
        %scan3A_856 = arith.addi %scan3A_586, %scan3A_855 : i32
        %mul3A_857 = arith.constant 1 : i32
        %mul3A_858 = arith.muli %scan3A_856, %mul3A_857 : i32
        %add3A_859 = arith.constant 0 : i32
        %add3A_860 = arith.addi %add3A_859, %mul3A_858 : i32
        %mul3A_861 = arith.constant 16 : i32
        %mul3A_862 = arith.muli %add3A_860, %mul3A_861 : i32
        %get3A_863 = arith.index_cast %mul3A_862 : i32 to index
        %get3A_864 = tpu.vector_load %arg15[%get3A_863] {strides = array<i32>} : memref<4000xi32, #tpu.memory_space<vmem>>, vector<16xi32>,
        %mul3A_865 = arith.constant 16 : i32
        %mul3A_866 = arith.muli %add3A_860, %mul3A_865 : i32
        %get3A_867 = arith.index_cast %mul3A_866 : i32 to index
        %get3A_868 = tpu.vector_load %arg17[%get3A_867] {strides = array<i32>} : memref<4000xi32, #tpu.memory_space<vmem>>, vector<16xi32>,
        %gather3A_869 = tpu.vector_load_idx %arg6[%get3A_864] : memref<10000xf32, #tpu.memory_space<vmem>>[vector<16xi32>], vector<16xf32>,
        tpu.vector_store_idx %arg10[%get3A_868], %gather3A_869 {add = true} : memref<10000xf32, #tpu.memory_space<vmem>>[vector<16xi32>], vector<16xf32>,
        %gather3A_870 = tpu.vector_load_idx %arg7[%get3A_864] : memref<10000xf32, #tpu.memory_space<vmem>>[vector<16xi32>], vector<16xf32>,
        tpu.vector_store_idx %arg11[%get3A_868], %gather3A_870 {add = true} : memref<10000xf32, #tpu.memory_space<vmem>>[vector<16xi32>], vector<16xf32>,
        %gather3A_871 = tpu.vector_load_idx %arg8[%get3A_864] : memref<10000xf32, #tpu.memory_space<vmem>>[vector<16xi32>], vector<16xf32>,
        tpu.vector_store_idx %arg12[%get3A_868], %gather3A_871 {add = true} : memref<10000xf32, #tpu.memory_space<vmem>>[vector<16xi32>], vector<16xf32>,
        %gather3A_872 = tpu.vector_load_idx %arg9[%get3A_864] : memref<10000xf32, #tpu.memory_space<vmem>>[vector<16xi32>], vector<16xf32>,
        tpu.vector_store_idx %arg13[%get3A_868], %gather3A_872 {add = true} : memref<10000xf32, #tpu.memory_space<vmem>>[vector<16xi32>], vector<16xf32>,
      }
      %scan3A_405 = arith.constant 240 : i32
      %scan3A_406 = arith.addi %scan3A_401, %scan3A_405 : i32
      %mul3A_407 = arith.constant 1 : i32
      %mul3A_408 = arith.muli %scan3A_406, %mul3A_407 : i32
      %add3A_409 = arith.constant 0 : i32
      %add3A_410 = arith.addi %add3A_409, %mul3A_408 : i32
      %mul3A_411 = arith.constant 16 : i32
      %mul3A_412 = arith.muli %add3A_410, %mul3A_411 : i32
      %get3A_413 = arith.index_cast %mul3A_412 : i32 to index
      %get3A_414 = tpu.vector_load %arg15[%get3A_413] {strides = array<i32>} : memref<4000xi32, #tpu.memory_space<vmem>>, vector<16xi32>,
      %mul3A_415 = arith.constant 16 : i32
      %mul3A_416 = arith.muli %add3A_410, %mul3A_415 : i32
      %get3A_417 = arith.index_cast %mul3A_416 : i32 to index
      %get3A_418 = tpu.vector_load %arg17[%get3A_417] {strides = array<i32>} : memref<4000xi32, #tpu.memory_space<vmem>>, vector<16xi32>,
      %gather3A_419 = tpu.vector_load_idx %arg6[%get3A_414] : memref<10000xf32, #tpu.memory_space<vmem>>[vector<16xi32>], vector<16xf32>,
      tpu.vector_store_idx %arg10[%get3A_418], %gather3A_419 {add = true} : memref<10000xf32, #tpu.memory_space<vmem>>[vector<16xi32>], vector<16xf32>,
      %gather3A_420 = tpu.vector_load_idx %arg7[%get3A_414] : memref<10000xf32, #tpu.memory_space<vmem>>[vector<16xi32>], vector<16xf32>,
      tpu.vector_store_idx %arg11[%get3A_418], %gather3A_420 {add = true} : memref<10000xf32, #tpu.memory_space<vmem>>[vector<16xi32>], vector<16xf32>,
      %gather3A_421 = tpu.vector_load_idx %arg8[%get3A_414] : memref<10000xf32, #tpu.memory_space<vmem>>[vector<16xi32>], vector<16xf32>,
      tpu.vector_store_idx %arg12[%get3A_418], %gather3A_421 {add = true} : memref<10000xf32, #tpu.memory_space<vmem>>[vector<16xi32>], vector<16xf32>,
      %gather3A_422 = tpu.vector_load_idx %arg9[%get3A_414] : memref<10000xf32, #tpu.memory_space<vmem>>[vector<16xi32>], vector<16xf32>,
      tpu.vector_store_idx %arg13[%get3A_418], %gather3A_422 {add = true} : memref<10000xf32, #tpu.memory_space<vmem>>[vector<16xi32>], vector<16xf32>,
      %scan3A_423 = arith.constant 241 : i32
      %scan3A_424 = arith.addi %scan3A_401, %scan3A_423 : i32
      %mul3A_425 = arith.constant 1 : i32
      %mul3A_426 = arith.muli %scan3A_424, %mul3A_425 : i32
      %add3A_427 = arith.constant 0 : i32
      %add3A_428 = arith.addi %add3A_427, %mul3A_426 : i32
      %mul3A_429 = arith.constant 16 : i32
      %mul3A_430 = arith.muli %add3A_428, %mul3A_429 : i32
      %get3A_431 = arith.index_cast %mul3A_430 : i32 to index
      %get3A_432 = tpu.vector_load %arg15[%get3A_431] {strides = array<i32>} : memref<4000xi32, #tpu.memory_space<vmem>>, vector<16xi32>,
      %mul3A_433 = arith.constant 16 : i32
      %mul3A_434 = arith.muli %add3A_428, %mul3A_433 : i32
      %get3A_435 = arith.index_cast %mul3A_434 : i32 to index
      %get3A_436 = tpu.vector_load %arg17[%get3A_435] {strides = array<i32>} : memref<4000xi32, #tpu.memory_space<vmem>>, vector<16xi32>,
      %gather3A_437 = tpu.vector_load_idx %arg6[%get3A_432] : memref<10000xf32, #tpu.memory_space<vmem>>[vector<16xi32>], vector<16xf32>,
      tpu.vector_store_idx %arg10[%get3A_436], %gather3A_437 {add = true} : memref<10000xf32, #tpu.memory_space<vmem>>[vector<16xi32>], vector<16xf32>,
      %gather3A_438 = tpu.vector_load_idx %arg7[%get3A_432] : memref<10000xf32, #tpu.memory_space<vmem>>[vector<16xi32>], vector<16xf32>,
      tpu.vector_store_idx %arg11[%get3A_436], %gather3A_438 {add = true} : memref<10000xf32, #tpu.memory_space<vmem>>[vector<16xi32>], vector<16xf32>,
      %gather3A_439 = tpu.vector_load_idx %arg8[%get3A_432] : memref<10000xf32, #tpu.memory_space<vmem>>[vector<16xi32>], vector<16xf32>,
      tpu.vector_store_idx %arg12[%get3A_436], %gather3A_439 {add = true} : memref<10000xf32, #tpu.memory_space<vmem>>[vector<16xi32>], vector<16xf32>,
      %gather3A_440 = tpu.vector_load_idx %arg9[%get3A_432] : memref<10000xf32, #tpu.memory_space<vmem>>[vector<16xi32>], vector<16xf32>,
      tpu.vector_store_idx %arg13[%get3A_436], %gather3A_440 {add = true} : memref<10000xf32, #tpu.memory_space<vmem>>[vector<16xi32>], vector<16xf32>,
      %scan3A_441 = arith.constant 242 : i32
      %scan3A_442 = arith.addi %scan3A_401, %scan3A_441 : i32
      %mul3A_443 = arith.constant 1 : i32
      %mul3A_444 = arith.muli %scan3A_442, %mul3A_443 : i32
      %add3A_445 = arith.constant 0 : i32
      %add3A_446 = arith.addi %add3A_445, %mul3A_444 : i32
      %mul3A_447 = arith.constant 16 : i32
      %mul3A_448 = arith.muli %add3A_446, %mul3A_447 : i32
      %get3A_449 = arith.index_cast %mul3A_448 : i32 to index
      %get3A_450 = tpu.vector_load %arg15[%get3A_449] {strides = array<i32>} : memref<4000xi32, #tpu.memory_space<vmem>>, vector<16xi32>,
      %mul3A_451 = arith.constant 16 : i32
      %mul3A_452 = arith.muli %add3A_446, %mul3A_451 : i32
      %get3A_453 = arith.index_cast %mul3A_452 : i32 to index
      %get3A_454 = tpu.vector_load %arg17[%get3A_453] {strides = array<i32>} : memref<4000xi32, #tpu.memory_space<vmem>>, vector<16xi32>,
      %gather3A_455 = tpu.vector_load_idx %arg6[%get3A_450] : memref<10000xf32, #tpu.memory_space<vmem>>[vector<16xi32>], vector<16xf32>,
      tpu.vector_store_idx %arg10[%get3A_454], %gather3A_455 {add = true} : memref<10000xf32, #tpu.memory_space<vmem>>[vector<16xi32>], vector<16xf32>,
      %gather3A_456 = tpu.vector_load_idx %arg7[%get3A_450] : memref<10000xf32, #tpu.memory_space<vmem>>[vector<16xi32>], vector<16xf32>,
      tpu.vector_store_idx %arg11[%get3A_454], %gather3A_456 {add = true} : memref<10000xf32, #tpu.memory_space<vmem>>[vector<16xi32>], vector<16xf32>,
      %gather3A_457 = tpu.vector_load_idx %arg8[%get3A_450] : memref<10000xf32, #tpu.memory_space<vmem>>[vector<16xi32>], vector<16xf32>,
      tpu.vector_store_idx %arg12[%get3A_454], %gather3A_457 {add = true} : memref<10000xf32, #tpu.memory_space<vmem>>[vector<16xi32>], vector<16xf32>,
      %gather3A_458 = tpu.vector_load_idx %arg9[%get3A_450] : memref<10000xf32, #tpu.memory_space<vmem>>[vector<16xi32>], vector<16xf32>,
      tpu.vector_store_idx %arg13[%get3A_454], %gather3A_458 {add = true} : memref<10000xf32, #tpu.memory_space<vmem>>[vector<16xi32>], vector<16xf32>,
      %scan3A_459 = arith.constant 243 : i32
      %scan3A_460 = arith.addi %scan3A_401, %scan3A_459 : i32
      %mul3A_461 = arith.constant 1 : i32
      %mul3A_462 = arith.muli %scan3A_460, %mul3A_461 : i32
      %add3A_463 = arith.constant 0 : i32
      %add3A_464 = arith.addi %add3A_463, %mul3A_462 : i32
      %mul3A_465 = arith.constant 16 : i32
      %mul3A_466 = arith.muli %add3A_464, %mul3A_465 : i32
      %get3A_467 = arith.index_cast %mul3A_466 : i32 to index
      %get3A_468 = tpu.vector_load %arg15[%get3A_467] {strides = array<i32>} : memref<4000xi32, #tpu.memory_space<vmem>>, vector<16xi32>,
      %mul3A_469 = arith.constant 16 : i32
      %mul3A_470 = arith.muli %add3A_464, %mul3A_469 : i32
      %get3A_471 = arith.index_cast %mul3A_470 : i32 to index
      %get3A_472 = tpu.vector_load %arg17[%get3A_471] {strides = array<i32>} : memref<4000xi32, #tpu.memory_space<vmem>>, vector<16xi32>,
      %gather3A_473 = tpu.vector_load_idx %arg6[%get3A_468] : memref<10000xf32, #tpu.memory_space<vmem>>[vector<16xi32>], vector<16xf32>,
      tpu.vector_store_idx %arg10[%get3A_472], %gather3A_473 {add = true} : memref<10000xf32, #tpu.memory_space<vmem>>[vector<16xi32>], vector<16xf32>,
      %gather3A_474 = tpu.vector_load_idx %arg7[%get3A_468] : memref<10000xf32, #tpu.memory_space<vmem>>[vector<16xi32>], vector<16xf32>,
      tpu.vector_store_idx %arg11[%get3A_472], %gather3A_474 {add = true} : memref<10000xf32, #tpu.memory_space<vmem>>[vector<16xi32>], vector<16xf32>,
      %gather3A_475 = tpu.vector_load_idx %arg8[%get3A_468] : memref<10000xf32, #tpu.memory_space<vmem>>[vector<16xi32>], vector<16xf32>,
      tpu.vector_store_idx %arg12[%get3A_472], %gather3A_475 {add = true} : memref<10000xf32, #tpu.memory_space<vmem>>[vector<16xi32>], vector<16xf32>,
      %gather3A_476 = tpu.vector_load_idx %arg9[%get3A_468] : memref<10000xf32, #tpu.memory_space<vmem>>[vector<16xi32>], vector<16xf32>,
      tpu.vector_store_idx %arg13[%get3A_472], %gather3A_476 {add = true} : memref<10000xf32, #tpu.memory_space<vmem>>[vector<16xi32>], vector<16xf32>,
      %scan3A_477 = arith.constant 244 : i32
      %scan3A_478 = arith.addi %scan3A_401, %scan3A_477 : i32
      %mul3A_479 = arith.constant 1 : i32
      %mul3A_480 = arith.muli %scan3A_478, %mul3A_479 : i32
      %add3A_481 = arith.constant 0 : i32
      %add3A_482 = arith.addi %add3A_481, %mul3A_480 : i32
      %mul3A_483 = arith.constant 16 : i32
      %mul3A_484 = arith.muli %add3A_482, %mul3A_483 : i32
      %get3A_485 = arith.index_cast %mul3A_484 : i32 to index
      %get3A_486 = tpu.vector_load %arg15[%get3A_485] {strides = array<i32>} : memref<4000xi32, #tpu.memory_space<vmem>>, vector<16xi32>,
      %mul3A_487 = arith.constant 16 : i32
      %mul3A_488 = arith.muli %add3A_482, %mul3A_487 : i32
      %get3A_489 = arith.index_cast %mul3A_488 : i32 to index
      %get3A_490 = tpu.vector_load %arg17[%get3A_489] {strides = array<i32>} : memref<4000xi32, #tpu.memory_space<vmem>>, vector<16xi32>,
      %gather3A_491 = tpu.vector_load_idx %arg6[%get3A_486] : memref<10000xf32, #tpu.memory_space<vmem>>[vector<16xi32>], vector<16xf32>,
      tpu.vector_store_idx %arg10[%get3A_490], %gather3A_491 {add = true} : memref<10000xf32, #tpu.memory_space<vmem>>[vector<16xi32>], vector<16xf32>,
      %gather3A_492 = tpu.vector_load_idx %arg7[%get3A_486] : memref<10000xf32, #tpu.memory_space<vmem>>[vector<16xi32>], vector<16xf32>,
      tpu.vector_store_idx %arg11[%get3A_490], %gather3A_492 {add = true} : memref<10000xf32, #tpu.memory_space<vmem>>[vector<16xi32>], vector<16xf32>,
      %gather3A_493 = tpu.vector_load_idx %arg8[%get3A_486] : memref<10000xf32, #tpu.memory_space<vmem>>[vector<16xi32>], vector<16xf32>,
      tpu.vector_store_idx %arg12[%get3A_490], %gather3A_493 {add = true} : memref<10000xf32, #tpu.memory_space<vmem>>[vector<16xi32>], vector<16xf32>,
      %gather3A_494 = tpu.vector_load_idx %arg9[%get3A_486] : memref<10000xf32, #tpu.memory_space<vmem>>[vector<16xi32>], vector<16xf32>,
      tpu.vector_store_idx %arg13[%get3A_490], %gather3A_494 {add = true} : memref<10000xf32, #tpu.memory_space<vmem>>[vector<16xi32>], vector<16xf32>,
      %scan3A_495 = arith.constant 245 : i32
      %scan3A_496 = arith.addi %scan3A_401, %scan3A_495 : i32
      %mul3A_497 = arith.constant 1 : i32
      %mul3A_498 = arith.muli %scan3A_496, %mul3A_497 : i32
      %add3A_499 = arith.constant 0 : i32
      %add3A_500 = arith.addi %add3A_499, %mul3A_498 : i32
      %mul3A_501 = arith.constant 16 : i32
      %mul3A_502 = arith.muli %add3A_500, %mul3A_501 : i32
      %get3A_503 = arith.index_cast %mul3A_502 : i32 to index
      %get3A_504 = tpu.vector_load %arg15[%get3A_503] {strides = array<i32>} : memref<4000xi32, #tpu.memory_space<vmem>>, vector<16xi32>,
      %mul3A_505 = arith.constant 16 : i32
      %mul3A_506 = arith.muli %add3A_500, %mul3A_505 : i32
      %get3A_507 = arith.index_cast %mul3A_506 : i32 to index
      %get3A_508 = tpu.vector_load %arg17[%get3A_507] {strides = array<i32>} : memref<4000xi32, #tpu.memory_space<vmem>>, vector<16xi32>,
      %gather3A_509 = tpu.vector_load_idx %arg6[%get3A_504] : memref<10000xf32, #tpu.memory_space<vmem>>[vector<16xi32>], vector<16xf32>,
      tpu.vector_store_idx %arg10[%get3A_508], %gather3A_509 {add = true} : memref<10000xf32, #tpu.memory_space<vmem>>[vector<16xi32>], vector<16xf32>,
      %gather3A_510 = tpu.vector_load_idx %arg7[%get3A_504] : memref<10000xf32, #tpu.memory_space<vmem>>[vector<16xi32>], vector<16xf32>,
      tpu.vector_store_idx %arg11[%get3A_508], %gather3A_510 {add = true} : memref<10000xf32, #tpu.memory_space<vmem>>[vector<16xi32>], vector<16xf32>,
      %gather3A_511 = tpu.vector_load_idx %arg8[%get3A_504] : memref<10000xf32, #tpu.memory_space<vmem>>[vector<16xi32>], vector<16xf32>,
      tpu.vector_store_idx %arg12[%get3A_508], %gather3A_511 {add = true} : memref<10000xf32, #tpu.memory_space<vmem>>[vector<16xi32>], vector<16xf32>,
      %gather3A_512 = tpu.vector_load_idx %arg9[%get3A_504] : memref<10000xf32, #tpu.memory_space<vmem>>[vector<16xi32>], vector<16xf32>,
      tpu.vector_store_idx %arg13[%get3A_508], %gather3A_512 {add = true} : memref<10000xf32, #tpu.memory_space<vmem>>[vector<16xi32>], vector<16xf32>,
      %scan3A_513 = arith.constant 246 : i32
      %scan3A_514 = arith.addi %scan3A_401, %scan3A_513 : i32
      %mul3A_515 = arith.constant 1 : i32
      %mul3A_516 = arith.muli %scan3A_514, %mul3A_515 : i32
      %add3A_517 = arith.constant 0 : i32
      %add3A_518 = arith.addi %add3A_517, %mul3A_516 : i32
      %mul3A_519 = arith.constant 16 : i32
      %mul3A_520 = arith.muli %add3A_518, %mul3A_519 : i32
      %get3A_521 = arith.index_cast %mul3A_520 : i32 to index
      %get3A_522 = tpu.vector_load %arg15[%get3A_521] {strides = array<i32>} : memref<4000xi32, #tpu.memory_space<vmem>>, vector<16xi32>,
      %mul3A_523 = arith.constant 16 : i32
      %mul3A_524 = arith.muli %add3A_518, %mul3A_523 : i32
      %get3A_525 = arith.index_cast %mul3A_524 : i32 to index
      %get3A_526 = tpu.vector_load %arg17[%get3A_525] {strides = array<i32>} : memref<4000xi32, #tpu.memory_space<vmem>>, vector<16xi32>,
      %gather3A_527 = tpu.vector_load_idx %arg6[%get3A_522] : memref<10000xf32, #tpu.memory_space<vmem>>[vector<16xi32>], vector<16xf32>,
      tpu.vector_store_idx %arg10[%get3A_526], %gather3A_527 {add = true} : memref<10000xf32, #tpu.memory_space<vmem>>[vector<16xi32>], vector<16xf32>,
      %gather3A_528 = tpu.vector_load_idx %arg7[%get3A_522] : memref<10000xf32, #tpu.memory_space<vmem>>[vector<16xi32>], vector<16xf32>,
      tpu.vector_store_idx %arg11[%get3A_526], %gather3A_528 {add = true} : memref<10000xf32, #tpu.memory_space<vmem>>[vector<16xi32>], vector<16xf32>,
      %gather3A_529 = tpu.vector_load_idx %arg8[%get3A_522] : memref<10000xf32, #tpu.memory_space<vmem>>[vector<16xi32>], vector<16xf32>,
      tpu.vector_store_idx %arg12[%get3A_526], %gather3A_529 {add = true} : memref<10000xf32, #tpu.memory_space<vmem>>[vector<16xi32>], vector<16xf32>,
      %gather3A_530 = tpu.vector_load_idx %arg9[%get3A_522] : memref<10000xf32, #tpu.memory_space<vmem>>[vector<16xi32>], vector<16xf32>,
      tpu.vector_store_idx %arg13[%get3A_526], %gather3A_530 {add = true} : memref<10000xf32, #tpu.memory_space<vmem>>[vector<16xi32>], vector<16xf32>,
      %scan3A_531 = arith.constant 247 : i32
      %scan3A_532 = arith.addi %scan3A_401, %scan3A_531 : i32
      %mul3A_533 = arith.constant 1 : i32
      %mul3A_534 = arith.muli %scan3A_532, %mul3A_533 : i32
      %add3A_535 = arith.constant 0 : i32
      %add3A_536 = arith.addi %add3A_535, %mul3A_534 : i32
      %mul3A_537 = arith.constant 16 : i32
      %mul3A_538 = arith.muli %add3A_536, %mul3A_537 : i32
      %get3A_539 = arith.index_cast %mul3A_538 : i32 to index
      %get3A_540 = tpu.vector_load %arg15[%get3A_539] {strides = array<i32>} : memref<4000xi32, #tpu.memory_space<vmem>>, vector<16xi32>,
      %mul3A_541 = arith.constant 16 : i32
      %mul3A_542 = arith.muli %add3A_536, %mul3A_541 : i32
      %get3A_543 = arith.index_cast %mul3A_542 : i32 to index
      %get3A_544 = tpu.vector_load %arg17[%get3A_543] {strides = array<i32>} : memref<4000xi32, #tpu.memory_space<vmem>>, vector<16xi32>,
      %gather3A_545 = tpu.vector_load_idx %arg6[%get3A_540] : memref<10000xf32, #tpu.memory_space<vmem>>[vector<16xi32>], vector<16xf32>,
      tpu.vector_store_idx %arg10[%get3A_544], %gather3A_545 {add = true} : memref<10000xf32, #tpu.memory_space<vmem>>[vector<16xi32>], vector<16xf32>,
      %gather3A_546 = tpu.vector_load_idx %arg7[%get3A_540] : memref<10000xf32, #tpu.memory_space<vmem>>[vector<16xi32>], vector<16xf32>,
      tpu.vector_store_idx %arg11[%get3A_544], %gather3A_546 {add = true} : memref<10000xf32, #tpu.memory_space<vmem>>[vector<16xi32>], vector<16xf32>,
      %gather3A_547 = tpu.vector_load_idx %arg8[%get3A_540] : memref<10000xf32, #tpu.memory_space<vmem>>[vector<16xi32>], vector<16xf32>,
      tpu.vector_store_idx %arg12[%get3A_544], %gather3A_547 {add = true} : memref<10000xf32, #tpu.memory_space<vmem>>[vector<16xi32>], vector<16xf32>,
      %gather3A_548 = tpu.vector_load_idx %arg9[%get3A_540] : memref<10000xf32, #tpu.memory_space<vmem>>[vector<16xi32>], vector<16xf32>,
      tpu.vector_store_idx %arg13[%get3A_544], %gather3A_548 {add = true} : memref<10000xf32, #tpu.memory_space<vmem>>[vector<16xi32>], vector<16xf32>,
      %scan3A_549 = arith.constant 248 : i32
      %scan3A_550 = arith.addi %scan3A_401, %scan3A_549 : i32
      %mul3A_551 = arith.constant 1 : i32
      %mul3A_552 = arith.muli %scan3A_550, %mul3A_551 : i32
      %add3A_553 = arith.constant 0 : i32
      %add3A_554 = arith.addi %add3A_553, %mul3A_552 : i32
      %mul3A_555 = arith.constant 16 : i32
      %mul3A_556 = arith.muli %add3A_554, %mul3A_555 : i32
      %get3A_557 = arith.index_cast %mul3A_556 : i32 to index
      %get3A_558 = tpu.vector_load %arg15[%get3A_557] {strides = array<i32>} : memref<4000xi32, #tpu.memory_space<vmem>>, vector<16xi32>,
      %mul3A_559 = arith.constant 16 : i32
      %mul3A_560 = arith.muli %add3A_554, %mul3A_559 : i32
      %get3A_561 = arith.index_cast %mul3A_560 : i32 to index
      %get3A_562 = tpu.vector_load %arg17[%get3A_561] {strides = array<i32>} : memref<4000xi32, #tpu.memory_space<vmem>>, vector<16xi32>,
      %gather3A_563 = tpu.vector_load_idx %arg6[%get3A_558] : memref<10000xf32, #tpu.memory_space<vmem>>[vector<16xi32>], vector<16xf32>,
      tpu.vector_store_idx %arg10[%get3A_562], %gather3A_563 {add = true} : memref<10000xf32, #tpu.memory_space<vmem>>[vector<16xi32>], vector<16xf32>,
      %gather3A_564 = tpu.vector_load_idx %arg7[%get3A_558] : memref<10000xf32, #tpu.memory_space<vmem>>[vector<16xi32>], vector<16xf32>,
      tpu.vector_store_idx %arg11[%get3A_562], %gather3A_564 {add = true} : memref<10000xf32, #tpu.memory_space<vmem>>[vector<16xi32>], vector<16xf32>,
      %gather3A_565 = tpu.vector_load_idx %arg8[%get3A_558] : memref<10000xf32, #tpu.memory_space<vmem>>[vector<16xi32>], vector<16xf32>,
      tpu.vector_store_idx %arg12[%get3A_562], %gather3A_565 {add = true} : memref<10000xf32, #tpu.memory_space<vmem>>[vector<16xi32>], vector<16xf32>,
      %gather3A_566 = tpu.vector_load_idx %arg9[%get3A_558] : memref<10000xf32, #tpu.memory_space<vmem>>[vector<16xi32>], vector<16xf32>,
      tpu.vector_store_idx %arg13[%get3A_562], %gather3A_566 {add = true} : memref<10000xf32, #tpu.memory_space<vmem>>[vector<16xi32>], vector<16xf32>,
      %scan3A_567 = arith.constant 249 : i32
      %scan3A_568 = arith.addi %scan3A_401, %scan3A_567 : i32
      %mul3A_569 = arith.constant 1 : i32
      %mul3A_570 = arith.muli %scan3A_568, %mul3A_569 : i32
      %add3A_571 = arith.constant 0 : i32
      %add3A_572 = arith.addi %add3A_571, %mul3A_570 : i32
      %mul3A_573 = arith.constant 16 : i32
      %mul3A_574 = arith.muli %add3A_572, %mul3A_573 : i32
      %get3A_575 = arith.index_cast %mul3A_574 : i32 to index
      %get3A_576 = tpu.vector_load %arg15[%get3A_575] {strides = array<i32>} : memref<4000xi32, #tpu.memory_space<vmem>>, vector<16xi32>,
      %mul3A_577 = arith.constant 16 : i32
      %mul3A_578 = arith.muli %add3A_572, %mul3A_577 : i32
      %get3A_579 = arith.index_cast %mul3A_578 : i32 to index
      %get3A_580 = tpu.vector_load %arg17[%get3A_579] {strides = array<i32>} : memref<4000xi32, #tpu.memory_space<vmem>>, vector<16xi32>,
      %gather3A_581 = tpu.vector_load_idx %arg6[%get3A_576] : memref<10000xf32, #tpu.memory_space<vmem>>[vector<16xi32>], vector<16xf32>,
      tpu.vector_store_idx %arg10[%get3A_580], %gather3A_581 {add = true} : memref<10000xf32, #tpu.memory_space<vmem>>[vector<16xi32>], vector<16xf32>,
      %gather3A_582 = tpu.vector_load_idx %arg7[%get3A_576] : memref<10000xf32, #tpu.memory_space<vmem>>[vector<16xi32>], vector<16xf32>,
      tpu.vector_store_idx %arg11[%get3A_580], %gather3A_582 {add = true} : memref<10000xf32, #tpu.memory_space<vmem>>[vector<16xi32>], vector<16xf32>,
      %gather3A_583 = tpu.vector_load_idx %arg8[%get3A_576] : memref<10000xf32, #tpu.memory_space<vmem>>[vector<16xi32>], vector<16xf32>,
      tpu.vector_store_idx %arg12[%get3A_580], %gather3A_583 {add = true} : memref<10000xf32, #tpu.memory_space<vmem>>[vector<16xi32>], vector<16xf32>,
      %gather3A_584 = tpu.vector_load_idx %arg9[%get3A_576] : memref<10000xf32, #tpu.memory_space<vmem>>[vector<16xi32>], vector<16xf32>,
      tpu.vector_store_idx %arg13[%get3A_580], %gather3A_584 {add = true} : memref<10000xf32, #tpu.memory_space<vmem>>[vector<16xi32>], vector<16xf32>,
      %scan3A_585 = arith.constant 250 : i32
    }
    %scan3A_162 = arith.constant 5 : i32
    %mul3A_163 = arith.constant 4 : i32
    %mul3A_164 = arith.muli %select_n3A_9, %mul3A_163 : i32
    %add3A_165 = arith.constant 0 : i32
    %add3A_166 = arith.addi %mul3A_164, %add3A_165 : i32
    "tpu.region"() ({
      %run_scoped3A = tpu.sem_alloc : memref<!tpu.dma_semaphore, #tpu.memory_space<semaphore_mem>>
      %dma_start3A_179 = arith.constant 0 : i32
      %dma_start3A_180 = tpu.memref_slice %arg5[%select_n3A_30, %add3A_166, %dma_start3A_179] : memref<8x16x10000xf32, #tpu.memory_space<hbm>> -> memref<1x1x10000xf32, #tpu.memory_space<hbm>>
      %dma_start3A_181 = tpu.memref_squeeze %dma_start3A_180 : memref<1x1x10000xf32, #tpu.memory_space<hbm>> -> memref<10000xf32, #tpu.memory_space<hbm>>
      %dma_start3A_182 = arith.constant 0 : i32
      %dma_start3A_183 = tpu.memref_slice %arg5[%select_n3A_30, %add3A_166, %dma_start3A_182] : memref<8x16x10000xf32, #tpu.memory_space<hbm>> -> memref<1x1x10000xf32, #tpu.memory_space<hbm>>
      %dma_start3A_184 = tpu.memref_squeeze %dma_start3A_183 : memref<1x1x10000xf32, #tpu.memory_space<hbm>> -> memref<10000xf32, #tpu.memory_space<hbm>>
      tpu.enqueue_dma source(%arg10 : memref<10000xf32, #tpu.memory_space<vmem>>) target(%dma_start3A_184 : memref<10000xf32, #tpu.memory_space<hbm>>) target_semaphore(%run_scoped3A : memref<!tpu.dma_semaphore, #tpu.memory_space<semaphore_mem>>)
      %dma_wait3A_185 = arith.constant 0 : i32
      %dma_wait3A_186 = tpu.memref_slice %arg5[%select_n3A_30, %add3A_166, %dma_wait3A_185] : memref<8x16x10000xf32, #tpu.memory_space<hbm>> -> memref<1x1x10000xf32, #tpu.memory_space<hbm>>
      %dma_wait3A_187 = tpu.memref_squeeze %dma_wait3A_186 : memref<1x1x10000xf32, #tpu.memory_space<hbm>> -> memref<10000xf32, #tpu.memory_space<hbm>>
      %dma_wait3A_188 = arith.constant 0 : i32
      %dma_wait3A_189 = tpu.memref_slice %arg5[%select_n3A_30, %add3A_166, %dma_wait3A_188] : memref<8x16x10000xf32, #tpu.memory_space<hbm>> -> memref<1x1x10000xf32, #tpu.memory_space<hbm>>
      %dma_wait3A_190 = tpu.memref_squeeze %dma_wait3A_189 : memref<1x1x10000xf32, #tpu.memory_space<hbm>> -> memref<10000xf32, #tpu.memory_space<hbm>>
      tpu.wait_dma2 semaphore(%run_scoped3A : memref<!tpu.dma_semaphore, #tpu.memory_space<semaphore_mem>>) src(%arg10 : memref<10000xf32, #tpu.memory_space<vmem>>) dst(%dma_wait3A_190 : memref<10000xf32, #tpu.memory_space<hbm>>)
      tpu.yield
    }) : () -> ()
    %mul3A_167 = arith.constant 4 : i32
    %mul3A_168 = arith.muli %select_n3A_9, %mul3A_167 : i32
    %add3A_169 = arith.constant 1 : i32
    %add3A_170 = arith.addi %mul3A_168, %add3A_169 : i32
    "tpu.region"() ({
      %run_scoped3A = tpu.sem_alloc : memref<!tpu.dma_semaphore, #tpu.memory_space<semaphore_mem>>
      %dma_start3A_179 = arith.constant 0 : i32
      %dma_start3A_180 = tpu.memref_slice %arg5[%select_n3A_30, %add3A_170, %dma_start3A_179] : memref<8x16x10000xf32, #tpu.memory_space<hbm>> -> memref<1x1x10000xf32, #tpu.memory_space<hbm>>
      %dma_start3A_181 = tpu.memref_squeeze %dma_start3A_180 : memref<1x1x10000xf32, #tpu.memory_space<hbm>> -> memref<10000xf32, #tpu.memory_space<hbm>>
      %dma_start3A_182 = arith.constant 0 : i32
      %dma_start3A_183 = tpu.memref_slice %arg5[%select_n3A_30, %add3A_170, %dma_start3A_182] : memref<8x16x10000xf32, #tpu.memory_space<hbm>> -> memref<1x1x10000xf32, #tpu.memory_space<hbm>>
      %dma_start3A_184 = tpu.memref_squeeze %dma_start3A_183 : memref<1x1x10000xf32, #tpu.memory_space<hbm>> -> memref<10000xf32, #tpu.memory_space<hbm>>
      tpu.enqueue_dma source(%arg11 : memref<10000xf32, #tpu.memory_space<vmem>>) target(%dma_start3A_184 : memref<10000xf32, #tpu.memory_space<hbm>>) target_semaphore(%run_scoped3A : memref<!tpu.dma_semaphore, #tpu.memory_space<semaphore_mem>>)
      %dma_wait3A_185 = arith.constant 0 : i32
      %dma_wait3A_186 = tpu.memref_slice %arg5[%select_n3A_30, %add3A_170, %dma_wait3A_185] : memref<8x16x10000xf32, #tpu.memory_space<hbm>> -> memref<1x1x10000xf32, #tpu.memory_space<hbm>>
      %dma_wait3A_187 = tpu.memref_squeeze %dma_wait3A_186 : memref<1x1x10000xf32, #tpu.memory_space<hbm>> -> memref<10000xf32, #tpu.memory_space<hbm>>
      %dma_wait3A_188 = arith.constant 0 : i32
      %dma_wait3A_189 = tpu.memref_slice %arg5[%select_n3A_30, %add3A_170, %dma_wait3A_188] : memref<8x16x10000xf32, #tpu.memory_space<hbm>> -> memref<1x1x10000xf32, #tpu.memory_space<hbm>>
      %dma_wait3A_190 = tpu.memref_squeeze %dma_wait3A_189 : memref<1x1x10000xf32, #tpu.memory_space<hbm>> -> memref<10000xf32, #tpu.memory_space<hbm>>
      tpu.wait_dma2 semaphore(%run_scoped3A : memref<!tpu.dma_semaphore, #tpu.memory_space<semaphore_mem>>) src(%arg11 : memref<10000xf32, #tpu.memory_space<vmem>>) dst(%dma_wait3A_190 : memref<10000xf32, #tpu.memory_space<hbm>>)
      tpu.yield
    }) : () -> ()
    %mul3A_171 = arith.constant 4 : i32
    %mul3A_172 = arith.muli %select_n3A_9, %mul3A_171 : i32
    %add3A_173 = arith.constant 2 : i32
    %add3A_174 = arith.addi %mul3A_172, %add3A_173 : i32
    "tpu.region"() ({
      %run_scoped3A = tpu.sem_alloc : memref<!tpu.dma_semaphore, #tpu.memory_space<semaphore_mem>>
      %dma_start3A_179 = arith.constant 0 : i32
      %dma_start3A_180 = tpu.memref_slice %arg5[%select_n3A_30, %add3A_174, %dma_start3A_179] : memref<8x16x10000xf32, #tpu.memory_space<hbm>> -> memref<1x1x10000xf32, #tpu.memory_space<hbm>>
      %dma_start3A_181 = tpu.memref_squeeze %dma_start3A_180 : memref<1x1x10000xf32, #tpu.memory_space<hbm>> -> memref<10000xf32, #tpu.memory_space<hbm>>
      %dma_start3A_182 = arith.constant 0 : i32
      %dma_start3A_183 = tpu.memref_slice %arg5[%select_n3A_30, %add3A_174, %dma_start3A_182] : memref<8x16x10000xf32, #tpu.memory_space<hbm>> -> memref<1x1x10000xf32, #tpu.memory_space<hbm>>
      %dma_start3A_184 = tpu.memref_squeeze %dma_start3A_183 : memref<1x1x10000xf32, #tpu.memory_space<hbm>> -> memref<10000xf32, #tpu.memory_space<hbm>>
      tpu.enqueue_dma source(%arg12 : memref<10000xf32, #tpu.memory_space<vmem>>) target(%dma_start3A_184 : memref<10000xf32, #tpu.memory_space<hbm>>) target_semaphore(%run_scoped3A : memref<!tpu.dma_semaphore, #tpu.memory_space<semaphore_mem>>)
      %dma_wait3A_185 = arith.constant 0 : i32
      %dma_wait3A_186 = tpu.memref_slice %arg5[%select_n3A_30, %add3A_174, %dma_wait3A_185] : memref<8x16x10000xf32, #tpu.memory_space<hbm>> -> memref<1x1x10000xf32, #tpu.memory_space<hbm>>
      %dma_wait3A_187 = tpu.memref_squeeze %dma_wait3A_186 : memref<1x1x10000xf32, #tpu.memory_space<hbm>> -> memref<10000xf32, #tpu.memory_space<hbm>>
      %dma_wait3A_188 = arith.constant 0 : i32
      %dma_wait3A_189 = tpu.memref_slice %arg5[%select_n3A_30, %add3A_174, %dma_wait3A_188] : memref<8x16x10000xf32, #tpu.memory_space<hbm>> -> memref<1x1x10000xf32, #tpu.memory_space<hbm>>
      %dma_wait3A_190 = tpu.memref_squeeze %dma_wait3A_189 : memref<1x1x10000xf32, #tpu.memory_space<hbm>> -> memref<10000xf32, #tpu.memory_space<hbm>>
      tpu.wait_dma2 semaphore(%run_scoped3A : memref<!tpu.dma_semaphore, #tpu.memory_space<semaphore_mem>>) src(%arg12 : memref<10000xf32, #tpu.memory_space<vmem>>) dst(%dma_wait3A_190 : memref<10000xf32, #tpu.memory_space<hbm>>)
      tpu.yield
    }) : () -> ()
    %mul3A_175 = arith.constant 4 : i32
    %mul3A_176 = arith.muli %select_n3A_9, %mul3A_175 : i32
    %add3A_177 = arith.constant 3 : i32
    %add3A_178 = arith.addi %mul3A_176, %add3A_177 : i32
    "tpu.region"() ({
      %run_scoped3A = tpu.sem_alloc : memref<!tpu.dma_semaphore, #tpu.memory_space<semaphore_mem>>
      %dma_start3A_179 = arith.constant 0 : i32
      %dma_start3A_180 = tpu.memref_slice %arg5[%select_n3A_30, %add3A_178, %dma_start3A_179] : memref<8x16x10000xf32, #tpu.memory_space<hbm>> -> memref<1x1x10000xf32, #tpu.memory_space<hbm>>
      %dma_start3A_181 = tpu.memref_squeeze %dma_start3A_180 : memref<1x1x10000xf32, #tpu.memory_space<hbm>> -> memref<10000xf32, #tpu.memory_space<hbm>>
      %dma_start3A_182 = arith.constant 0 : i32
      %dma_start3A_183 = tpu.memref_slice %arg5[%select_n3A_30, %add3A_178, %dma_start3A_182] : memref<8x16x10000xf32, #tpu.memory_space<hbm>> -> memref<1x1x10000xf32, #tpu.memory_space<hbm>>
      %dma_start3A_184 = tpu.memref_squeeze %dma_start3A_183 : memref<1x1x10000xf32, #tpu.memory_space<hbm>> -> memref<10000xf32, #tpu.memory_space<hbm>>
      tpu.enqueue_dma source(%arg13 : memref<10000xf32, #tpu.memory_space<vmem>>) target(%dma_start3A_184 : memref<10000xf32, #tpu.memory_space<hbm>>) target_semaphore(%run_scoped3A : memref<!tpu.dma_semaphore, #tpu.memory_space<semaphore_mem>>)
      %dma_wait3A_185 = arith.constant 0 : i32
      %dma_wait3A_186 = tpu.memref_slice %arg5[%select_n3A_30, %add3A_178, %dma_wait3A_185] : memref<8x16x10000xf32, #tpu.memory_space<hbm>> -> memref<1x1x10000xf32, #tpu.memory_space<hbm>>
      %dma_wait3A_187 = tpu.memref_squeeze %dma_wait3A_186 : memref<1x1x10000xf32, #tpu.memory_space<hbm>> -> memref<10000xf32, #tpu.memory_space<hbm>>
      %dma_wait3A_188 = arith.constant 0 : i32
      %dma_wait3A_189 = tpu.memref_slice %arg5[%select_n3A_30, %add3A_178, %dma_wait3A_188] : memref<8x16x10000xf32, #tpu.memory_space<hbm>> -> memref<1x1x10000xf32, #tpu.memory_space<hbm>>
      %dma_wait3A_190 = tpu.memref_squeeze %dma_wait3A_189 : memref<1x1x10000xf32, #tpu.memory_space<hbm>> -> memref<10000xf32, #tpu.memory_space<hbm>>
      tpu.wait_dma2 semaphore(%run_scoped3A : memref<!tpu.dma_semaphore, #tpu.memory_space<semaphore_mem>>) src(%arg13 : memref<10000xf32, #tpu.memory_space<vmem>>) dst(%dma_wait3A_190 : memref<10000xf32, #tpu.memory_space<hbm>>)
      tpu.yield
    }) : () -> ()
    return
  }
}

#map = affine_map<(d0, d1) -> (0)>
#map1 = affine_map<(d0, d1) -> (0, 0)>
module attributes {stable_mosaic.version = 14 : i64} {
  func.func @_deg_body(%arg0: i32, %arg1: i32, %arg2: memref<320000xi32, #tpu.memory_space<hbm>>, %arg3: memref<32x10000xf32, #tpu.memory_space<hbm>>, %arg4: memref<10000xi32, #tpu.memory_space<vmem>>, %arg5: memref<10000xf32, #tpu.memory_space<vmem>>, %arg6: memref<!tpu.dma_semaphore, #tpu.memory_space<semaphore_mem>>) attributes {dimension_semantics = [#tpu.dimension_semantics<core_parallel>, #tpu.dimension_semantics<subcore_parallel>], iteration_bounds = array<i64: 2, 16>, scalar_prefetch = 0 : i64, scratch_operands = 3 : i64, tpu.core_type = #tpu.core_type<sc_vector_subcore>, window_params = [{transform_indices = #map}, {transform_indices = #map1}]} {
    %mul3A = arith.constant 2 : i32
    %mul3A_0 = arith.muli %arg1, %mul3A : i32
    %add3A = arith.addi %mul3A_0, %arg0 : i32
    %broadcast_in_dim3A = arith.constant 1.000000e+00 : f32
    %broadcast_in_dim3A_1 = vector.broadcast %broadcast_in_dim3A : f32 to vector<16xf32>
    %broadcast_in_dim3A_2 = arith.constant 0.000000e+00 : f32
    %broadcast_in_dim3A_3 = vector.broadcast %broadcast_in_dim3A_2 : f32 to vector<16xf32>
    %mul3A_4 = arith.constant 10000 : i32
    %mul3A_5 = arith.muli %add3A, %mul3A_4 : i32
    %dma_start3A = tpu.memref_slice %arg2[%mul3A_5] : memref<320000xi32, #tpu.memory_space<hbm>> -> memref<10000xi32, #tpu.memory_space<hbm>>
    %dma_start3A_6 = tpu.memref_slice %arg2[%mul3A_5] : memref<320000xi32, #tpu.memory_space<hbm>> -> memref<10000xi32, #tpu.memory_space<hbm>>
    tpu.enqueue_dma source(%dma_start3A_6 : memref<10000xi32, #tpu.memory_space<hbm>>) target(%arg4 : memref<10000xi32, #tpu.memory_space<vmem>>) target_semaphore(%arg6 : memref<!tpu.dma_semaphore, #tpu.memory_space<semaphore_mem>>)
    %scan3A = arith.constant 0 : i32
    %scan3A_7 = arith.constant 624 : i32
    %scan3A_8 = arith.addi %scan3A, %scan3A_7 : i32
    %scan3A_9 = arith.constant 8 : i32
    scf.for %scan3A_35 = %scan3A to %scan3A_8 step %scan3A_9  : i32 {
      %mul3A_36 = arith.constant 1 : i32
      %mul3A_37 = arith.muli %scan3A_35, %mul3A_36 : i32
      %add3A_38 = arith.constant 0 : i32
      %add3A_39 = arith.addi %add3A_38, %mul3A_37 : i32
      %mul3A_40 = arith.constant 16 : i32
      %mul3A_41 = arith.muli %add3A_39, %mul3A_40 : i32
      %swap3A_42 = arith.index_cast %mul3A_41 : i32 to index
      %swap3A_43 = tpu.vector_load %arg5[%swap3A_42] {strides = array<i32>} : memref<10000xf32, #tpu.memory_space<vmem>>, vector<16xf32>,
      tpu.vector_store %arg5[%swap3A_42], %broadcast_in_dim3A_3 {strides = array<i32>} : memref<10000xf32, #tpu.memory_space<vmem>>, vector<16xf32>,
      %scan3A_44 = arith.constant 1 : i32
      %scan3A_45 = arith.addi %scan3A_35, %scan3A_44 : i32
      %mul3A_46 = arith.constant 1 : i32
      %mul3A_47 = arith.muli %scan3A_45, %mul3A_46 : i32
      %add3A_48 = arith.constant 0 : i32
      %add3A_49 = arith.addi %add3A_48, %mul3A_47 : i32
      %mul3A_50 = arith.constant 16 : i32
      %mul3A_51 = arith.muli %add3A_49, %mul3A_50 : i32
      %swap3A_52 = arith.index_cast %mul3A_51 : i32 to index
      %swap3A_53 = tpu.vector_load %arg5[%swap3A_52] {strides = array<i32>} : memref<10000xf32, #tpu.memory_space<vmem>>, vector<16xf32>,
      tpu.vector_store %arg5[%swap3A_52], %broadcast_in_dim3A_3 {strides = array<i32>} : memref<10000xf32, #tpu.memory_space<vmem>>, vector<16xf32>,
      %scan3A_54 = arith.constant 2 : i32
      %scan3A_55 = arith.addi %scan3A_35, %scan3A_54 : i32
      %mul3A_56 = arith.constant 1 : i32
      %mul3A_57 = arith.muli %scan3A_55, %mul3A_56 : i32
      %add3A_58 = arith.constant 0 : i32
      %add3A_59 = arith.addi %add3A_58, %mul3A_57 : i32
      %mul3A_60 = arith.constant 16 : i32
      %mul3A_61 = arith.muli %add3A_59, %mul3A_60 : i32
      %swap3A_62 = arith.index_cast %mul3A_61 : i32 to index
      %swap3A_63 = tpu.vector_load %arg5[%swap3A_62] {strides = array<i32>} : memref<10000xf32, #tpu.memory_space<vmem>>, vector<16xf32>,
      tpu.vector_store %arg5[%swap3A_62], %broadcast_in_dim3A_3 {strides = array<i32>} : memref<10000xf32, #tpu.memory_space<vmem>>, vector<16xf32>,
      %scan3A_64 = arith.constant 3 : i32
      %scan3A_65 = arith.addi %scan3A_35, %scan3A_64 : i32
      %mul3A_66 = arith.constant 1 : i32
      %mul3A_67 = arith.muli %scan3A_65, %mul3A_66 : i32
      %add3A_68 = arith.constant 0 : i32
      %add3A_69 = arith.addi %add3A_68, %mul3A_67 : i32
      %mul3A_70 = arith.constant 16 : i32
      %mul3A_71 = arith.muli %add3A_69, %mul3A_70 : i32
      %swap3A_72 = arith.index_cast %mul3A_71 : i32 to index
      %swap3A_73 = tpu.vector_load %arg5[%swap3A_72] {strides = array<i32>} : memref<10000xf32, #tpu.memory_space<vmem>>, vector<16xf32>,
      tpu.vector_store %arg5[%swap3A_72], %broadcast_in_dim3A_3 {strides = array<i32>} : memref<10000xf32, #tpu.memory_space<vmem>>, vector<16xf32>,
      %scan3A_74 = arith.constant 4 : i32
      %scan3A_75 = arith.addi %scan3A_35, %scan3A_74 : i32
      %mul3A_76 = arith.constant 1 : i32
      %mul3A_77 = arith.muli %scan3A_75, %mul3A_76 : i32
      %add3A_78 = arith.constant 0 : i32
      %add3A_79 = arith.addi %add3A_78, %mul3A_77 : i32
      %mul3A_80 = arith.constant 16 : i32
      %mul3A_81 = arith.muli %add3A_79, %mul3A_80 : i32
      %swap3A_82 = arith.index_cast %mul3A_81 : i32 to index
      %swap3A_83 = tpu.vector_load %arg5[%swap3A_82] {strides = array<i32>} : memref<10000xf32, #tpu.memory_space<vmem>>, vector<16xf32>,
      tpu.vector_store %arg5[%swap3A_82], %broadcast_in_dim3A_3 {strides = array<i32>} : memref<10000xf32, #tpu.memory_space<vmem>>, vector<16xf32>,
      %scan3A_84 = arith.constant 5 : i32
      %scan3A_85 = arith.addi %scan3A_35, %scan3A_84 : i32
      %mul3A_86 = arith.constant 1 : i32
      %mul3A_87 = arith.muli %scan3A_85, %mul3A_86 : i32
      %add3A_88 = arith.constant 0 : i32
      %add3A_89 = arith.addi %add3A_88, %mul3A_87 : i32
      %mul3A_90 = arith.constant 16 : i32
      %mul3A_91 = arith.muli %add3A_89, %mul3A_90 : i32
      %swap3A_92 = arith.index_cast %mul3A_91 : i32 to index
      %swap3A_93 = tpu.vector_load %arg5[%swap3A_92] {strides = array<i32>} : memref<10000xf32, #tpu.memory_space<vmem>>, vector<16xf32>,
      tpu.vector_store %arg5[%swap3A_92], %broadcast_in_dim3A_3 {strides = array<i32>} : memref<10000xf32, #tpu.memory_space<vmem>>, vector<16xf32>,
      %scan3A_94 = arith.constant 6 : i32
      %scan3A_95 = arith.addi %scan3A_35, %scan3A_94 : i32
      %mul3A_96 = arith.constant 1 : i32
      %mul3A_97 = arith.muli %scan3A_95, %mul3A_96 : i32
      %add3A_98 = arith.constant 0 : i32
      %add3A_99 = arith.addi %add3A_98, %mul3A_97 : i32
      %mul3A_100 = arith.constant 16 : i32
      %mul3A_101 = arith.muli %add3A_99, %mul3A_100 : i32
      %swap3A_102 = arith.index_cast %mul3A_101 : i32 to index
      %swap3A_103 = tpu.vector_load %arg5[%swap3A_102] {strides = array<i32>} : memref<10000xf32, #tpu.memory_space<vmem>>, vector<16xf32>,
      tpu.vector_store %arg5[%swap3A_102], %broadcast_in_dim3A_3 {strides = array<i32>} : memref<10000xf32, #tpu.memory_space<vmem>>, vector<16xf32>,
      %scan3A_104 = arith.constant 7 : i32
      %scan3A_105 = arith.addi %scan3A_35, %scan3A_104 : i32
      %mul3A_106 = arith.constant 1 : i32
      %mul3A_107 = arith.muli %scan3A_105, %mul3A_106 : i32
      %add3A_108 = arith.constant 0 : i32
      %add3A_109 = arith.addi %add3A_108, %mul3A_107 : i32
      %mul3A_110 = arith.constant 16 : i32
      %mul3A_111 = arith.muli %add3A_109, %mul3A_110 : i32
      %swap3A_112 = arith.index_cast %mul3A_111 : i32 to index
      %swap3A_113 = tpu.vector_load %arg5[%swap3A_112] {strides = array<i32>} : memref<10000xf32, #tpu.memory_space<vmem>>, vector<16xf32>,
      tpu.vector_store %arg5[%swap3A_112], %broadcast_in_dim3A_3 {strides = array<i32>} : memref<10000xf32, #tpu.memory_space<vmem>>, vector<16xf32>,
    }
    %scan3A_10 = arith.constant 624 : i32
    %scan3A_11 = arith.addi %scan3A, %scan3A_10 : i32
    %mul3A_12 = arith.constant 1 : i32
    %mul3A_13 = arith.muli %scan3A_11, %mul3A_12 : i32
    %add3A_14 = arith.constant 0 : i32
    %add3A_15 = arith.addi %add3A_14, %mul3A_13 : i32
    %mul3A_16 = arith.constant 16 : i32
    %mul3A_17 = arith.muli %add3A_15, %mul3A_16 : i32
    %swap3A = arith.index_cast %mul3A_17 : i32 to index
    %swap3A_18 = tpu.vector_load %arg5[%swap3A] {strides = array<i32>} : memref<10000xf32, #tpu.memory_space<vmem>>, vector<16xf32>,
    tpu.vector_store %arg5[%swap3A], %broadcast_in_dim3A_3 {strides = array<i32>} : memref<10000xf32, #tpu.memory_space<vmem>>, vector<16xf32>,
    %scan3A_19 = arith.constant 625 : i32
    %dma_wait3A = tpu.memref_slice %arg2[%mul3A_5] : memref<320000xi32, #tpu.memory_space<hbm>> -> memref<10000xi32, #tpu.memory_space<hbm>>
    %dma_wait3A_20 = tpu.memref_slice %arg2[%mul3A_5] : memref<320000xi32, #tpu.memory_space<hbm>> -> memref<10000xi32, #tpu.memory_space<hbm>>
    tpu.wait_dma2 semaphore(%arg6 : memref<!tpu.dma_semaphore, #tpu.memory_space<semaphore_mem>>) src(%dma_wait3A_20 : memref<10000xi32, #tpu.memory_space<hbm>>) dst(%arg4 : memref<10000xi32, #tpu.memory_space<vmem>>)
    %scan3A_21 = arith.constant 0 : i32
    %scan3A_22 = arith.constant 624 : i32
    %scan3A_23 = arith.addi %scan3A_21, %scan3A_22 : i32
    %scan3A_24 = arith.constant 8 : i32
    scf.for %scan3A_35 = %scan3A_21 to %scan3A_23 step %scan3A_24  : i32 {
      %mul3A_36 = arith.constant 1 : i32
      %mul3A_37 = arith.muli %scan3A_35, %mul3A_36 : i32
      %add3A_38 = arith.constant 0 : i32
      %add3A_39 = arith.addi %add3A_38, %mul3A_37 : i32
      %mul3A_40 = arith.constant 16 : i32
      %mul3A_41 = arith.muli %add3A_39, %mul3A_40 : i32
      %get3A_42 = arith.index_cast %mul3A_41 : i32 to index
      %get3A_43 = tpu.vector_load %arg4[%get3A_42] {strides = array<i32>} : memref<10000xi32, #tpu.memory_space<vmem>>, vector<16xi32>,
      tpu.vector_store_idx %arg5[%get3A_43], %broadcast_in_dim3A_1 {add = true} : memref<10000xf32, #tpu.memory_space<vmem>>[vector<16xi32>], vector<16xf32>,
      %scan3A_44 = arith.constant 1 : i32
      %scan3A_45 = arith.addi %scan3A_35, %scan3A_44 : i32
      %mul3A_46 = arith.constant 1 : i32
      %mul3A_47 = arith.muli %scan3A_45, %mul3A_46 : i32
      %add3A_48 = arith.constant 0 : i32
      %add3A_49 = arith.addi %add3A_48, %mul3A_47 : i32
      %mul3A_50 = arith.constant 16 : i32
      %mul3A_51 = arith.muli %add3A_49, %mul3A_50 : i32
      %get3A_52 = arith.index_cast %mul3A_51 : i32 to index
      %get3A_53 = tpu.vector_load %arg4[%get3A_52] {strides = array<i32>} : memref<10000xi32, #tpu.memory_space<vmem>>, vector<16xi32>,
      tpu.vector_store_idx %arg5[%get3A_53], %broadcast_in_dim3A_1 {add = true} : memref<10000xf32, #tpu.memory_space<vmem>>[vector<16xi32>], vector<16xf32>,
      %scan3A_54 = arith.constant 2 : i32
      %scan3A_55 = arith.addi %scan3A_35, %scan3A_54 : i32
      %mul3A_56 = arith.constant 1 : i32
      %mul3A_57 = arith.muli %scan3A_55, %mul3A_56 : i32
      %add3A_58 = arith.constant 0 : i32
      %add3A_59 = arith.addi %add3A_58, %mul3A_57 : i32
      %mul3A_60 = arith.constant 16 : i32
      %mul3A_61 = arith.muli %add3A_59, %mul3A_60 : i32
      %get3A_62 = arith.index_cast %mul3A_61 : i32 to index
      %get3A_63 = tpu.vector_load %arg4[%get3A_62] {strides = array<i32>} : memref<10000xi32, #tpu.memory_space<vmem>>, vector<16xi32>,
      tpu.vector_store_idx %arg5[%get3A_63], %broadcast_in_dim3A_1 {add = true} : memref<10000xf32, #tpu.memory_space<vmem>>[vector<16xi32>], vector<16xf32>,
      %scan3A_64 = arith.constant 3 : i32
      %scan3A_65 = arith.addi %scan3A_35, %scan3A_64 : i32
      %mul3A_66 = arith.constant 1 : i32
      %mul3A_67 = arith.muli %scan3A_65, %mul3A_66 : i32
      %add3A_68 = arith.constant 0 : i32
      %add3A_69 = arith.addi %add3A_68, %mul3A_67 : i32
      %mul3A_70 = arith.constant 16 : i32
      %mul3A_71 = arith.muli %add3A_69, %mul3A_70 : i32
      %get3A_72 = arith.index_cast %mul3A_71 : i32 to index
      %get3A_73 = tpu.vector_load %arg4[%get3A_72] {strides = array<i32>} : memref<10000xi32, #tpu.memory_space<vmem>>, vector<16xi32>,
      tpu.vector_store_idx %arg5[%get3A_73], %broadcast_in_dim3A_1 {add = true} : memref<10000xf32, #tpu.memory_space<vmem>>[vector<16xi32>], vector<16xf32>,
      %scan3A_74 = arith.constant 4 : i32
      %scan3A_75 = arith.addi %scan3A_35, %scan3A_74 : i32
      %mul3A_76 = arith.constant 1 : i32
      %mul3A_77 = arith.muli %scan3A_75, %mul3A_76 : i32
      %add3A_78 = arith.constant 0 : i32
      %add3A_79 = arith.addi %add3A_78, %mul3A_77 : i32
      %mul3A_80 = arith.constant 16 : i32
      %mul3A_81 = arith.muli %add3A_79, %mul3A_80 : i32
      %get3A_82 = arith.index_cast %mul3A_81 : i32 to index
      %get3A_83 = tpu.vector_load %arg4[%get3A_82] {strides = array<i32>} : memref<10000xi32, #tpu.memory_space<vmem>>, vector<16xi32>,
      tpu.vector_store_idx %arg5[%get3A_83], %broadcast_in_dim3A_1 {add = true} : memref<10000xf32, #tpu.memory_space<vmem>>[vector<16xi32>], vector<16xf32>,
      %scan3A_84 = arith.constant 5 : i32
      %scan3A_85 = arith.addi %scan3A_35, %scan3A_84 : i32
      %mul3A_86 = arith.constant 1 : i32
      %mul3A_87 = arith.muli %scan3A_85, %mul3A_86 : i32
      %add3A_88 = arith.constant 0 : i32
      %add3A_89 = arith.addi %add3A_88, %mul3A_87 : i32
      %mul3A_90 = arith.constant 16 : i32
      %mul3A_91 = arith.muli %add3A_89, %mul3A_90 : i32
      %get3A_92 = arith.index_cast %mul3A_91 : i32 to index
      %get3A_93 = tpu.vector_load %arg4[%get3A_92] {strides = array<i32>} : memref<10000xi32, #tpu.memory_space<vmem>>, vector<16xi32>,
      tpu.vector_store_idx %arg5[%get3A_93], %broadcast_in_dim3A_1 {add = true} : memref<10000xf32, #tpu.memory_space<vmem>>[vector<16xi32>], vector<16xf32>,
      %scan3A_94 = arith.constant 6 : i32
      %scan3A_95 = arith.addi %scan3A_35, %scan3A_94 : i32
      %mul3A_96 = arith.constant 1 : i32
      %mul3A_97 = arith.muli %scan3A_95, %mul3A_96 : i32
      %add3A_98 = arith.constant 0 : i32
      %add3A_99 = arith.addi %add3A_98, %mul3A_97 : i32
      %mul3A_100 = arith.constant 16 : i32
      %mul3A_101 = arith.muli %add3A_99, %mul3A_100 : i32
      %get3A_102 = arith.index_cast %mul3A_101 : i32 to index
      %get3A_103 = tpu.vector_load %arg4[%get3A_102] {strides = array<i32>} : memref<10000xi32, #tpu.memory_space<vmem>>, vector<16xi32>,
      tpu.vector_store_idx %arg5[%get3A_103], %broadcast_in_dim3A_1 {add = true} : memref<10000xf32, #tpu.memory_space<vmem>>[vector<16xi32>], vector<16xf32>,
      %scan3A_104 = arith.constant 7 : i32
      %scan3A_105 = arith.addi %scan3A_35, %scan3A_104 : i32
      %mul3A_106 = arith.constant 1 : i32
      %mul3A_107 = arith.muli %scan3A_105, %mul3A_106 : i32
      %add3A_108 = arith.constant 0 : i32
      %add3A_109 = arith.addi %add3A_108, %mul3A_107 : i32
      %mul3A_110 = arith.constant 16 : i32
      %mul3A_111 = arith.muli %add3A_109, %mul3A_110 : i32
      %get3A_112 = arith.index_cast %mul3A_111 : i32 to index
      %get3A_113 = tpu.vector_load %arg4[%get3A_112] {strides = array<i32>} : memref<10000xi32, #tpu.memory_space<vmem>>, vector<16xi32>,
      tpu.vector_store_idx %arg5[%get3A_113], %broadcast_in_dim3A_1 {add = true} : memref<10000xf32, #tpu.memory_space<vmem>>[vector<16xi32>], vector<16xf32>,
    }
    %scan3A_25 = arith.constant 624 : i32
    %scan3A_26 = arith.addi %scan3A_21, %scan3A_25 : i32
    %mul3A_27 = arith.constant 1 : i32
    %mul3A_28 = arith.muli %scan3A_26, %mul3A_27 : i32
    %add3A_29 = arith.constant 0 : i32
    %add3A_30 = arith.addi %add3A_29, %mul3A_28 : i32
    %mul3A_31 = arith.constant 16 : i32
    %mul3A_32 = arith.muli %add3A_30, %mul3A_31 : i32
    %get3A = arith.index_cast %mul3A_32 : i32 to index
    %get3A_33 = tpu.vector_load %arg4[%get3A] {strides = array<i32>} : memref<10000xi32, #tpu.memory_space<vmem>>, vector<16xi32>,
    tpu.vector_store_idx %arg5[%get3A_33], %broadcast_in_dim3A_1 {add = true} : memref<10000xf32, #tpu.memory_space<vmem>>[vector<16xi32>], vector<16xf32>,
    %scan3A_34 = arith.constant 625 : i32
    "tpu.region"() ({
      %run_scoped3A = tpu.sem_alloc : memref<!tpu.dma_semaphore, #tpu.memory_space<semaphore_mem>>
      %dma_start3A_35 = arith.constant 0 : i32
      %dma_start3A_36 = tpu.memref_slice %arg3[%add3A, %dma_start3A_35] : memref<32x10000xf32, #tpu.memory_space<hbm>> -> memref<1x10000xf32, #tpu.memory_space<hbm>>
      %dma_start3A_37 = tpu.memref_squeeze %dma_start3A_36 : memref<1x10000xf32, #tpu.memory_space<hbm>> -> memref<10000xf32, #tpu.memory_space<hbm>>
      %dma_start3A_38 = arith.constant 0 : i32
      %dma_start3A_39 = tpu.memref_slice %arg3[%add3A, %dma_start3A_38] : memref<32x10000xf32, #tpu.memory_space<hbm>> -> memref<1x10000xf32, #tpu.memory_space<hbm>>
      %dma_start3A_40 = tpu.memref_squeeze %dma_start3A_39 : memref<1x10000xf32, #tpu.memory_space<hbm>> -> memref<10000xf32, #tpu.memory_space<hbm>>
      tpu.enqueue_dma source(%arg5 : memref<10000xf32, #tpu.memory_space<vmem>>) target(%dma_start3A_40 : memref<10000xf32, #tpu.memory_space<hbm>>) target_semaphore(%run_scoped3A : memref<!tpu.dma_semaphore, #tpu.memory_space<semaphore_mem>>)
      %dma_wait3A_41 = arith.constant 0 : i32
      %dma_wait3A_42 = tpu.memref_slice %arg3[%add3A, %dma_wait3A_41] : memref<32x10000xf32, #tpu.memory_space<hbm>> -> memref<1x10000xf32, #tpu.memory_space<hbm>>
      %dma_wait3A_43 = tpu.memref_squeeze %dma_wait3A_42 : memref<1x10000xf32, #tpu.memory_space<hbm>> -> memref<10000xf32, #tpu.memory_space<hbm>>
      %dma_wait3A_44 = arith.constant 0 : i32
      %dma_wait3A_45 = tpu.memref_slice %arg3[%add3A, %dma_wait3A_44] : memref<32x10000xf32, #tpu.memory_space<hbm>> -> memref<1x10000xf32, #tpu.memory_space<hbm>>
      %dma_wait3A_46 = tpu.memref_squeeze %dma_wait3A_45 : memref<1x10000xf32, #tpu.memory_space<hbm>> -> memref<10000xf32, #tpu.memory_space<hbm>>
      tpu.wait_dma2 semaphore(%run_scoped3A : memref<!tpu.dma_semaphore, #tpu.memory_space<semaphore_mem>>) src(%arg5 : memref<10000xf32, #tpu.memory_space<vmem>>) dst(%dma_wait3A_46 : memref<10000xf32, #tpu.memory_space<hbm>>)
      tpu.yield
    }) : () -> ()
    return
  }
}

module attributes {stable_mosaic.version = 14 : i64} {
  func.func @_tc1_body(%arg0: memref<32x10000xf32, #tpu.memory_space<vmem>>, %arg1: memref<10000x128xf32, #tpu.memory_space<vmem>>, %arg2: memref<128x128xf32, #tpu.memory_space<vmem>>, %arg3: memref<10000x128xf32, #tpu.memory_space<vmem>>, %arg4: memref<1x10000xf32, #tpu.memory_space<vmem>>) attributes {dimension_semantics = [], scalar_prefetch = 0 : i64, scratch_operands = 0 : i64, tpu.core_type = #tpu.core_type<tc>} {
    %get3A = arith.constant 0 : index
    %get3A_0 = arith.constant 0 : index
    %get3A_1 = vector.load %arg0[%get3A, %get3A_0] : memref<32x10000xf32, #tpu.memory_space<vmem>>, vector<32x10000xf32>
    %reduce_sum3A = arith.constant dense<0.000000e+00> : vector<10000xf32>
    %reduce_sum3A_2 = vector.multi_reduction <add>, %get3A_1, %reduce_sum3A [0] : vector<32x10000xf32> to vector<10000xf32>
    %add3A = arith.constant 1.000000e+00 : f32
    %add3A_3 = vector.broadcast %add3A : f32 to vector<10000xf32>
    %add3A_4 = arith.addf %reduce_sum3A_2, %add3A_3 : vector<10000xf32>
    %rsqrt3A = math.rsqrt %add3A_4 : vector<10000xf32>
    %broadcast_in_dim3A = vector.shape_cast %rsqrt3A : vector<10000xf32> to vector<1x10000xf32>
    %swap3A = arith.constant 0 : index
    %swap3A_5 = arith.constant 0 : index
    %swap3A_6 = vector.load %arg4[%swap3A, %swap3A_5] : memref<1x10000xf32, #tpu.memory_space<vmem>>, vector<1x10000xf32>
    tpu.vector_store %arg4[%swap3A, %swap3A_5], %broadcast_in_dim3A {strides = array<i32>} : memref<1x10000xf32, #tpu.memory_space<vmem>>, vector<1x10000xf32>,
    %get3A_7 = arith.constant 0 : index
    %get3A_8 = arith.constant 0 : index
    %get3A_9 = vector.load %arg1[%get3A_7, %get3A_8] : memref<10000x128xf32, #tpu.memory_space<vmem>>, vector<10000x128xf32>
    %broadcast_in_dim3A_10 = vector.shape_cast %rsqrt3A : vector<10000xf32> to vector<10000x1xf32>
    %mul3A = vector.broadcast %broadcast_in_dim3A_10 : vector<10000x1xf32> to vector<10000x128xf32>
    %mul3A_11 = arith.mulf %get3A_9, %mul3A : vector<10000x128xf32>
    %get3A_12 = arith.constant 0 : index
    %get3A_13 = arith.constant 0 : index
    %get3A_14 = vector.load %arg2[%get3A_12, %get3A_13] : memref<128x128xf32, #tpu.memory_space<vmem>>, vector<128x128xf32>
    %dot_general3A = arith.constant dense<0.000000e+00> : vector<10000x128xf32>
    %dot_general3A_15 = tpu.matmul %mul3A_11, %get3A_14, %dot_general3A {dimension_numbers = #tpu.dot_dimension_numbers<[1], [0], [0], [1], [0, 0, 1, 1], [], []>, transpose_lhs_hint = false} : vector<10000x128xf32>, vector<128x128xf32>, vector<10000x128xf32> -> vector<10000x128xf32>
    %swap3A_16 = arith.constant 0 : index
    %swap3A_17 = arith.constant 0 : index
    %swap3A_18 = vector.load %arg3[%swap3A_16, %swap3A_17] : memref<10000x128xf32, #tpu.memory_space<vmem>>, vector<10000x128xf32>
    tpu.vector_store %arg3[%swap3A_16, %swap3A_17], %dot_general3A_15 {strides = array<i32>} : memref<10000x128xf32, #tpu.memory_space<vmem>>, vector<10000x128xf32>,
    return
  }
}

module attributes {stable_mosaic.version = 14 : i64} {
  func.func @_tc2_body(%arg0: memref<1x10000xf32, #tpu.memory_space<vmem>>, %arg1: memref<2x10000x128xf32, #tpu.memory_space<vmem>>, %arg2: memref<10000x128xf32, #tpu.memory_space<vmem>>, %arg3: memref<1x128xf32, #tpu.memory_space<vmem>>, %arg4: memref<1x1xf32, #tpu.memory_space<vmem>>, %arg5: memref<16x128xf32, #tpu.memory_space<vmem>>, %arg6: memref<16x10000xf32, #tpu.memory_space<vmem>>) attributes {dimension_semantics = [], scalar_prefetch = 0 : i64, scratch_operands = 0 : i64, tpu.core_type = #tpu.core_type<tc>} {
    %get3A = arith.constant 0 : index
    %get3A_0 = arith.constant 0 : index
    %get3A_1 = vector.load %arg0[%get3A, %get3A_0] : memref<1x10000xf32, #tpu.memory_space<vmem>>, vector<1x10000xf32>
    %get3A_2 = vector.shape_cast %get3A_1 : vector<1x10000xf32> to vector<10000xf32>
    %get3A_3 = arith.constant 0 : index
    %get3A_4 = arith.constant 0 : index
    %get3A_5 = arith.constant 0 : index
    %get3A_6 = vector.load %arg1[%get3A_3, %get3A_4, %get3A_5] : memref<2x10000x128xf32, #tpu.memory_space<vmem>>, vector<1x10000x128xf32>
    %get3A_7 = vector.shape_cast %get3A_6 : vector<1x10000x128xf32> to vector<10000x128xf32>
    %get3A_8 = arith.constant 1 : index
    %get3A_9 = arith.constant 0 : index
    %get3A_10 = arith.constant 0 : index
    %get3A_11 = vector.load %arg1[%get3A_8, %get3A_9, %get3A_10] : memref<2x10000x128xf32, #tpu.memory_space<vmem>>, vector<1x10000x128xf32>
    %get3A_12 = vector.shape_cast %get3A_11 : vector<1x10000x128xf32> to vector<10000x128xf32>
    %add3A = arith.addf %get3A_7, %get3A_12 : vector<10000x128xf32>
    %get3A_13 = arith.constant 0 : index
    %get3A_14 = arith.constant 0 : index
    %get3A_15 = vector.load %arg2[%get3A_13, %get3A_14] : memref<10000x128xf32, #tpu.memory_space<vmem>>, vector<10000x128xf32>
    %sub3A = arith.subf %add3A, %get3A_15 : vector<10000x128xf32>
    %broadcast_in_dim3A = vector.shape_cast %get3A_2 : vector<10000xf32> to vector<10000x1xf32>
    %mul3A = vector.broadcast %broadcast_in_dim3A : vector<10000x1xf32> to vector<10000x128xf32>
    %mul3A_16 = arith.mulf %sub3A, %mul3A : vector<10000x128xf32>
    %get3A_17 = arith.constant 0 : index
    %get3A_18 = arith.constant 0 : index
    %get3A_19 = vector.load %arg3[%get3A_17, %get3A_18] : memref<1x128xf32, #tpu.memory_space<vmem>>, vector<1x128xf32>
    %add3A_20 = vector.broadcast %get3A_19 : vector<1x128xf32> to vector<10000x128xf32>
    %add3A_21 = arith.addf %mul3A_16, %add3A_20 : vector<10000x128xf32>
    %ge3A = arith.constant 0.000000e+00 : f32
    %ge3A_22 = vector.broadcast %ge3A : f32 to vector<10000x128xf32>
    %ge3A_23 = arith.cmpf oge, %add3A_21, %ge3A_22 : vector<10000x128xf32>
    %get3A_24 = arith.constant 0 : index
    %get3A_25 = arith.constant 0 : index
    %get3A_26 = vector.load %arg4[%get3A_24, %get3A_25] : memref<1x1xf32, #tpu.memory_space<vmem>>, vector<1x1xf32>
    %get3A_27 = vector.extract %get3A_26[0, 0] : f32 from vector<1x1xf32>
    %mul3A_28 = vector.broadcast %get3A_27 : f32 to vector<10000x128xf32>
    %mul3A_29 = arith.mulf %mul3A_28, %add3A_21 : vector<10000x128xf32>
    %select_n3A = arith.select %ge3A_23, %add3A_21, %mul3A_29 : vector<10000x128xi1>, vector<10000x128xf32>
    %broadcast_in_dim3A_30 = vector.shape_cast %get3A_2 : vector<10000xf32> to vector<10000x1xf32>
    %mul3A_31 = vector.broadcast %broadcast_in_dim3A_30 : vector<10000x1xf32> to vector<10000x128xf32>
    %mul3A_32 = arith.mulf %select_n3A, %mul3A_31 : vector<10000x128xf32>
    %get3A_33 = arith.constant 0 : index
    %get3A_34 = arith.constant 0 : index
    %get3A_35 = vector.load %arg5[%get3A_33, %get3A_34] : memref<16x128xf32, #tpu.memory_space<vmem>>, vector<16x128xf32>
    %dot_general3A = arith.constant dense<0.000000e+00> : vector<16x10000xf32>
    %dot_general3A_36 = tpu.matmul %get3A_35, %mul3A_32, %dot_general3A {dimension_numbers = #tpu.dot_dimension_numbers<[1], [1], [0], [0], [0, 0, 1, 0], [], []>, transpose_lhs_hint = false} : vector<16x128xf32>, vector<10000x128xf32>, vector<16x10000xf32> -> vector<16x10000xf32>
    %swap3A = arith.constant 0 : index
    %swap3A_37 = arith.constant 0 : index
    %swap3A_38 = vector.load %arg6[%swap3A, %swap3A_37] : memref<16x10000xf32, #tpu.memory_space<vmem>>, vector<16x10000xf32>
    tpu.vector_store %arg6[%swap3A, %swap3A_37], %dot_general3A_36 {strides = array<i32>} : memref<16x10000xf32, #tpu.memory_space<vmem>>, vector<16x10000xf32>,
    return
  }
}

module attributes {stable_mosaic.version = 14 : i64} {
  func.func @_tc3_body(%arg0: memref<1x10000xf32, #tpu.memory_space<vmem>>, %arg1: memref<8x16x10000xf32, #tpu.memory_space<vmem>>, %arg2: memref<16x10000xf32, #tpu.memory_space<vmem>>, %arg3: memref<16x1xf32, #tpu.memory_space<vmem>>, %arg4: memref<1x1xf32, #tpu.memory_space<vmem>>, %arg5: memref<16x10xf32, #tpu.memory_space<vmem>>, %arg6: memref<1x10xf32, #tpu.memory_space<vmem>>, %arg7: memref<10000x10xf32, #tpu.memory_space<vmem>>) attributes {dimension_semantics = [], scalar_prefetch = 0 : i64, scratch_operands = 0 : i64, tpu.core_type = #tpu.core_type<tc>} {
    %get3A = arith.constant 0 : index
    %get3A_0 = arith.constant 0 : index
    %get3A_1 = vector.load %arg0[%get3A, %get3A_0] : memref<1x10000xf32, #tpu.memory_space<vmem>>, vector<1x10000xf32>
    %get3A_2 = arith.constant 0 : index
    %get3A_3 = arith.constant 0 : index
    %get3A_4 = arith.constant 0 : index
    %get3A_5 = vector.load %arg1[%get3A_2, %get3A_3, %get3A_4] : memref<8x16x10000xf32, #tpu.memory_space<vmem>>, vector<8x16x10000xf32>
    %reduce_sum3A = arith.constant dense<0.000000e+00> : vector<16x10000xf32>
    %reduce_sum3A_6 = vector.multi_reduction <add>, %get3A_5, %reduce_sum3A [0] : vector<8x16x10000xf32> to vector<16x10000xf32>
    %get3A_7 = arith.constant 0 : index
    %get3A_8 = arith.constant 0 : index
    %get3A_9 = vector.load %arg2[%get3A_7, %get3A_8] : memref<16x10000xf32, #tpu.memory_space<vmem>>, vector<16x10000xf32>
    %add3A = arith.addf %reduce_sum3A_6, %get3A_9 : vector<16x10000xf32>
    %mul3A = vector.broadcast %get3A_1 : vector<1x10000xf32> to vector<16x10000xf32>
    %mul3A_10 = arith.mulf %add3A, %mul3A : vector<16x10000xf32>
    %get3A_11 = arith.constant 0 : index
    %get3A_12 = arith.constant 0 : index
    %get3A_13 = vector.load %arg3[%get3A_11, %get3A_12] : memref<16x1xf32, #tpu.memory_space<vmem>>, vector<16x1xf32>
    %add3A_14 = vector.broadcast %get3A_13 : vector<16x1xf32> to vector<16x10000xf32>
    %add3A_15 = arith.addf %mul3A_10, %add3A_14 : vector<16x10000xf32>
    %ge3A = arith.constant 0.000000e+00 : f32
    %ge3A_16 = vector.broadcast %ge3A : f32 to vector<16x10000xf32>
    %ge3A_17 = arith.cmpf oge, %add3A_15, %ge3A_16 : vector<16x10000xf32>
    %get3A_18 = arith.constant 0 : index
    %get3A_19 = arith.constant 0 : index
    %get3A_20 = vector.load %arg4[%get3A_18, %get3A_19] : memref<1x1xf32, #tpu.memory_space<vmem>>, vector<1x1xf32>
    %get3A_21 = vector.extract %get3A_20[0, 0] : f32 from vector<1x1xf32>
    %mul3A_22 = vector.broadcast %get3A_21 : f32 to vector<16x10000xf32>
    %mul3A_23 = arith.mulf %mul3A_22, %add3A_15 : vector<16x10000xf32>
    %select_n3A = arith.select %ge3A_17, %add3A_15, %mul3A_23 : vector<16x10000xi1>, vector<16x10000xf32>
    %get3A_24 = arith.constant 0 : index
    %get3A_25 = arith.constant 0 : index
    %get3A_26 = vector.load %arg5[%get3A_24, %get3A_25] : memref<16x10xf32, #tpu.memory_space<vmem>>, vector<16x10xf32>
    %dot_general3A = arith.constant dense<0.000000e+00> : vector<10000x10xf32>
    %dot_general3A_27 = tpu.matmul %select_n3A, %get3A_26, %dot_general3A {dimension_numbers = #tpu.dot_dimension_numbers<[0], [0], [1], [1], [0, 1, 1, 1], [], []>, transpose_lhs_hint = false} : vector<16x10000xf32>, vector<16x10xf32>, vector<10000x10xf32> -> vector<10000x10xf32>
    %get3A_28 = arith.constant 0 : index
    %get3A_29 = arith.constant 0 : index
    %get3A_30 = vector.load %arg6[%get3A_28, %get3A_29] : memref<1x10xf32, #tpu.memory_space<vmem>>, vector<1x10xf32>
    %add3A_31 = vector.broadcast %get3A_30 : vector<1x10xf32> to vector<10000x10xf32>
    %add3A_32 = arith.addf %dot_general3A_27, %add3A_31 : vector<10000x10xf32>
    %swap3A = arith.constant 0 : index
    %swap3A_33 = arith.constant 0 : index
    %swap3A_34 = vector.load %arg7[%swap3A, %swap3A_33] : memref<10000x10xf32, #tpu.memory_space<vmem>>, vector<10000x10xf32>
    tpu.vector_store %arg7[%swap3A, %swap3A_33], %add3A_32 {strides = array<i32>} : memref<10000x10xf32, #tpu.memory_space<vmem>>, vector<10000x10xf32>,
    return
  }
}

</mosaic_0001>

<sc_bundles>
// kernel: kernel.11.cloned.1.call-start
scs
__scs_entry_jumppad:
0x0: {  	(pc) =	sbr.rel $0x88, $3  }
0x1: {  	(tag) =	ssettag $0x0;
	lr =	simm.s32 $0x1  }
0x2: {  	[smem:$0x3F98] =	sst lr;
	_ =	strace $0xD0000000  }
0x3: {  	_ = 	snop  }
0x4: {  	_ = 	snop  }
0x5: {  	_ = 	snop  }
0x6: {  	_ = 	snop  }
0x7: {  	_ = 	snop  }
__scs_overlays_trampoline_lowered:
0x8: {  	[smem:$0x3FA7] =	sst s0  }
0x9: {  	[smem:$0x3FA8] =	sst s1  }
0xa: {  	[smem:$0x3FA9] =	sst s2  }
0xb: {  	[smem:$0x3FAA] =	sst s3  }
0xc: {  	[smem:$0x3FAB] =	sst s4  }
0xd: {  	[smem:$0x3FAC] =	sst s5  }
0xe: {  	[smem:$0x3FAD] =	sst s6  }
0xf: {  	[smem:$0x3FAE] =	sst s7  }
0x10: {  	[smem:$0x3FAF] =	sst s8  }
0x11: {  	[smem:$0x3FB0] =	sst s9;
	s0 =	simm.s32 @!p0 $0x0  }
0x12: {  	s1 =	sld [smem:$0x3F96];
	s0 =	simm.s32 @p0 $0x1  }
0x13: {  	[smem:$0x3FB1] =	sst s0;
	s0 =	simm.s32 @!p1 $0x0  }
0x14: {  	s2 =	sld [smem:$0x3F95];
	s0 =	simm.s32 @p1 $0x1  }
0x15: {  	[smem:$0x3FB2] =	sst s0;
	s0 =	simm.s32 @!p2 $0x0  }
0x16: {  	s3 =	sld [smem:$0x3FDB];
	s0 =	simm.s32 @p2 $0x1  }
0x17: {  	s4 =	simm.s32 $0x1BF5;
	[smem:$0x3FB4] =	sst s0  }
0x18: {  	s0 =	sld [smem:$0x3F97];
	_ =	swait.ge [sflag:s4], $0x0  }
0x19: {  	s7 =	sld [smem:$0x3F98]  }
0x1a: {  	s8 =	sadd.s32 $0xFFFFE003, lr  }
0x1b: {  	s9 =	sadd.s32 $0xFFFFFEF7, lr;
	s5 =	simm.s32 $0xFFFFFFFF;
	p2 =	slt.u32 s8, $0xFFFFF086  }
0x1c: {  	p1 =	slt.u32 s9, $0xF7A;
	s5 =	simm.s32 @!p2 $0x0  }
0x1d: {  	s5 =	simm.s32 @p1 $0x1;
	p0 =	seq.s32 s7, s2  }
0x1e: {  	s7 =	smul.u32 @!p0 $0xF7A, s2;
	p2 =	seq.s32 @!p0 s5, $0x0  }
0x1f: {  	s9 =	smul.u32 $0xF7A, s1;
	s8 =	simm.s32 @!p0 $0x1BF5;
	p2 =	por !p2, p0  }
0x20: {  	[sflag:s8] =	ssyncset.s32 @!p0 $0xFFFFF086;
	s6 =	sadd.s32 @!p0 s3, s7;
	s7 =	simm.s32 @!p0 $0x108  }
0x21: {  	s3 =	sadd.s32 s3, s9;
	s6 =	sadd.s32 @!p0 $0x88, s6;
	s7 =	simm.s32 @p2 $0x1082  }
0x22: {  	[simem:s7], [sflag:s8] =	dma.local @!p0 [hbm:s6], $0xF7A  }
0x23: {  	s9 =	sor.u32 $0xD0000000, s2;
	s6 =	simm.s32 $0x108;
	_ =	swait.ge @!p0 [sflag:s8], $0x0  }
0x24: {  	s3 =	sadd.s32 $0x88, s3;
	s6 =	simm.s32 @!p1 $0x1082;
	[sflag:s4] =	ssyncset.s32 $0xFFFFF086  }
0x25: {  	[simem:s6], [sflag:s4] =	dma.local [hbm:s3], $0xF7A  }
0x26: {  	[smem:$0x3F98] =	sst s1;
	(tag) =	ssettag s2;
	_ =	strace s9  }
0x27: {  	s1 =	sld [smem:$0x3FA8]  }
0x28: {  	s2 =	sld [smem:$0x3FA9]  }
0x29: {  	s4 =	sld [smem:$0x3FAB]  }
0x2a: {  	p0 =	seq.s32 s5, $0x0;
	s5 =	sld [smem:$0x3FAC]  }
0x2b: {  	s6 =	sld [smem:$0x3FAD]  }
0x2c: {  	s7 =	sld [smem:$0x3FAE]  }
0x2d: {  	s3 =	simm.s32 $0x108;
	s8 =	sld [smem:$0x3FAF]  }
0x2e: {  	s3 =	simm.s32 @!p0 $0x1082;
	s9 =	sld [smem:$0x3FB0]  }
0x2f: {  	lr =	sadd.s32 s0, s3;
	s0 =	sld [smem:$0x3FA7]  }
0x30: {  	s3 =	sld [smem:$0x3FAA]  }
0x31: {  	[smem:$0x3FB3] =	sst s10  }
0x32: {  	s10 =	sld [smem:$0x3FB1];
	_ =	sdelay $0x3  }
0x33: {  	p0 =	seq.s32 s10, $0x1;
	s10 =	sld [smem:$0x3FB3];
	_ =	sdelay $0x3  }
0x34: {  	[smem:$0x3FB3] =	sst s10  }
0x35: {  	s10 =	sld [smem:$0x3FB2];
	_ =	sdelay $0x3  }
0x36: {  	p1 =	seq.s32 s10, $0x1;
	s10 =	sld [smem:$0x3FB3];
	_ =	sdelay $0x3  }
0x37: {  	[smem:$0x3FB3] =	sst s10  }
0x38: {  	s10 =	sld [smem:$0x3FB4]  }
0x39: {  	_ = 	snop;
	(pc) =	sbr.ind lr, $3  }
0x3a: {  	_ = 	snop  }
0x3b: {  	_ = 	snop  }
0x3c: {  	p2 =	seq.s32 s10, $0x1;
	s10 =	sld [smem:$0x3FB3]  }
0x3d: {  	_ =	shalt  }
0x3e: {  	_ =	shalt  }
0x3f: {  	_ =	shalt  }
0x40: {  	_ =	shalt  }
0x41: {  	_ =	shalt  }
0x42: {  	_ =	shalt  }
0x43: {  	_ =	shalt  }
0x44: {  	_ =	shalt  }
0x45: {  	_ =	shalt  }
0x46: {  	_ =	shalt  }
0x47: {  	_ =	shalt  }
0x48: {  	_ =	shalt  }
0x49: {  	_ =	shalt  }
0x4a: {  	_ =	shalt  }
0x4b: {  	_ =	shalt  }
0x4c: {  	_ =	shalt  }
0x4d: {  	_ =	shalt  }
0x4e: {  	_ =	shalt  }
0x4f: {  	_ =	shalt  }
0x50: {  	_ =	shalt  }
0x51: {  	_ =	shalt  }
0x52: {  	_ =	shalt  }
0x53: {  	_ =	shalt  }
0x54: {  	_ =	shalt  }
0x55: {  	_ =	shalt  }
0x56: {  	_ =	shalt  }
0x57: {  	_ =	shalt  }
0x58: {  	_ =	shalt  }
0x59: {  	_ =	shalt  }
0x5a: {  	_ =	shalt  }
0x5b: {  	_ =	shalt  }
0x5c: {  	_ =	shalt  }
0x5d: {  	_ =	shalt  }
0x5e: {  	_ =	shalt  }
0x5f: {  	_ =	shalt  }
0x60: {  	_ =	shalt  }
0x61: {  	_ =	shalt  }
0x62: {  	_ =	shalt  }
0x63: {  	_ =	shalt  }
0x64: {  	_ =	shalt  }
0x65: {  	_ =	shalt  }
0x66: {  	_ =	shalt  }
0x67: {  	_ =	shalt  }
0x68: {  	_ =	shalt  }
0x69: {  	_ =	shalt  }
0x6a: {  	_ =	shalt  }
0x6b: {  	_ =	shalt  }
0x6c: {  	_ =	shalt  }
0x6d: {  	_ =	shalt  }
0x6e: {  	_ =	shalt  }
0x6f: {  	_ =	shalt  }
0x70: {  	_ =	shalt  }
0x71: {  	_ =	shalt  }
0x72: {  	_ =	shalt  }
0x73: {  	_ =	shalt  }
0x74: {  	_ =	shalt  }
0x75: {  	_ =	shalt  }
0x76: {  	_ =	shalt  }
0x77: {  	_ =	shalt  }
0x78: {  	_ =	shalt  }
0x79: {  	_ =	shalt  }
0x7a: {  	_ =	shalt  }
0x7b: {  	_ =	shalt  }
0x7c: {  	_ =	shalt  }
0x7d: {  	_ =	shalt  }
0x7e: {  	_ =	shalt  }
0x7f: {  	_ =	shalt  }
0x80: {  	_ =	shalt  }
0x81: {  	_ =	shalt  }
0x82: {  	_ =	shalt  }
0x83: {  	_ =	shalt  }
0x84: {  	_ =	shalt  }
0x85: {  	_ =	shalt  }
0x86: {  	_ =	shalt  }
0x87: {  	_ =	shalt  }
.Lfunc_end0:
.L_simem_size_0:
called_computation.1_lowered:
.L_overlay_start_0:
0x88: {  	s2 =	sld [smem:$0x3FD9]  }
0x89: {  	s3 =	sld [smem:$0x3FFE];
	_ =	sdelay $0x1  }
0x8a: {  	s1 =	srdreg.scid  }
0x8b: {  	s0 =	sand.u32 $0x1, s1  }
0x8c: {  	s16 =	sshll.u32 s0, $0xA;
	s2 =	sadd.s32 s3, s2  }
0x8d: {  	s2 =	sadd.s32 s2, s16  }
0x8e: {  	[smem:$0x3FBF] =	sst s2  }
0x8f: {  	_ = 	snop  }
0x90: {  	(tm) =	ssettm $0x1  }
0x91: {  	s17 =	sld [smem:$0x3FFB];
	_ =	sdelay $0x3  }
0x92: {  	_ =	strace s17  }
0x93: {  	s2 =	sld [smem:$0x3FFC];
	_ =	sdelay $0x3  }
0x94: {  	_ =	strace s2  }
0x95: {  	s2 =	sld [smem:$0x3FFD];
	_ =	sdelay $0x3  }
0x96: {  	_ =	strace s2  }
0x97: {  	_ =	strace $0x8FFFFFFF  }
0x98: {  	s18 =	sld [smem:$0x3FDB];
	_ =	sdelay $0x1  }
0x99: {  	s19 =	simm.s32 $_scs_section_size  }
0x9a: {  	s4 =	simm.s32 $_size__tile_overlayer_lowered;
	s5 =	simm.s32 $_tile_overlayer_lowered  }
0x9b: {  	s22 =	simm.s32 $0x1BFF;
	s21 =	sshll.u32 s5, $0x1;
	s2 =	sadd.s32 s19, s18  }
0x9c: {  	s6 =	simm.s32 $0x0;
	s20 =	sshll.u32 s4, $0x1;
	s4 =	sadd.s32 s21, s2  }
0x9d: {  	[timem:s6], [sflag:s22] =	dma.local [hbm:s4], s20  }
0x9e: {  	_ =	swait.ge [sflag:s22], s20  }
0x9f: {  	s3 =	ssub.s32 $0x0, s20;
	[sflag:s22] =	ssyncset.done $0x0  }
0xa0: {  	[sflag:s22] =	ssyncadd.s32 s3;
	_ =	sdelay $0x1  }
0xa1: {  	s23 =	simm.s32 $0x1B8B  }
0xa2: {  	_ =	swait.ge [sflag:s23], $0x1  }
0xa3: {  	[sflag:s23] =	ssyncset.done $0x0  }
0xa4: {  	s25 =	simm.s32 $0x1B8E;
	s24 =	sld [smem:$0x3FFE];
	[sflag:s23] =	ssyncadd.s32 $0xFFFFFFFF  }
0xa5: {  	s26 =	simm.s32 $execute0_lowered;
	[smem:$0x3FD2] =	sst s25  }
0xa6: {  	s4 =	sshll.u32 s26, $0x1;
	_ =	strace $0x80000049;
	[dreg:$0x1] =	wrdreg $0xFFFFFFFF  }
0xa7: {  	s28 =	simm.s32 $_size_execute0_lowered;
	s2 =	sadd.s32 s2, s4;
	[dreg:$0x0] =	wrdreg $0x0  }
0xa8: {  	s4 =	sshll.u32 s28, $0x1;
	[dreg:$0x2] =	wrdreg s2  }
0xa9: {  	[dreg:$0x3] =	wrdreg s4  }
0xaa: {  	[dreg:$0x4] =	wrdreg $0xC0  }
0xab: {  	_ =	task [dreg:s6], $0x5FFFF  }
0xac: {  	[dreg:$0x1] =	wrdreg $0xFFFFFFFF  }
0xad: {  	[dreg:$0x0] =	wrdreg $0x60  }
0xae: {  	[dreg:$0x2] =	wrdreg s24  }
0xaf: {  	[dreg:$0x3] =	wrdreg $0x0  }
0xb0: {  	[dreg:$0x4] =	wrdreg $0x9  }
0xb1: {  	_ =	task.clear_ibuf [dreg:s6], $0x5FFFF;
	_ =	strace $0x90000049  }
0xb2: {  	s29 =	simm.s32 $0x9;
	_ =	strace $0x8000004B  }
0xb3: {  	_ =	swait.ge [sflag:s29], $0x1  }
0xb4: {  	[sflag:s29] =	ssyncadd.s32 $0xFFFFFFFF  }
0xb5: {  	_ =	strace $0x9000004B  }
0xb6: {  	_ =	sfence  }
0xb7: {  	s30 =	sld [smem:$0x0];
	_ =	sdelay $0x2  }
0xb8: {  	s31 =	sshll.u32 s1, $0xD;
	s1 =	sshrl.u32 s1, $0x2  }
0xb9: {  	s3 =	sand.u32 $0x4000, s31;
	s1 =	sadd.s32 s1, s30  }
0xba: {  	s0 =	sor.u32 s3, s0;
	s1 =	sshll.u32 s1, $0x11  }
0xbb: {  	s0 =	sor.u32 s1, s0  }
0xbc: {  	s0 =	sadd.s32 $0x8F2B, s0  }
0xbd: {  	[sflag:s0] =	ssyncadd.remote.s32 $0x1  }
0xbe: {  	_ =	sfence.sel $0xFFFF  }
0xbf: {  	[dreg:$0x0] =	wrdreg $0xFFFFFFFF;
	(pc) =	sbr.abs _section_cstart, $3  }
0xc0: {  	[dreg:$0x1] =	wrdreg $0xFFFFFFFF  }
0xc1: {  	_ =	task.clear_ibuf [dreg:s6], $0x2FFFF;
	_ =	strace $0x9FFFFFFF  }
0xc2: {  	(tm) =	ssettm $0x7FFFFFFF  }
0xc3: {  	_ =	shalt  }
tec
execute0_lowered:
.L_overlay_start_1:
0x0: {  	(tag) =	ssettag $0x1  }
0x1: {  	s7 =	rddreg [dreg:$0x0]  }
0x2: {  	s1 =	rddreg [dreg:$0x1];
	s2 =	simm.s32 $0x0;
	s5 =	srdreg.scid  }
0x3: {  	s3 =	stileid.u32;
	s19 =	simm.s32 $0x14C80;
	s20 =	simm.s32 $0x7D  }
0x4: {  	s21 =	simm.s32 $0x16080;
	s22 =	simm.s32 $0x1;
	s23 =	simm.s32 $0x1A080  }
0x5: {  	s28 =	simm.s32 $0x16000;
	s29 =	simm.s32 $0x0;
	[smem:$0x7FF] =	sst s2  }
0x6: {  	s4 =	sadd.s32 $0x34C00, s7;
	s10 =	sadd.s32 $0x2AC00, s7;
	s8 =	sand.u32 $0x1, s5  }
0x7: {  	s11 =	sadd.s32 $0x20C00, s7;
	s6 =	smul.u32 $0x4E000, s3;
	s12 =	sadd.s32 $0x5BE00, s7  }
0x8: {  	s13 =	smul.u32 $0x13800, s3;
	s24 =	sshll.u32 s3, $0x1;
	s30 =	sshll.u32 s3, $0x6  }
0x9: {  	s17 =	sadd.s32 $0x138000, s1;
	s7 =	sadd.s32 $0x5BC00, s7;
	p0 =	sne.s32 s3, $0xF  }
0xa: {  	_ =	strace $0x8000004A;
	s5 =	ssub.s32 $0x2, s8;
	s25 =	sor.u32 s8, s24  }
0xb: {  	s18 =	smul.u32 $0x138800, s8;
	s17 =	sshrl.u32 @!p0 s17, $0x3;
	s24 =	simm.s32 $0x2  }
0xc: {  	s9 =	sshrl.u32 s5, $0x1;
	s6 =	sshrl.u32 s6, $0x2;
	s26 =	sshrl.u32 s13, $0x3  }
0xd: {  	s16 =	smul.u32 $0x2800, s25;
	s14 =	ssub.s32 s5, s9;
	s15 =	sadd.s32 s6, s1  }
0xe: {  	s5 =	sadd.s32 s4, s26;
	s6 =	sor.u32 $0x1C03, s30;
	s9 =	smul.u32 $0x500, s25  }
0xf: {  	s13 =	sadd.s32 s13, s18;
	s18 =	sshrl.u32 s18, $0x3;
	s25 =	simm.s32 $0x14C00  }
0x10: {  	s26 =	simm.s32 $0x15F80;
	s16 =	sshrl.u32 s16, $0x3;
	s13 =	sshrl.u32 s13, $0x3  }
0x11: {  	s31 =	sadd.s32 s12, s18;
	s14 =	smax.u32 s14, $0x1;
	s15 =	sshrl.u32 s15, $0x3  }
0x12: {  	s18 =	simm.s32 $0x13880;
	s8 =	sadd.s32 s10, s9;
	s9 =	sadd.s32 s11, s9  }
0x13: {  	s16 =	sadd.s32 $0x280, s16;
	s12 =	sadd.s32 s12, s13;
	s13 =	sadd.s32 $0x27000, s31  }
0x14: {  	s10 =	sadd.s32 s10, s16;
	s11 =	sadd.s32 s11, s16;
	s16 =	simm.s32 $0x3  }
.LBB2_1:
0x15: {  	[spmem:s15], [sflag:s6] =	dma.local [hbm:s5], $0x2700  }
0x16: {  	_ =	swait.ge [sflag:s16], $0x2700  }
0x17: {  	[sflag:s16] =	ssyncset.done $0x0  }
0x18: {  	s30 =	simm.s32 @!p0 $0x3;
	[sflag:s16] =	ssyncadd.s32 $0xFFFFD900  }
0x19: {  	[spmem:s17], [sflag:s6] =	dma.local @!p0 [hbm:s7], $0x100  }
0x1a: {  	_ =	swait.ge @!p0 [sflag:s30], $0x100  }
0x1b: {  	[sflag:s30] =	ssyncset.done @!p0 $0x0  }
0x1c: {  	[sflag:s30] =	ssyncadd.s32 @!p0 $0xFFFFFF00  }
0x1d: {  	[bflag:$0x0] =	sbarrier.arrive $0xFFFF  }
0x1e: {  	[tilespmem:s18], [sflag:$0x3] =	stream.linear.gather [hbm4b:s8+s2], $0x1400, $0x38;
	[tilespmem:$0x1E080] =	vst v63  }
0x1f: {  	_ =	swait.ge [sflag:s16], $0x1400  }
0x20: {  	[sflag:s16] =	ssyncset.done $0x0  }
0x21: {  	[sflag:s16] =	ssyncadd.s32 $0xFFFFEC00  }
0x22: {  	[tilespmem:s19], [sflag:$0x3] =	stream.linear.gather [hbm4b:s9+s2], $0x1400, $0x38;
	[tilespmem:$0x1E080] =	vst v63  }
0x23: {  	_ =	swait.ge [sflag:s16], $0x1400  }
0x24: {  	[sflag:s16] =	ssyncset.done $0x0  }
0x25: {  	[sflag:s16] =	ssyncadd.s32 $0xFFFFEC00  }
0x26: {  	[tilespmem:s21], [sflag:$0x1] =	stream.indirect.gather [hbm4b:s4+s20], $0x80, s18, s20, $0xb8;
	[tilespmem:$0x1E080] =	vst v63  }
0x27: {  	_ =	swait.ge [sflag:s22], $0x3E80  }
0x28: {  	[sflag:s22] =	ssyncset.done $0x0  }
0x29: {  	s30 =	simm.s32 $0x13900;
	[sflag:s22] =	ssyncadd.s32 $0xFFFFC180  }
0x2a: {  	[tilespmem:s23], [sflag:$0x2] =	stream.indirect.gather [hbm4b:s4+s20], $0x80, s30, s20, $0xb8;
	[tilespmem:$0x1E080] =	vst v63  }
0x2b: {  	s30 =	simm.s32 $0x14C80  }
0x2c: {  	[spmem:s1] =	stream.indirect.scatter.add.f32 [tilespmem:s21], [sflag:$0x3], $0x80, s30, s20, $0xb8;
	[tilespmem:$0x1E080] =	vst v63  }
0x2d: {  	_ =	swait.ge [sflag:s16], $0x3E80  }
0x2e: {  	[sflag:s16] =	ssyncset.done $0x0  }
0x2f: {  	[sflag:s16] =	ssyncadd.s32 $0xFFFFC180  }
0x30: {  	_ =	swait.ge [sflag:s24], $0x3E80  }
0x31: {  	[sflag:s24] =	ssyncset.done $0x0  }
0x32: {  	s30 =	simm.s32 $0x13980;
	[sflag:s24] =	ssyncadd.s32 $0xFFFFC180  }
0x33: {  	[tilespmem:s21], [sflag:$0x1] =	stream.indirect.gather [hbm4b:s4+s20], $0x80, s30, s20, $0xb8;
	[tilespmem:$0x1E080] =	vst v63  }
0x34: {  	s30 =	simm.s32 $0x14D00  }
0x35: {  	[spmem:s1] =	stream.indirect.scatter.add.f32 [tilespmem:s23], [sflag:$0x3], $0x80, s30, s20, $0xb8;
	[tilespmem:$0x1E080] =	vst v63  }
0x36: {  	_ =	swait.ge [sflag:s16], $0x3E80  }
0x37: {  	s30 =	simm.s32 $0x400;
	[sflag:s16] =	ssyncset.done $0x0  }
.LBB2_2:
0x38: {  	p1 =	sne.s32 s30, $0x4800  }
0x39: {  	[sflag:s16] =	ssyncadd.s32 $0xFFFFC180;
	s31 =	smov.u32 s30;
	s30 =	sadd.s32 $0x400, s30  }
0x3a: {  	_ = 	snop  }
0x3b: {  	_ =	swait.ge [sflag:s22], $0x3E80  }
0x3c: {  	s31 =	sshra.s32 s31, $0x2;
	[sflag:s22] =	ssyncset.done $0x0  }
0x3d: {  	s0 =	sadd.s32 $0x13900, s31;
	[sflag:s22] =	ssyncadd.s32 $0xFFFFC180  }
0x3e: {  	[tilespmem:s23], [sflag:$0x2] =	stream.indirect.gather [hbm4b:s4+s20], $0x80, s0, s20, $0xb8;
	[tilespmem:$0x1E080] =	vst v63  }
0x3f: {  	s0 =	sadd.s32 $0x14C80, s31  }
0x40: {  	[spmem:s1] =	stream.indirect.scatter.add.f32 [tilespmem:s21], [sflag:$0x3], $0x80, s0, s20, $0xb8;
	[tilespmem:$0x1E080] =	vst v63  }
0x41: {  	_ =	swait.ge [sflag:s16], $0x3E80  }
0x42: {  	[sflag:s16] =	ssyncset.done $0x0  }
0x43: {  	[sflag:s16] =	ssyncadd.s32 $0xFFFFC180  }
0x44: {  	_ =	swait.ge [sflag:s24], $0x3E80  }
0x45: {  	[sflag:s24] =	ssyncset.done $0x0  }
0x46: {  	s0 =	sadd.s32 $0x13980, s31;
	[sflag:s24] =	ssyncadd.s32 $0xFFFFC180  }
0x47: {  	[tilespmem:s21], [sflag:$0x1] =	stream.indirect.gather [hbm4b:s4+s20], $0x80, s0, s20, $0xb8;
	[tilespmem:$0x1E080] =	vst v63  }
.Ltmp0:
0x48: {  	_ = 	snop;
	(pc) =	sbr.rel @p1 .LBB2_2-.Ltmp0, $4  }
0x49: {  	s0 =	sadd.s32 $0x14D00, s31  }
0x4a: {  	[spmem:s1] =	stream.indirect.scatter.add.f32 [tilespmem:s23], [sflag:$0x3], $0x80, s0, s20, $0xb8;
	[tilespmem:$0x1E080] =	vst v63  }
0x4b: {  	_ =	swait.ge [sflag:s16], $0x3E80  }
0x4c: {  	[sflag:s16] =	ssyncset.done $0x0  }
0x4d: {  	[sflag:s16] =	ssyncadd.s32 $0xFFFFC180  }
0x4e: {  	_ =	swait.ge [sflag:s22], $0x3E80  }
0x4f: {  	[sflag:s22] =	ssyncset.done $0x0  }
0x50: {  	[sflag:s22] =	ssyncadd.s32 $0xFFFFC180  }
0x51: {  	[tilespmem:s23], [sflag:$0x2] =	stream.indirect.gather [hbm4b:s4+s20], $0x80, s25, s20, $0xb8;
	[tilespmem:$0x1E080] =	vst v63  }
0x52: {  	_ = 	snop  }
0x53: {  	[spmem:s1] =	stream.indirect.scatter.add.f32 [tilespmem:s21], [sflag:$0x3], $0x80, s26, s20, $0xb8;
	[tilespmem:$0x1E080] =	vst v63  }
0x54: {  	_ =	swait.ge [sflag:s16], $0x3E80  }
0x55: {  	[sflag:s16] =	ssyncset.done $0x0  }
0x56: {  	[sflag:s16] =	ssyncadd.s32 $0xFFFFC180  }
0x57: {  	_ =	swait.ge [sflag:s24], $0x3E80  }
0x58: {  	[sflag:s24] =	ssyncset.done $0x0  }
0x59: {  	[sflag:s24] =	ssyncadd.s32 $0xFFFFC180  }
0x5a: {  	[spmem:s1] =	stream.indirect.scatter.add.f32 [tilespmem:s23], [sflag:$0x3], $0x80, s28, s20, $0xb8;
	[tilespmem:$0x1E080] =	vst v63  }
0x5b: {  	_ =	swait.ge [sflag:s16], $0x3E80  }
0x5c: {  	[sflag:s16] =	ssyncset.done $0x0  }
0x5d: {  	s0 =	simm.s32 $0x0;
	[sflag:s16] =	ssyncadd.s32 $0xFFFFC180  }
0x5e: {  	[tilespmem:s18], [sflag:$0x3] =	stream.linear.gather [hbm4b:s10+s0], $0x1400, $0x38;
	[tilespmem:$0x1E080] =	vst v63  }
0x5f: {  	_ =	swait.ge [sflag:s16], $0x1400  }
0x60: {  	[sflag:s16] =	ssyncset.done $0x0  }
0x61: {  	[sflag:s16] =	ssyncadd.s32 $0xFFFFEC00  }
0x62: {  	[tilespmem:s19], [sflag:$0x3] =	stream.linear.gather [hbm4b:s11+s0], $0x1400, $0x38;
	[tilespmem:$0x1E080] =	vst v63  }
0x63: {  	_ =	swait.ge [sflag:s16], $0x1400  }
0x64: {  	[sflag:s16] =	ssyncset.done $0x0  }
0x65: {  	[sflag:s16] =	ssyncadd.s32 $0xFFFFEC00  }
0x66: {  	[tilespmem:s21], [sflag:$0x1] =	stream.indirect.gather [hbm4b:s4+s20], $0x80, s18, s20, $0xb8;
	[tilespmem:$0x1E080] =	vst v63  }
0x67: {  	_ =	swait.ge [sflag:s22], $0x3E80  }
0x68: {  	[sflag:s22] =	ssyncset.done $0x0  }
0x69: {  	s31 =	simm.s32 $0x13900;
	[sflag:s22] =	ssyncadd.s32 $0xFFFFC180  }
0x6a: {  	[tilespmem:s23], [sflag:$0x2] =	stream.indirect.gather [hbm4b:s4+s20], $0x80, s31, s20, $0xb8;
	[tilespmem:$0x1E080] =	vst v63  }
0x6b: {  	s31 =	simm.s32 $0x14C80  }
0x6c: {  	[spmem:s1] =	stream.indirect.scatter.add.f32 [tilespmem:s21], [sflag:$0x3], $0x80, s31, s20, $0xb8;
	[tilespmem:$0x1E080] =	vst v63  }
0x6d: {  	_ =	swait.ge [sflag:s16], $0x3E80  }
0x6e: {  	[sflag:s16] =	ssyncset.done $0x0  }
0x6f: {  	[sflag:s16] =	ssyncadd.s32 $0xFFFFC180  }
0x70: {  	_ =	swait.ge [sflag:s24], $0x3E80  }
0x71: {  	[sflag:s24] =	ssyncset.done $0x0  }
0x72: {  	s31 =	simm.s32 $0x13980;
	[sflag:s24] =	ssyncadd.s32 $0xFFFFC180  }
0x73: {  	[tilespmem:s21], [sflag:$0x1] =	stream.indirect.gather [hbm4b:s4+s20], $0x80, s31, s20, $0xb8;
	[tilespmem:$0x1E080] =	vst v63  }
0x74: {  	s31 =	simm.s32 $0x14D00  }
0x75: {  	[spmem:s1] =	stream.indirect.scatter.add.f32 [tilespmem:s23], [sflag:$0x3], $0x80, s31, s20, $0xb8;
	[tilespmem:$0x1E080] =	vst v63  }
0x76: {  	_ =	swait.ge [sflag:s16], $0x3E80  }
0x77: {  	s30 =	simm.s32 $0x400;
	[sflag:s16] =	ssyncset.done $0x0  }
.LBB2_4:
0x78: {  	p1 =	sne.s32 s30, $0x4800  }
0x79: {  	[sflag:s16] =	ssyncadd.s32 $0xFFFFC180;
	s0 =	smov.u32 s30;
	s30 =	sadd.s32 $0x400, s30  }
0x7a: {  	_ = 	snop  }
0x7b: {  	_ =	swait.ge [sflag:s22], $0x3E80  }
0x7c: {  	s0 =	sshra.s32 s0, $0x2;
	[sflag:s22] =	ssyncset.done $0x0  }
0x7d: {  	s31 =	sadd.s32 $0x13900, s0;
	[sflag:s22] =	ssyncadd.s32 $0xFFFFC180  }
0x7e: {  	[tilespmem:s23], [sflag:$0x2] =	stream.indirect.gather [hbm4b:s4+s20], $0x80, s31, s20, $0xb8;
	[tilespmem:$0x1E080] =	vst v63  }
0x7f: {  	s31 =	sadd.s32 $0x14C80, s0  }
0x80: {  	[spmem:s1] =	stream.indirect.scatter.add.f32 [tilespmem:s21], [sflag:$0x3], $0x80, s31, s20, $0xb8;
	[tilespmem:$0x1E080] =	vst v63  }
0x81: {  	_ =	swait.ge [sflag:s16], $0x3E80  }
0x82: {  	[sflag:s16] =	ssyncset.done $0x0  }
0x83: {  	[sflag:s16] =	ssyncadd.s32 $0xFFFFC180  }
0x84: {  	_ =	swait.ge [sflag:s24], $0x3E80  }
0x85: {  	[sflag:s24] =	ssyncset.done $0x0  }
0x86: {  	s31 =	sadd.s32 $0x13980, s0;
	[sflag:s24] =	ssyncadd.s32 $0xFFFFC180  }
0x87: {  	[tilespmem:s21], [sflag:$0x1] =	stream.indirect.gather [hbm4b:s4+s20], $0x80, s31, s20, $0xb8;
	[tilespmem:$0x1E080] =	vst v63  }
.Ltmp1:
0x88: {  	_ = 	snop;
	(pc) =	sbr.rel @p1 .LBB2_4-.Ltmp1, $4  }
0x89: {  	s0 =	sadd.s32 $0x14D00, s0  }
0x8a: {  	[spmem:s1] =	stream.indirect.scatter.add.f32 [tilespmem:s23], [sflag:$0x3], $0x80, s0, s20, $0xb8;
	[tilespmem:$0x1E080] =	vst v63  }
0x8b: {  	_ =	swait.ge [sflag:s16], $0x3E80  }
0x8c: {  	[sflag:s16] =	ssyncset.done $0x0  }
0x8d: {  	[sflag:s16] =	ssyncadd.s32 $0xFFFFC180  }
0x8e: {  	_ =	swait.ge [sflag:s22], $0x3E80  }
0x8f: {  	[sflag:s22] =	ssyncset.done $0x0  }
0x90: {  	[sflag:s22] =	ssyncadd.s32 $0xFFFFC180  }
0x91: {  	[tilespmem:s23], [sflag:$0x2] =	stream.indirect.gather [hbm4b:s4+s20], $0x80, s25, s20, $0xb8;
	[tilespmem:$0x1E080] =	vst v63  }
0x92: {  	_ = 	snop  }
0x93: {  	[spmem:s1] =	stream.indirect.scatter.add.f32 [tilespmem:s21], [sflag:$0x3], $0x80, s26, s20, $0xb8;
	[tilespmem:$0x1E080] =	vst v63  }
0x94: {  	_ =	swait.ge [sflag:s16], $0x3E80  }
0x95: {  	[sflag:s16] =	ssyncset.done $0x0  }
0x96: {  	[sflag:s16] =	ssyncadd.s32 $0xFFFFC180  }
0x97: {  	_ =	swait.ge [sflag:s24], $0x3E80  }
0x98: {  	[sflag:s24] =	ssyncset.done $0x0  }
0x99: {  	[sflag:s24] =	ssyncadd.s32 $0xFFFFC180  }
0x9a: {  	[spmem:s1] =	stream.indirect.scatter.add.f32 [tilespmem:s23], [sflag:$0x3], $0x80, s28, s20, $0xb8;
	[tilespmem:$0x1E080] =	vst v63  }
0x9b: {  	_ =	swait.ge [sflag:s16], $0x3E80  }
0x9c: {  	[sflag:s16] =	ssyncset.done $0x0  }
0x9d: {  	[sflag:s16] =	ssyncadd.s32 $0xFFFFC180  }
0x9e: {  	[bflag:$0x0] =	sbarrier.arrive $0xFFFF  }
0x9f: {  	[hbm:s12], [sflag:s6] =	dma.local [spmem:s15], $0x2700  }
0xa0: {  	s29 =	sadd.s32 $0x1, s29;
	_ =	swait.ge [sflag:s16], $0x2700  }
0xa1: {  	p1 =	sne.s32 s29, s14;
	[sflag:s16] =	ssyncset.done $0x0  }
.Ltmp2:
0xa2: {  	s0 =	simm.s32 @!p0 $0x3;
	[sflag:s16] =	ssyncadd.s32 $0xFFFFD900;
	(pc) =	sbr.rel @p1 .LBB2_1-.Ltmp2, $4  }
0xa3: {  	[hbm:s13], [sflag:s6] =	dma.local @!p0 [spmem:s17], $0x100  }
0xa4: {  	_ =	swait.ge @!p0 [sflag:s0], $0x100  }
0xa5: {  	[sflag:s0] =	ssyncset.done @!p0 $0x0  }
0xa6: {  	[sflag:s0] =	ssyncadd.s32 @!p0 $0xFFFFFF00  }
0xa7: {  	_ =	sfence.sel $0x180000  }
0xa8: {  	[bflag:$0x0] =	sbarrier.arrive $0xFFFF  }
0xa9: {  	_ =	strace $0x9000004A  }
0xaa: {  	[bflag:$0x2] =	sbarrier.arrive $0xFFFF  }
0xab: {  	p0 =	sne.s32 s3, $0x0;
	s0 =	rddreg [dreg:$0x2]  }
0xac: {  	s0 =	sadd.s32 @!p0 $0x100000, s0  }
0xad: {  	[sflag:s0] =	ssyncadd.tile.s32 @!p0 $0x1;
	_ =	shalt  }
.Lfunc_end2:
_tile_overlayer_lowered:
.L_overlay_start_2:
0xae: {  	(tag) =	ssettag $0x2  }
0xaf: {  	s0 =	rddreg [dreg:$0x0];
	s2 =	stileid.u32  }
0xb0: {  	s1 =	rddreg [dreg:$0x1];
	p0 =	sne.s32 s2, $0x0  }
0xb1: {  	s3 =	rddreg [dreg:$0x2];
	[bflag:$0x3] =	sbarrier.arrive $0xFFFF;
	s2 =	simm.s32 @!p0 $0x1C03  }
0xb2: {  	[timem:s3], [sflag:s2] =	dma.local @!p0 [hbm:s0], s1  }
0xb3: {  	s0 =	simm.s32 @!p0 $0x3  }
0xb4: {  	_ =	swait.ge @!p0 [sflag:s0], s1  }
0xb5: {  	s1 =	ssub.s32 @!p0 $0x0, s1;
	[sflag:s0] =	ssyncset.done @!p0 $0x0  }
0xb6: {  	[sflag:s0] =	ssyncadd.s32 @!p0 s1  }
0xb7: {  	[bflag:$0x3] =	sbarrier.arrive $0xFFFF  }
0xb8: {  	_ =	shalt  }

// kernel: kernel.14.cloned.1.call-start
scs
__scs_entry_jumppad:
0x0: {  	(pc) =	sbr.rel $0x88, $3  }
0x1: {  	(tag) =	ssettag $0x0;
	lr =	simm.s32 $0x1  }
0x2: {  	[smem:$0x3F98] =	sst lr;
	_ =	strace $0xD0000000  }
0x3: {  	_ = 	snop  }
0x4: {  	_ = 	snop  }
0x5: {  	_ = 	snop  }
0x6: {  	_ = 	snop  }
0x7: {  	_ = 	snop  }
__scs_overlays_trampoline_lowered:
0x8: {  	[smem:$0x3FA7] =	sst s0  }
0x9: {  	[smem:$0x3FA8] =	sst s1  }
0xa: {  	[smem:$0x3FA9] =	sst s2  }
0xb: {  	[smem:$0x3FAA] =	sst s3  }
0xc: {  	[smem:$0x3FAB] =	sst s4  }
0xd: {  	[smem:$0x3FAC] =	sst s5  }
0xe: {  	[smem:$0x3FAD] =	sst s6  }
0xf: {  	[smem:$0x3FAE] =	sst s7  }
0x10: {  	[smem:$0x3FAF] =	sst s8  }
0x11: {  	[smem:$0x3FB0] =	sst s9;
	s0 =	simm.s32 @!p0 $0x0  }
0x12: {  	s1 =	sld [smem:$0x3F96];
	s0 =	simm.s32 @p0 $0x1  }
0x13: {  	[smem:$0x3FB1] =	sst s0;
	s0 =	simm.s32 @!p1 $0x0  }
0x14: {  	s2 =	sld [smem:$0x3F95];
	s0 =	simm.s32 @p1 $0x1  }
0x15: {  	[smem:$0x3FB2] =	sst s0;
	s0 =	simm.s32 @!p2 $0x0  }
0x16: {  	s3 =	sld [smem:$0x3FDB];
	s0 =	simm.s32 @p2 $0x1  }
0x17: {  	s4 =	simm.s32 $0x1BF5;
	[smem:$0x3FB4] =	sst s0  }
0x18: {  	s0 =	sld [smem:$0x3F97];
	_ =	swait.ge [sflag:s4], $0x0  }
0x19: {  	s7 =	sld [smem:$0x3F98]  }
0x1a: {  	s8 =	sadd.s32 $0xFFFFE003, lr  }
0x1b: {  	s9 =	sadd.s32 $0xFFFFFEF7, lr;
	s5 =	simm.s32 $0xFFFFFFFF;
	p2 =	slt.u32 s8, $0xFFFFF086  }
0x1c: {  	p1 =	slt.u32 s9, $0xF7A;
	s5 =	simm.s32 @!p2 $0x0  }
0x1d: {  	s5 =	simm.s32 @p1 $0x1;
	p0 =	seq.s32 s7, s2  }
0x1e: {  	s7 =	smul.u32 @!p0 $0xF7A, s2;
	p2 =	seq.s32 @!p0 s5, $0x0  }
0x1f: {  	s9 =	smul.u32 $0xF7A, s1;
	s8 =	simm.s32 @!p0 $0x1BF5;
	p2 =	por !p2, p0  }
0x20: {  	[sflag:s8] =	ssyncset.s32 @!p0 $0xFFFFF086;
	s6 =	sadd.s32 @!p0 s3, s7;
	s7 =	simm.s32 @!p0 $0x108  }
0x21: {  	s3 =	sadd.s32 s3, s9;
	s6 =	sadd.s32 @!p0 $0x88, s6;
	s7 =	simm.s32 @p2 $0x1082  }
0x22: {  	[simem:s7], [sflag:s8] =	dma.local @!p0 [hbm:s6], $0xF7A  }
0x23: {  	s9 =	sor.u32 $0xD0000000, s2;
	s6 =	simm.s32 $0x108;
	_ =	swait.ge @!p0 [sflag:s8], $0x0  }
0x24: {  	s3 =	sadd.s32 $0x88, s3;
	s6 =	simm.s32 @!p1 $0x1082;
	[sflag:s4] =	ssyncset.s32 $0xFFFFF086  }
0x25: {  	[simem:s6], [sflag:s4] =	dma.local [hbm:s3], $0xF7A  }
0x26: {  	[smem:$0x3F98] =	sst s1;
	(tag) =	ssettag s2;
	_ =	strace s9  }
0x27: {  	s1 =	sld [smem:$0x3FA8]  }
0x28: {  	s2 =	sld [smem:$0x3FA9]  }
0x29: {  	s4 =	sld [smem:$0x3FAB]  }
0x2a: {  	p0 =	seq.s32 s5, $0x0;
	s5 =	sld [smem:$0x3FAC]  }
0x2b: {  	s6 =	sld [smem:$0x3FAD]  }
0x2c: {  	s7 =	sld [smem:$0x3FAE]  }
0x2d: {  	s3 =	simm.s32 $0x108;
	s8 =	sld [smem:$0x3FAF]  }
0x2e: {  	s3 =	simm.s32 @!p0 $0x1082;
	s9 =	sld [smem:$0x3FB0]  }
0x2f: {  	lr =	sadd.s32 s0, s3;
	s0 =	sld [smem:$0x3FA7]  }
0x30: {  	s3 =	sld [smem:$0x3FAA]  }
0x31: {  	[smem:$0x3FB3] =	sst s10  }
0x32: {  	s10 =	sld [smem:$0x3FB1];
	_ =	sdelay $0x3  }
0x33: {  	p0 =	seq.s32 s10, $0x1;
	s10 =	sld [smem:$0x3FB3];
	_ =	sdelay $0x3  }
0x34: {  	[smem:$0x3FB3] =	sst s10  }
0x35: {  	s10 =	sld [smem:$0x3FB2];
	_ =	sdelay $0x3  }
0x36: {  	p1 =	seq.s32 s10, $0x1;
	s10 =	sld [smem:$0x3FB3];
	_ =	sdelay $0x3  }
0x37: {  	[smem:$0x3FB3] =	sst s10  }
0x38: {  	s10 =	sld [smem:$0x3FB4]  }
0x39: {  	_ = 	snop;
	(pc) =	sbr.ind lr, $3  }
0x3a: {  	_ = 	snop  }
0x3b: {  	_ = 	snop  }
0x3c: {  	p2 =	seq.s32 s10, $0x1;
	s10 =	sld [smem:$0x3FB3]  }
0x3d: {  	_ =	shalt  }
0x3e: {  	_ =	shalt  }
0x3f: {  	_ =	shalt  }
0x40: {  	_ =	shalt  }
0x41: {  	_ =	shalt  }
0x42: {  	_ =	shalt  }
0x43: {  	_ =	shalt  }
0x44: {  	_ =	shalt  }
0x45: {  	_ =	shalt  }
0x46: {  	_ =	shalt  }
0x47: {  	_ =	shalt  }
0x48: {  	_ =	shalt  }
0x49: {  	_ =	shalt  }
0x4a: {  	_ =	shalt  }
0x4b: {  	_ =	shalt  }
0x4c: {  	_ =	shalt  }
0x4d: {  	_ =	shalt  }
0x4e: {  	_ =	shalt  }
0x4f: {  	_ =	shalt  }
0x50: {  	_ =	shalt  }
0x51: {  	_ =	shalt  }
0x52: {  	_ =	shalt  }
0x53: {  	_ =	shalt  }
0x54: {  	_ =	shalt  }
0x55: {  	_ =	shalt  }
0x56: {  	_ =	shalt  }
0x57: {  	_ =	shalt  }
0x58: {  	_ =	shalt  }
0x59: {  	_ =	shalt  }
0x5a: {  	_ =	shalt  }
0x5b: {  	_ =	shalt  }
0x5c: {  	_ =	shalt  }
0x5d: {  	_ =	shalt  }
0x5e: {  	_ =	shalt  }
0x5f: {  	_ =	shalt  }
0x60: {  	_ =	shalt  }
0x61: {  	_ =	shalt  }
0x62: {  	_ =	shalt  }
0x63: {  	_ =	shalt  }
0x64: {  	_ =	shalt  }
0x65: {  	_ =	shalt  }
0x66: {  	_ =	shalt  }
0x67: {  	_ =	shalt  }
0x68: {  	_ =	shalt  }
0x69: {  	_ =	shalt  }
0x6a: {  	_ =	shalt  }
0x6b: {  	_ =	shalt  }
0x6c: {  	_ =	shalt  }
0x6d: {  	_ =	shalt  }
0x6e: {  	_ =	shalt  }
0x6f: {  	_ =	shalt  }
0x70: {  	_ =	shalt  }
0x71: {  	_ =	shalt  }
0x72: {  	_ =	shalt  }
0x73: {  	_ =	shalt  }
0x74: {  	_ =	shalt  }
0x75: {  	_ =	shalt  }
0x76: {  	_ =	shalt  }
0x77: {  	_ =	shalt  }
0x78: {  	_ =	shalt  }
0x79: {  	_ =	shalt  }
0x7a: {  	_ =	shalt  }
0x7b: {  	_ =	shalt  }
0x7c: {  	_ =	shalt  }
0x7d: {  	_ =	shalt  }
0x7e: {  	_ =	shalt  }
0x7f: {  	_ =	shalt  }
0x80: {  	_ =	shalt  }
0x81: {  	_ =	shalt  }
0x82: {  	_ =	shalt  }
0x83: {  	_ =	shalt  }
0x84: {  	_ =	shalt  }
0x85: {  	_ =	shalt  }
0x86: {  	_ =	shalt  }
0x87: {  	_ =	shalt  }
.Lfunc_end0:
.L_simem_size_0:
called_computation.2_lowered:
.L_overlay_start_0:
0x88: {  	s2 =	sld [smem:$0x3FD9]  }
0x89: {  	s3 =	sld [smem:$0x3FFE];
	_ =	sdelay $0x1  }
0x8a: {  	s1 =	srdreg.scid  }
0x8b: {  	s0 =	sand.u32 $0x1, s1  }
0x8c: {  	s17 =	sshll.u32 s0, $0xA;
	s2 =	sadd.s32 s3, s2  }
0x8d: {  	s2 =	sadd.s32 s2, s17  }
0x8e: {  	[smem:$0x3FBF] =	sst s2  }
0x8f: {  	_ = 	snop  }
0x90: {  	s2 =	sld [smem:$0x3FD0];
	(tm) =	ssettm $0x1  }
0x91: {  	s18 =	sld [smem:$0x3FFB];
	_ =	sdelay $0x3  }
0x92: {  	_ =	strace s18  }
0x93: {  	s3 =	sld [smem:$0x3FFC];
	_ =	sdelay $0x3  }
0x94: {  	_ =	strace s3  }
0x95: {  	s3 =	sld [smem:$0x3FFD];
	_ =	sdelay $0x3  }
0x96: {  	_ =	strace s3  }
0x97: {  	_ =	strace $0x8FFFFFFF  }
0x98: {  	s19 =	sld [smem:$0x3FDB];
	_ =	sdelay $0x1  }
0x99: {  	s4 =	simm.s32 $_scs_section_size  }
0x9a: {  	s5 =	simm.s32 $_size__tile_overlayer_lowered;
	s6 =	simm.s32 $_tile_overlayer_lowered  }
0x9b: {  	s22 =	simm.s32 $0x1BFF;
	s21 =	sshll.u32 s6, $0x1;
	s3 =	sadd.s32 s4, s19  }
0x9c: {  	s7 =	simm.s32 $0x0;
	s20 =	sshll.u32 s5, $0x1;
	s5 =	sadd.s32 s21, s3  }
0x9d: {  	[timem:s7], [sflag:s22] =	dma.local [hbm:s5], s20  }
0x9e: {  	_ =	swait.ge [sflag:s22], s20  }
0x9f: {  	s4 =	ssub.s32 $0x0, s20;
	[sflag:s22] =	ssyncset.done $0x0  }
0xa0: {  	[sflag:s22] =	ssyncadd.s32 s4;
	_ =	sdelay $0x1  }
0xa1: {  	s23 =	simm.s32 $0x1B8B  }
0xa2: {  	_ =	swait.ge [sflag:s23], $0x1  }
0xa3: {  	[sflag:s23] =	ssyncset.done $0x0  }
0xa4: {  	s25 =	simm.s32 $0x1B8E;
	s24 =	sld [smem:$0x3FFE];
	[sflag:s23] =	ssyncadd.s32 $0xFFFFFFFF  }
0xa5: {  	s26 =	simm.s32 $execute0_lowered;
	[smem:$0x3FD2] =	sst s25  }
0xa6: {  	s5 =	sshll.u32 s26, $0x1;
	_ =	strace $0x8000004C;
	[dreg:$0x1] =	wrdreg $0xFFFFFFFF  }
0xa7: {  	s28 =	simm.s32 $_size_execute0_lowered;
	s3 =	sadd.s32 s3, s5;
	[dreg:$0x0] =	wrdreg $0x0  }
0xa8: {  	s5 =	sshll.u32 s28, $0x1;
	[dreg:$0x2] =	wrdreg s3  }
0xa9: {  	[dreg:$0x3] =	wrdreg s5  }
0xaa: {  	[dreg:$0x4] =	wrdreg $0xC0  }
0xab: {  	_ =	task [dreg:s7], $0x5FFFF  }
0xac: {  	[dreg:$0x1] =	wrdreg $0xFFFFFFFF  }
0xad: {  	[dreg:$0x0] =	wrdreg $0x60  }
0xae: {  	[dreg:$0x2] =	wrdreg s2  }
0xaf: {  	[dreg:$0x3] =	wrdreg s24  }
0xb0: {  	[dreg:$0x4] =	wrdreg $0x9  }
0xb1: {  	_ =	task.clear_ibuf [dreg:s7], $0x5FFFF;
	_ =	strace $0x9000004C  }
0xb2: {  	s29 =	simm.s32 $0x9;
	_ =	strace $0x8000004E  }
0xb3: {  	_ =	swait.ge [sflag:s29], $0x1  }
0xb4: {  	[sflag:s29] =	ssyncadd.s32 $0xFFFFFFFF  }
0xb5: {  	_ =	strace $0x9000004E  }
0xb6: {  	_ =	sfence  }
0xb7: {  	s30 =	sld [smem:$0x0];
	_ =	sdelay $0x2  }
0xb8: {  	s31 =	sshll.u32 s1, $0xD;
	s1 =	sshrl.u32 s1, $0x2  }
0xb9: {  	s3 =	sand.u32 $0x4000, s31;
	s1 =	sadd.s32 s1, s30  }
0xba: {  	s0 =	sor.u32 s3, s0;
	s1 =	sshll.u32 s1, $0x11  }
0xbb: {  	s0 =	sor.u32 s1, s0  }
0xbc: {  	s0 =	sadd.s32 $0x8F2B, s0  }
0xbd: {  	[sflag:s0] =	ssyncadd.remote.s32 $0x1  }
0xbe: {  	_ =	sfence.sel $0xFFFF  }
0xbf: {  	[dreg:$0x0] =	wrdreg $0xFFFFFFFF;
	(pc) =	sbr.abs _section_cstart, $3  }
0xc0: {  	[dreg:$0x1] =	wrdreg $0xFFFFFFFF  }
0xc1: {  	_ =	task.clear_ibuf [dreg:s7], $0x2FFFF;
	_ =	strace $0x9FFFFFFF  }
0xc2: {  	(tm) =	ssettm $0x7FFFFFFF  }
0xc3: {  	_ =	shalt  }
tec
execute0_lowered:
.L_overlay_start_1:
0x0: {  	(tag) =	ssettag $0x1  }
0x1: {  	s0 =	rddreg [dreg:$0x0]  }
0x2: {  	s2 =	rddreg [dreg:$0x1];
	s1 =	simm.s32 $0x0;
	s5 =	srdreg.scid  }
0x3: {  	s9 =	stileid.u32;
	s28 =	simm.s32 $0x7;
	s29 =	simm.s32 $0x8  }
0x4: {  	s30 =	simm.s32 $0x1;
	s31 =	simm.s32 $0x3;
	[smem:$0x7FF] =	sst s1  }
0x5: {  	s3 =	sadd.s32 $0xD000, s2;
	s4 =	sadd.s32 $0x3200, s2;
	s5 =	sand.u32 $0x1, s5  }
0x6: {  	s2 =	sadd.s32 $0x17000, s2;
	s7 =	sand.u32 $0x1, s9;
	s9 =	sshrl.u32 s9, $0x1  }
0x7: {  	_ =	strace $0x8000004D;
	s6 =	ssub.s32 $0x2, s5;
	p0 =	seq.s32 s7, $0x1  }
0x8: {  	s7 =	simm.s32 $0x13C00;
	s5 =	sshll.u32 s5, $0x9;
	s26 =	smul.u32 $0x9C40, s9  }
0x9: {  	s9 =	smul.u32 $0x27800, s9;
	s8 =	sshrl.u32 s6, $0x1;
	s7 =	simm.s32 @!p0 $0x0  }
0xa: {  	s11 =	sor.u32 $0x80, s5;
	s14 =	sor.u32 $0x100, s5;
	s15 =	sor.u32 $0x180, s5  }
0xb: {  	s6 =	ssub.s32 s6, s8;
	s10 =	sor.u32 s5, s7;
	s16 =	sor.u32 s11, s7  }
0xc: {  	s12 =	sor.u32 s14, s7;
	s13 =	sor.u32 s15, s7;
	s19 =	sshrl.u32 s26, $0x3  }
0xd: {  	s7 =	sadd.s32 s7, s9;
	s8 =	simm.s32 $0x2;
	s9 =	simm.s32 $0x4  }
0xe: {  	s10 =	sshrl.u32 s10, $0x3;
	s12 =	sshrl.u32 s12, $0x3;
	s18 =	sshrl.u32 s13, $0x3  }
0xf: {  	s20 =	sadd.s32 s3, s19;
	s21 =	sor.u32 s5, s7;
	s13 =	sadd.s32 $0x1F40, s26  }
0x10: {  	s22 =	sor.u32 s11, s7;
	s23 =	sor.u32 s14, s7;
	s7 =	sor.u32 s15, s7  }
0x11: {  	s11 =	simm.s32 $0x0;
	s10 =	sadd.s32 s0, s10;
	s17 =	sadd.s32 s0, s12  }
0x12: {  	[dreg:$0x7] =	wrdreg s20;
	s12 =	sadd.s32 $0xFA0, s26;
	s5 =	sshrl.u32 s23, $0x3  }
0x13: {  	s25 =	sshrl.u32 s7, $0x3;
	s26 =	smax.u32 s6, $0x1;
	s20 =	simm.s32 $0x400  }
0x14: {  	s23 =	simm.s32 $0x7680;
	s6 =	simm.s32 $0xED00;
	[dreg:$0x3] =	wrdreg s10  }
0x15: {  	s7 =	simm.s32 $0x11480;
	s10 =	sshrl.u32 s16, $0x3;
	[dreg:$0x5] =	wrdreg s17  }
0x16: {  	s24 =	sadd.s32 s2, s5;
	[dreg:$0xd] =	wrdreg s26;
	s26 =	simm.s32 $0x6  }
0x17: {  	s10 =	sadd.s32 s0, s10;
	s0 =	sadd.s32 s0, s18;
	[dreg:$0xb] =	wrdreg s24  }
0x18: {  	s5 =	simm.s32 $0x9E00;
	[dreg:$0x6] =	wrdreg s0;
	s0 =	sadd.s32 s4, s19  }
0x19: {  	s24 =	simm.s32 $0xC580;
	[dreg:$0x8] =	wrdreg s0;
	s0 =	sshrl.u32 s21, $0x3  }
0x1a: {  	[dreg:$0x4] =	wrdreg s10;
	s19 =	simm.s32 $0x80;
	s0 =	sadd.s32 s2, s0  }
0x1b: {  	s10 =	simm.s32 $0x9;
	[dreg:$0x9] =	wrdreg s0;
	s0 =	sshrl.u32 s22, $0x3  }
0x1c: {  	s21 =	simm.s32 $0x2780;
	s22 =	simm.s32 $0x4F00;
	s0 =	sadd.s32 s2, s0  }
0x1d: {  	[dreg:$0xa] =	wrdreg s0;
	s0 =	sadd.s32 s2, s25;
	s25 =	simm.s32 $0x5  }
0x1e: {  	v0 =	vimm.f32 $0.0e+00;
	s2 =	simm.s32 $0x16C00;
	[dreg:$0xc] =	wrdreg s0;
	s0 =	simm.s32 $0x14C00  }
.LBB2_1:
0x1f: {  	s14 =	rddreg [dreg:$0x3]  }
0x20: {  	[tilespmem:s1], [sflag:$0x5] =	stream.strided.gather [hbm4b:s14+s19], $0x2780, s20, s19, $0x38;
	[tilespmem:$0x17C00] =	vst v63  }
0x21: {  	s17 =	rddreg [dreg:$0x4]  }
0x22: {  	[tilespmem:s21], [sflag:$0x6] =	stream.strided.gather [hbm4b:s17+s19], $0x2780, s20, s19, $0x38;
	[tilespmem:$0x17C00] =	vst v63  }
0x23: {  	s18 =	rddreg [dreg:$0x5]  }
0x24: {  	[tilespmem:s22], [sflag:$0x7] =	stream.strided.gather [hbm4b:s18+s19], $0x2780, s20, s19, $0x38;
	[tilespmem:$0x17C00] =	vst v63  }
0x25: {  	s15 =	rddreg [dreg:$0x6]  }
0x26: {  	[tilespmem:s23], [sflag:$0x8] =	stream.strided.gather [hbm4b:s15+s19], $0x2780, s20, s19, $0x38;
	[tilespmem:$0x17C00] =	vst v63  }
0x27: {  	s16 =	simm.s32 $0x13C00;
	s15 =	rddreg [dreg:$0x7]  }
0x28: {  	[tilespmem:s16], [sflag:$0x1] =	stream.linear.gather [hbm4b:s15+s1], $0xFA0, $0x38;
	[tilespmem:$0x17C00] =	vst v63  }
0x29: {  	s14 =	simm.s32 $0x9E40;
	s17 =	rddreg [dreg:$0x8];
	s18 =	simm.s32 $0x15C00  }
0x2a: {  	[tilespmem:s18], [sflag:$0x3] =	stream.linear.gather [hbm4b:s17+s1], $0xFA0, $0x38;
	[tilespmem:$0x17C00] =	vst v63  }
0x2b: {  	[tilespmem:s14+$0xFFFFFFC0] =	vst v0  }
0x2c: {  	[tilespmem:s14+$0x30] =	vst v0  }
0x2d: {  	[tilespmem:s14+$0x20] =	vst v0  }
0x2e: {  	[tilespmem:s14+$0x10] =	vst v0  }
0x2f: {  	[tilespmem:s14+$0x0] =	vst v0  }
0x30: {  	[tilespmem:s14+$0xFFFFFFF0] =	vst v0  }
0x31: {  	s15 =	simm.s32 $0x0;
	[tilespmem:s14+$0xFFFFFFE0] =	vst v0  }
.LBB2_2:
0x32: {  	s15 =	sadd.s32 $0x8, s15;
	[tilespmem:s14+$0xFFFFFFD0] =	vst v0;
	s14 =	sadd.s32 $0x80, s14  }
0x33: {  	[tilespmem:s14+$0xFFFFFFC0] =	vst v0;
	p0 =	slt.u32 s15, $0x268  }
0x34: {  	[tilespmem:s14+$0x30] =	vst v0  }
.Ltmp0:
0x35: {  	[tilespmem:s14+$0x20] =	vst v0;
	(pc) =	sbr.rel @p0 .LBB2_2-.Ltmp0, $4  }
0x36: {  	[tilespmem:s14+$0x10] =	vst v0  }
0x37: {  	[tilespmem:s14+$0x0] =	vst v0  }
0x38: {  	[tilespmem:s14+$0xFFFFFFF0] =	vst v0  }
0x39: {  	[tilespmem:s14+$0xFFFFFFE0] =	vst v0  }
0x3a: {  	[tilespmem:s14+$0xFFFFFFD0] =	vst v0  }
0x3b: {  	[tilespmem:$0xC500] =	vst v0  }
0x3c: {  	_ =	swait.ge [sflag:s25], $0x2780  }
0x3d: {  	[sflag:s25] =	ssyncset.done $0x0  }
0x3e: {  	s14 =	simm.s32 $0xC5C0;
	[sflag:s25] =	ssyncadd.s32 $0xFFFFD880  }
0x3f: {  	[tilespmem:s14+$0xFFFFFFC0] =	vst v0  }
0x40: {  	[tilespmem:s14+$0x30] =	vst v0  }
0x41: {  	[tilespmem:s14+$0x20] =	vst v0  }
0x42: {  	[tilespmem:s14+$0x10] =	vst v0  }
0x43: {  	[tilespmem:s14+$0x0] =	vst v0  }
0x44: {  	[tilespmem:s14+$0xFFFFFFF0] =	vst v0  }
0x45: {  	s15 =	simm.s32 $0x0;
	[tilespmem:s14+$0xFFFFFFE0] =	vst v0  }
.LBB2_4:
0x46: {  	s15 =	sadd.s32 $0x8, s15;
	[tilespmem:s14+$0xFFFFFFD0] =	vst v0;
	s14 =	sadd.s32 $0x80, s14  }
0x47: {  	[tilespmem:s14+$0xFFFFFFC0] =	vst v0;
	p0 =	slt.u32 s15, $0x268  }
0x48: {  	[tilespmem:s14+$0x30] =	vst v0  }
.Ltmp1:
0x49: {  	[tilespmem:s14+$0x20] =	vst v0;
	(pc) =	sbr.rel @p0 .LBB2_4-.Ltmp1, $4  }
0x4a: {  	[tilespmem:s14+$0x10] =	vst v0  }
0x4b: {  	[tilespmem:s14+$0x0] =	vst v0  }
0x4c: {  	[tilespmem:s14+$0xFFFFFFF0] =	vst v0  }
0x4d: {  	[tilespmem:s14+$0xFFFFFFE0] =	vst v0  }
0x4e: {  	[tilespmem:s14+$0xFFFFFFD0] =	vst v0  }
0x4f: {  	[tilespmem:$0xEC80] =	vst v0  }
0x50: {  	_ =	swait.ge [sflag:s26], $0x2780  }
0x51: {  	[sflag:s26] =	ssyncset.done $0x0  }
0x52: {  	s14 =	simm.s32 $0xED40;
	[sflag:s26] =	ssyncadd.s32 $0xFFFFD880  }
0x53: {  	[tilespmem:s14+$0xFFFFFFC0] =	vst v0  }
0x54: {  	[tilespmem:s14+$0x30] =	vst v0  }
0x55: {  	[tilespmem:s14+$0x20] =	vst v0  }
0x56: {  	[tilespmem:s14+$0x10] =	vst v0  }
0x57: {  	[tilespmem:s14+$0x0] =	vst v0  }
0x58: {  	[tilespmem:s14+$0xFFFFFFF0] =	vst v0  }
0x59: {  	s15 =	simm.s32 $0x0;
	[tilespmem:s14+$0xFFFFFFE0] =	vst v0  }
.LBB2_6:
0x5a: {  	s15 =	sadd.s32 $0x8, s15;
	[tilespmem:s14+$0xFFFFFFD0] =	vst v0;
	s14 =	sadd.s32 $0x80, s14  }
0x5b: {  	[tilespmem:s14+$0xFFFFFFC0] =	vst v0;
	p0 =	slt.u32 s15, $0x268  }
0x5c: {  	[tilespmem:s14+$0x30] =	vst v0  }
.Ltmp2:
0x5d: {  	[tilespmem:s14+$0x20] =	vst v0;
	(pc) =	sbr.rel @p0 .LBB2_6-.Ltmp2, $4  }
0x5e: {  	[tilespmem:s14+$0x10] =	vst v0  }
0x5f: {  	[tilespmem:s14+$0x0] =	vst v0  }
0x60: {  	[tilespmem:s14+$0xFFFFFFF0] =	vst v0  }
0x61: {  	[tilespmem:s14+$0xFFFFFFE0] =	vst v0  }
0x62: {  	[tilespmem:s14+$0xFFFFFFD0] =	vst v0  }
0x63: {  	[tilespmem:$0x11400] =	vst v0  }
0x64: {  	_ =	swait.ge [sflag:s28], $0x2780  }
0x65: {  	[sflag:s28] =	ssyncset.done $0x0  }
0x66: {  	s14 =	simm.s32 $0x114C0;
	[sflag:s28] =	ssyncadd.s32 $0xFFFFD880  }
0x67: {  	[tilespmem:s14+$0xFFFFFFC0] =	vst v0  }
0x68: {  	[tilespmem:s14+$0x30] =	vst v0  }
0x69: {  	[tilespmem:s14+$0x20] =	vst v0  }
0x6a: {  	[tilespmem:s14+$0x10] =	vst v0  }
0x6b: {  	[tilespmem:s14+$0x0] =	vst v0  }
0x6c: {  	[tilespmem:s14+$0xFFFFFFF0] =	vst v0  }
0x6d: {  	s15 =	simm.s32 $0x0;
	[tilespmem:s14+$0xFFFFFFE0] =	vst v0  }
.LBB2_8:
0x6e: {  	s15 =	sadd.s32 $0x8, s15;
	[tilespmem:s14+$0xFFFFFFD0] =	vst v0;
	s14 =	sadd.s32 $0x80, s14  }
0x6f: {  	[tilespmem:s14+$0xFFFFFFC0] =	vst v0;
	p0 =	slt.u32 s15, $0x268  }
0x70: {  	[tilespmem:s14+$0x30] =	vst v0  }
.Ltmp3:
0x71: {  	[tilespmem:s14+$0x20] =	vst v0;
	(pc) =	sbr.rel @p0 .LBB2_8-.Ltmp3, $4  }
0x72: {  	[tilespmem:s14+$0x10] =	vst v0  }
0x73: {  	[tilespmem:s14+$0x0] =	vst v0  }
0x74: {  	[tilespmem:s14+$0xFFFFFFF0] =	vst v0  }
0x75: {  	[tilespmem:s14+$0xFFFFFFE0] =	vst v0  }
0x76: {  	[tilespmem:s14+$0xFFFFFFD0] =	vst v0  }
0x77: {  	[tilespmem:$0x13B80] =	vst v0  }
0x78: {  	_ =	swait.ge [sflag:s29], $0x2780  }
0x79: {  	[sflag:s29] =	ssyncset.done $0x0  }
0x7a: {  	s14 =	simm.s32 $0x0;
	[sflag:s29] =	ssyncadd.s32 $0xFFFFD880  }
.LBB2_10:
0x7b: {  	_ =	swait.ge [sflag:s30], $0xFA0  }
0x7c: {  	s15 =	smul.u32 $0x1F40, s14;
	[sflag:s30] =	ssyncset.done $0x0  }
0x7d: {  	[sflag:s30] =	ssyncadd.s32 $0xFFFFF060  }
0x7e: {  	s16 =	sadd.s32 s15, s12;
	_ =	swait.ge [sflag:s31], $0xFA0  }
0x7f: {  	s16 =	sshrl.u32 s16, $0x3;
	[sflag:s31] =	ssyncset.done $0x0  }
0x80: {  	s17 =	sadd.s32 s3, s16;
	[sflag:s31] =	ssyncadd.s32 $0xFFFFF060  }
0x81: {  	[tilespmem:s0], [sflag:$0x2] =	stream.linear.gather [hbm4b:s17+s1], $0xFA0, $0x38;
	[tilespmem:$0x17C00] =	vst v63  }
0x82: {  	s16 =	sadd.s32 s4, s16  }
0x83: {  	[tilespmem:s2], [sflag:$0x4] =	stream.linear.gather [hbm4b:s16+s1], $0xFA0, $0x38;
	[tilespmem:$0x17C00] =	vst v63  }
0x84: {  	s18 =	simm.s32 $0x13C80;
	s17 =	simm.s32 $0x15C80;
	s16 =	simm.s32 $0xFFFFFFF0  }
.LBB2_11:
0x85: {  	v1 =	vld [tilespmem:s18+$0xFFFFFF80];
	_ =	sdelay $0x4  }
0x86: {  	v2 =	vld [tilespmem:s17+$0xFFFFFF80];
	_ =	sdelay $0x2  }
0x87: {  	v3 =	vld.idx.msk [tilespmem:v1+s1+$0x0], $0xffff;
	_ =	sdelay $0x4  }
0x88: {  	[tilespmem:v2+s5+$0x0] =	vst.idx.add.f32.msk $0xffff, v3  }
0x89: {  	v3 =	vld.idx.msk [tilespmem:v1+s21+$0x0], $0xffff;
	_ =	sdelay $0x4  }
0x8a: {  	[tilespmem:v2+s24+$0x0] =	vst.idx.add.f32.msk $0xffff, v3  }
0x8b: {  	v3 =	vld.idx.msk [tilespmem:v1+s22+$0x0], $0xffff;
	_ =	sdelay $0x4  }
0x8c: {  	[tilespmem:v2+s6+$0x0] =	vst.idx.add.f32.msk $0xffff, v3  }
0x8d: {  	v1 =	vld.idx.msk [tilespmem:v1+s23+$0x0], $0xffff;
	_ =	sdelay $0x4  }
0x8e: {  	[tilespmem:v2+s7+$0x0] =	vst.idx.add.f32.msk $0xffff, v1  }
0x8f: {  	v1 =	vld [tilespmem:s18+$0xFFFFFF90];
	_ =	sdelay $0x4  }
0x90: {  	v2 =	vld [tilespmem:s17+$0xFFFFFF90];
	_ =	sdelay $0x2  }
0x91: {  	v3 =	vld.idx.msk [tilespmem:v1+s1+$0x0], $0xffff;
	_ =	sdelay $0x4  }
0x92: {  	[tilespmem:v2+s5+$0x0] =	vst.idx.add.f32.msk $0xffff, v3  }
0x93: {  	v3 =	vld.idx.msk [tilespmem:v1+s21+$0x0], $0xffff;
	_ =	sdelay $0x4  }
0x94: {  	[tilespmem:v2+s24+$0x0] =	vst.idx.add.f32.msk $0xffff, v3  }
0x95: {  	v3 =	vld.idx.msk [tilespmem:v1+s22+$0x0], $0xffff;
	_ =	sdelay $0x4  }
0x96: {  	[tilespmem:v2+s6+$0x0] =	vst.idx.add.f32.msk $0xffff, v3  }
0x97: {  	v1 =	vld.idx.msk [tilespmem:v1+s23+$0x0], $0xffff;
	_ =	sdelay $0x4  }
0x98: {  	[tilespmem:v2+s7+$0x0] =	vst.idx.add.f32.msk $0xffff, v1  }
0x99: {  	v1 =	vld [tilespmem:s18+$0xFFFFFFA0];
	_ =	sdelay $0x4  }
0x9a: {  	v2 =	vld [tilespmem:s17+$0xFFFFFFA0];
	_ =	sdelay $0x2  }
0x9b: {  	v3 =	vld.idx.msk [tilespmem:v1+s1+$0x0], $0xffff;
	_ =	sdelay $0x4  }
0x9c: {  	[tilespmem:v2+s5+$0x0] =	vst.idx.add.f32.msk $0xffff, v3  }
0x9d: {  	v3 =	vld.idx.msk [tilespmem:v1+s21+$0x0], $0xffff;
	_ =	sdelay $0x4  }
0x9e: {  	[tilespmem:v2+s24+$0x0] =	vst.idx.add.f32.msk $0xffff, v3  }
0x9f: {  	v3 =	vld.idx.msk [tilespmem:v1+s22+$0x0], $0xffff;
	_ =	sdelay $0x4  }
0xa0: {  	[tilespmem:v2+s6+$0x0] =	vst.idx.add.f32.msk $0xffff, v3  }
0xa1: {  	v1 =	vld.idx.msk [tilespmem:v1+s23+$0x0], $0xffff;
	_ =	sdelay $0x4  }
0xa2: {  	[tilespmem:v2+s7+$0x0] =	vst.idx.add.f32.msk $0xffff, v1  }
0xa3: {  	v1 =	vld [tilespmem:s18+$0xFFFFFFB0];
	_ =	sdelay $0x4  }
0xa4: {  	v2 =	vld [tilespmem:s17+$0xFFFFFFB0];
	_ =	sdelay $0x2  }
0xa5: {  	v3 =	vld.idx.msk [tilespmem:v1+s1+$0x0], $0xffff;
	_ =	sdelay $0x4  }
0xa6: {  	[tilespmem:v2+s5+$0x0] =	vst.idx.add.f32.msk $0xffff, v3  }
0xa7: {  	v3 =	vld.idx.msk [tilespmem:v1+s21+$0x0], $0xffff;
	_ =	sdelay $0x4  }
0xa8: {  	[tilespmem:v2+s24+$0x0] =	vst.idx.add.f32.msk $0xffff, v3  }
0xa9: {  	v3 =	vld.idx.msk [tilespmem:v1+s22+$0x0], $0xffff;
	_ =	sdelay $0x4  }
0xaa: {  	[tilespmem:v2+s6+$0x0] =	vst.idx.add.f32.msk $0xffff, v3  }
0xab: {  	v1 =	vld.idx.msk [tilespmem:v1+s23+$0x0], $0xffff;
	_ =	sdelay $0x4  }
0xac: {  	[tilespmem:v2+s7+$0x0] =	vst.idx.add.f32.msk $0xffff, v1  }
0xad: {  	v1 =	vld [tilespmem:s18+$0xFFFFFFC0];
	_ =	sdelay $0x4  }
0xae: {  	v2 =	vld [tilespmem:s17+$0xFFFFFFC0];
	_ =	sdelay $0x2  }
0xaf: {  	v3 =	vld.idx.msk [tilespmem:v1+s1+$0x0], $0xffff;
	_ =	sdelay $0x4  }
0xb0: {  	[tilespmem:v2+s5+$0x0] =	vst.idx.add.f32.msk $0xffff, v3  }
0xb1: {  	v3 =	vld.idx.msk [tilespmem:v1+s21+$0x0], $0xffff;
	_ =	sdelay $0x4  }
0xb2: {  	[tilespmem:v2+s24+$0x0] =	vst.idx.add.f32.msk $0xffff, v3  }
0xb3: {  	v3 =	vld.idx.msk [tilespmem:v1+s22+$0x0], $0xffff;
	_ =	sdelay $0x4  }
0xb4: {  	[tilespmem:v2+s6+$0x0] =	vst.idx.add.f32.msk $0xffff, v3  }
0xb5: {  	v1 =	vld.idx.msk [tilespmem:v1+s23+$0x0], $0xffff;
	_ =	sdelay $0x4  }
0xb6: {  	[tilespmem:v2+s7+$0x0] =	vst.idx.add.f32.msk $0xffff, v1  }
0xb7: {  	v1 =	vld [tilespmem:s18+$0xFFFFFFD0];
	_ =	sdelay $0x4  }
0xb8: {  	v2 =	vld [tilespmem:s17+$0xFFFFFFD0];
	_ =	sdelay $0x2  }
0xb9: {  	v3 =	vld.idx.msk [tilespmem:v1+s1+$0x0], $0xffff;
	_ =	sdelay $0x4  }
0xba: {  	[tilespmem:v2+s5+$0x0] =	vst.idx.add.f32.msk $0xffff, v3  }
0xbb: {  	v3 =	vld.idx.msk [tilespmem:v1+s21+$0x0], $0xffff;
	_ =	sdelay $0x4  }
0xbc: {  	[tilespmem:v2+s24+$0x0] =	vst.idx.add.f32.msk $0xffff, v3  }
0xbd: {  	v3 =	vld.idx.msk [tilespmem:v1+s22+$0x0], $0xffff;
	_ =	sdelay $0x4  }
0xbe: {  	[tilespmem:v2+s6+$0x0] =	vst.idx.add.f32.msk $0xffff, v3  }
0xbf: {  	v1 =	vld.idx.msk [tilespmem:v1+s23+$0x0], $0xffff;
	_ =	sdelay $0x4  }
0xc0: {  	[tilespmem:v2+s7+$0x0] =	vst.idx.add.f32.msk $0xffff, v1  }
0xc1: {  	v1 =	vld [tilespmem:s18+$0xFFFFFFE0];
	_ =	sdelay $0x4  }
0xc2: {  	v2 =	vld [tilespmem:s17+$0xFFFFFFE0];
	_ =	sdelay $0x2  }
0xc3: {  	v3 =	vld.idx.msk [tilespmem:v1+s1+$0x0], $0xffff;
	_ =	sdelay $0x4  }
0xc4: {  	[tilespmem:v2+s5+$0x0] =	vst.idx.add.f32.msk $0xffff, v3  }
0xc5: {  	v3 =	vld.idx.msk [tilespmem:v1+s21+$0x0], $0xffff;
	_ =	sdelay $0x4  }
0xc6: {  	[tilespmem:v2+s24+$0x0] =	vst.idx.add.f32.msk $0xffff, v3  }
0xc7: {  	v3 =	vld.idx.msk [tilespmem:v1+s22+$0x0], $0xffff;
	_ =	sdelay $0x4  }
0xc8: {  	[tilespmem:v2+s6+$0x0] =	vst.idx.add.f32.msk $0xffff, v3  }
0xc9: {  	v1 =	vld.idx.msk [tilespmem:v1+s23+$0x0], $0xffff;
	_ =	sdelay $0x4  }
0xca: {  	[tilespmem:v2+s7+$0x0] =	vst.idx.add.f32.msk $0xffff, v1  }
0xcb: {  	v1 =	vld [tilespmem:s18+$0xFFFFFFF0];
	_ =	sdelay $0x4  }
0xcc: {  	v2 =	vld [tilespmem:s17+$0xFFFFFFF0];
	_ =	sdelay $0x2  }
0xcd: {  	v3 =	vld.idx.msk [tilespmem:v1+s1+$0x0], $0xffff;
	_ =	sdelay $0x4  }
0xce: {  	[tilespmem:v2+s5+$0x0] =	vst.idx.add.f32.msk $0xffff, v3  }
0xcf: {  	v3 =	vld.idx.msk [tilespmem:v1+s21+$0x0], $0xffff;
	_ =	sdelay $0x4  }
0xd0: {  	[tilespmem:v2+s24+$0x0] =	vst.idx.add.f32.msk $0xffff, v3  }
0xd1: {  	v3 =	vld.idx.msk [tilespmem:v1+s22+$0x0], $0xffff;
	_ =	sdelay $0x4  }
0xd2: {  	[tilespmem:v2+s6+$0x0] =	vst.idx.add.f32.msk $0xffff, v3  }
0xd3: {  	v1 =	vld.idx.msk [tilespmem:v1+s23+$0x0], $0xffff;
	_ =	sdelay $0x4  }
0xd4: {  	[tilespmem:v2+s7+$0x0] =	vst.idx.add.f32.msk $0xffff, v1  }
0xd5: {  	v1 =	vld [tilespmem:s18+$0x0];
	_ =	sdelay $0x4  }
0xd6: {  	v2 =	vld [tilespmem:s17+$0x0];
	_ =	sdelay $0x2  }
0xd7: {  	v3 =	vld.idx.msk [tilespmem:v1+s1+$0x0], $0xffff;
	_ =	sdelay $0x4  }
0xd8: {  	[tilespmem:v2+s5+$0x0] =	vst.idx.add.f32.msk $0xffff, v3  }
0xd9: {  	v3 =	vld.idx.msk [tilespmem:v1+s21+$0x0], $0xffff;
	_ =	sdelay $0x4  }
0xda: {  	[tilespmem:v2+s24+$0x0] =	vst.idx.add.f32.msk $0xffff, v3  }
0xdb: {  	v3 =	vld.idx.msk [tilespmem:v1+s22+$0x0], $0xffff;
	_ =	sdelay $0x4  }
0xdc: {  	[tilespmem:v2+s6+$0x0] =	vst.idx.add.f32.msk $0xffff, v3  }
0xdd: {  	v1 =	vld.idx.msk [tilespmem:v1+s23+$0x0], $0xffff;
	_ =	sdelay $0x4  }
0xde: {  	[tilespmem:v2+s7+$0x0] =	vst.idx.add.f32.msk $0xffff, v1  }
0xdf: {  	v1 =	vld [tilespmem:s18+$0x10];
	_ =	sdelay $0x4  }
0xe0: {  	v2 =	vld [tilespmem:s17+$0x10];
	_ =	sdelay $0x2  }
0xe1: {  	v3 =	vld.idx.msk [tilespmem:v1+s1+$0x0], $0xffff;
	_ =	sdelay $0x4  }
0xe2: {  	[tilespmem:v2+s5+$0x0] =	vst.idx.add.f32.msk $0xffff, v3  }
0xe3: {  	v3 =	vld.idx.msk [tilespmem:v1+s21+$0x0], $0xffff;
	_ =	sdelay $0x4  }
0xe4: {  	[tilespmem:v2+s24+$0x0] =	vst.idx.add.f32.msk $0xffff, v3  }
0xe5: {  	v3 =	vld.idx.msk [tilespmem:v1+s22+$0x0], $0xffff;
	_ =	sdelay $0x4  }
0xe6: {  	[tilespmem:v2+s6+$0x0] =	vst.idx.add.f32.msk $0xffff, v3  }
0xe7: {  	v1 =	vld.idx.msk [tilespmem:v1+s23+$0x0], $0xffff;
	_ =	sdelay $0x4  }
0xe8: {  	[tilespmem:v2+s7+$0x0] =	vst.idx.add.f32.msk $0xffff, v1  }
0xe9: {  	v1 =	vld [tilespmem:s18+$0x20];
	_ =	sdelay $0x4  }
0xea: {  	v2 =	vld [tilespmem:s17+$0x20];
	_ =	sdelay $0x2  }
0xeb: {  	v3 =	vld.idx.msk [tilespmem:v1+s1+$0x0], $0xffff;
	_ =	sdelay $0x4  }
0xec: {  	[tilespmem:v2+s5+$0x0] =	vst.idx.add.f32.msk $0xffff, v3  }
0xed: {  	v3 =	vld.idx.msk [tilespmem:v1+s21+$0x0], $0xffff;
	_ =	sdelay $0x4  }
0xee: {  	[tilespmem:v2+s24+$0x0] =	vst.idx.add.f32.msk $0xffff, v3  }
0xef: {  	v3 =	vld.idx.msk [tilespmem:v1+s22+$0x0], $0xffff;
	_ =	sdelay $0x4  }
0xf0: {  	[tilespmem:v2+s6+$0x0] =	vst.idx.add.f32.msk $0xffff, v3  }
0xf1: {  	v1 =	vld.idx.msk [tilespmem:v1+s23+$0x0], $0xffff;
	_ =	sdelay $0x4  }
0xf2: {  	[tilespmem:v2+s7+$0x0] =	vst.idx.add.f32.msk $0xffff, v1  }
0xf3: {  	v1 =	vld [tilespmem:s18+$0x30];
	_ =	sdelay $0x4  }
0xf4: {  	v2 =	vld [tilespmem:s17+$0x30];
	_ =	sdelay $0x2  }
0xf5: {  	v3 =	vld.idx.msk [tilespmem:v1+s1+$0x0], $0xffff;
	_ =	sdelay $0x4  }
0xf6: {  	[tilespmem:v2+s5+$0x0] =	vst.idx.add.f32.msk $0xffff, v3  }
0xf7: {  	v3 =	vld.idx.msk [tilespmem:v1+s21+$0x0], $0xffff;
	_ =	sdelay $0x4  }
0xf8: {  	[tilespmem:v2+s24+$0x0] =	vst.idx.add.f32.msk $0xffff, v3  }
0xf9: {  	v3 =	vld.idx.msk [tilespmem:v1+s22+$0x0], $0xffff;
	_ =	sdelay $0x4  }
0xfa: {  	[tilespmem:v2+s6+$0x0] =	vst.idx.add.f32.msk $0xffff, v3  }
0xfb: {  	v1 =	vld.idx.msk [tilespmem:v1+s23+$0x0], $0xffff;
	_ =	sdelay $0x4  }
0xfc: {  	[tilespmem:v2+s7+$0x0] =	vst.idx.add.f32.msk $0xffff, v1  }
0xfd: {  	v1 =	vld [tilespmem:s18+$0x40];
	_ =	sdelay $0x4  }
0xfe: {  	v2 =	vld [tilespmem:s17+$0x40];
	_ =	sdelay $0x2  }
0xff: {  	v3 =	vld.idx.msk [tilespmem:v1+s1+$0x0], $0xffff;
	_ =	sdelay $0x4  }
0x100: {  	[tilespmem:v2+s5+$0x0] =	vst.idx.add.f32.msk $0xffff, v3  }
0x101: {  	v3 =	vld.idx.msk [tilespmem:v1+s21+$0x0], $0xffff;
	_ =	sdelay $0x4  }
0x102: {  	[tilespmem:v2+s24+$0x0] =	vst.idx.add.f32.msk $0xffff, v3  }
0x103: {  	v3 =	vld.idx.msk [tilespmem:v1+s22+$0x0], $0xffff;
	_ =	sdelay $0x4  }
0x104: {  	[tilespmem:v2+s6+$0x0] =	vst.idx.add.f32.msk $0xffff, v3  }
0x105: {  	v1 =	vld.idx.msk [tilespmem:v1+s23+$0x0], $0xffff;
	_ =	sdelay $0x4  }
0x106: {  	[tilespmem:v2+s7+$0x0] =	vst.idx.add.f32.msk $0xffff, v1  }
0x107: {  	v1 =	vld [tilespmem:s18+$0x50];
	_ =	sdelay $0x4  }
0x108: {  	v2 =	vld [tilespmem:s17+$0x50];
	_ =	sdelay $0x2  }
0x109: {  	v3 =	vld.idx.msk [tilespmem:v1+s1+$0x0], $0xffff;
	_ =	sdelay $0x4  }
0x10a: {  	[tilespmem:v2+s5+$0x0] =	vst.idx.add.f32.msk $0xffff, v3  }
0x10b: {  	v3 =	vld.idx.msk [tilespmem:v1+s21+$0x0], $0xffff;
	_ =	sdelay $0x4  }
0x10c: {  	[tilespmem:v2+s24+$0x0] =	vst.idx.add.f32.msk $0xffff, v3  }
0x10d: {  	v3 =	vld.idx.msk [tilespmem:v1+s22+$0x0], $0xffff;
	_ =	sdelay $0x4  }
0x10e: {  	[tilespmem:v2+s6+$0x0] =	vst.idx.add.f32.msk $0xffff, v3  }
0x10f: {  	v1 =	vld.idx.msk [tilespmem:v1+s23+$0x0], $0xffff;
	_ =	sdelay $0x4  }
0x110: {  	[tilespmem:v2+s7+$0x0] =	vst.idx.add.f32.msk $0xffff, v1  }
0x111: {  	v1 =	vld [tilespmem:s18+$0x60];
	_ =	sdelay $0x4  }
0x112: {  	v2 =	vld [tilespmem:s17+$0x60];
	_ =	sdelay $0x2  }
0x113: {  	v3 =	vld.idx.msk [tilespmem:v1+s1+$0x0], $0xffff;
	_ =	sdelay $0x4  }
0x114: {  	[tilespmem:v2+s5+$0x0] =	vst.idx.add.f32.msk $0xffff, v3  }
0x115: {  	v3 =	vld.idx.msk [tilespmem:v1+s21+$0x0], $0xffff;
	_ =	sdelay $0x4  }
0x116: {  	[tilespmem:v2+s24+$0x0] =	vst.idx.add.f32.msk $0xffff, v3  }
0x117: {  	v3 =	vld.idx.msk [tilespmem:v1+s22+$0x0], $0xffff;
	_ =	sdelay $0x4  }
0x118: {  	[tilespmem:v2+s6+$0x0] =	vst.idx.add.f32.msk $0xffff, v3  }
0x119: {  	v1 =	vld.idx.msk [tilespmem:v1+s23+$0x0], $0xffff;
	_ =	sdelay $0x4  }
0x11a: {  	[tilespmem:v2+s7+$0x0] =	vst.idx.add.f32.msk $0xffff, v1  }
0x11b: {  	v1 =	vld [tilespmem:s18+$0x70];
	_ =	sdelay $0x4  }
0x11c: {  	v2 =	vld [tilespmem:s17+$0x70];
	_ =	sdelay $0x2  }
0x11d: {  	v3 =	vld.idx.msk [tilespmem:v1+s1+$0x0], $0xffff;
	_ =	sdelay $0x4  }
0x11e: {  	[tilespmem:v2+s5+$0x0] =	vst.idx.add.f32.msk $0xffff, v3  }
0x11f: {  	v3 =	vld.idx.msk [tilespmem:v1+s21+$0x0], $0xffff;
	_ =	sdelay $0x4  }
0x120: {  	[tilespmem:v2+s24+$0x0] =	vst.idx.add.f32.msk $0xffff, v3  }
0x121: {  	v3 =	vld.idx.msk [tilespmem:v1+s22+$0x0], $0xffff;
	_ =	sdelay $0x4  }
0x122: {  	s16 =	sadd.s32 $0x10, s16;
	[tilespmem:v2+s6+$0x0] =	vst.idx.add.f32.msk $0xffff, v3  }
0x123: {  	p0 =	slt.u32 s16, $0xE0;
	v1 =	vld.idx.msk [tilespmem:v1+s23+$0x0], $0xffff  }
.Ltmp4:
0x124: {  	_ = 	snop;
	(pc) =	sbr.rel @p0 .LBB2_11-.Ltmp4, $2  }
0x125: {  	_ =	sdelay $0x2  }
0x126: {  	s17 =	sadd.s32 $0x100, s17;
	s18 =	sadd.s32 $0x100, s18;
	[tilespmem:v2+s7+$0x0] =	vst.idx.add.f32.msk $0xffff, v1  }
0x127: {  	v1 =	vld [tilespmem:$0x14B00];
	_ =	sdelay $0x4  }
0x128: {  	v2 =	vld [tilespmem:$0x16B00];
	_ =	sdelay $0x2  }
0x129: {  	v3 =	vld.idx.msk [tilespmem:v1+s1+$0x0], $0xffff;
	_ =	sdelay $0x4  }
0x12a: {  	[tilespmem:v2+s5+$0x0] =	vst.idx.add.f32.msk $0xffff, v3  }
0x12b: {  	v3 =	vld.idx.msk [tilespmem:v1+s21+$0x0], $0xffff;
	_ =	sdelay $0x4  }
0x12c: {  	[tilespmem:v2+s24+$0x0] =	vst.idx.add.f32.msk $0xffff, v3  }
0x12d: {  	v3 =	vld.idx.msk [tilespmem:v1+s22+$0x0], $0xffff;
	_ =	sdelay $0x4  }
0x12e: {  	[tilespmem:v2+s6+$0x0] =	vst.idx.add.f32.msk $0xffff, v3  }
0x12f: {  	v1 =	vld.idx.msk [tilespmem:v1+s23+$0x0], $0xffff;
	_ =	sdelay $0x4  }
0x130: {  	[tilespmem:v2+s7+$0x0] =	vst.idx.add.f32.msk $0xffff, v1  }
0x131: {  	v1 =	vld [tilespmem:$0x14B10];
	_ =	sdelay $0x4  }
0x132: {  	v2 =	vld [tilespmem:$0x16B10];
	_ =	sdelay $0x2  }
0x133: {  	v3 =	vld.idx.msk [tilespmem:v1+s1+$0x0], $0xffff;
	_ =	sdelay $0x4  }
0x134: {  	[tilespmem:v2+s5+$0x0] =	vst.idx.add.f32.msk $0xffff, v3  }
0x135: {  	v3 =	vld.idx.msk [tilespmem:v1+s21+$0x0], $0xffff;
	_ =	sdelay $0x4  }
0x136: {  	[tilespmem:v2+s24+$0x0] =	vst.idx.add.f32.msk $0xffff, v3  }
0x137: {  	v3 =	vld.idx.msk [tilespmem:v1+s22+$0x0], $0xffff;
	_ =	sdelay $0x4  }
0x138: {  	[tilespmem:v2+s6+$0x0] =	vst.idx.add.f32.msk $0xffff, v3  }
0x139: {  	v1 =	vld.idx.msk [tilespmem:v1+s23+$0x0], $0xffff;
	_ =	sdelay $0x4  }
0x13a: {  	[tilespmem:v2+s7+$0x0] =	vst.idx.add.f32.msk $0xffff, v1  }
0x13b: {  	v1 =	vld [tilespmem:$0x14B20];
	_ =	sdelay $0x4  }
0x13c: {  	v2 =	vld [tilespmem:$0x16B20];
	_ =	sdelay $0x2  }
0x13d: {  	v3 =	vld.idx.msk [tilespmem:v1+s1+$0x0], $0xffff;
	_ =	sdelay $0x4  }
0x13e: {  	[tilespmem:v2+s5+$0x0] =	vst.idx.add.f32.msk $0xffff, v3  }
0x13f: {  	v3 =	vld.idx.msk [tilespmem:v1+s21+$0x0], $0xffff;
	_ =	sdelay $0x4  }
0x140: {  	[tilespmem:v2+s24+$0x0] =	vst.idx.add.f32.msk $0xffff, v3  }
0x141: {  	v3 =	vld.idx.msk [tilespmem:v1+s22+$0x0], $0xffff;
	_ =	sdelay $0x4  }
0x142: {  	[tilespmem:v2+s6+$0x0] =	vst.idx.add.f32.msk $0xffff, v3  }
0x143: {  	v1 =	vld.idx.msk [tilespmem:v1+s23+$0x0], $0xffff;
	_ =	sdelay $0x4  }
0x144: {  	[tilespmem:v2+s7+$0x0] =	vst.idx.add.f32.msk $0xffff, v1  }
0x145: {  	v1 =	vld [tilespmem:$0x14B30];
	_ =	sdelay $0x4  }
0x146: {  	v2 =	vld [tilespmem:$0x16B30];
	_ =	sdelay $0x2  }
0x147: {  	v3 =	vld.idx.msk [tilespmem:v1+s1+$0x0], $0xffff;
	_ =	sdelay $0x4  }
0x148: {  	[tilespmem:v2+s5+$0x0] =	vst.idx.add.f32.msk $0xffff, v3  }
0x149: {  	v3 =	vld.idx.msk [tilespmem:v1+s21+$0x0], $0xffff;
	_ =	sdelay $0x4  }
0x14a: {  	[tilespmem:v2+s24+$0x0] =	vst.idx.add.f32.msk $0xffff, v3  }
0x14b: {  	v3 =	vld.idx.msk [tilespmem:v1+s22+$0x0], $0xffff;
	_ =	sdelay $0x4  }
0x14c: {  	[tilespmem:v2+s6+$0x0] =	vst.idx.add.f32.msk $0xffff, v3  }
0x14d: {  	v1 =	vld.idx.msk [tilespmem:v1+s23+$0x0], $0xffff;
	_ =	sdelay $0x4  }
0x14e: {  	[tilespmem:v2+s7+$0x0] =	vst.idx.add.f32.msk $0xffff, v1  }
0x14f: {  	v1 =	vld [tilespmem:$0x14B40];
	_ =	sdelay $0x4  }
0x150: {  	v2 =	vld [tilespmem:$0x16B40];
	_ =	sdelay $0x2  }
0x151: {  	v3 =	vld.idx.msk [tilespmem:v1+s1+$0x0], $0xffff;
	_ =	sdelay $0x4  }
0x152: {  	[tilespmem:v2+s5+$0x0] =	vst.idx.add.f32.msk $0xffff, v3  }
0x153: {  	v3 =	vld.idx.msk [tilespmem:v1+s21+$0x0], $0xffff;
	_ =	sdelay $0x4  }
0x154: {  	[tilespmem:v2+s24+$0x0] =	vst.idx.add.f32.msk $0xffff, v3  }
0x155: {  	v3 =	vld.idx.msk [tilespmem:v1+s22+$0x0], $0xffff;
	_ =	sdelay $0x4  }
0x156: {  	[tilespmem:v2+s6+$0x0] =	vst.idx.add.f32.msk $0xffff, v3  }
0x157: {  	v1 =	vld.idx.msk [tilespmem:v1+s23+$0x0], $0xffff;
	_ =	sdelay $0x4  }
0x158: {  	[tilespmem:v2+s7+$0x0] =	vst.idx.add.f32.msk $0xffff, v1  }
0x159: {  	v1 =	vld [tilespmem:$0x14B50];
	_ =	sdelay $0x4  }
0x15a: {  	v2 =	vld [tilespmem:$0x16B50];
	_ =	sdelay $0x2  }
0x15b: {  	v3 =	vld.idx.msk [tilespmem:v1+s1+$0x0], $0xffff;
	_ =	sdelay $0x4  }
0x15c: {  	[tilespmem:v2+s5+$0x0] =	vst.idx.add.f32.msk $0xffff, v3  }
0x15d: {  	v3 =	vld.idx.msk [tilespmem:v1+s21+$0x0], $0xffff;
	_ =	sdelay $0x4  }
0x15e: {  	[tilespmem:v2+s24+$0x0] =	vst.idx.add.f32.msk $0xffff, v3  }
0x15f: {  	v3 =	vld.idx.msk [tilespmem:v1+s22+$0x0], $0xffff;
	_ =	sdelay $0x4  }
0x160: {  	[tilespmem:v2+s6+$0x0] =	vst.idx.add.f32.msk $0xffff, v3  }
0x161: {  	v1 =	vld.idx.msk [tilespmem:v1+s23+$0x0], $0xffff;
	_ =	sdelay $0x4  }
0x162: {  	[tilespmem:v2+s7+$0x0] =	vst.idx.add.f32.msk $0xffff, v1  }
0x163: {  	v1 =	vld [tilespmem:$0x14B60];
	_ =	sdelay $0x4  }
0x164: {  	v2 =	vld [tilespmem:$0x16B60];
	_ =	sdelay $0x2  }
0x165: {  	v3 =	vld.idx.msk [tilespmem:v1+s1+$0x0], $0xffff;
	_ =	sdelay $0x4  }
0x166: {  	[tilespmem:v2+s5+$0x0] =	vst.idx.add.f32.msk $0xffff, v3  }
0x167: {  	v3 =	vld.idx.msk [tilespmem:v1+s21+$0x0], $0xffff;
	_ =	sdelay $0x4  }
0x168: {  	[tilespmem:v2+s24+$0x0] =	vst.idx.add.f32.msk $0xffff, v3  }
0x169: {  	v3 =	vld.idx.msk [tilespmem:v1+s22+$0x0], $0xffff;
	_ =	sdelay $0x4  }
0x16a: {  	[tilespmem:v2+s6+$0x0] =	vst.idx.add.f32.msk $0xffff, v3  }
0x16b: {  	v1 =	vld.idx.msk [tilespmem:v1+s23+$0x0], $0xffff;
	_ =	sdelay $0x4  }
0x16c: {  	[tilespmem:v2+s7+$0x0] =	vst.idx.add.f32.msk $0xffff, v1  }
0x16d: {  	v1 =	vld [tilespmem:$0x14B70];
	_ =	sdelay $0x4  }
0x16e: {  	v2 =	vld [tilespmem:$0x16B70];
	_ =	sdelay $0x2  }
0x16f: {  	v3 =	vld.idx.msk [tilespmem:v1+s1+$0x0], $0xffff;
	_ =	sdelay $0x4  }
0x170: {  	[tilespmem:v2+s5+$0x0] =	vst.idx.add.f32.msk $0xffff, v3  }
0x171: {  	v3 =	vld.idx.msk [tilespmem:v1+s21+$0x0], $0xffff;
	_ =	sdelay $0x4  }
0x172: {  	[tilespmem:v2+s24+$0x0] =	vst.idx.add.f32.msk $0xffff, v3  }
0x173: {  	v3 =	vld.idx.msk [tilespmem:v1+s22+$0x0], $0xffff;
	_ =	sdelay $0x4  }
0x174: {  	[tilespmem:v2+s6+$0x0] =	vst.idx.add.f32.msk $0xffff, v3  }
0x175: {  	v1 =	vld.idx.msk [tilespmem:v1+s23+$0x0], $0xffff;
	_ =	sdelay $0x4  }
0x176: {  	[tilespmem:v2+s7+$0x0] =	vst.idx.add.f32.msk $0xffff, v1  }
0x177: {  	v1 =	vld [tilespmem:$0x14B80];
	_ =	sdelay $0x4  }
0x178: {  	v2 =	vld [tilespmem:$0x16B80];
	_ =	sdelay $0x2  }
0x179: {  	v3 =	vld.idx.msk [tilespmem:v1+s1+$0x0], $0xffff;
	_ =	sdelay $0x4  }
0x17a: {  	[tilespmem:v2+s5+$0x0] =	vst.idx.add.f32.msk $0xffff, v3  }
0x17b: {  	v3 =	vld.idx.msk [tilespmem:v1+s21+$0x0], $0xffff;
	_ =	sdelay $0x4  }
0x17c: {  	[tilespmem:v2+s24+$0x0] =	vst.idx.add.f32.msk $0xffff, v3  }
0x17d: {  	v3 =	vld.idx.msk [tilespmem:v1+s22+$0x0], $0xffff;
	_ =	sdelay $0x4  }
0x17e: {  	[tilespmem:v2+s6+$0x0] =	vst.idx.add.f32.msk $0xffff, v3  }
0x17f: {  	v1 =	vld.idx.msk [tilespmem:v1+s23+$0x0], $0xffff;
	_ =	sdelay $0x4  }
0x180: {  	[tilespmem:v2+s7+$0x0] =	vst.idx.add.f32.msk $0xffff, v1  }
0x181: {  	v1 =	vld [tilespmem:$0x14B90];
	_ =	sdelay $0x4  }
0x182: {  	v2 =	vld [tilespmem:$0x16B90];
	_ =	sdelay $0x2  }
0x183: {  	v3 =	vld.idx.msk [tilespmem:v1+s1+$0x0], $0xffff;
	_ =	sdelay $0x4  }
0x184: {  	[tilespmem:v2+s5+$0x0] =	vst.idx.add.f32.msk $0xffff, v3  }
0x185: {  	v3 =	vld.idx.msk [tilespmem:v1+s21+$0x0], $0xffff;
	_ =	sdelay $0x4  }
0x186: {  	[tilespmem:v2+s24+$0x0] =	vst.idx.add.f32.msk $0xffff, v3  }
0x187: {  	v3 =	vld.idx.msk [tilespmem:v1+s22+$0x0], $0xffff;
	_ =	sdelay $0x4  }
0x188: {  	[tilespmem:v2+s6+$0x0] =	vst.idx.add.f32.msk $0xffff, v3  }
0x189: {  	v1 =	vld.idx.msk [tilespmem:v1+s23+$0x0], $0xffff;
	_ =	sdelay $0x4  }
0x18a: {  	[tilespmem:v2+s7+$0x0] =	vst.idx.add.f32.msk $0xffff, v1  }
0x18b: {  	_ =	swait.ge [sflag:s8], $0xFA0  }
0x18c: {  	[sflag:s8] =	ssyncset.done $0x0  }
0x18d: {  	p0 =	sgt.u32 s14, $0x3;
	[sflag:s8] =	ssyncadd.s32 $0xFFFFF060  }
0x18e: {  	s15 =	sadd.s32 @!p0 s15, s13;
	_ =	swait.ge [sflag:s9], $0xFA0  }
0x18f: {  	s17 =	simm.s32 @!p0 $0x0;
	s15 =	sshrl.u32 @!p0 s15, $0x3;
	[sflag:s9] =	ssyncset.done $0x0  }
0x190: {  	s18 =	simm.s32 @!p0 $0x13C00;
	s16 =	sadd.s32 @!p0 s3, s15;
	[sflag:s9] =	ssyncadd.s32 $0xFFFFF060  }
0x191: {  	[tilespmem:s18], [sflag:$0x1] =	stream.linear.gather @!p0 [hbm4b:s16+s17], $0xFA0, $0x38;
	[tilespmem:$0x17C00] =	vst v63  }
0x192: {  	s15 =	sadd.s32 @!p0 s4, s15;
	s16 =	simm.s32 @!p0 $0x15C00  }
0x193: {  	[tilespmem:s16], [sflag:$0x3] =	stream.linear.gather @!p0 [hbm4b:s15+s17], $0xFA0, $0x38;
	[tilespmem:$0x17C00] =	vst v63  }
0x194: {  	s15 =	simm.s32 $0xFFFFFFF0;
	s16 =	simm.s32 $0x16C80;
	s17 =	simm.s32 $0x14C80  }
.LBB2_13:
0x195: {  	v1 =	vld [tilespmem:s17+$0xFFFFFF80];
	_ =	sdelay $0x4  }
0x196: {  	v2 =	vld [tilespmem:s16+$0xFFFFFF80];
	_ =	sdelay $0x2  }
0x197: {  	v3 =	vld.idx.msk [tilespmem:v1+s1+$0x0], $0xffff;
	_ =	sdelay $0x4  }
0x198: {  	[tilespmem:v2+s5+$0x0] =	vst.idx.add.f32.msk $0xffff, v3  }
0x199: {  	v3 =	vld.idx.msk [tilespmem:v1+s21+$0x0], $0xffff;
	_ =	sdelay $0x4  }
0x19a: {  	[tilespmem:v2+s24+$0x0] =	vst.idx.add.f32.msk $0xffff, v3  }
0x19b: {  	v3 =	vld.idx.msk [tilespmem:v1+s22+$0x0], $0xffff;
	_ =	sdelay $0x4  }
0x19c: {  	[tilespmem:v2+s6+$0x0] =	vst.idx.add.f32.msk $0xffff, v3  }
0x19d: {  	v1 =	vld.idx.msk [tilespmem:v1+s23+$0x0], $0xffff;
	_ =	sdelay $0x4  }
0x19e: {  	[tilespmem:v2+s7+$0x0] =	vst.idx.add.f32.msk $0xffff, v1  }
0x19f: {  	v1 =	vld [tilespmem:s17+$0xFFFFFF90];
	_ =	sdelay $0x4  }
0x1a0: {  	v2 =	vld [tilespmem:s16+$0xFFFFFF90];
	_ =	sdelay $0x2  }
0x1a1: {  	v3 =	vld.idx.msk [tilespmem:v1+s1+$0x0], $0xffff;
	_ =	sdelay $0x4  }
0x1a2: {  	[tilespmem:v2+s5+$0x0] =	vst.idx.add.f32.msk $0xffff, v3  }
0x1a3: {  	v3 =	vld.idx.msk [tilespmem:v1+s21+$0x0], $0xffff;
	_ =	sdelay $0x4  }
0x1a4: {  	[tilespmem:v2+s24+$0x0] =	vst.idx.add.f32.msk $0xffff, v3  }
0x1a5: {  	v3 =	vld.idx.msk [tilespmem:v1+s22+$0x0], $0xffff;
	_ =	sdelay $0x4  }
0x1a6: {  	[tilespmem:v2+s6+$0x0] =	vst.idx.add.f32.msk $0xffff, v3  }
0x1a7: {  	v1 =	vld.idx.msk [tilespmem:v1+s23+$0x0], $0xffff;
	_ =	sdelay $0x4  }
0x1a8: {  	[tilespmem:v2+s7+$0x0] =	vst.idx.add.f32.msk $0xffff, v1  }
0x1a9: {  	v1 =	vld [tilespmem:s17+$0xFFFFFFA0];
	_ =	sdelay $0x4  }
0x1aa: {  	v2 =	vld [tilespmem:s16+$0xFFFFFFA0];
	_ =	sdelay $0x2  }
0x1ab: {  	v3 =	vld.idx.msk [tilespmem:v1+s1+$0x0], $0xffff;
	_ =	sdelay $0x4  }
0x1ac: {  	[tilespmem:v2+s5+$0x0] =	vst.idx.add.f32.msk $0xffff, v3  }
0x1ad: {  	v3 =	vld.idx.msk [tilespmem:v1+s21+$0x0], $0xffff;
	_ =	sdelay $0x4  }
0x1ae: {  	[tilespmem:v2+s24+$0x0] =	vst.idx.add.f32.msk $0xffff, v3  }
0x1af: {  	v3 =	vld.idx.msk [tilespmem:v1+s22+$0x0], $0xffff;
	_ =	sdelay $0x4  }
0x1b0: {  	[tilespmem:v2+s6+$0x0] =	vst.idx.add.f32.msk $0xffff, v3  }
0x1b1: {  	v1 =	vld.idx.msk [tilespmem:v1+s23+$0x0], $0xffff;
	_ =	sdelay $0x4  }
0x1b2: {  	[tilespmem:v2+s7+$0x0] =	vst.idx.add.f32.msk $0xffff, v1  }
0x1b3: {  	v1 =	vld [tilespmem:s17+$0xFFFFFFB0];
	_ =	sdelay $0x4  }
0x1b4: {  	v2 =	vld [tilespmem:s16+$0xFFFFFFB0];
	_ =	sdelay $0x2  }
0x1b5: {  	v3 =	vld.idx.msk [tilespmem:v1+s1+$0x0], $0xffff;
	_ =	sdelay $0x4  }
0x1b6: {  	[tilespmem:v2+s5+$0x0] =	vst.idx.add.f32.msk $0xffff, v3  }
0x1b7: {  	v3 =	vld.idx.msk [tilespmem:v1+s21+$0x0], $0xffff;
	_ =	sdelay $0x4  }
0x1b8: {  	[tilespmem:v2+s24+$0x0] =	vst.idx.add.f32.msk $0xffff, v3  }
0x1b9: {  	v3 =	vld.idx.msk [tilespmem:v1+s22+$0x0], $0xffff;
	_ =	sdelay $0x4  }
0x1ba: {  	[tilespmem:v2+s6+$0x0] =	vst.idx.add.f32.msk $0xffff, v3  }
0x1bb: {  	v1 =	vld.idx.msk [tilespmem:v1+s23+$0x0], $0xffff;
	_ =	sdelay $0x4  }
0x1bc: {  	[tilespmem:v2+s7+$0x0] =	vst.idx.add.f32.msk $0xffff, v1  }
0x1bd: {  	v1 =	vld [tilespmem:s17+$0xFFFFFFC0];
	_ =	sdelay $0x4  }
0x1be: {  	v2 =	vld [tilespmem:s16+$0xFFFFFFC0];
	_ =	sdelay $0x2  }
0x1bf: {  	v3 =	vld.idx.msk [tilespmem:v1+s1+$0x0], $0xffff;
	_ =	sdelay $0x4  }
0x1c0: {  	[tilespmem:v2+s5+$0x0] =	vst.idx.add.f32.msk $0xffff, v3  }
0x1c1: {  	v3 =	vld.idx.msk [tilespmem:v1+s21+$0x0], $0xffff;
	_ =	sdelay $0x4  }
0x1c2: {  	[tilespmem:v2+s24+$0x0] =	vst.idx.add.f32.msk $0xffff, v3  }
0x1c3: {  	v3 =	vld.idx.msk [tilespmem:v1+s22+$0x0], $0xffff;
	_ =	sdelay $0x4  }
0x1c4: {  	[tilespmem:v2+s6+$0x0] =	vst.idx.add.f32.msk $0xffff, v3  }
0x1c5: {  	v1 =	vld.idx.msk [tilespmem:v1+s23+$0x0], $0xffff;
	_ =	sdelay $0x4  }
0x1c6: {  	[tilespmem:v2+s7+$0x0] =	vst.idx.add.f32.msk $0xffff, v1  }
0x1c7: {  	v1 =	vld [tilespmem:s17+$0xFFFFFFD0];
	_ =	sdelay $0x4  }
0x1c8: {  	v2 =	vld [tilespmem:s16+$0xFFFFFFD0];
	_ =	sdelay $0x2  }
0x1c9: {  	v3 =	vld.idx.msk [tilespmem:v1+s1+$0x0], $0xffff;
	_ =	sdelay $0x4  }
0x1ca: {  	[tilespmem:v2+s5+$0x0] =	vst.idx.add.f32.msk $0xffff, v3  }
0x1cb: {  	v3 =	vld.idx.msk [tilespmem:v1+s21+$0x0], $0xffff;
	_ =	sdelay $0x4  }
0x1cc: {  	[tilespmem:v2+s24+$0x0] =	vst.idx.add.f32.msk $0xffff, v3  }
0x1cd: {  	v3 =	vld.idx.msk [tilespmem:v1+s22+$0x0], $0xffff;
	_ =	sdelay $0x4  }
0x1ce: {  	[tilespmem:v2+s6+$0x0] =	vst.idx.add.f32.msk $0xffff, v3  }
0x1cf: {  	v1 =	vld.idx.msk [tilespmem:v1+s23+$0x0], $0xffff;
	_ =	sdelay $0x4  }
0x1d0: {  	[tilespmem:v2+s7+$0x0] =	vst.idx.add.f32.msk $0xffff, v1  }
0x1d1: {  	v1 =	vld [tilespmem:s17+$0xFFFFFFE0];
	_ =	sdelay $0x4  }
0x1d2: {  	v2 =	vld [tilespmem:s16+$0xFFFFFFE0];
	_ =	sdelay $0x2  }
0x1d3: {  	v3 =	vld.idx.msk [tilespmem:v1+s1+$0x0], $0xffff;
	_ =	sdelay $0x4  }
0x1d4: {  	[tilespmem:v2+s5+$0x0] =	vst.idx.add.f32.msk $0xffff, v3  }
0x1d5: {  	v3 =	vld.idx.msk [tilespmem:v1+s21+$0x0], $0xffff;
	_ =	sdelay $0x4  }
0x1d6: {  	[tilespmem:v2+s24+$0x0] =	vst.idx.add.f32.msk $0xffff, v3  }
0x1d7: {  	v3 =	vld.idx.msk [tilespmem:v1+s22+$0x0], $0xffff;
	_ =	sdelay $0x4  }
0x1d8: {  	[tilespmem:v2+s6+$0x0] =	vst.idx.add.f32.msk $0xffff, v3  }
0x1d9: {  	v1 =	vld.idx.msk [tilespmem:v1+s23+$0x0], $0xffff;
	_ =	sdelay $0x4  }
0x1da: {  	[tilespmem:v2+s7+$0x0] =	vst.idx.add.f32.msk $0xffff, v1  }
0x1db: {  	v1 =	vld [tilespmem:s17+$0xFFFFFFF0];
	_ =	sdelay $0x4  }
0x1dc: {  	v2 =	vld [tilespmem:s16+$0xFFFFFFF0];
	_ =	sdelay $0x2  }
0x1dd: {  	v3 =	vld.idx.msk [tilespmem:v1+s1+$0x0], $0xffff;
	_ =	sdelay $0x4  }
0x1de: {  	[tilespmem:v2+s5+$0x0] =	vst.idx.add.f32.msk $0xffff, v3  }
0x1df: {  	v3 =	vld.idx.msk [tilespmem:v1+s21+$0x0], $0xffff;
	_ =	sdelay $0x4  }
0x1e0: {  	[tilespmem:v2+s24+$0x0] =	vst.idx.add.f32.msk $0xffff, v3  }
0x1e1: {  	v3 =	vld.idx.msk [tilespmem:v1+s22+$0x0], $0xffff;
	_ =	sdelay $0x4  }
0x1e2: {  	[tilespmem:v2+s6+$0x0] =	vst.idx.add.f32.msk $0xffff, v3  }
0x1e3: {  	v1 =	vld.idx.msk [tilespmem:v1+s23+$0x0], $0xffff;
	_ =	sdelay $0x4  }
0x1e4: {  	[tilespmem:v2+s7+$0x0] =	vst.idx.add.f32.msk $0xffff, v1  }
0x1e5: {  	v1 =	vld [tilespmem:s17+$0x0];
	_ =	sdelay $0x4  }
0x1e6: {  	v2 =	vld [tilespmem:s16+$0x0];
	_ =	sdelay $0x2  }
0x1e7: {  	v3 =	vld.idx.msk [tilespmem:v1+s1+$0x0], $0xffff;
	_ =	sdelay $0x4  }
0x1e8: {  	[tilespmem:v2+s5+$0x0] =	vst.idx.add.f32.msk $0xffff, v3  }
0x1e9: {  	v3 =	vld.idx.msk [tilespmem:v1+s21+$0x0], $0xffff;
	_ =	sdelay $0x4  }
0x1ea: {  	[tilespmem:v2+s24+$0x0] =	vst.idx.add.f32.msk $0xffff, v3  }
0x1eb: {  	v3 =	vld.idx.msk [tilespmem:v1+s22+$0x0], $0xffff;
	_ =	sdelay $0x4  }
0x1ec: {  	[tilespmem:v2+s6+$0x0] =	vst.idx.add.f32.msk $0xffff, v3  }
0x1ed: {  	v1 =	vld.idx.msk [tilespmem:v1+s23+$0x0], $0xffff;
	_ =	sdelay $0x4  }
0x1ee: {  	[tilespmem:v2+s7+$0x0] =	vst.idx.add.f32.msk $0xffff, v1  }
0x1ef: {  	v1 =	vld [tilespmem:s17+$0x10];
	_ =	sdelay $0x4  }
0x1f0: {  	v2 =	vld [tilespmem:s16+$0x10];
	_ =	sdelay $0x2  }
0x1f1: {  	v3 =	vld.idx.msk [tilespmem:v1+s1+$0x0], $0xffff;
	_ =	sdelay $0x4  }
0x1f2: {  	[tilespmem:v2+s5+$0x0] =	vst.idx.add.f32.msk $0xffff, v3  }
0x1f3: {  	v3 =	vld.idx.msk [tilespmem:v1+s21+$0x0], $0xffff;
	_ =	sdelay $0x4  }
0x1f4: {  	[tilespmem:v2+s24+$0x0] =	vst.idx.add.f32.msk $0xffff, v3  }
0x1f5: {  	v3 =	vld.idx.msk [tilespmem:v1+s22+$0x0], $0xffff;
	_ =	sdelay $0x4  }
0x1f6: {  	[tilespmem:v2+s6+$0x0] =	vst.idx.add.f32.msk $0xffff, v3  }
0x1f7: {  	v1 =	vld.idx.msk [tilespmem:v1+s23+$0x0], $0xffff;
	_ =	sdelay $0x4  }
0x1f8: {  	[tilespmem:v2+s7+$0x0] =	vst.idx.add.f32.msk $0xffff, v1  }
0x1f9: {  	v1 =	vld [tilespmem:s17+$0x20];
	_ =	sdelay $0x4  }
0x1fa: {  	v2 =	vld [tilespmem:s16+$0x20];
	_ =	sdelay $0x2  }
0x1fb: {  	v3 =	vld.idx.msk [tilespmem:v1+s1+$0x0], $0xffff;
	_ =	sdelay $0x4  }
0x1fc: {  	[tilespmem:v2+s5+$0x0] =	vst.idx.add.f32.msk $0xffff, v3  }
0x1fd: {  	v3 =	vld.idx.msk [tilespmem:v1+s21+$0x0], $0xffff;
	_ =	sdelay $0x4  }
0x1fe: {  	[tilespmem:v2+s24+$0x0] =	vst.idx.add.f32.msk $0xffff, v3  }
0x1ff: {  	v3 =	vld.idx.msk [tilespmem:v1+s22+$0x0], $0xffff;
	_ =	sdelay $0x4  }
0x200: {  	[tilespmem:v2+s6+$0x0] =	vst.idx.add.f32.msk $0xffff, v3  }
0x201: {  	v1 =	vld.idx.msk [tilespmem:v1+s23+$0x0], $0xffff;
	_ =	sdelay $0x4  }
0x202: {  	[tilespmem:v2+s7+$0x0] =	vst.idx.add.f32.msk $0xffff, v1  }
0x203: {  	v1 =	vld [tilespmem:s17+$0x30];
	_ =	sdelay $0x4  }
0x204: {  	v2 =	vld [tilespmem:s16+$0x30];
	_ =	sdelay $0x2  }
0x205: {  	v3 =	vld.idx.msk [tilespmem:v1+s1+$0x0], $0xffff;
	_ =	sdelay $0x4  }
0x206: {  	[tilespmem:v2+s5+$0x0] =	vst.idx.add.f32.msk $0xffff, v3  }
0x207: {  	v3 =	vld.idx.msk [tilespmem:v1+s21+$0x0], $0xffff;
	_ =	sdelay $0x4  }
0x208: {  	[tilespmem:v2+s24+$0x0] =	vst.idx.add.f32.msk $0xffff, v3  }
0x209: {  	v3 =	vld.idx.msk [tilespmem:v1+s22+$0x0], $0xffff;
	_ =	sdelay $0x4  }
0x20a: {  	[tilespmem:v2+s6+$0x0] =	vst.idx.add.f32.msk $0xffff, v3  }
0x20b: {  	v1 =	vld.idx.msk [tilespmem:v1+s23+$0x0], $0xffff;
	_ =	sdelay $0x4  }
0x20c: {  	[tilespmem:v2+s7+$0x0] =	vst.idx.add.f32.msk $0xffff, v1  }
0x20d: {  	v1 =	vld [tilespmem:s17+$0x40];
	_ =	sdelay $0x4  }
0x20e: {  	v2 =	vld [tilespmem:s16+$0x40];
	_ =	sdelay $0x2  }
0x20f: {  	v3 =	vld.idx.msk [tilespmem:v1+s1+$0x0], $0xffff;
	_ =	sdelay $0x4  }
0x210: {  	[tilespmem:v2+s5+$0x0] =	vst.idx.add.f32.msk $0xffff, v3  }
0x211: {  	v3 =	vld.idx.msk [tilespmem:v1+s21+$0x0], $0xffff;
	_ =	sdelay $0x4  }
0x212: {  	[tilespmem:v2+s24+$0x0] =	vst.idx.add.f32.msk $0xffff, v3  }
0x213: {  	v3 =	vld.idx.msk [tilespmem:v1+s22+$0x0], $0xffff;
	_ =	sdelay $0x4  }
0x214: {  	[tilespmem:v2+s6+$0x0] =	vst.idx.add.f32.msk $0xffff, v3  }
0x215: {  	v1 =	vld.idx.msk [tilespmem:v1+s23+$0x0], $0xffff;
	_ =	sdelay $0x4  }
0x216: {  	[tilespmem:v2+s7+$0x0] =	vst.idx.add.f32.msk $0xffff, v1  }
0x217: {  	v1 =	vld [tilespmem:s17+$0x50];
	_ =	sdelay $0x4  }
0x218: {  	v2 =	vld [tilespmem:s16+$0x50];
	_ =	sdelay $0x2  }
0x219: {  	v3 =	vld.idx.msk [tilespmem:v1+s1+$0x0], $0xffff;
	_ =	sdelay $0x4  }
0x21a: {  	[tilespmem:v2+s5+$0x0] =	vst.idx.add.f32.msk $0xffff, v3  }
0x21b: {  	v3 =	vld.idx.msk [tilespmem:v1+s21+$0x0], $0xffff;
	_ =	sdelay $0x4  }
0x21c: {  	[tilespmem:v2+s24+$0x0] =	vst.idx.add.f32.msk $0xffff, v3  }
0x21d: {  	v3 =	vld.idx.msk [tilespmem:v1+s22+$0x0], $0xffff;
	_ =	sdelay $0x4  }
0x21e: {  	[tilespmem:v2+s6+$0x0] =	vst.idx.add.f32.msk $0xffff, v3  }
0x21f: {  	v1 =	vld.idx.msk [tilespmem:v1+s23+$0x0], $0xffff;
	_ =	sdelay $0x4  }
0x220: {  	[tilespmem:v2+s7+$0x0] =	vst.idx.add.f32.msk $0xffff, v1  }
0x221: {  	v1 =	vld [tilespmem:s17+$0x60];
	_ =	sdelay $0x4  }
0x222: {  	v2 =	vld [tilespmem:s16+$0x60];
	_ =	sdelay $0x2  }
0x223: {  	v3 =	vld.idx.msk [tilespmem:v1+s1+$0x0], $0xffff;
	_ =	sdelay $0x4  }
0x224: {  	[tilespmem:v2+s5+$0x0] =	vst.idx.add.f32.msk $0xffff, v3  }
0x225: {  	v3 =	vld.idx.msk [tilespmem:v1+s21+$0x0], $0xffff;
	_ =	sdelay $0x4  }
0x226: {  	[tilespmem:v2+s24+$0x0] =	vst.idx.add.f32.msk $0xffff, v3  }
0x227: {  	v3 =	vld.idx.msk [tilespmem:v1+s22+$0x0], $0xffff;
	_ =	sdelay $0x4  }
0x228: {  	[tilespmem:v2+s6+$0x0] =	vst.idx.add.f32.msk $0xffff, v3  }
0x229: {  	v1 =	vld.idx.msk [tilespmem:v1+s23+$0x0], $0xffff;
	_ =	sdelay $0x4  }
0x22a: {  	[tilespmem:v2+s7+$0x0] =	vst.idx.add.f32.msk $0xffff, v1  }
0x22b: {  	v1 =	vld [tilespmem:s17+$0x70];
	_ =	sdelay $0x4  }
0x22c: {  	v2 =	vld [tilespmem:s16+$0x70];
	_ =	sdelay $0x2  }
0x22d: {  	v3 =	vld.idx.msk [tilespmem:v1+s1+$0x0], $0xffff;
	_ =	sdelay $0x4  }
0x22e: {  	[tilespmem:v2+s5+$0x0] =	vst.idx.add.f32.msk $0xffff, v3  }
0x22f: {  	v3 =	vld.idx.msk [tilespmem:v1+s21+$0x0], $0xffff;
	_ =	sdelay $0x4  }
0x230: {  	[tilespmem:v2+s24+$0x0] =	vst.idx.add.f32.msk $0xffff, v3  }
0x231: {  	v3 =	vld.idx.msk [tilespmem:v1+s22+$0x0], $0xffff;
	_ =	sdelay $0x4  }
0x232: {  	s15 =	sadd.s32 $0x10, s15;
	[tilespmem:v2+s6+$0x0] =	vst.idx.add.f32.msk $0xffff, v3  }
0x233: {  	p0 =	slt.u32 s15, $0xE0;
	v1 =	vld.idx.msk [tilespmem:v1+s23+$0x0], $0xffff  }
.Ltmp5:
0x234: {  	_ = 	snop;
	(pc) =	sbr.rel @p0 .LBB2_13-.Ltmp5, $2  }
0x235: {  	_ =	sdelay $0x2  }
0x236: {  	s16 =	sadd.s32 $0x100, s16;
	s17 =	sadd.s32 $0x100, s17;
	[tilespmem:v2+s7+$0x0] =	vst.idx.add.f32.msk $0xffff, v1  }
0x237: {  	v1 =	vld [tilespmem:$0x15B00];
	_ =	sdelay $0x4  }
0x238: {  	v2 =	vld [tilespmem:$0x17B00];
	_ =	sdelay $0x2  }
0x239: {  	v3 =	vld.idx.msk [tilespmem:v1+s1+$0x0], $0xffff;
	_ =	sdelay $0x4  }
0x23a: {  	[tilespmem:v2+s5+$0x0] =	vst.idx.add.f32.msk $0xffff, v3  }
0x23b: {  	v3 =	vld.idx.msk [tilespmem:v1+s21+$0x0], $0xffff;
	_ =	sdelay $0x4  }
0x23c: {  	[tilespmem:v2+s24+$0x0] =	vst.idx.add.f32.msk $0xffff, v3  }
0x23d: {  	v3 =	vld.idx.msk [tilespmem:v1+s22+$0x0], $0xffff;
	_ =	sdelay $0x4  }
0x23e: {  	[tilespmem:v2+s6+$0x0] =	vst.idx.add.f32.msk $0xffff, v3  }
0x23f: {  	v1 =	vld.idx.msk [tilespmem:v1+s23+$0x0], $0xffff;
	_ =	sdelay $0x4  }
0x240: {  	[tilespmem:v2+s7+$0x0] =	vst.idx.add.f32.msk $0xffff, v1  }
0x241: {  	v1 =	vld [tilespmem:$0x15B10];
	_ =	sdelay $0x4  }
0x242: {  	v2 =	vld [tilespmem:$0x17B10];
	_ =	sdelay $0x2  }
0x243: {  	v3 =	vld.idx.msk [tilespmem:v1+s1+$0x0], $0xffff;
	_ =	sdelay $0x4  }
0x244: {  	[tilespmem:v2+s5+$0x0] =	vst.idx.add.f32.msk $0xffff, v3  }
0x245: {  	v3 =	vld.idx.msk [tilespmem:v1+s21+$0x0], $0xffff;
	_ =	sdelay $0x4  }
0x246: {  	[tilespmem:v2+s24+$0x0] =	vst.idx.add.f32.msk $0xffff, v3  }
0x247: {  	v3 =	vld.idx.msk [tilespmem:v1+s22+$0x0], $0xffff;
	_ =	sdelay $0x4  }
0x248: {  	[tilespmem:v2+s6+$0x0] =	vst.idx.add.f32.msk $0xffff, v3  }
0x249: {  	v1 =	vld.idx.msk [tilespmem:v1+s23+$0x0], $0xffff;
	_ =	sdelay $0x4  }
0x24a: {  	[tilespmem:v2+s7+$0x0] =	vst.idx.add.f32.msk $0xffff, v1  }
0x24b: {  	v1 =	vld [tilespmem:$0x15B20];
	_ =	sdelay $0x4  }
0x24c: {  	v2 =	vld [tilespmem:$0x17B20];
	_ =	sdelay $0x2  }
0x24d: {  	v3 =	vld.idx.msk [tilespmem:v1+s1+$0x0], $0xffff;
	_ =	sdelay $0x4  }
0x24e: {  	[tilespmem:v2+s5+$0x0] =	vst.idx.add.f32.msk $0xffff, v3  }
0x24f: {  	v3 =	vld.idx.msk [tilespmem:v1+s21+$0x0], $0xffff;
	_ =	sdelay $0x4  }
0x250: {  	[tilespmem:v2+s24+$0x0] =	vst.idx.add.f32.msk $0xffff, v3  }
0x251: {  	v3 =	vld.idx.msk [tilespmem:v1+s22+$0x0], $0xffff;
	_ =	sdelay $0x4  }
0x252: {  	[tilespmem:v2+s6+$0x0] =	vst.idx.add.f32.msk $0xffff, v3  }
0x253: {  	v1 =	vld.idx.msk [tilespmem:v1+s23+$0x0], $0xffff;
	_ =	sdelay $0x4  }
0x254: {  	[tilespmem:v2+s7+$0x0] =	vst.idx.add.f32.msk $0xffff, v1  }
0x255: {  	v1 =	vld [tilespmem:$0x15B30];
	_ =	sdelay $0x4  }
0x256: {  	v2 =	vld [tilespmem:$0x17B30];
	_ =	sdelay $0x2  }
0x257: {  	v3 =	vld.idx.msk [tilespmem:v1+s1+$0x0], $0xffff;
	_ =	sdelay $0x4  }
0x258: {  	[tilespmem:v2+s5+$0x0] =	vst.idx.add.f32.msk $0xffff, v3  }
0x259: {  	v3 =	vld.idx.msk [tilespmem:v1+s21+$0x0], $0xffff;
	_ =	sdelay $0x4  }
0x25a: {  	[tilespmem:v2+s24+$0x0] =	vst.idx.add.f32.msk $0xffff, v3  }
0x25b: {  	v3 =	vld.idx.msk [tilespmem:v1+s22+$0x0], $0xffff;
	_ =	sdelay $0x4  }
0x25c: {  	[tilespmem:v2+s6+$0x0] =	vst.idx.add.f32.msk $0xffff, v3  }
0x25d: {  	v1 =	vld.idx.msk [tilespmem:v1+s23+$0x0], $0xffff;
	_ =	sdelay $0x4  }
0x25e: {  	[tilespmem:v2+s7+$0x0] =	vst.idx.add.f32.msk $0xffff, v1  }
0x25f: {  	v1 =	vld [tilespmem:$0x15B40];
	_ =	sdelay $0x4  }
0x260: {  	v2 =	vld [tilespmem:$0x17B40];
	_ =	sdelay $0x2  }
0x261: {  	v3 =	vld.idx.msk [tilespmem:v1+s1+$0x0], $0xffff;
	_ =	sdelay $0x4  }
0x262: {  	[tilespmem:v2+s5+$0x0] =	vst.idx.add.f32.msk $0xffff, v3  }
0x263: {  	v3 =	vld.idx.msk [tilespmem:v1+s21+$0x0], $0xffff;
	_ =	sdelay $0x4  }
0x264: {  	[tilespmem:v2+s24+$0x0] =	vst.idx.add.f32.msk $0xffff, v3  }
0x265: {  	v3 =	vld.idx.msk [tilespmem:v1+s22+$0x0], $0xffff;
	_ =	sdelay $0x4  }
0x266: {  	[tilespmem:v2+s6+$0x0] =	vst.idx.add.f32.msk $0xffff, v3  }
0x267: {  	v1 =	vld.idx.msk [tilespmem:v1+s23+$0x0], $0xffff;
	_ =	sdelay $0x4  }
0x268: {  	[tilespmem:v2+s7+$0x0] =	vst.idx.add.f32.msk $0xffff, v1  }
0x269: {  	v1 =	vld [tilespmem:$0x15B50];
	_ =	sdelay $0x4  }
0x26a: {  	v2 =	vld [tilespmem:$0x17B50];
	_ =	sdelay $0x2  }
0x26b: {  	v3 =	vld.idx.msk [tilespmem:v1+s1+$0x0], $0xffff;
	_ =	sdelay $0x4  }
0x26c: {  	[tilespmem:v2+s5+$0x0] =	vst.idx.add.f32.msk $0xffff, v3  }
0x26d: {  	v3 =	vld.idx.msk [tilespmem:v1+s21+$0x0], $0xffff;
	_ =	sdelay $0x4  }
0x26e: {  	[tilespmem:v2+s24+$0x0] =	vst.idx.add.f32.msk $0xffff, v3  }
0x26f: {  	v3 =	vld.idx.msk [tilespmem:v1+s22+$0x0], $0xffff;
	_ =	sdelay $0x4  }
0x270: {  	[tilespmem:v2+s6+$0x0] =	vst.idx.add.f32.msk $0xffff, v3  }
0x271: {  	v1 =	vld.idx.msk [tilespmem:v1+s23+$0x0], $0xffff;
	_ =	sdelay $0x4  }
0x272: {  	[tilespmem:v2+s7+$0x0] =	vst.idx.add.f32.msk $0xffff, v1  }
0x273: {  	v1 =	vld [tilespmem:$0x15B60];
	_ =	sdelay $0x4  }
0x274: {  	v2 =	vld [tilespmem:$0x17B60];
	_ =	sdelay $0x2  }
0x275: {  	v3 =	vld.idx.msk [tilespmem:v1+s1+$0x0], $0xffff;
	_ =	sdelay $0x4  }
0x276: {  	[tilespmem:v2+s5+$0x0] =	vst.idx.add.f32.msk $0xffff, v3  }
0x277: {  	v3 =	vld.idx.msk [tilespmem:v1+s21+$0x0], $0xffff;
	_ =	sdelay $0x4  }
0x278: {  	[tilespmem:v2+s24+$0x0] =	vst.idx.add.f32.msk $0xffff, v3  }
0x279: {  	v3 =	vld.idx.msk [tilespmem:v1+s22+$0x0], $0xffff;
	_ =	sdelay $0x4  }
0x27a: {  	[tilespmem:v2+s6+$0x0] =	vst.idx.add.f32.msk $0xffff, v3  }
0x27b: {  	v1 =	vld.idx.msk [tilespmem:v1+s23+$0x0], $0xffff;
	_ =	sdelay $0x4  }
0x27c: {  	[tilespmem:v2+s7+$0x0] =	vst.idx.add.f32.msk $0xffff, v1  }
0x27d: {  	v1 =	vld [tilespmem:$0x15B70];
	_ =	sdelay $0x4  }
0x27e: {  	v2 =	vld [tilespmem:$0x17B70];
	_ =	sdelay $0x2  }
0x27f: {  	v3 =	vld.idx.msk [tilespmem:v1+s1+$0x0], $0xffff;
	_ =	sdelay $0x4  }
0x280: {  	[tilespmem:v2+s5+$0x0] =	vst.idx.add.f32.msk $0xffff, v3  }
0x281: {  	v3 =	vld.idx.msk [tilespmem:v1+s21+$0x0], $0xffff;
	_ =	sdelay $0x4  }
0x282: {  	[tilespmem:v2+s24+$0x0] =	vst.idx.add.f32.msk $0xffff, v3  }
0x283: {  	v3 =	vld.idx.msk [tilespmem:v1+s22+$0x0], $0xffff;
	_ =	sdelay $0x4  }
0x284: {  	[tilespmem:v2+s6+$0x0] =	vst.idx.add.f32.msk $0xffff, v3  }
0x285: {  	v1 =	vld.idx.msk [tilespmem:v1+s23+$0x0], $0xffff;
	_ =	sdelay $0x4  }
0x286: {  	[tilespmem:v2+s7+$0x0] =	vst.idx.add.f32.msk $0xffff, v1  }
0x287: {  	v1 =	vld [tilespmem:$0x15B80];
	_ =	sdelay $0x4  }
0x288: {  	v2 =	vld [tilespmem:$0x17B80];
	_ =	sdelay $0x2  }
0x289: {  	v3 =	vld.idx.msk [tilespmem:v1+s1+$0x0], $0xffff;
	_ =	sdelay $0x4  }
0x28a: {  	[tilespmem:v2+s5+$0x0] =	vst.idx.add.f32.msk $0xffff, v3  }
0x28b: {  	v3 =	vld.idx.msk [tilespmem:v1+s21+$0x0], $0xffff;
	_ =	sdelay $0x4  }
0x28c: {  	[tilespmem:v2+s24+$0x0] =	vst.idx.add.f32.msk $0xffff, v3  }
0x28d: {  	v3 =	vld.idx.msk [tilespmem:v1+s22+$0x0], $0xffff;
	_ =	sdelay $0x4  }
0x28e: {  	[tilespmem:v2+s6+$0x0] =	vst.idx.add.f32.msk $0xffff, v3  }
0x28f: {  	v1 =	vld.idx.msk [tilespmem:v1+s23+$0x0], $0xffff;
	_ =	sdelay $0x4  }
0x290: {  	[tilespmem:v2+s7+$0x0] =	vst.idx.add.f32.msk $0xffff, v1  }
0x291: {  	v1 =	vld [tilespmem:$0x15B90];
	_ =	sdelay $0x4  }
0x292: {  	v2 =	vld [tilespmem:$0x17B90];
	_ =	sdelay $0x2  }
0x293: {  	v3 =	vld.idx.msk [tilespmem:v1+s1+$0x0], $0xffff;
	_ =	sdelay $0x4  }
0x294: {  	[tilespmem:v2+s5+$0x0] =	vst.idx.add.f32.msk $0xffff, v3  }
0x295: {  	v3 =	vld.idx.msk [tilespmem:v1+s21+$0x0], $0xffff;
	_ =	sdelay $0x4  }
0x296: {  	[tilespmem:v2+s24+$0x0] =	vst.idx.add.f32.msk $0xffff, v3  }
0x297: {  	v3 =	vld.idx.msk [tilespmem:v1+s22+$0x0], $0xffff;
	_ =	sdelay $0x4  }
0x298: {  	s14 =	sadd.s32 $0x1, s14;
	[tilespmem:v2+s6+$0x0] =	vst.idx.add.f32.msk $0xffff, v3  }
0x299: {  	p0 =	sne.s32 s14, $0x5;
	v1 =	vld.idx.msk [tilespmem:v1+s23+$0x0], $0xffff  }
.Ltmp6:
0x29a: {  	_ = 	snop;
	(pc) =	sbr.rel @p0 .LBB2_10-.Ltmp6, $2  }
0x29b: {  	_ =	sdelay $0x2  }
0x29c: {  	[tilespmem:v2+s7+$0x0] =	vst.idx.add.f32.msk $0xffff, v1  }
0x29d: {  	s14 =	rddreg [dreg:$0x9]  }
0x29e: {  	[hbm4b:s14+s19] =	stream.strided.scatter [tilespmem:s5], [sflag:$0x9], $0x2780, s20, s19, $0x38;
	[tilespmem:$0x17C00] =	vst v63  }
0x29f: {  	_ =	swait.ge [sflag:s10], $0x2780  }
0x2a0: {  	[sflag:s10] =	ssyncset.done $0x0  }
0x2a1: {  	s15 =	rddreg [dreg:$0xa];
	[sflag:s10] =	ssyncadd.s32 $0xFFFFD880  }
0x2a2: {  	[hbm4b:s15+s19] =	stream.strided.scatter [tilespmem:s24], [sflag:$0x9], $0x2780, s20, s19, $0x38;
	[tilespmem:$0x17C00] =	vst v63  }
0x2a3: {  	_ =	swait.ge [sflag:s10], $0x2780  }
0x2a4: {  	[sflag:s10] =	ssyncset.done $0x0  }
0x2a5: {  	s16 =	rddreg [dreg:$0xb];
	[sflag:s10] =	ssyncadd.s32 $0xFFFFD880  }
0x2a6: {  	[hbm4b:s16+s19] =	stream.strided.scatter [tilespmem:s6], [sflag:$0x9], $0x2780, s20, s19, $0x38;
	[tilespmem:$0x17C00] =	vst v63  }
0x2a7: {  	_ =	swait.ge [sflag:s10], $0x2780  }
0x2a8: {  	[sflag:s10] =	ssyncset.done $0x0  }
0x2a9: {  	s17 =	rddreg [dreg:$0xc];
	[sflag:s10] =	ssyncadd.s32 $0xFFFFD880  }
0x2aa: {  	[hbm4b:s17+s19] =	stream.strided.scatter [tilespmem:s7], [sflag:$0x9], $0x2780, s20, s19, $0x38;
	[tilespmem:$0x17C00] =	vst v63  }
0x2ab: {  	_ =	swait.ge [sflag:s10], $0x2780  }
0x2ac: {  	s11 =	sadd.s32 $0x1, s11;
	s18 =	rddreg [dreg:$0xd]  }
0x2ad: {  	p0 =	sne.s32 s11, s18  }
.Ltmp7:
0x2ae: {  	_ = 	snop;
	(pc) =	sbr.rel @p0 .LBB2_1-.Ltmp7, $3  }
0x2af: {  	_ =	sdelay $0x1  }
0x2b0: {  	[sflag:s10] =	ssyncset.done $0x0  }
0x2b1: {  	[sflag:s10] =	ssyncadd.s32 $0xFFFFD880  }
0x2b2: {  	_ =	sfence.sel $0x180000  }
0x2b3: {  	[bflag:$0x0] =	sbarrier.arrive $0xFFFF  }
0x2b4: {  	_ =	strace $0x9000004D  }
0x2b5: {  	s0 =	stileid.u32;
	[bflag:$0x2] =	sbarrier.arrive $0xFFFF  }
0x2b6: {  	p0 =	sne.s32 s0, $0x0;
	s0 =	rddreg [dreg:$0x2]  }
0x2b7: {  	s0 =	sadd.s32 @!p0 $0x100000, s0  }
0x2b8: {  	[sflag:s0] =	ssyncadd.tile.s32 @!p0 $0x1;
	_ =	shalt  }
.Lfunc_end2:
_tile_overlayer_lowered:
.L_overlay_start_2:
0x2b9: {  	(tag) =	ssettag $0x2  }
0x2ba: {  	s0 =	rddreg [dreg:$0x0];
	s2 =	stileid.u32  }
0x2bb: {  	s1 =	rddreg [dreg:$0x1];
	p0 =	sne.s32 s2, $0x0  }
0x2bc: {  	s3 =	rddreg [dreg:$0x2];
	[bflag:$0x3] =	sbarrier.arrive $0xFFFF;
	s2 =	simm.s32 @!p0 $0x1C09  }
0x2bd: {  	[timem:s3], [sflag:s2] =	dma.local @!p0 [hbm:s0], s1  }
0x2be: {  	s0 =	simm.s32 @!p0 $0x9  }
0x2bf: {  	_ =	swait.ge @!p0 [sflag:s0], s1  }
0x2c0: {  	s1 =	ssub.s32 @!p0 $0x0, s1;
	[sflag:s0] =	ssyncset.done @!p0 $0x0  }
0x2c1: {  	[sflag:s0] =	ssyncadd.s32 @!p0 s1  }
0x2c2: {  	[bflag:$0x3] =	sbarrier.arrive $0xFFFF  }
0x2c3: {  	_ =	shalt  }

// kernel: kernel.8.cloned.1.call-start
scs
__scs_entry_jumppad:
0x0: {  	(pc) =	sbr.rel $0x88, $3  }
0x1: {  	(tag) =	ssettag $0x0;
	lr =	simm.s32 $0x1  }
0x2: {  	[smem:$0x3F98] =	sst lr;
	_ =	strace $0xD0000000  }
0x3: {  	_ = 	snop  }
0x4: {  	_ = 	snop  }
0x5: {  	_ = 	snop  }
0x6: {  	_ = 	snop  }
0x7: {  	_ = 	snop  }
__scs_overlays_trampoline_lowered:
0x8: {  	[smem:$0x3FA7] =	sst s0  }
0x9: {  	[smem:$0x3FA8] =	sst s1  }
0xa: {  	[smem:$0x3FA9] =	sst s2  }
0xb: {  	[smem:$0x3FAA] =	sst s3  }
0xc: {  	[smem:$0x3FAB] =	sst s4  }
0xd: {  	[smem:$0x3FAC] =	sst s5  }
0xe: {  	[smem:$0x3FAD] =	sst s6  }
0xf: {  	[smem:$0x3FAE] =	sst s7  }
0x10: {  	[smem:$0x3FAF] =	sst s8  }
0x11: {  	[smem:$0x3FB0] =	sst s9;
	s0 =	simm.s32 @!p0 $0x0  }
0x12: {  	s1 =	sld [smem:$0x3F96];
	s0 =	simm.s32 @p0 $0x1  }
0x13: {  	[smem:$0x3FB1] =	sst s0;
	s0 =	simm.s32 @!p1 $0x0  }
0x14: {  	s2 =	sld [smem:$0x3F95];
	s0 =	simm.s32 @p1 $0x1  }
0x15: {  	[smem:$0x3FB2] =	sst s0;
	s0 =	simm.s32 @!p2 $0x0  }
0x16: {  	s3 =	sld [smem:$0x3FDB];
	s0 =	simm.s32 @p2 $0x1  }
0x17: {  	s4 =	simm.s32 $0x1BF5;
	[smem:$0x3FB4] =	sst s0  }
0x18: {  	s0 =	sld [smem:$0x3F97];
	_ =	swait.ge [sflag:s4], $0x0  }
0x19: {  	s7 =	sld [smem:$0x3F98]  }
0x1a: {  	s8 =	sadd.s32 $0xFFFFE003, lr  }
0x1b: {  	s9 =	sadd.s32 $0xFFFFFEF7, lr;
	s5 =	simm.s32 $0xFFFFFFFF;
	p2 =	slt.u32 s8, $0xFFFFF086  }
0x1c: {  	p1 =	slt.u32 s9, $0xF7A;
	s5 =	simm.s32 @!p2 $0x0  }
0x1d: {  	s5 =	simm.s32 @p1 $0x1;
	p0 =	seq.s32 s7, s2  }
0x1e: {  	s7 =	smul.u32 @!p0 $0xF7A, s2;
	p2 =	seq.s32 @!p0 s5, $0x0  }
0x1f: {  	s9 =	smul.u32 $0xF7A, s1;
	s8 =	simm.s32 @!p0 $0x1BF5;
	p2 =	por !p2, p0  }
0x20: {  	[sflag:s8] =	ssyncset.s32 @!p0 $0xFFFFF086;
	s6 =	sadd.s32 @!p0 s3, s7;
	s7 =	simm.s32 @!p0 $0x108  }
0x21: {  	s3 =	sadd.s32 s3, s9;
	s6 =	sadd.s32 @!p0 $0x88, s6;
	s7 =	simm.s32 @p2 $0x1082  }
0x22: {  	[simem:s7], [sflag:s8] =	dma.local @!p0 [hbm:s6], $0xF7A  }
0x23: {  	s9 =	sor.u32 $0xD0000000, s2;
	s6 =	simm.s32 $0x108;
	_ =	swait.ge @!p0 [sflag:s8], $0x0  }
0x24: {  	s3 =	sadd.s32 $0x88, s3;
	s6 =	simm.s32 @!p1 $0x1082;
	[sflag:s4] =	ssyncset.s32 $0xFFFFF086  }
0x25: {  	[simem:s6], [sflag:s4] =	dma.local [hbm:s3], $0xF7A  }
0x26: {  	[smem:$0x3F98] =	sst s1;
	(tag) =	ssettag s2;
	_ =	strace s9  }
0x27: {  	s1 =	sld [smem:$0x3FA8]  }
0x28: {  	s2 =	sld [smem:$0x3FA9]  }
0x29: {  	s4 =	sld [smem:$0x3FAB]  }
0x2a: {  	p0 =	seq.s32 s5, $0x0;
	s5 =	sld [smem:$0x3FAC]  }
0x2b: {  	s6 =	sld [smem:$0x3FAD]  }
0x2c: {  	s7 =	sld [smem:$0x3FAE]  }
0x2d: {  	s3 =	simm.s32 $0x108;
	s8 =	sld [smem:$0x3FAF]  }
0x2e: {  	s3 =	simm.s32 @!p0 $0x1082;
	s9 =	sld [smem:$0x3FB0]  }
0x2f: {  	lr =	sadd.s32 s0, s3;
	s0 =	sld [smem:$0x3FA7]  }
0x30: {  	s3 =	sld [smem:$0x3FAA]  }
0x31: {  	[smem:$0x3FB3] =	sst s10  }
0x32: {  	s10 =	sld [smem:$0x3FB1];
	_ =	sdelay $0x3  }
0x33: {  	p0 =	seq.s32 s10, $0x1;
	s10 =	sld [smem:$0x3FB3];
	_ =	sdelay $0x3  }
0x34: {  	[smem:$0x3FB3] =	sst s10  }
0x35: {  	s10 =	sld [smem:$0x3FB2];
	_ =	sdelay $0x3  }
0x36: {  	p1 =	seq.s32 s10, $0x1;
	s10 =	sld [smem:$0x3FB3];
	_ =	sdelay $0x3  }
0x37: {  	[smem:$0x3FB3] =	sst s10  }
0x38: {  	s10 =	sld [smem:$0x3FB4]  }
0x39: {  	_ = 	snop;
	(pc) =	sbr.ind lr, $3  }
0x3a: {  	_ = 	snop  }
0x3b: {  	_ = 	snop  }
0x3c: {  	p2 =	seq.s32 s10, $0x1;
	s10 =	sld [smem:$0x3FB3]  }
0x3d: {  	_ =	shalt  }
0x3e: {  	_ =	shalt  }
0x3f: {  	_ =	shalt  }
0x40: {  	_ =	shalt  }
0x41: {  	_ =	shalt  }
0x42: {  	_ =	shalt  }
0x43: {  	_ =	shalt  }
0x44: {  	_ =	shalt  }
0x45: {  	_ =	shalt  }
0x46: {  	_ =	shalt  }
0x47: {  	_ =	shalt  }
0x48: {  	_ =	shalt  }
0x49: {  	_ =	shalt  }
0x4a: {  	_ =	shalt  }
0x4b: {  	_ =	shalt  }
0x4c: {  	_ =	shalt  }
0x4d: {  	_ =	shalt  }
0x4e: {  	_ =	shalt  }
0x4f: {  	_ =	shalt  }
0x50: {  	_ =	shalt  }
0x51: {  	_ =	shalt  }
0x52: {  	_ =	shalt  }
0x53: {  	_ =	shalt  }
0x54: {  	_ =	shalt  }
0x55: {  	_ =	shalt  }
0x56: {  	_ =	shalt  }
0x57: {  	_ =	shalt  }
0x58: {  	_ =	shalt  }
0x59: {  	_ =	shalt  }
0x5a: {  	_ =	shalt  }
0x5b: {  	_ =	shalt  }
0x5c: {  	_ =	shalt  }
0x5d: {  	_ =	shalt  }
0x5e: {  	_ =	shalt  }
0x5f: {  	_ =	shalt  }
0x60: {  	_ =	shalt  }
0x61: {  	_ =	shalt  }
0x62: {  	_ =	shalt  }
0x63: {  	_ =	shalt  }
0x64: {  	_ =	shalt  }
0x65: {  	_ =	shalt  }
0x66: {  	_ =	shalt  }
0x67: {  	_ =	shalt  }
0x68: {  	_ =	shalt  }
0x69: {  	_ =	shalt  }
0x6a: {  	_ =	shalt  }
0x6b: {  	_ =	shalt  }
0x6c: {  	_ =	shalt  }
0x6d: {  	_ =	shalt  }
0x6e: {  	_ =	shalt  }
0x6f: {  	_ =	shalt  }
0x70: {  	_ =	shalt  }
0x71: {  	_ =	shalt  }
0x72: {  	_ =	shalt  }
0x73: {  	_ =	shalt  }
0x74: {  	_ =	shalt  }
0x75: {  	_ =	shalt  }
0x76: {  	_ =	shalt  }
0x77: {  	_ =	shalt  }
0x78: {  	_ =	shalt  }
0x79: {  	_ =	shalt  }
0x7a: {  	_ =	shalt  }
0x7b: {  	_ =	shalt  }
0x7c: {  	_ =	shalt  }
0x7d: {  	_ =	shalt  }
0x7e: {  	_ =	shalt  }
0x7f: {  	_ =	shalt  }
0x80: {  	_ =	shalt  }
0x81: {  	_ =	shalt  }
0x82: {  	_ =	shalt  }
0x83: {  	_ =	shalt  }
0x84: {  	_ =	shalt  }
0x85: {  	_ =	shalt  }
0x86: {  	_ =	shalt  }
0x87: {  	_ =	shalt  }
.Lfunc_end0:
.L_simem_size_0:
called_computation_lowered:
.L_overlay_start_0:
0x88: {  	s2 =	sld [smem:$0x3FD9]  }
0x89: {  	s3 =	sld [smem:$0x3FFE];
	_ =	sdelay $0x1  }
0x8a: {  	s1 =	srdreg.scid  }
0x8b: {  	s0 =	sand.u32 $0x1, s1  }
0x8c: {  	s16 =	sshll.u32 s0, $0xA;
	s2 =	sadd.s32 s3, s2  }
0x8d: {  	s2 =	sadd.s32 s2, s16  }
0x8e: {  	[smem:$0x3FBF] =	sst s2  }
0x8f: {  	_ = 	snop  }
0x90: {  	(tm) =	ssettm $0x1  }
0x91: {  	s17 =	sld [smem:$0x3FFB];
	_ =	sdelay $0x3  }
0x92: {  	_ =	strace s17  }
0x93: {  	s2 =	sld [smem:$0x3FFC];
	_ =	sdelay $0x3  }
0x94: {  	_ =	strace s2  }
0x95: {  	s2 =	sld [smem:$0x3FFD];
	_ =	sdelay $0x3  }
0x96: {  	_ =	strace s2  }
0x97: {  	_ =	strace $0x8FFFFFFF  }
0x98: {  	s18 =	sld [smem:$0x3FDB];
	_ =	sdelay $0x1  }
0x99: {  	s19 =	simm.s32 $_scs_section_size  }
0x9a: {  	s4 =	simm.s32 $_size__tile_overlayer_lowered;
	s5 =	simm.s32 $_tile_overlayer_lowered  }
0x9b: {  	s22 =	simm.s32 $0x1BFF;
	s21 =	sshll.u32 s5, $0x1;
	s2 =	sadd.s32 s19, s18  }
0x9c: {  	s6 =	simm.s32 $0x0;
	s20 =	sshll.u32 s4, $0x1;
	s4 =	sadd.s32 s21, s2  }
0x9d: {  	[timem:s6], [sflag:s22] =	dma.local [hbm:s4], s20  }
0x9e: {  	_ =	swait.ge [sflag:s22], s20  }
0x9f: {  	s3 =	ssub.s32 $0x0, s20;
	[sflag:s22] =	ssyncset.done $0x0  }
0xa0: {  	[sflag:s22] =	ssyncadd.s32 s3;
	_ =	sdelay $0x1  }
0xa1: {  	s23 =	simm.s32 $0x1B8B  }
0xa2: {  	_ =	swait.ge [sflag:s23], $0x1  }
0xa3: {  	[sflag:s23] =	ssyncset.done $0x0  }
0xa4: {  	s25 =	simm.s32 $0x1B8E;
	s24 =	sld [smem:$0x3FFE];
	[sflag:s23] =	ssyncadd.s32 $0xFFFFFFFF  }
0xa5: {  	s26 =	simm.s32 $execute0_lowered;
	[smem:$0x3FD2] =	sst s25  }
0xa6: {  	s4 =	sshll.u32 s26, $0x1;
	_ =	strace $0x80000046;
	[dreg:$0x1] =	wrdreg $0xFFFFFFFF  }
0xa7: {  	s28 =	simm.s32 $_size_execute0_lowered;
	s2 =	sadd.s32 s2, s4;
	[dreg:$0x0] =	wrdreg $0x0  }
0xa8: {  	s4 =	sshll.u32 s28, $0x1;
	[dreg:$0x2] =	wrdreg s2  }
0xa9: {  	[dreg:$0x3] =	wrdreg s4  }
0xaa: {  	[dreg:$0x4] =	wrdreg $0xC0  }
0xab: {  	_ =	task [dreg:s6], $0x5FFFF  }
0xac: {  	[dreg:$0x1] =	wrdreg $0xFFFFFFFF  }
0xad: {  	[dreg:$0x0] =	wrdreg $0x60  }
0xae: {  	[dreg:$0x2] =	wrdreg s24  }
0xaf: {  	[dreg:$0x3] =	wrdreg $0x9  }
0xb0: {  	_ =	task.clear_ibuf [dreg:s6], $0x4FFFF;
	_ =	strace $0x90000046  }
0xb1: {  	s29 =	simm.s32 $0x9;
	_ =	strace $0x80000048  }
0xb2: {  	_ =	swait.ge [sflag:s29], $0x1  }
0xb3: {  	[sflag:s29] =	ssyncadd.s32 $0xFFFFFFFF  }
0xb4: {  	_ =	strace $0x90000048  }
0xb5: {  	_ =	sfence  }
0xb6: {  	s30 =	sld [smem:$0x0];
	_ =	sdelay $0x2  }
0xb7: {  	s31 =	sshll.u32 s1, $0xD;
	s1 =	sshrl.u32 s1, $0x2  }
0xb8: {  	s3 =	sand.u32 $0x4000, s31;
	s1 =	sadd.s32 s1, s30  }
0xb9: {  	s0 =	sor.u32 s3, s0;
	s1 =	sshll.u32 s1, $0x11  }
0xba: {  	s0 =	sor.u32 s1, s0  }
0xbb: {  	s0 =	sadd.s32 $0x8F2B, s0  }
0xbc: {  	[sflag:s0] =	ssyncadd.remote.s32 $0x1  }
0xbd: {  	_ =	sfence.sel $0xFFFF  }
0xbe: {  	[dreg:$0x0] =	wrdreg $0xFFFFFFFF;
	(pc) =	sbr.abs _section_cstart, $3  }
0xbf: {  	[dreg:$0x1] =	wrdreg $0xFFFFFFFF  }
0xc0: {  	_ =	task.clear_ibuf [dreg:s6], $0x2FFFF;
	_ =	strace $0x9FFFFFFF  }
0xc1: {  	(tm) =	ssettm $0x7FFFFFFF  }
tec
execute0_lowered:
.L_overlay_start_1:
0x0: {  	(tag) =	ssettag $0x1  }
0x1: {  	s1 =	srdreg.scid  }
0x2: {  	s0 =	stileid.u32;
	s3 =	rddreg [dreg:$0x0];
	s8 =	simm.s32 $0x80  }
0x3: {  	s9 =	simm.s32 $0x400;
	s10 =	simm.s32 $0x2;
	s11 =	simm.s32 $0x0  }
0x4: {  	s4 =	sand.u32 $0x1, s1;
	s2 =	sshll.u32 s0, $0x1;
	s1 =	rddreg [dreg:$0x1]  }
0x5: {  	s6 =	sshrl.u32 s0, $0x2;
	s5 =	sor.u32 s4, s2;
	s2 =	simm.s32 $0x0  }
0x6: {  	s6 =	smul.u32 $0x13C00, s6;
	s4 =	ssub.s32 $0x2, s4;
	s7 =	sshll.u32 s5, $0x7  }
0x7: {  	[smem:$0x7FF] =	sst s2;
	s5 =	smul.u32 $0x4E2, s5;
	s7 =	sand.u32 $0x380, s7  }
0x8: {  	s31 =	sshrl.u32 s4, $0x1;
	_ =	strace $0x80000047;
	s6 =	sor.u32 s6, s7  }
0x9: {  	s5 =	sadd.s32 s5, s3;
	s7 =	ssub.s32 s4, s31;
	s6 =	sshrl.u32 s6, $0x3  }
0xa: {  	s6 =	sadd.s32 s6, s3;
	s3 =	sadd.s32 $0x3200, s5;
	s5 =	smax.u32 s7, $0x1  }
0xb: {  	v0 =	vimm.f32 $0.0e+00;
	v1 =	vimm.f32 $1.000000000e+00;
	s7 =	simm.s32 $0x2780;
	s4 =	sadd.s32 $0x16E00, s6;
	s6 =	simm.s32 $0x1  }
.LBB2_1:
0xc: {  	[tilespmem:s2], [sflag:$0x1] =	stream.linear.gather [hbm4b:s3+s2], $0x2710, $0x38;
	[tilespmem:$0x4F00] =	vst v63  }
0xd: {  	s12 =	simm.s32 $0x27C0  }
0xe: {  	[tilespmem:s12+$0xFFFFFFC0] =	vst v0  }
0xf: {  	[tilespmem:s12+$0x30] =	vst v0  }
0x10: {  	[tilespmem:s12+$0x20] =	vst v0  }
0x11: {  	[tilespmem:s12+$0x10] =	vst v0  }
0x12: {  	[tilespmem:s12+$0x0] =	vst v0  }
0x13: {  	[tilespmem:s12+$0xFFFFFFF0] =	vst v0  }
0x14: {  	s13 =	simm.s32 $0x0;
	[tilespmem:s12+$0xFFFFFFE0] =	vst v0  }
.LBB2_2:
0x15: {  	s13 =	sadd.s32 $0x8, s13;
	[tilespmem:s12+$0xFFFFFFD0] =	vst v0;
	s12 =	sadd.s32 $0x80, s12  }
0x16: {  	[tilespmem:s12+$0xFFFFFFC0] =	vst v0;
	p0 =	slt.u32 s13, $0x268  }
0x17: {  	[tilespmem:s12+$0x30] =	vst v0  }
.Ltmp0:
0x18: {  	[tilespmem:s12+$0x20] =	vst v0;
	(pc) =	sbr.rel @p0 .LBB2_2-.Ltmp0, $4  }
0x19: {  	[tilespmem:s12+$0x10] =	vst v0  }
0x1a: {  	[tilespmem:s12+$0x0] =	vst v0  }
0x1b: {  	[tilespmem:s12+$0xFFFFFFF0] =	vst v0  }
0x1c: {  	[tilespmem:s12+$0xFFFFFFE0] =	vst v0  }
0x1d: {  	[tilespmem:s12+$0xFFFFFFD0] =	vst v0  }
0x1e: {  	[tilespmem:$0x4E80] =	vst v0  }
0x1f: {  	_ =	swait.ge [sflag:s6], $0x2710  }
0x20: {  	[sflag:s6] =	ssyncset.done $0x0  }
0x21: {  	s12 =	simm.s32 $0xFFFFFFF8;
	s13 =	simm.s32 $0x40;
	[sflag:s6] =	ssyncadd.s32 $0xFFFFD8F0  }
.LBB2_4:
0x22: {  	v2 =	vld [tilespmem:s13+$0xFFFFFFC0];
	_ =	sdelay $0x7  }
0x23: {  	[tilespmem:v2+s7+$0x0] =	vst.idx.add.f32.msk $0xffff, v1  }
0x24: {  	v2 =	vld [tilespmem:s13+$0xFFFFFFD0];
	_ =	sdelay $0x7  }
0x25: {  	[tilespmem:v2+s7+$0x0] =	vst.idx.add.f32.msk $0xffff, v1  }
0x26: {  	v2 =	vld [tilespmem:s13+$0xFFFFFFE0];
	_ =	sdelay $0x7  }
0x27: {  	[tilespmem:v2+s7+$0x0] =	vst.idx.add.f32.msk $0xffff, v1  }
0x28: {  	v2 =	vld [tilespmem:s13+$0xFFFFFFF0];
	_ =	sdelay $0x7  }
0x29: {  	[tilespmem:v2+s7+$0x0] =	vst.idx.add.f32.msk $0xffff, v1  }
0x2a: {  	v2 =	vld [tilespmem:s13+$0x0];
	_ =	sdelay $0x7  }
0x2b: {  	[tilespmem:v2+s7+$0x0] =	vst.idx.add.f32.msk $0xffff, v1  }
0x2c: {  	v2 =	vld [tilespmem:s13+$0x10];
	_ =	sdelay $0x7  }
0x2d: {  	[tilespmem:v2+s7+$0x0] =	vst.idx.add.f32.msk $0xffff, v1  }
0x2e: {  	v2 =	vld [tilespmem:s13+$0x20];
	_ =	sdelay $0x7  }
0x2f: {  	[tilespmem:v2+s7+$0x0] =	vst.idx.add.f32.msk $0xffff, v1  }
0x30: {  	v2 =	vld [tilespmem:s13+$0x30];
	_ =	sdelay $0x1  }
0x31: {  	s12 =	sadd.s32 $0x8, s12  }
0x32: {  	p0 =	slt.u32 s12, $0x268  }
.Ltmp1:
0x33: {  	_ = 	snop;
	(pc) =	sbr.rel @p0 .LBB2_4-.Ltmp1, $2  }
0x34: {  	_ =	sdelay $0x2  }
0x35: {  	s13 =	sadd.s32 $0x80, s13;
	[tilespmem:v2+s7+$0x0] =	vst.idx.add.f32.msk $0xffff, v1  }
0x36: {  	v2 =	vld [tilespmem:$0x2700];
	_ =	sdelay $0x5  }
0x37: {  	s11 =	sadd.s32 $0x1, s11  }
0x38: {  	p0 =	sne.s32 s11, s5  }
.Ltmp2:
0x39: {  	[tilespmem:v2+s7+$0x0] =	vst.idx.add.f32.msk $0xffff, v1;
	(pc) =	sbr.rel @p0 .LBB2_1-.Ltmp2, $4  }
0x3a: {  	[hbm4b:s4+s8] =	stream.strided.scatter [tilespmem:s7], [sflag:$0x2], $0x2780, s9, s8, $0x38;
	[tilespmem:$0x4F00] =	vst v63  }
0x3b: {  	_ =	swait.ge [sflag:s10], $0x2780  }
0x3c: {  	[sflag:s10] =	ssyncset.done $0x0  }
0x3d: {  	[sflag:s10] =	ssyncadd.s32 $0xFFFFD880  }
0x3e: {  	_ =	sfence.sel $0x180000  }
0x3f: {  	[bflag:$0x0] =	sbarrier.arrive $0xFFFF  }
0x40: {  	p0 =	sne.s32 s0, $0x0;
	_ =	strace $0x90000047  }
0x41: {  	s0 =	sadd.s32 @!p0 $0x100000, s1;
	[bflag:$0x2] =	sbarrier.arrive $0xFFFF  }
0x42: {  	[sflag:s0] =	ssyncadd.tile.s32 @!p0 $0x1;
	_ =	shalt  }
.Lfunc_end2:
_tile_overlayer_lowered:
.L_overlay_start_2:
0x43: {  	(tag) =	ssettag $0x2  }
0x44: {  	s0 =	rddreg [dreg:$0x0];
	s2 =	stileid.u32  }
0x45: {  	s1 =	rddreg [dreg:$0x1];
	p0 =	sne.s32 s2, $0x0  }
0x46: {  	s3 =	rddreg [dreg:$0x2];
	[bflag:$0x3] =	sbarrier.arrive $0xFFFF;
	s2 =	simm.s32 @!p0 $0x1C02  }
0x47: {  	[timem:s3], [sflag:s2] =	dma.local @!p0 [hbm:s0], s1  }
0x48: {  	s0 =	simm.s32 @!p0 $0x2  }
0x49: {  	_ =	swait.ge @!p0 [sflag:s0], s1  }
0x4a: {  	s1 =	ssub.s32 @!p0 $0x0, s1;
	[sflag:s0] =	ssyncset.done @!p0 $0x0  }
0x4b: {  	[sflag:s0] =	ssyncadd.s32 @!p0 s1  }
0x4c: {  	[bflag:$0x3] =	sbarrier.arrive $0xFFFF  }
0x4d: {  	_ =	shalt  }

</sc_bundles>
